<compile_context>
chip_gen: v7x
topology: tpu7x:2x2x1
jax: 0.10.2.dev20260603
libtpu: 0.0.44.dev20260713+nightly
codegen_flags: <defaults>
</compile_context>

<pallas_src>
import functools

import jax
import jax.numpy as jnp
from jax import lax
from jax.experimental import pallas as pl
from jax.experimental.pallas import tpu as pltpu
from jax.experimental.pallas import tpu_sc as plsc

_N = 10000
_NC = 2048
_EXX = 320000
_ECX = 100000
_D = 128

_NTILE = 16
_NW = 32
_N_PAD = 10240
_NC_PAD = 2304
_ECX_PAD = 100352
_EPT_XX = _EXX // _NTILE
_EPT_CX = _ECX_PAD // _NTILE
_NPT_XX = _N_PAD // _NTILE
_NPT_CX = _NC_PAD // _NTILE
_ROWS_XX = _N_PAD // _NW
_ROWS_CX = _NC_PAD // _NW

_sc_mesh = plsc.VectorSubcoreMesh(core_axis_name="c", subcore_axis_name="s")
_sc_params = pltpu.CompilerParams(needs_layout_passes=False)


@functools.partial(
    pl.kernel,
    out_type=[
        jax.ShapeDtypeStruct((_N_PAD,), jnp.float32),
        jax.ShapeDtypeStruct((_N_PAD,), jnp.int32),
        jax.ShapeDtypeStruct((_NC_PAD,), jnp.float32),
        jax.ShapeDtypeStruct((_NC_PAD,), jnp.int32),
    ],
    mesh=_sc_mesh,
    scratch_types=[
        pltpu.VMEM((_EPT_XX,), jnp.int32),
        pltpu.VMEM((_EPT_XX,), jnp.int32),
        pltpu.VMEM((_N_PAD,), jnp.float32),
        pltpu.VMEM((_N_PAD,), jnp.int32),
        pltpu.VMEM((_NTILE * _NPT_XX,), jnp.float32),
        pltpu.VMEM((_NTILE * _NPT_XX,), jnp.int32),
        pltpu.VMEM_SHARED((_NTILE * _N_PAD,), jnp.float32),
        pltpu.VMEM_SHARED((_NTILE * _N_PAD,), jnp.int32),
        pltpu.SemaphoreType.DMA,
    ],
    compiler_params=_sc_params,
)
def _edge_stats(src_xx, dst_xx, src_cx, dst_cx,
                cnt_xx_out, wsrc_xx_out, cnt_cx_out, wsrc_cx_out,
                src_v, dst_v, cnt_v, win_v, ccnt_v, cwin_v, s_cnt, s_win, sem):
    cid = lax.axis_index("c")
    sid = lax.axis_index("s")

    def run(src_hbm, dst_hbm, cnt_out, wsrc_out, ept, n_pad, npt):
        nvec_n = n_pad // 16
        minus1 = jnp.full((16,), -1, jnp.int32)
        zf = jnp.zeros((16,), jnp.float32)

        base = sid * ept
        eloads = [pltpu.make_async_copy(src_hbm.at[pl.ds(base, ept)],
                                        src_v.at[pl.ds(0, ept)], sem),
                  pltpu.make_async_copy(dst_hbm.at[pl.ds(base, ept)],
                                        dst_v.at[pl.ds(0, ept)], sem)]
        for cp in eloads:
            cp.start()

        def initb(i, carry):
            cnt_v[pl.ds(i * 16, 16)] = zf
            win_v[pl.ds(i * 16, 16)] = minus1
            return carry

        lax.fori_loop(0, nvec_n, initb, 0, unroll=4)

        for cp in eloads:
            cp.wait()

        ones = jnp.ones((16,), jnp.float32)

        grp = 10 if ept == _EPT_XX else 8
        assert (ept // 16) % grp == 0

        def edgeb(i, carry):
            b = i * (16 * grp)
            ds = [dst_v[pl.ds(b + k * 16, 16)] for k in range(grp)]
            ss = [src_v[pl.ds(b + k * 16, 16)] for k in range(grp)]
            for k in range(grp):
                plsc.store_scatter(win_v, [ds[k]], ss[k])
                plsc.addupdate_scatter(cnt_v, [ds[k]], ones)
            return carry

        lax.fori_loop(0, ept // (16 * grp), edgeb, 0)

        tkey = sid << 14

        cstage = pltpu.make_async_copy(cnt_v.at[pl.ds(0, n_pad)],
                                       s_cnt.at[pl.ds(sid * n_pad, n_pad)], sem)
        cstage.start()

        def convb(i, carry):
            b = i * 64
            ws = [win_v[pl.ds(b + k * 16, 16)] for k in range(4)]
            for k in range(4):
                win_v[pl.ds(b + k * 16, 16)] = jnp.where(ws[k] < 0, ws[k], ws[k] | tkey)
            return carry

        lax.fori_loop(0, nvec_n // 4, convb, 0)

        wstage = pltpu.make_async_copy(win_v.at[pl.ds(0, n_pad)],
                                       s_win.at[pl.ds(sid * n_pad, n_pad)], sem)
        wstage.start()
        cstage.wait()
        wstage.wait()
        plsc.subcore_barrier()

        nbase = sid * npt
        stages = []
        for k in range(_NTILE):
            stages.append(pltpu.make_async_copy(
                s_cnt.at[pl.ds(k * n_pad + nbase, npt)],
                ccnt_v.at[pl.ds(k * npt, npt)], sem))
            stages.append(pltpu.make_async_copy(
                s_win.at[pl.ds(k * n_pad + nbase, npt)],
                cwin_v.at[pl.ds(k * npt, npt)], sem))
        for cp in stages:
            cp.start()
        for cp in stages:
            cp.wait()

        def combb(j, carry):
            acc_c = ccnt_v[pl.ds(j * 16, 16)]
            acc_w = cwin_v[pl.ds(j * 16, 16)]
            for k in range(1, _NTILE):
                acc_c = acc_c + ccnt_v[pl.ds(k * npt + j * 16, 16)]
                acc_w = jnp.maximum(acc_w, cwin_v[pl.ds(k * npt + j * 16, 16)])
            cnt_v[pl.ds(j * 16, 16)] = acc_c
            win_v[pl.ds(j * 16, 16)] = jnp.where(acc_w < 0, 0, acc_w & 16383)
            return carry

        lax.fori_loop(0, npt // 16, combb, 0)

        pltpu.sync_copy(cnt_v.at[pl.ds(0, npt)], cnt_out.at[pl.ds(nbase, npt)])
        pltpu.sync_copy(win_v.at[pl.ds(0, npt)], wsrc_out.at[pl.ds(nbase, npt)])

    @pl.when(cid == 0)
    def _():
        run(src_xx, dst_xx, cnt_xx_out, wsrc_xx_out, _EPT_XX, _N_PAD, _NPT_XX)

    @pl.when(cid == 1)
    def _():
        run(src_cx, dst_cx, cnt_cx_out, wsrc_cx_out, _EPT_CX, _NC_PAD, _NPT_CX)


@functools.partial(
    pl.kernel,
    out_type=[
        jax.ShapeDtypeStruct((_N_PAD, _D), jnp.float32),
        jax.ShapeDtypeStruct((_NC_PAD, _D), jnp.float32),
    ],
    mesh=_sc_mesh,
    scratch_types=[
        pltpu.VMEM((_ROWS_XX,), jnp.int32),
        pltpu.VMEM((_ROWS_XX, _D), jnp.float32),
        pltpu.VMEM((_ROWS_CX,), jnp.int32),
        pltpu.VMEM((_ROWS_CX, _D), jnp.float32),
        pltpu.SemaphoreType.DMA,
    ],
    compiler_params=_sc_params,
)
def _gather_rows(phi_hbm, psi_hbm, wsrc_xx, wsrc_cx,
                 gphi_out, gpsi_out,
                 idx_v, rows_v, idx2_v, rows2_v, sem):
    cid = lax.axis_index("c")
    sid = lax.axis_index("s")
    wid = sid * 2 + cid

    base = wid * _ROWS_XX
    pltpu.sync_copy(wsrc_xx.at[pl.ds(base, _ROWS_XX)], idx_v)
    base2 = wid * _ROWS_CX
    pltpu.sync_copy(wsrc_cx.at[pl.ds(base2, _ROWS_CX)], idx2_v)
    copies = [pltpu.make_async_copy(phi_hbm.at[idx_v.at[pl.ds(off, 80)]],
                                    rows_v.at[pl.ds(off, 80)], sem)
              for off in (0, 80, 160, 240)]
    copies.append(pltpu.make_async_copy(psi_hbm.at[idx2_v], rows2_v, sem))
    for cp in copies:
        cp.start()
    for cp in copies:
        cp.wait()
    pltpu.sync_copy(rows_v, gphi_out.at[pl.ds(base, _ROWS_XX)])
    pltpu.sync_copy(rows2_v, gpsi_out.at[pl.ds(base2, _ROWS_CX)])


def _phi_body(x_ref, w_ref, b_ref, o_ref):
    acc = jnp.dot(x_ref[...], w_ref[...], preferred_element_type=jnp.float32)
    o_ref[...] = jnp.maximum(acc + b_ref[...], 0.0)


def _c_body(c_ref, wcx_ref, bcx_ref, wcc_ref, bcc_ref, psi_ref, outc_ref):
    cc = c_ref[...]
    psi_ref[...] = jnp.maximum(
        jnp.dot(cc, wcx_ref[...], preferred_element_type=jnp.float32) + bcx_ref[...], 0.0)
    outc_ref[...] = jnp.maximum(
        jnp.dot(cc, wcc_ref[...], preferred_element_type=jnp.float32) + bcc_ref[...], 0.0)


def _out_body(x_ref, ws_ref, bs_ref, cx_ref, gphi_ref, cc_ref, gpsi_ref,
              wp_ref, bp_ref, o_ref):
    i = pl.program_id(0)
    a = jnp.maximum(
        jnp.dot(x_ref[...], ws_ref[...], preferred_element_type=jnp.float32) + bs_ref[...],
        0.0)
    a = a + cx_ref[...] * gphi_ref[...]
    a = a + jnp.where(i == 0, 1.0, 0.0) * (cc_ref[...] * gpsi_ref[...])
    o_ref[...] = jnp.dot(a, wp_ref[...], preferred_element_type=jnp.float32) + bp_ref[...]


_BLK = 2048
_GRID = 5


def kernel(x, c, edge_index_xx, edge_index_cx, W_self, b_self, W_cc, b_cc,
           W_edge, b_edge, W_cx, b_cx, W_pool, b_pool):
    src_xx = edge_index_xx[0]
    dst_xx = edge_index_xx[1]
    pad = _ECX_PAD - _ECX
    src_cx = jnp.concatenate([edge_index_cx[0], jnp.zeros((pad,), jnp.int32)])
    dst_cx = jnp.concatenate(
        [edge_index_cx[1], jnp.full((pad,), _NC_PAD - 1, jnp.int32)])

    cnt_xx, wsrc_xx, cnt_cx, wsrc_cx = _edge_stats(src_xx, dst_xx, src_cx, dst_cx)

    phi = pl.pallas_call(
        _phi_body,
        grid=(_GRID,),
        in_specs=[pl.BlockSpec((_BLK, _D), lambda i: (i, 0)),
                  pl.BlockSpec((_D, _D), lambda i: (0, 0)),
                  pl.BlockSpec((1, _D), lambda i: (0, 0))],
        out_specs=pl.BlockSpec((_BLK, _D), lambda i: (i, 0)),
        out_shape=jax.ShapeDtypeStruct((_N, _D), jnp.float32),
    )(x, W_edge, b_edge.reshape(1, _D))

    psi, out_c = pl.pallas_call(
        _c_body,
        out_shape=[jax.ShapeDtypeStruct((_NC, _D), jnp.float32),
                   jax.ShapeDtypeStruct((_NC, _D), jnp.float32)],
    )(c, W_cx, b_cx.reshape(1, _D), W_cc, b_cc.reshape(1, _D))

    gphi, gpsi = _gather_rows(phi, psi, wsrc_xx, wsrc_cx)

    out_x = pl.pallas_call(
        _out_body,
        grid=(_GRID,),
        in_specs=[pl.BlockSpec((_BLK, _D), lambda i: (i, 0)),
                  pl.BlockSpec((_D, _D), lambda i: (0, 0)),
                  pl.BlockSpec((1, _D), lambda i: (0, 0)),
                  pl.BlockSpec((_BLK, 1), lambda i: (i, 0)),
                  pl.BlockSpec((_BLK, _D), lambda i: (i, 0)),
                  pl.BlockSpec((_BLK, 1), lambda i: (0, 0)),
                  pl.BlockSpec((_BLK, _D), lambda i: (0, 0)),
                  pl.BlockSpec((_D, _D), lambda i: (0, 0)),
                  pl.BlockSpec((1, _D), lambda i: (0, 0))],
        out_specs=pl.BlockSpec((_BLK, _D), lambda i: (i, 0)),
        out_shape=jax.ShapeDtypeStruct((_N, _D), jnp.float32),
    )(x, W_self, b_self.reshape(1, _D), cnt_xx.reshape(_N_PAD, 1), gphi,
      cnt_cx.reshape(_NC_PAD, 1), gpsi, W_pool, b_pool.reshape(1, _D))

    return (out_x, out_c)

# --- scband reference (transcript-rebuilt; emitter-appended) ---
"""Pipeline reference for scband-cond-gcn-65627100283094 (READ-ONLY COPY).

The authoritative reference and input builder live on the scoring server;
editing this copy changes nothing except your own understanding.
"""

import jax, jax.numpy as jnp
import numpy as np

N = 10000
NC = 2048
E_XX = 320000
E_CX = 100000
DIN = 128
DCTX = 128
DH = 128
DOUT = 128


def setup_inputs(seed: int = 0) -> dict:
    key = jax.random.key(seed)
    ks = jax.random.split(key, 12)
    x = jax.random.normal(ks[0], (N, DIN), dtype=jnp.float32)
    c = jax.random.normal(ks[1], (NC, DCTX), dtype=jnp.float32)
    edge_index_xx = jax.random.randint(ks[2], (2, E_XX), 0, N, dtype=jnp.int32)
    edge_index_cx = jax.random.randint(ks[3], (2, E_CX), 0, NC, dtype=jnp.int32)
    W_self = jax.random.normal(ks[4], (DIN, DH), dtype=jnp.float32) * (1.0 / np.sqrt(DIN))
    b_self = jnp.zeros((DH,), dtype=jnp.float32)
    W_cc = jax.random.normal(ks[5], (DCTX, DH), dtype=jnp.float32) * (1.0 / np.sqrt(DCTX))
    b_cc = jnp.zeros((DH,), dtype=jnp.float32)
    W_edge = jax.random.normal(ks[6], (DIN, DH), dtype=jnp.float32) * (1.0 / np.sqrt(DIN))
    b_edge = jnp.zeros((DH,), dtype=jnp.float32)
    W_cx = jax.random.normal(ks[7], (DCTX, DH), dtype=jnp.float32) * (1.0 / np.sqrt(DCTX))
    b_cx = jnp.zeros((DH,), dtype=jnp.float32)
    W_pool = jax.random.normal(ks[8], (DH, DOUT), dtype=jnp.float32) * (1.0 / np.sqrt(DH))
    b_pool = jnp.zeros((DOUT,), dtype=jnp.float32)
    return {
        'x': x, 'c': c,
        'edge_index_xx': edge_index_xx, 'edge_index_cx': edge_index_cx,
        'W_self': W_self, 'b_self': b_self,
        'W_cc': W_cc, 'b_cc': b_cc,
        'W_edge': W_edge, 'b_edge': b_edge,
        'W_cx': W_cx, 'b_cx': b_cx,
        'W_pool': W_pool, 'b_pool': b_pool,
    }


def reference(x, c, edge_index_xx, edge_index_cx, W_self, b_self, W_cc, b_cc,
              W_edge, b_edge, W_cx, b_cx, W_pool, b_pool):
    relu = jax.nn.relu
    n = x.shape[0]
    h = W_self.shape[1]
    # self loop: x->x
    self_x = relu(x @ W_self + b_self)
    # message for edge type x<->x
    src, dst = edge_index_xx[0], edge_index_xx[1]
    msg = relu(jnp.take(x, src, axis=0) @ W_edge + b_edge)
    m = jnp.zeros((n, h), dtype=x.dtype).at[dst].set(msg)  # scatter-overwrite, dup dst: one write wins
    v1 = jnp.take(m, dst, axis=0)
    # message for edge type c->x
    src2, dst2 = edge_index_cx[0], edge_index_cx[1]
    msg2 = relu(jnp.take(c, src2, axis=0) @ W_cx + b_cx)
    m2 = jnp.zeros((n, h), dtype=x.dtype).at[dst2].set(msg2)
    v2 = jnp.take(m2, dst2, axis=0)
    # aggregate: coalesce with op='add' == segment_sum over dst indices incl. self loops
    index = jnp.concatenate([dst, dst2, jnp.arange(n, dtype=dst.dtype)])
    value = jnp.concatenate([v1, v2, self_x], axis=0)
    aggr = jax.ops.segment_sum(value, index, num_segments=n)
    out_x = aggr @ W_pool + b_pool
    out_c = relu(c @ W_cc + b_cc)
    return (out_x, out_c)

if __name__ == "__main__":
    import jax
    _d = setup_inputs()
    print(jax.jit(kernel)(*tuple(_d.values())))

</pallas_src>

<mosaic_0001>
#map = affine_map<(d0, d1) -> (0, 0)>
#map1 = affine_map<(d0, d1) -> (0)>
module attributes {stable_mosaic.version = 14 : i64} {
  func.func @_gather_rows(%arg0: i32, %arg1: i32, %arg2: memref<10000x128xf32, #tpu.memory_space<hbm>>, %arg3: memref<2048x128xf32, #tpu.memory_space<hbm>>, %arg4: memref<10240xi32, #tpu.memory_space<hbm>>, %arg5: memref<2304xi32, #tpu.memory_space<hbm>>, %arg6: memref<10240x128xf32, #tpu.memory_space<hbm>>, %arg7: memref<2304x128xf32, #tpu.memory_space<hbm>>, %arg8: memref<320xi32, #tpu.memory_space<vmem>>, %arg9: memref<320x128xf32, #tpu.memory_space<vmem>>, %arg10: memref<72xi32, #tpu.memory_space<vmem>>, %arg11: memref<72x128xf32, #tpu.memory_space<vmem>>, %arg12: memref<!tpu.dma_semaphore, #tpu.memory_space<semaphore_mem>>) attributes {dimension_semantics = [#tpu.dimension_semantics<core_parallel>, #tpu.dimension_semantics<subcore_parallel>], iteration_bounds = array<i64: 2, 16>, scalar_prefetch = 0 : i64, scratch_operands = 5 : i64, tpu.core_type = #tpu.core_type<sc_vector_subcore>, window_params = [{transform_indices = #map}, {transform_indices = #map}, {transform_indices = #map1}, {transform_indices = #map1}, {transform_indices = #map}, {transform_indices = #map}]} {
    %mul3A = arith.constant 2 : i32
    %mul3A_0 = arith.muli %arg1, %mul3A : i32
    %add3A = arith.addi %mul3A_0, %arg0 : i32
    %mul3A_1 = arith.constant 320 : i32
    %mul3A_2 = arith.muli %add3A, %mul3A_1 : i32
    "tpu.region"() ({
      %run_scoped3A = tpu.sem_alloc : memref<!tpu.dma_semaphore, #tpu.memory_space<semaphore_mem>>
      %dma_start3A_73 = tpu.memref_slice %arg4[%mul3A_2] : memref<10240xi32, #tpu.memory_space<hbm>> -> memref<320xi32, #tpu.memory_space<hbm>>
      %dma_start3A_74 = tpu.memref_slice %arg4[%mul3A_2] : memref<10240xi32, #tpu.memory_space<hbm>> -> memref<320xi32, #tpu.memory_space<hbm>>
      tpu.enqueue_dma source(%dma_start3A_74 : memref<320xi32, #tpu.memory_space<hbm>>) target(%arg8 : memref<320xi32, #tpu.memory_space<vmem>>) target_semaphore(%run_scoped3A : memref<!tpu.dma_semaphore, #tpu.memory_space<semaphore_mem>>)
      %dma_wait3A_75 = tpu.memref_slice %arg4[%mul3A_2] : memref<10240xi32, #tpu.memory_space<hbm>> -> memref<320xi32, #tpu.memory_space<hbm>>
      %dma_wait3A_76 = tpu.memref_slice %arg4[%mul3A_2] : memref<10240xi32, #tpu.memory_space<hbm>> -> memref<320xi32, #tpu.memory_space<hbm>>
      tpu.wait_dma2 semaphore(%run_scoped3A : memref<!tpu.dma_semaphore, #tpu.memory_space<semaphore_mem>>) src(%dma_wait3A_76 : memref<320xi32, #tpu.memory_space<hbm>>) dst(%arg8 : memref<320xi32, #tpu.memory_space<vmem>>)
      tpu.yield
    }) : () -> ()
    %mul3A_3 = arith.constant 72 : i32
    %mul3A_4 = arith.muli %add3A, %mul3A_3 : i32
    "tpu.region"() ({
      %run_scoped3A = tpu.sem_alloc : memref<!tpu.dma_semaphore, #tpu.memory_space<semaphore_mem>>
      %dma_start3A_73 = tpu.memref_slice %arg5[%mul3A_4] : memref<2304xi32, #tpu.memory_space<hbm>> -> memref<72xi32, #tpu.memory_space<hbm>>
      %dma_start3A_74 = tpu.memref_slice %arg5[%mul3A_4] : memref<2304xi32, #tpu.memory_space<hbm>> -> memref<72xi32, #tpu.memory_space<hbm>>
      tpu.enqueue_dma source(%dma_start3A_74 : memref<72xi32, #tpu.memory_space<hbm>>) target(%arg10 : memref<72xi32, #tpu.memory_space<vmem>>) target_semaphore(%run_scoped3A : memref<!tpu.dma_semaphore, #tpu.memory_space<semaphore_mem>>)
      %dma_wait3A_75 = tpu.memref_slice %arg5[%mul3A_4] : memref<2304xi32, #tpu.memory_space<hbm>> -> memref<72xi32, #tpu.memory_space<hbm>>
      %dma_wait3A_76 = tpu.memref_slice %arg5[%mul3A_4] : memref<2304xi32, #tpu.memory_space<hbm>> -> memref<72xi32, #tpu.memory_space<hbm>>
      tpu.wait_dma2 semaphore(%run_scoped3A : memref<!tpu.dma_semaphore, #tpu.memory_space<semaphore_mem>>) src(%dma_wait3A_76 : memref<72xi32, #tpu.memory_space<hbm>>) dst(%arg10 : memref<72xi32, #tpu.memory_space<vmem>>)
      tpu.yield
    }) : () -> ()
    %dma_start3A = arith.constant 0 : i32
    %dma_start3A_5 = arith.constant 0 : i32
    %dma_start3A_6 = tpu.memref_slice %arg9[%dma_start3A, %dma_start3A_5] : memref<320x128xf32, #tpu.memory_space<vmem>> -> memref<80x128xf32, #tpu.memory_space<vmem>>
    %dma_start3A_7 = arith.constant 0 : i32
    %dma_start3A_8 = tpu.memref_slice %arg8[%dma_start3A_7] : memref<320xi32, #tpu.memory_space<vmem>> -> memref<80xi32, #tpu.memory_space<vmem>>
    %dma_start3A_9 = arith.constant 0 : i32
    %dma_start3A_10 = arith.constant 0 : i32
    %dma_start3A_11 = tpu.memref_slice %arg2[%dma_start3A_9, %dma_start3A_10] : memref<10000x128xf32, #tpu.memory_space<hbm>> -> memref<10000x128xf32, #tpu.memory_space<hbm>>
    tpu.enqueue_indirect_dma source(%dma_start3A_11 : memref<10000x128xf32, #tpu.memory_space<hbm>>) target(%dma_start3A_6 : memref<80x128xf32, #tpu.memory_space<vmem>>) offsets(%dma_start3A_8 : memref<80xi32, #tpu.memory_space<vmem>>) semaphore(%arg12 : memref<!tpu.dma_semaphore, #tpu.memory_space<semaphore_mem>>)
    %dma_start3A_12 = arith.constant 80 : i32
    %dma_start3A_13 = arith.constant 0 : i32
    %dma_start3A_14 = tpu.memref_slice %arg9[%dma_start3A_12, %dma_start3A_13] : memref<320x128xf32, #tpu.memory_space<vmem>> -> memref<80x128xf32, #tpu.memory_space<vmem>>
    %dma_start3A_15 = arith.constant 80 : i32
    %dma_start3A_16 = tpu.memref_slice %arg8[%dma_start3A_15] : memref<320xi32, #tpu.memory_space<vmem>> -> memref<80xi32, #tpu.memory_space<vmem>>
    %dma_start3A_17 = arith.constant 0 : i32
    %dma_start3A_18 = arith.constant 0 : i32
    %dma_start3A_19 = tpu.memref_slice %arg2[%dma_start3A_17, %dma_start3A_18] : memref<10000x128xf32, #tpu.memory_space<hbm>> -> memref<10000x128xf32, #tpu.memory_space<hbm>>
    tpu.enqueue_indirect_dma source(%dma_start3A_19 : memref<10000x128xf32, #tpu.memory_space<hbm>>) target(%dma_start3A_14 : memref<80x128xf32, #tpu.memory_space<vmem>>) offsets(%dma_start3A_16 : memref<80xi32, #tpu.memory_space<vmem>>) semaphore(%arg12 : memref<!tpu.dma_semaphore, #tpu.memory_space<semaphore_mem>>)
    %dma_start3A_20 = arith.constant 160 : i32
    %dma_start3A_21 = arith.constant 0 : i32
    %dma_start3A_22 = tpu.memref_slice %arg9[%dma_start3A_20, %dma_start3A_21] : memref<320x128xf32, #tpu.memory_space<vmem>> -> memref<80x128xf32, #tpu.memory_space<vmem>>
    %dma_start3A_23 = arith.constant 160 : i32
    %dma_start3A_24 = tpu.memref_slice %arg8[%dma_start3A_23] : memref<320xi32, #tpu.memory_space<vmem>> -> memref<80xi32, #tpu.memory_space<vmem>>
    %dma_start3A_25 = arith.constant 0 : i32
    %dma_start3A_26 = arith.constant 0 : i32
    %dma_start3A_27 = tpu.memref_slice %arg2[%dma_start3A_25, %dma_start3A_26] : memref<10000x128xf32, #tpu.memory_space<hbm>> -> memref<10000x128xf32, #tpu.memory_space<hbm>>
    tpu.enqueue_indirect_dma source(%dma_start3A_27 : memref<10000x128xf32, #tpu.memory_space<hbm>>) target(%dma_start3A_22 : memref<80x128xf32, #tpu.memory_space<vmem>>) offsets(%dma_start3A_24 : memref<80xi32, #tpu.memory_space<vmem>>) semaphore(%arg12 : memref<!tpu.dma_semaphore, #tpu.memory_space<semaphore_mem>>)
    %dma_start3A_28 = arith.constant 240 : i32
    %dma_start3A_29 = arith.constant 0 : i32
    %dma_start3A_30 = tpu.memref_slice %arg9[%dma_start3A_28, %dma_start3A_29] : memref<320x128xf32, #tpu.memory_space<vmem>> -> memref<80x128xf32, #tpu.memory_space<vmem>>
    %dma_start3A_31 = arith.constant 240 : i32
    %dma_start3A_32 = tpu.memref_slice %arg8[%dma_start3A_31] : memref<320xi32, #tpu.memory_space<vmem>> -> memref<80xi32, #tpu.memory_space<vmem>>
    %dma_start3A_33 = arith.constant 0 : i32
    %dma_start3A_34 = arith.constant 0 : i32
    %dma_start3A_35 = tpu.memref_slice %arg2[%dma_start3A_33, %dma_start3A_34] : memref<10000x128xf32, #tpu.memory_space<hbm>> -> memref<10000x128xf32, #tpu.memory_space<hbm>>
    tpu.enqueue_indirect_dma source(%dma_start3A_35 : memref<10000x128xf32, #tpu.memory_space<hbm>>) target(%dma_start3A_30 : memref<80x128xf32, #tpu.memory_space<vmem>>) offsets(%dma_start3A_32 : memref<80xi32, #tpu.memory_space<vmem>>) semaphore(%arg12 : memref<!tpu.dma_semaphore, #tpu.memory_space<semaphore_mem>>)
    %dma_start3A_36 = arith.constant 0 : i32
    %dma_start3A_37 = arith.constant 0 : i32
    %dma_start3A_38 = tpu.memref_slice %arg3[%dma_start3A_36, %dma_start3A_37] : memref<2048x128xf32, #tpu.memory_space<hbm>> -> memref<2048x128xf32, #tpu.memory_space<hbm>>
    tpu.enqueue_indirect_dma source(%dma_start3A_38 : memref<2048x128xf32, #tpu.memory_space<hbm>>) target(%arg11 : memref<72x128xf32, #tpu.memory_space<vmem>>) offsets(%arg10 : memref<72xi32, #tpu.memory_space<vmem>>) semaphore(%arg12 : memref<!tpu.dma_semaphore, #tpu.memory_space<semaphore_mem>>)
    %dma_wait3A = arith.constant 0 : i32
    %dma_wait3A_39 = arith.constant 0 : i32
    %dma_wait3A_40 = tpu.memref_slice %arg9[%dma_wait3A, %dma_wait3A_39] : memref<320x128xf32, #tpu.memory_space<vmem>> -> memref<80x128xf32, #tpu.memory_space<vmem>>
    %dma_wait3A_41 = arith.constant 0 : i32
    %dma_wait3A_42 = tpu.memref_slice %arg8[%dma_wait3A_41] : memref<320xi32, #tpu.memory_space<vmem>> -> memref<80xi32, #tpu.memory_space<vmem>>
    %dma_wait3A_43 = arith.constant 0 : i32
    %dma_wait3A_44 = arith.constant 0 : i32
    %dma_wait3A_45 = tpu.memref_slice %arg2[%dma_wait3A_43, %dma_wait3A_44] : memref<10000x128xf32, #tpu.memory_space<hbm>> -> memref<10000x128xf32, #tpu.memory_space<hbm>>
    tpu.wait_indirect_dma semaphore(%arg12 : memref<!tpu.dma_semaphore, #tpu.memory_space<semaphore_mem>>) src(%dma_wait3A_45 : memref<10000x128xf32, #tpu.memory_space<hbm>>) dst(%dma_wait3A_40 : memref<80x128xf32, #tpu.memory_space<vmem>>)
    %dma_wait3A_46 = arith.constant 80 : i32
    %dma_wait3A_47 = arith.constant 0 : i32
    %dma_wait3A_48 = tpu.memref_slice %arg9[%dma_wait3A_46, %dma_wait3A_47] : memref<320x128xf32, #tpu.memory_space<vmem>> -> memref<80x128xf32, #tpu.memory_space<vmem>>
    %dma_wait3A_49 = arith.constant 80 : i32
    %dma_wait3A_50 = tpu.memref_slice %arg8[%dma_wait3A_49] : memref<320xi32, #tpu.memory_space<vmem>> -> memref<80xi32, #tpu.memory_space<vmem>>
    %dma_wait3A_51 = arith.constant 0 : i32
    %dma_wait3A_52 = arith.constant 0 : i32
    %dma_wait3A_53 = tpu.memref_slice %arg2[%dma_wait3A_51, %dma_wait3A_52] : memref<10000x128xf32, #tpu.memory_space<hbm>> -> memref<10000x128xf32, #tpu.memory_space<hbm>>
    tpu.wait_indirect_dma semaphore(%arg12 : memref<!tpu.dma_semaphore, #tpu.memory_space<semaphore_mem>>) src(%dma_wait3A_53 : memref<10000x128xf32, #tpu.memory_space<hbm>>) dst(%dma_wait3A_48 : memref<80x128xf32, #tpu.memory_space<vmem>>)
    %dma_wait3A_54 = arith.constant 160 : i32
    %dma_wait3A_55 = arith.constant 0 : i32
    %dma_wait3A_56 = tpu.memref_slice %arg9[%dma_wait3A_54, %dma_wait3A_55] : memref<320x128xf32, #tpu.memory_space<vmem>> -> memref<80x128xf32, #tpu.memory_space<vmem>>
    %dma_wait3A_57 = arith.constant 160 : i32
    %dma_wait3A_58 = tpu.memref_slice %arg8[%dma_wait3A_57] : memref<320xi32, #tpu.memory_space<vmem>> -> memref<80xi32, #tpu.memory_space<vmem>>
    %dma_wait3A_59 = arith.constant 0 : i32
    %dma_wait3A_60 = arith.constant 0 : i32
    %dma_wait3A_61 = tpu.memref_slice %arg2[%dma_wait3A_59, %dma_wait3A_60] : memref<10000x128xf32, #tpu.memory_space<hbm>> -> memref<10000x128xf32, #tpu.memory_space<hbm>>
    tpu.wait_indirect_dma semaphore(%arg12 : memref<!tpu.dma_semaphore, #tpu.memory_space<semaphore_mem>>) src(%dma_wait3A_61 : memref<10000x128xf32, #tpu.memory_space<hbm>>) dst(%dma_wait3A_56 : memref<80x128xf32, #tpu.memory_space<vmem>>)
    %dma_wait3A_62 = arith.constant 240 : i32
    %dma_wait3A_63 = arith.constant 0 : i32
    %dma_wait3A_64 = tpu.memref_slice %arg9[%dma_wait3A_62, %dma_wait3A_63] : memref<320x128xf32, #tpu.memory_space<vmem>> -> memref<80x128xf32, #tpu.memory_space<vmem>>
    %dma_wait3A_65 = arith.constant 240 : i32
    %dma_wait3A_66 = tpu.memref_slice %arg8[%dma_wait3A_65] : memref<320xi32, #tpu.memory_space<vmem>> -> memref<80xi32, #tpu.memory_space<vmem>>
    %dma_wait3A_67 = arith.constant 0 : i32
    %dma_wait3A_68 = arith.constant 0 : i32
    %dma_wait3A_69 = tpu.memref_slice %arg2[%dma_wait3A_67, %dma_wait3A_68] : memref<10000x128xf32, #tpu.memory_space<hbm>> -> memref<10000x128xf32, #tpu.memory_space<hbm>>
    tpu.wait_indirect_dma semaphore(%arg12 : memref<!tpu.dma_semaphore, #tpu.memory_space<semaphore_mem>>) src(%dma_wait3A_69 : memref<10000x128xf32, #tpu.memory_space<hbm>>) dst(%dma_wait3A_64 : memref<80x128xf32, #tpu.memory_space<vmem>>)
    %dma_wait3A_70 = arith.constant 0 : i32
    %dma_wait3A_71 = arith.constant 0 : i32
    %dma_wait3A_72 = tpu.memref_slice %arg3[%dma_wait3A_70, %dma_wait3A_71] : memref<2048x128xf32, #tpu.memory_space<hbm>> -> memref<2048x128xf32, #tpu.memory_space<hbm>>
    tpu.wait_indirect_dma semaphore(%arg12 : memref<!tpu.dma_semaphore, #tpu.memory_space<semaphore_mem>>) src(%dma_wait3A_72 : memref<2048x128xf32, #tpu.memory_space<hbm>>) dst(%arg11 : memref<72x128xf32, #tpu.memory_space<vmem>>)
    "tpu.region"() ({
      %run_scoped3A = tpu.sem_alloc : memref<!tpu.dma_semaphore, #tpu.memory_space<semaphore_mem>>
      %dma_start3A_73 = arith.constant 0 : i32
      %dma_start3A_74 = tpu.memref_slice %arg6[%mul3A_2, %dma_start3A_73] : memref<10240x128xf32, #tpu.memory_space<hbm>> -> memref<320x128xf32, #tpu.memory_space<hbm>>
      %dma_start3A_75 = arith.constant 0 : i32
      %dma_start3A_76 = tpu.memref_slice %arg6[%mul3A_2, %dma_start3A_75] : memref<10240x128xf32, #tpu.memory_space<hbm>> -> memref<320x128xf32, #tpu.memory_space<hbm>>
      tpu.enqueue_dma source(%arg9 : memref<320x128xf32, #tpu.memory_space<vmem>>) target(%dma_start3A_76 : memref<320x128xf32, #tpu.memory_space<hbm>>) target_semaphore(%run_scoped3A : memref<!tpu.dma_semaphore, #tpu.memory_space<semaphore_mem>>)
      %dma_wait3A_77 = arith.constant 0 : i32
      %dma_wait3A_78 = tpu.memref_slice %arg6[%mul3A_2, %dma_wait3A_77] : memref<10240x128xf32, #tpu.memory_space<hbm>> -> memref<320x128xf32, #tpu.memory_space<hbm>>
      %dma_wait3A_79 = arith.constant 0 : i32
      %dma_wait3A_80 = tpu.memref_slice %arg6[%mul3A_2, %dma_wait3A_79] : memref<10240x128xf32, #tpu.memory_space<hbm>> -> memref<320x128xf32, #tpu.memory_space<hbm>>
      tpu.wait_dma2 semaphore(%run_scoped3A : memref<!tpu.dma_semaphore, #tpu.memory_space<semaphore_mem>>) src(%arg9 : memref<320x128xf32, #tpu.memory_space<vmem>>) dst(%dma_wait3A_80 : memref<320x128xf32, #tpu.memory_space<hbm>>)
      tpu.yield
    }) : () -> ()
    "tpu.region"() ({
      %run_scoped3A = tpu.sem_alloc : memref<!tpu.dma_semaphore, #tpu.memory_space<semaphore_mem>>
      %dma_start3A_73 = arith.constant 0 : i32
      %dma_start3A_74 = tpu.memref_slice %arg7[%mul3A_4, %dma_start3A_73] : memref<2304x128xf32, #tpu.memory_space<hbm>> -> memref<72x128xf32, #tpu.memory_space<hbm>>
      %dma_start3A_75 = arith.constant 0 : i32
      %dma_start3A_76 = tpu.memref_slice %arg7[%mul3A_4, %dma_start3A_75] : memref<2304x128xf32, #tpu.memory_space<hbm>> -> memref<72x128xf32, #tpu.memory_space<hbm>>
      tpu.enqueue_dma source(%arg11 : memref<72x128xf32, #tpu.memory_space<vmem>>) target(%dma_start3A_76 : memref<72x128xf32, #tpu.memory_space<hbm>>) target_semaphore(%run_scoped3A : memref<!tpu.dma_semaphore, #tpu.memory_space<semaphore_mem>>)
      %dma_wait3A_77 = arith.constant 0 : i32
      %dma_wait3A_78 = tpu.memref_slice %arg7[%mul3A_4, %dma_wait3A_77] : memref<2304x128xf32, #tpu.memory_space<hbm>> -> memref<72x128xf32, #tpu.memory_space<hbm>>
      %dma_wait3A_79 = arith.constant 0 : i32
      %dma_wait3A_80 = tpu.memref_slice %arg7[%mul3A_4, %dma_wait3A_79] : memref<2304x128xf32, #tpu.memory_space<hbm>> -> memref<72x128xf32, #tpu.memory_space<hbm>>
      tpu.wait_dma2 semaphore(%run_scoped3A : memref<!tpu.dma_semaphore, #tpu.memory_space<semaphore_mem>>) src(%arg11 : memref<72x128xf32, #tpu.memory_space<vmem>>) dst(%dma_wait3A_80 : memref<72x128xf32, #tpu.memory_space<hbm>>)
      tpu.yield
    }) : () -> ()
    return
  }
}

#map = affine_map<(d0, d1) -> (0)>
module attributes {stable_mosaic.version = 14 : i64} {
  func.func @_edge_stats(%arg0: i32, %arg1: i32, %arg2: memref<320000xi32, #tpu.memory_space<hbm>>, %arg3: memref<320000xi32, #tpu.memory_space<hbm>>, %arg4: memref<100352xi32, #tpu.memory_space<hbm>>, %arg5: memref<100352xi32, #tpu.memory_space<hbm>>, %arg6: memref<10240xf32, #tpu.memory_space<hbm>>, %arg7: memref<10240xi32, #tpu.memory_space<hbm>>, %arg8: memref<2304xf32, #tpu.memory_space<hbm>>, %arg9: memref<2304xi32, #tpu.memory_space<hbm>>, %arg10: memref<20000xi32, #tpu.memory_space<vmem>>, %arg11: memref<20000xi32, #tpu.memory_space<vmem>>, %arg12: memref<10240xf32, #tpu.memory_space<vmem>>, %arg13: memref<10240xi32, #tpu.memory_space<vmem>>, %arg14: memref<10240xf32, #tpu.memory_space<vmem>>, %arg15: memref<10240xi32, #tpu.memory_space<vmem>>, %arg16: memref<163840xf32, #tpu.memory_space<vmem_shared>>, %arg17: memref<163840xi32, #tpu.memory_space<vmem_shared>>, %arg18: memref<!tpu.dma_semaphore, #tpu.memory_space<semaphore_mem>>) attributes {dimension_semantics = [#tpu.dimension_semantics<core_parallel>, #tpu.dimension_semantics<subcore_parallel>], iteration_bounds = array<i64: 2, 16>, scalar_prefetch = 0 : i64, scratch_operands = 9 : i64, tpu.core_type = #tpu.core_type<sc_vector_subcore>, window_params = [{transform_indices = #map}, {transform_indices = #map}, {transform_indices = #map}, {transform_indices = #map}, {transform_indices = #map}, {transform_indices = #map}, {transform_indices = #map}, {transform_indices = #map}]} {
    %eq3A = arith.constant 0 : i32
    %eq3A_0 = arith.cmpi eq, %arg0, %eq3A : i32
    %convert_element_type3A = arith.extui %eq3A_0 : i1 to i32
    %cond3A = arith.constant 0 : i32
    %cond3A_1 = arith.cmpi ne, %convert_element_type3A, %cond3A : i32
    scf.if %cond3A_1 {
      %broadcast_in_dim3A = arith.constant -1 : i32
      %broadcast_in_dim3A_7 = vector.broadcast %broadcast_in_dim3A : i32 to vector<16xi32>
      %broadcast_in_dim3A_8 = arith.constant 0.000000e+00 : f32
      %broadcast_in_dim3A_9 = vector.broadcast %broadcast_in_dim3A_8 : f32 to vector<16xf32>
      %mul3A = arith.constant 20000 : i32
      %mul3A_10 = arith.muli %arg1, %mul3A : i32
      %dma_start3A = arith.constant 0 : i32
      %dma_start3A_11 = tpu.memref_slice %arg10[%dma_start3A] : memref<20000xi32, #tpu.memory_space<vmem>> -> memref<20000xi32, #tpu.memory_space<vmem>>
      %dma_start3A_12 = tpu.memref_slice %arg2[%mul3A_10] : memref<320000xi32, #tpu.memory_space<hbm>> -> memref<20000xi32, #tpu.memory_space<hbm>>
      %dma_start3A_13 = arith.constant 0 : i32
      %dma_start3A_14 = tpu.memref_slice %arg10[%dma_start3A_13] : memref<20000xi32, #tpu.memory_space<vmem>> -> memref<20000xi32, #tpu.memory_space<vmem>>
      %dma_start3A_15 = tpu.memref_slice %arg2[%mul3A_10] : memref<320000xi32, #tpu.memory_space<hbm>> -> memref<20000xi32, #tpu.memory_space<hbm>>
      tpu.enqueue_dma source(%dma_start3A_15 : memref<20000xi32, #tpu.memory_space<hbm>>) target(%dma_start3A_14 : memref<20000xi32, #tpu.memory_space<vmem>>) target_semaphore(%arg18 : memref<!tpu.dma_semaphore, #tpu.memory_space<semaphore_mem>>)
      %dma_start3A_16 = arith.constant 0 : i32
      %dma_start3A_17 = tpu.memref_slice %arg11[%dma_start3A_16] : memref<20000xi32, #tpu.memory_space<vmem>> -> memref<20000xi32, #tpu.memory_space<vmem>>
      %dma_start3A_18 = tpu.memref_slice %arg3[%mul3A_10] : memref<320000xi32, #tpu.memory_space<hbm>> -> memref<20000xi32, #tpu.memory_space<hbm>>
      %dma_start3A_19 = arith.constant 0 : i32
      %dma_start3A_20 = tpu.memref_slice %arg11[%dma_start3A_19] : memref<20000xi32, #tpu.memory_space<vmem>> -> memref<20000xi32, #tpu.memory_space<vmem>>
      %dma_start3A_21 = tpu.memref_slice %arg3[%mul3A_10] : memref<320000xi32, #tpu.memory_space<hbm>> -> memref<20000xi32, #tpu.memory_space<hbm>>
      tpu.enqueue_dma source(%dma_start3A_21 : memref<20000xi32, #tpu.memory_space<hbm>>) target(%dma_start3A_20 : memref<20000xi32, #tpu.memory_space<vmem>>) target_semaphore(%arg18 : memref<!tpu.dma_semaphore, #tpu.memory_space<semaphore_mem>>)
      %scan3A = arith.constant 0 : i32
      %scan3A_22 = arith.constant 0 : i32
      %scan3A_23 = arith.constant 640 : i32
      %scan3A_24 = arith.addi %scan3A_22, %scan3A_23 : i32
      %scan3A_25 = arith.constant 4 : i32
      scf.for %scan3A_536 = %scan3A_22 to %scan3A_24 step %scan3A_25  : i32 {
        %mul3A_537 = arith.constant 16 : i32
        %mul3A_538 = arith.muli %scan3A_536, %mul3A_537 : i32
        %swap3A = arith.index_cast %mul3A_538 : i32 to index
        %swap3A_539 = tpu.vector_load %arg12[%swap3A] {strides = array<i32>} : memref<10240xf32, #tpu.memory_space<vmem>>, vector<16xf32>,
        tpu.vector_store %arg12[%swap3A], %broadcast_in_dim3A_9 {strides = array<i32>} : memref<10240xf32, #tpu.memory_space<vmem>>, vector<16xf32>,
        %mul3A_540 = arith.constant 16 : i32
        %mul3A_541 = arith.muli %scan3A_536, %mul3A_540 : i32
        %swap3A_542 = arith.index_cast %mul3A_541 : i32 to index
        %swap3A_543 = tpu.vector_load %arg13[%swap3A_542] {strides = array<i32>} : memref<10240xi32, #tpu.memory_space<vmem>>, vector<16xi32>,
        tpu.vector_store %arg13[%swap3A_542], %broadcast_in_dim3A_7 {strides = array<i32>} : memref<10240xi32, #tpu.memory_space<vmem>>, vector<16xi32>,
        %scan3A_544 = arith.constant 1 : i32
        %scan3A_545 = arith.addi %scan3A_536, %scan3A_544 : i32
        %mul3A_546 = arith.constant 16 : i32
        %mul3A_547 = arith.muli %scan3A_545, %mul3A_546 : i32
        %swap3A_548 = arith.index_cast %mul3A_547 : i32 to index
        %swap3A_549 = tpu.vector_load %arg12[%swap3A_548] {strides = array<i32>} : memref<10240xf32, #tpu.memory_space<vmem>>, vector<16xf32>,
        tpu.vector_store %arg12[%swap3A_548], %broadcast_in_dim3A_9 {strides = array<i32>} : memref<10240xf32, #tpu.memory_space<vmem>>, vector<16xf32>,
        %mul3A_550 = arith.constant 16 : i32
        %mul3A_551 = arith.muli %scan3A_545, %mul3A_550 : i32
        %swap3A_552 = arith.index_cast %mul3A_551 : i32 to index
        %swap3A_553 = tpu.vector_load %arg13[%swap3A_552] {strides = array<i32>} : memref<10240xi32, #tpu.memory_space<vmem>>, vector<16xi32>,
        tpu.vector_store %arg13[%swap3A_552], %broadcast_in_dim3A_7 {strides = array<i32>} : memref<10240xi32, #tpu.memory_space<vmem>>, vector<16xi32>,
        %scan3A_554 = arith.constant 2 : i32
        %scan3A_555 = arith.addi %scan3A_536, %scan3A_554 : i32
        %mul3A_556 = arith.constant 16 : i32
        %mul3A_557 = arith.muli %scan3A_555, %mul3A_556 : i32
        %swap3A_558 = arith.index_cast %mul3A_557 : i32 to index
        %swap3A_559 = tpu.vector_load %arg12[%swap3A_558] {strides = array<i32>} : memref<10240xf32, #tpu.memory_space<vmem>>, vector<16xf32>,
        tpu.vector_store %arg12[%swap3A_558], %broadcast_in_dim3A_9 {strides = array<i32>} : memref<10240xf32, #tpu.memory_space<vmem>>, vector<16xf32>,
        %mul3A_560 = arith.constant 16 : i32
        %mul3A_561 = arith.muli %scan3A_555, %mul3A_560 : i32
        %swap3A_562 = arith.index_cast %mul3A_561 : i32 to index
        %swap3A_563 = tpu.vector_load %arg13[%swap3A_562] {strides = array<i32>} : memref<10240xi32, #tpu.memory_space<vmem>>, vector<16xi32>,
        tpu.vector_store %arg13[%swap3A_562], %broadcast_in_dim3A_7 {strides = array<i32>} : memref<10240xi32, #tpu.memory_space<vmem>>, vector<16xi32>,
        %scan3A_564 = arith.constant 3 : i32
        %scan3A_565 = arith.addi %scan3A_536, %scan3A_564 : i32
        %mul3A_566 = arith.constant 16 : i32
        %mul3A_567 = arith.muli %scan3A_565, %mul3A_566 : i32
        %swap3A_568 = arith.index_cast %mul3A_567 : i32 to index
        %swap3A_569 = tpu.vector_load %arg12[%swap3A_568] {strides = array<i32>} : memref<10240xf32, #tpu.memory_space<vmem>>, vector<16xf32>,
        tpu.vector_store %arg12[%swap3A_568], %broadcast_in_dim3A_9 {strides = array<i32>} : memref<10240xf32, #tpu.memory_space<vmem>>, vector<16xf32>,
        %mul3A_570 = arith.constant 16 : i32
        %mul3A_571 = arith.muli %scan3A_565, %mul3A_570 : i32
        %swap3A_572 = arith.index_cast %mul3A_571 : i32 to index
        %swap3A_573 = tpu.vector_load %arg13[%swap3A_572] {strides = array<i32>} : memref<10240xi32, #tpu.memory_space<vmem>>, vector<16xi32>,
        tpu.vector_store %arg13[%swap3A_572], %broadcast_in_dim3A_7 {strides = array<i32>} : memref<10240xi32, #tpu.memory_space<vmem>>, vector<16xi32>,
      }
      %scan3A_26 = arith.constant 640 : i32
      %dma_wait3A = arith.constant 0 : i32
      %dma_wait3A_27 = tpu.memref_slice %arg10[%dma_wait3A] : memref<20000xi32, #tpu.memory_space<vmem>> -> memref<20000xi32, #tpu.memory_space<vmem>>
      %dma_wait3A_28 = tpu.memref_slice %arg2[%mul3A_10] : memref<320000xi32, #tpu.memory_space<hbm>> -> memref<20000xi32, #tpu.memory_space<hbm>>
      %dma_wait3A_29 = arith.constant 0 : i32
      %dma_wait3A_30 = tpu.memref_slice %arg10[%dma_wait3A_29] : memref<20000xi32, #tpu.memory_space<vmem>> -> memref<20000xi32, #tpu.memory_space<vmem>>
      %dma_wait3A_31 = tpu.memref_slice %arg2[%mul3A_10] : memref<320000xi32, #tpu.memory_space<hbm>> -> memref<20000xi32, #tpu.memory_space<hbm>>
      tpu.wait_dma2 semaphore(%arg18 : memref<!tpu.dma_semaphore, #tpu.memory_space<semaphore_mem>>) src(%dma_wait3A_31 : memref<20000xi32, #tpu.memory_space<hbm>>) dst(%dma_wait3A_30 : memref<20000xi32, #tpu.memory_space<vmem>>)
      %dma_wait3A_32 = arith.constant 0 : i32
      %dma_wait3A_33 = tpu.memref_slice %arg11[%dma_wait3A_32] : memref<20000xi32, #tpu.memory_space<vmem>> -> memref<20000xi32, #tpu.memory_space<vmem>>
      %dma_wait3A_34 = tpu.memref_slice %arg3[%mul3A_10] : memref<320000xi32, #tpu.memory_space<hbm>> -> memref<20000xi32, #tpu.memory_space<hbm>>
      %dma_wait3A_35 = arith.constant 0 : i32
      %dma_wait3A_36 = tpu.memref_slice %arg11[%dma_wait3A_35] : memref<20000xi32, #tpu.memory_space<vmem>> -> memref<20000xi32, #tpu.memory_space<vmem>>
      %dma_wait3A_37 = tpu.memref_slice %arg3[%mul3A_10] : memref<320000xi32, #tpu.memory_space<hbm>> -> memref<20000xi32, #tpu.memory_space<hbm>>
      tpu.wait_dma2 semaphore(%arg18 : memref<!tpu.dma_semaphore, #tpu.memory_space<semaphore_mem>>) src(%dma_wait3A_37 : memref<20000xi32, #tpu.memory_space<hbm>>) dst(%dma_wait3A_36 : memref<20000xi32, #tpu.memory_space<vmem>>)
      %broadcast_in_dim3A_38 = arith.constant 1.000000e+00 : f32
      %broadcast_in_dim3A_39 = vector.broadcast %broadcast_in_dim3A_38 : f32 to vector<16xf32>
      %scan3A_40 = arith.constant 0 : i32
      %scan3A_41 = arith.constant 0 : i32
      %scan3A_42 = arith.constant 125 : i32
      %scan3A_43 = arith.addi %scan3A_41, %scan3A_42 : i32
      %scan3A_44 = arith.constant 1 : i32
      scf.for %scan3A_536 = %scan3A_41 to %scan3A_43 step %scan3A_44  : i32 {
        %mul3A_537 = arith.constant 160 : i32
        %mul3A_538 = arith.muli %scan3A_536, %mul3A_537 : i32
        %add3A_539 = arith.constant 0 : i32
        %add3A_540 = arith.addi %mul3A_538, %add3A_539 : i32
        %get3A = arith.index_cast %add3A_540 : i32 to index
        %get3A_541 = tpu.vector_load %arg11[%get3A] {strides = array<i32>} : memref<20000xi32, #tpu.memory_space<vmem>>, vector<16xi32>,
        %add3A_542 = arith.constant 16 : i32
        %add3A_543 = arith.addi %mul3A_538, %add3A_542 : i32
        %get3A_544 = arith.index_cast %add3A_543 : i32 to index
        %get3A_545 = tpu.vector_load %arg11[%get3A_544] {strides = array<i32>} : memref<20000xi32, #tpu.memory_space<vmem>>, vector<16xi32>,
        %add3A_546 = arith.constant 32 : i32
        %add3A_547 = arith.addi %mul3A_538, %add3A_546 : i32
        %get3A_548 = arith.index_cast %add3A_547 : i32 to index
        %get3A_549 = tpu.vector_load %arg11[%get3A_548] {strides = array<i32>} : memref<20000xi32, #tpu.memory_space<vmem>>, vector<16xi32>,
        %add3A_550 = arith.constant 48 : i32
        %add3A_551 = arith.addi %mul3A_538, %add3A_550 : i32
        %get3A_552 = arith.index_cast %add3A_551 : i32 to index
        %get3A_553 = tpu.vector_load %arg11[%get3A_552] {strides = array<i32>} : memref<20000xi32, #tpu.memory_space<vmem>>, vector<16xi32>,
        %add3A_554 = arith.constant 64 : i32
        %add3A_555 = arith.addi %mul3A_538, %add3A_554 : i32
        %get3A_556 = arith.index_cast %add3A_555 : i32 to index
        %get3A_557 = tpu.vector_load %arg11[%get3A_556] {strides = array<i32>} : memref<20000xi32, #tpu.memory_space<vmem>>, vector<16xi32>,
        %add3A_558 = arith.constant 80 : i32
        %add3A_559 = arith.addi %mul3A_538, %add3A_558 : i32
        %get3A_560 = arith.index_cast %add3A_559 : i32 to index
        %get3A_561 = tpu.vector_load %arg11[%get3A_560] {strides = array<i32>} : memref<20000xi32, #tpu.memory_space<vmem>>, vector<16xi32>,
        %add3A_562 = arith.constant 96 : i32
        %add3A_563 = arith.addi %mul3A_538, %add3A_562 : i32
        %get3A_564 = arith.index_cast %add3A_563 : i32 to index
        %get3A_565 = tpu.vector_load %arg11[%get3A_564] {strides = array<i32>} : memref<20000xi32, #tpu.memory_space<vmem>>, vector<16xi32>,
        %add3A_566 = arith.constant 112 : i32
        %add3A_567 = arith.addi %mul3A_538, %add3A_566 : i32
        %get3A_568 = arith.index_cast %add3A_567 : i32 to index
        %get3A_569 = tpu.vector_load %arg11[%get3A_568] {strides = array<i32>} : memref<20000xi32, #tpu.memory_space<vmem>>, vector<16xi32>,
        %add3A_570 = arith.constant 128 : i32
        %add3A_571 = arith.addi %mul3A_538, %add3A_570 : i32
        %get3A_572 = arith.index_cast %add3A_571 : i32 to index
        %get3A_573 = tpu.vector_load %arg11[%get3A_572] {strides = array<i32>} : memref<20000xi32, #tpu.memory_space<vmem>>, vector<16xi32>,
        %add3A_574 = arith.constant 144 : i32
        %add3A_575 = arith.addi %mul3A_538, %add3A_574 : i32
        %get3A_576 = arith.index_cast %add3A_575 : i32 to index
        %get3A_577 = tpu.vector_load %arg11[%get3A_576] {strides = array<i32>} : memref<20000xi32, #tpu.memory_space<vmem>>, vector<16xi32>,
        %add3A_578 = arith.constant 0 : i32
        %add3A_579 = arith.addi %mul3A_538, %add3A_578 : i32
        %get3A_580 = arith.index_cast %add3A_579 : i32 to index
        %get3A_581 = tpu.vector_load %arg10[%get3A_580] {strides = array<i32>} : memref<20000xi32, #tpu.memory_space<vmem>>, vector<16xi32>,
        %add3A_582 = arith.constant 16 : i32
        %add3A_583 = arith.addi %mul3A_538, %add3A_582 : i32
        %get3A_584 = arith.index_cast %add3A_583 : i32 to index
        %get3A_585 = tpu.vector_load %arg10[%get3A_584] {strides = array<i32>} : memref<20000xi32, #tpu.memory_space<vmem>>, vector<16xi32>,
        %add3A_586 = arith.constant 32 : i32
        %add3A_587 = arith.addi %mul3A_538, %add3A_586 : i32
        %get3A_588 = arith.index_cast %add3A_587 : i32 to index
        %get3A_589 = tpu.vector_load %arg10[%get3A_588] {strides = array<i32>} : memref<20000xi32, #tpu.memory_space<vmem>>, vector<16xi32>,
        %add3A_590 = arith.constant 48 : i32
        %add3A_591 = arith.addi %mul3A_538, %add3A_590 : i32
        %get3A_592 = arith.index_cast %add3A_591 : i32 to index
        %get3A_593 = tpu.vector_load %arg10[%get3A_592] {strides = array<i32>} : memref<20000xi32, #tpu.memory_space<vmem>>, vector<16xi32>,
        %add3A_594 = arith.constant 64 : i32
        %add3A_595 = arith.addi %mul3A_538, %add3A_594 : i32
        %get3A_596 = arith.index_cast %add3A_595 : i32 to index
        %get3A_597 = tpu.vector_load %arg10[%get3A_596] {strides = array<i32>} : memref<20000xi32, #tpu.memory_space<vmem>>, vector<16xi32>,
        %add3A_598 = arith.constant 80 : i32
        %add3A_599 = arith.addi %mul3A_538, %add3A_598 : i32
        %get3A_600 = arith.index_cast %add3A_599 : i32 to index
        %get3A_601 = tpu.vector_load %arg10[%get3A_600] {strides = array<i32>} : memref<20000xi32, #tpu.memory_space<vmem>>, vector<16xi32>,
        %add3A_602 = arith.constant 96 : i32
        %add3A_603 = arith.addi %mul3A_538, %add3A_602 : i32
        %get3A_604 = arith.index_cast %add3A_603 : i32 to index
        %get3A_605 = tpu.vector_load %arg10[%get3A_604] {strides = array<i32>} : memref<20000xi32, #tpu.memory_space<vmem>>, vector<16xi32>,
        %add3A_606 = arith.constant 112 : i32
        %add3A_607 = arith.addi %mul3A_538, %add3A_606 : i32
        %get3A_608 = arith.index_cast %add3A_607 : i32 to index
        %get3A_609 = tpu.vector_load %arg10[%get3A_608] {strides = array<i32>} : memref<20000xi32, #tpu.memory_space<vmem>>, vector<16xi32>,
        %add3A_610 = arith.constant 128 : i32
        %add3A_611 = arith.addi %mul3A_538, %add3A_610 : i32
        %get3A_612 = arith.index_cast %add3A_611 : i32 to index
        %get3A_613 = tpu.vector_load %arg10[%get3A_612] {strides = array<i32>} : memref<20000xi32, #tpu.memory_space<vmem>>, vector<16xi32>,
        %add3A_614 = arith.constant 144 : i32
        %add3A_615 = arith.addi %mul3A_538, %add3A_614 : i32
        %get3A_616 = arith.index_cast %add3A_615 : i32 to index
        %get3A_617 = tpu.vector_load %arg10[%get3A_616] {strides = array<i32>} : memref<20000xi32, #tpu.memory_space<vmem>>, vector<16xi32>,
        tpu.vector_store_idx %arg13[%get3A_541], %get3A_581 : memref<10240xi32, #tpu.memory_space<vmem>>[vector<16xi32>], vector<16xi32>,
        tpu.vector_store_idx %arg12[%get3A_541], %broadcast_in_dim3A_39 {add = true} : memref<10240xf32, #tpu.memory_space<vmem>>[vector<16xi32>], vector<16xf32>,
        tpu.vector_store_idx %arg13[%get3A_545], %get3A_585 : memref<10240xi32, #tpu.memory_space<vmem>>[vector<16xi32>], vector<16xi32>,
        tpu.vector_store_idx %arg12[%get3A_545], %broadcast_in_dim3A_39 {add = true} : memref<10240xf32, #tpu.memory_space<vmem>>[vector<16xi32>], vector<16xf32>,
        tpu.vector_store_idx %arg13[%get3A_549], %get3A_589 : memref<10240xi32, #tpu.memory_space<vmem>>[vector<16xi32>], vector<16xi32>,
        tpu.vector_store_idx %arg12[%get3A_549], %broadcast_in_dim3A_39 {add = true} : memref<10240xf32, #tpu.memory_space<vmem>>[vector<16xi32>], vector<16xf32>,
        tpu.vector_store_idx %arg13[%get3A_553], %get3A_593 : memref<10240xi32, #tpu.memory_space<vmem>>[vector<16xi32>], vector<16xi32>,
        tpu.vector_store_idx %arg12[%get3A_553], %broadcast_in_dim3A_39 {add = true} : memref<10240xf32, #tpu.memory_space<vmem>>[vector<16xi32>], vector<16xf32>,
        tpu.vector_store_idx %arg13[%get3A_557], %get3A_597 : memref<10240xi32, #tpu.memory_space<vmem>>[vector<16xi32>], vector<16xi32>,
        tpu.vector_store_idx %arg12[%get3A_557], %broadcast_in_dim3A_39 {add = true} : memref<10240xf32, #tpu.memory_space<vmem>>[vector<16xi32>], vector<16xf32>,
        tpu.vector_store_idx %arg13[%get3A_561], %get3A_601 : memref<10240xi32, #tpu.memory_space<vmem>>[vector<16xi32>], vector<16xi32>,
        tpu.vector_store_idx %arg12[%get3A_561], %broadcast_in_dim3A_39 {add = true} : memref<10240xf32, #tpu.memory_space<vmem>>[vector<16xi32>], vector<16xf32>,
        tpu.vector_store_idx %arg13[%get3A_565], %get3A_605 : memref<10240xi32, #tpu.memory_space<vmem>>[vector<16xi32>], vector<16xi32>,
        tpu.vector_store_idx %arg12[%get3A_565], %broadcast_in_dim3A_39 {add = true} : memref<10240xf32, #tpu.memory_space<vmem>>[vector<16xi32>], vector<16xf32>,
        tpu.vector_store_idx %arg13[%get3A_569], %get3A_609 : memref<10240xi32, #tpu.memory_space<vmem>>[vector<16xi32>], vector<16xi32>,
        tpu.vector_store_idx %arg12[%get3A_569], %broadcast_in_dim3A_39 {add = true} : memref<10240xf32, #tpu.memory_space<vmem>>[vector<16xi32>], vector<16xf32>,
        tpu.vector_store_idx %arg13[%get3A_573], %get3A_613 : memref<10240xi32, #tpu.memory_space<vmem>>[vector<16xi32>], vector<16xi32>,
        tpu.vector_store_idx %arg12[%get3A_573], %broadcast_in_dim3A_39 {add = true} : memref<10240xf32, #tpu.memory_space<vmem>>[vector<16xi32>], vector<16xf32>,
        tpu.vector_store_idx %arg13[%get3A_577], %get3A_617 : memref<10240xi32, #tpu.memory_space<vmem>>[vector<16xi32>], vector<16xi32>,
        tpu.vector_store_idx %arg12[%get3A_577], %broadcast_in_dim3A_39 {add = true} : memref<10240xf32, #tpu.memory_space<vmem>>[vector<16xi32>], vector<16xf32>,
      }
      %scan3A_45 = arith.constant 125 : i32
      %shift_left3A = arith.constant 14 : i32
      %shift_left3A_46 = arith.shli %arg1, %shift_left3A : i32
      %mul3A_47 = arith.constant 10240 : i32
      %mul3A_48 = arith.muli %arg1, %mul3A_47 : i32
      %dma_start3A_49 = arith.constant 0 : i32
      %dma_start3A_50 = tpu.memref_slice %arg12[%dma_start3A_49] : memref<10240xf32, #tpu.memory_space<vmem>> -> memref<10240xf32, #tpu.memory_space<vmem>>
      %dma_start3A_51 = tpu.memref_slice %arg16[%mul3A_48] : memref<163840xf32, #tpu.memory_space<vmem_shared>> -> memref<10240xf32, #tpu.memory_space<vmem_shared>>
      %dma_start3A_52 = tpu.memref_slice %arg16[%mul3A_48] : memref<163840xf32, #tpu.memory_space<vmem_shared>> -> memref<10240xf32, #tpu.memory_space<vmem_shared>>
      %dma_start3A_53 = arith.constant 0 : i32
      %dma_start3A_54 = tpu.memref_slice %arg12[%dma_start3A_53] : memref<10240xf32, #tpu.memory_space<vmem>> -> memref<10240xf32, #tpu.memory_space<vmem>>
      tpu.enqueue_dma source(%dma_start3A_54 : memref<10240xf32, #tpu.memory_space<vmem>>) target(%dma_start3A_52 : memref<10240xf32, #tpu.memory_space<vmem_shared>>) target_semaphore(%arg18 : memref<!tpu.dma_semaphore, #tpu.memory_space<semaphore_mem>>)
      %scan3A_55 = arith.constant 0 : i32
      %scan3A_56 = arith.constant 0 : i32
      %scan3A_57 = arith.constant 160 : i32
      %scan3A_58 = arith.addi %scan3A_56, %scan3A_57 : i32
      %scan3A_59 = arith.constant 1 : i32
      scf.for %scan3A_536 = %scan3A_56 to %scan3A_58 step %scan3A_59  : i32 {
        %mul3A_537 = arith.constant 64 : i32
        %mul3A_538 = arith.muli %scan3A_536, %mul3A_537 : i32
        %add3A_539 = arith.constant 0 : i32
        %add3A_540 = arith.addi %mul3A_538, %add3A_539 : i32
        %get3A = arith.index_cast %add3A_540 : i32 to index
        %get3A_541 = tpu.vector_load %arg13[%get3A] {strides = array<i32>} : memref<10240xi32, #tpu.memory_space<vmem>>, vector<16xi32>,
        %add3A_542 = arith.constant 16 : i32
        %add3A_543 = arith.addi %mul3A_538, %add3A_542 : i32
        %get3A_544 = arith.index_cast %add3A_543 : i32 to index
        %get3A_545 = tpu.vector_load %arg13[%get3A_544] {strides = array<i32>} : memref<10240xi32, #tpu.memory_space<vmem>>, vector<16xi32>,
        %add3A_546 = arith.constant 32 : i32
        %add3A_547 = arith.addi %mul3A_538, %add3A_546 : i32
        %get3A_548 = arith.index_cast %add3A_547 : i32 to index
        %get3A_549 = tpu.vector_load %arg13[%get3A_548] {strides = array<i32>} : memref<10240xi32, #tpu.memory_space<vmem>>, vector<16xi32>,
        %add3A_550 = arith.constant 48 : i32
        %add3A_551 = arith.addi %mul3A_538, %add3A_550 : i32
        %get3A_552 = arith.index_cast %add3A_551 : i32 to index
        %get3A_553 = tpu.vector_load %arg13[%get3A_552] {strides = array<i32>} : memref<10240xi32, #tpu.memory_space<vmem>>, vector<16xi32>,
        %lt3A = arith.constant 0 : i32
        %lt3A_554 = vector.broadcast %lt3A : i32 to vector<16xi32>
        %lt3A_555 = arith.cmpi slt, %get3A_541, %lt3A_554 : vector<16xi32>
        %or3A = vector.broadcast %shift_left3A_46 : i32 to vector<16xi32>
        %or3A_556 = arith.ori %get3A_541, %or3A : vector<16xi32>
        %select_n3A = arith.select %lt3A_555, %get3A_541, %or3A_556 : vector<16xi1>, vector<16xi32>
        %add3A_557 = arith.constant 0 : i32
        %add3A_558 = arith.addi %mul3A_538, %add3A_557 : i32
        %swap3A = arith.index_cast %add3A_558 : i32 to index
        %swap3A_559 = tpu.vector_load %arg13[%swap3A] {strides = array<i32>} : memref<10240xi32, #tpu.memory_space<vmem>>, vector<16xi32>,
        tpu.vector_store %arg13[%swap3A], %select_n3A {strides = array<i32>} : memref<10240xi32, #tpu.memory_space<vmem>>, vector<16xi32>,
        %lt3A_560 = arith.constant 0 : i32
        %lt3A_561 = vector.broadcast %lt3A_560 : i32 to vector<16xi32>
        %lt3A_562 = arith.cmpi slt, %get3A_545, %lt3A_561 : vector<16xi32>
        %or3A_563 = vector.broadcast %shift_left3A_46 : i32 to vector<16xi32>
        %or3A_564 = arith.ori %get3A_545, %or3A_563 : vector<16xi32>
        %select_n3A_565 = arith.select %lt3A_562, %get3A_545, %or3A_564 : vector<16xi1>, vector<16xi32>
        %add3A_566 = arith.constant 16 : i32
        %add3A_567 = arith.addi %mul3A_538, %add3A_566 : i32
        %swap3A_568 = arith.index_cast %add3A_567 : i32 to index
        %swap3A_569 = tpu.vector_load %arg13[%swap3A_568] {strides = array<i32>} : memref<10240xi32, #tpu.memory_space<vmem>>, vector<16xi32>,
        tpu.vector_store %arg13[%swap3A_568], %select_n3A_565 {strides = array<i32>} : memref<10240xi32, #tpu.memory_space<vmem>>, vector<16xi32>,
        %lt3A_570 = arith.constant 0 : i32
        %lt3A_571 = vector.broadcast %lt3A_570 : i32 to vector<16xi32>
        %lt3A_572 = arith.cmpi slt, %get3A_549, %lt3A_571 : vector<16xi32>
        %or3A_573 = vector.broadcast %shift_left3A_46 : i32 to vector<16xi32>
        %or3A_574 = arith.ori %get3A_549, %or3A_573 : vector<16xi32>
        %select_n3A_575 = arith.select %lt3A_572, %get3A_549, %or3A_574 : vector<16xi1>, vector<16xi32>
        %add3A_576 = arith.constant 32 : i32
        %add3A_577 = arith.addi %mul3A_538, %add3A_576 : i32
        %swap3A_578 = arith.index_cast %add3A_577 : i32 to index
        %swap3A_579 = tpu.vector_load %arg13[%swap3A_578] {strides = array<i32>} : memref<10240xi32, #tpu.memory_space<vmem>>, vector<16xi32>,
        tpu.vector_store %arg13[%swap3A_578], %select_n3A_575 {strides = array<i32>} : memref<10240xi32, #tpu.memory_space<vmem>>, vector<16xi32>,
        %lt3A_580 = arith.constant 0 : i32
        %lt3A_581 = vector.broadcast %lt3A_580 : i32 to vector<16xi32>
        %lt3A_582 = arith.cmpi slt, %get3A_553, %lt3A_581 : vector<16xi32>
        %or3A_583 = vector.broadcast %shift_left3A_46 : i32 to vector<16xi32>
        %or3A_584 = arith.ori %get3A_553, %or3A_583 : vector<16xi32>
        %select_n3A_585 = arith.select %lt3A_582, %get3A_553, %or3A_584 : vector<16xi1>, vector<16xi32>
        %add3A_586 = arith.constant 48 : i32
        %add3A_587 = arith.addi %mul3A_538, %add3A_586 : i32
        %swap3A_588 = arith.index_cast %add3A_587 : i32 to index
        %swap3A_589 = tpu.vector_load %arg13[%swap3A_588] {strides = array<i32>} : memref<10240xi32, #tpu.memory_space<vmem>>, vector<16xi32>,
        tpu.vector_store %arg13[%swap3A_588], %select_n3A_585 {strides = array<i32>} : memref<10240xi32, #tpu.memory_space<vmem>>, vector<16xi32>,
      }
      %scan3A_60 = arith.constant 160 : i32
      %mul3A_61 = arith.constant 10240 : i32
      %mul3A_62 = arith.muli %arg1, %mul3A_61 : i32
      %dma_start3A_63 = arith.constant 0 : i32
      %dma_start3A_64 = tpu.memref_slice %arg13[%dma_start3A_63] : memref<10240xi32, #tpu.memory_space<vmem>> -> memref<10240xi32, #tpu.memory_space<vmem>>
      %dma_start3A_65 = tpu.memref_slice %arg17[%mul3A_62] : memref<163840xi32, #tpu.memory_space<vmem_shared>> -> memref<10240xi32, #tpu.memory_space<vmem_shared>>
      %dma_start3A_66 = tpu.memref_slice %arg17[%mul3A_62] : memref<163840xi32, #tpu.memory_space<vmem_shared>> -> memref<10240xi32, #tpu.memory_space<vmem_shared>>
      %dma_start3A_67 = arith.constant 0 : i32
      %dma_start3A_68 = tpu.memref_slice %arg13[%dma_start3A_67] : memref<10240xi32, #tpu.memory_space<vmem>> -> memref<10240xi32, #tpu.memory_space<vmem>>
      tpu.enqueue_dma source(%dma_start3A_68 : memref<10240xi32, #tpu.memory_space<vmem>>) target(%dma_start3A_66 : memref<10240xi32, #tpu.memory_space<vmem_shared>>) target_semaphore(%arg18 : memref<!tpu.dma_semaphore, #tpu.memory_space<semaphore_mem>>)
      %dma_wait3A_69 = arith.constant 0 : i32
      %dma_wait3A_70 = tpu.memref_slice %arg12[%dma_wait3A_69] : memref<10240xf32, #tpu.memory_space<vmem>> -> memref<10240xf32, #tpu.memory_space<vmem>>
      %dma_wait3A_71 = tpu.memref_slice %arg16[%mul3A_48] : memref<163840xf32, #tpu.memory_space<vmem_shared>> -> memref<10240xf32, #tpu.memory_space<vmem_shared>>
      %dma_wait3A_72 = tpu.memref_slice %arg16[%mul3A_48] : memref<163840xf32, #tpu.memory_space<vmem_shared>> -> memref<10240xf32, #tpu.memory_space<vmem_shared>>
      %dma_wait3A_73 = arith.constant 0 : i32
      %dma_wait3A_74 = tpu.memref_slice %arg12[%dma_wait3A_73] : memref<10240xf32, #tpu.memory_space<vmem>> -> memref<10240xf32, #tpu.memory_space<vmem>>
      tpu.wait_dma2 semaphore(%arg18 : memref<!tpu.dma_semaphore, #tpu.memory_space<semaphore_mem>>) src(%dma_wait3A_74 : memref<10240xf32, #tpu.memory_space<vmem>>) dst(%dma_wait3A_72 : memref<10240xf32, #tpu.memory_space<vmem_shared>>)
      %dma_wait3A_75 = arith.constant 0 : i32
      %dma_wait3A_76 = tpu.memref_slice %arg13[%dma_wait3A_75] : memref<10240xi32, #tpu.memory_space<vmem>> -> memref<10240xi32, #tpu.memory_space<vmem>>
      %dma_wait3A_77 = tpu.memref_slice %arg17[%mul3A_62] : memref<163840xi32, #tpu.memory_space<vmem_shared>> -> memref<10240xi32, #tpu.memory_space<vmem_shared>>
      %dma_wait3A_78 = tpu.memref_slice %arg17[%mul3A_62] : memref<163840xi32, #tpu.memory_space<vmem_shared>> -> memref<10240xi32, #tpu.memory_space<vmem_shared>>
      %dma_wait3A_79 = arith.constant 0 : i32
      %dma_wait3A_80 = tpu.memref_slice %arg13[%dma_wait3A_79] : memref<10240xi32, #tpu.memory_space<vmem>> -> memref<10240xi32, #tpu.memory_space<vmem>>
      tpu.wait_dma2 semaphore(%arg18 : memref<!tpu.dma_semaphore, #tpu.memory_space<semaphore_mem>>) src(%dma_wait3A_80 : memref<10240xi32, #tpu.memory_space<vmem>>) dst(%dma_wait3A_78 : memref<10240xi32, #tpu.memory_space<vmem_shared>>)
      %barrier3A = arith.constant 0 : index
      tpu.barrier barrier_id(%barrier3A)
      %mul3A_81 = arith.constant 640 : i32
      %mul3A_82 = arith.muli %arg1, %mul3A_81 : i32
      %add3A = arith.constant 0 : i32
      %add3A_83 = arith.addi %add3A, %mul3A_82 : i32
      %add3A_84 = arith.constant 0 : i32
      %add3A_85 = arith.addi %add3A_84, %mul3A_82 : i32
      %add3A_86 = arith.constant 10240 : i32
      %add3A_87 = arith.addi %add3A_86, %mul3A_82 : i32
      %add3A_88 = arith.constant 10240 : i32
      %add3A_89 = arith.addi %add3A_88, %mul3A_82 : i32
      %add3A_90 = arith.constant 20480 : i32
      %add3A_91 = arith.addi %add3A_90, %mul3A_82 : i32
      %add3A_92 = arith.constant 20480 : i32
      %add3A_93 = arith.addi %add3A_92, %mul3A_82 : i32
      %add3A_94 = arith.constant 30720 : i32
      %add3A_95 = arith.addi %add3A_94, %mul3A_82 : i32
      %add3A_96 = arith.constant 30720 : i32
      %add3A_97 = arith.addi %add3A_96, %mul3A_82 : i32
      %add3A_98 = arith.constant 40960 : i32
      %add3A_99 = arith.addi %add3A_98, %mul3A_82 : i32
      %add3A_100 = arith.constant 40960 : i32
      %add3A_101 = arith.addi %add3A_100, %mul3A_82 : i32
      %add3A_102 = arith.constant 51200 : i32
      %add3A_103 = arith.addi %add3A_102, %mul3A_82 : i32
      %add3A_104 = arith.constant 51200 : i32
      %add3A_105 = arith.addi %add3A_104, %mul3A_82 : i32
      %add3A_106 = arith.constant 61440 : i32
      %add3A_107 = arith.addi %add3A_106, %mul3A_82 : i32
      %add3A_108 = arith.constant 61440 : i32
      %add3A_109 = arith.addi %add3A_108, %mul3A_82 : i32
      %add3A_110 = arith.constant 71680 : i32
      %add3A_111 = arith.addi %add3A_110, %mul3A_82 : i32
      %add3A_112 = arith.constant 71680 : i32
      %add3A_113 = arith.addi %add3A_112, %mul3A_82 : i32
      %add3A_114 = arith.constant 81920 : i32
      %add3A_115 = arith.addi %add3A_114, %mul3A_82 : i32
      %add3A_116 = arith.constant 81920 : i32
      %add3A_117 = arith.addi %add3A_116, %mul3A_82 : i32
      %add3A_118 = arith.constant 92160 : i32
      %add3A_119 = arith.addi %add3A_118, %mul3A_82 : i32
      %add3A_120 = arith.constant 92160 : i32
      %add3A_121 = arith.addi %add3A_120, %mul3A_82 : i32
      %add3A_122 = arith.constant 102400 : i32
      %add3A_123 = arith.addi %add3A_122, %mul3A_82 : i32
      %add3A_124 = arith.constant 102400 : i32
      %add3A_125 = arith.addi %add3A_124, %mul3A_82 : i32
      %add3A_126 = arith.constant 112640 : i32
      %add3A_127 = arith.addi %add3A_126, %mul3A_82 : i32
      %add3A_128 = arith.constant 112640 : i32
      %add3A_129 = arith.addi %add3A_128, %mul3A_82 : i32
      %add3A_130 = arith.constant 122880 : i32
      %add3A_131 = arith.addi %add3A_130, %mul3A_82 : i32
      %add3A_132 = arith.constant 122880 : i32
      %add3A_133 = arith.addi %add3A_132, %mul3A_82 : i32
      %add3A_134 = arith.constant 133120 : i32
      %add3A_135 = arith.addi %add3A_134, %mul3A_82 : i32
      %add3A_136 = arith.constant 133120 : i32
      %add3A_137 = arith.addi %add3A_136, %mul3A_82 : i32
      %add3A_138 = arith.constant 143360 : i32
      %add3A_139 = arith.addi %add3A_138, %mul3A_82 : i32
      %add3A_140 = arith.constant 143360 : i32
      %add3A_141 = arith.addi %add3A_140, %mul3A_82 : i32
      %add3A_142 = arith.constant 153600 : i32
      %add3A_143 = arith.addi %add3A_142, %mul3A_82 : i32
      %add3A_144 = arith.constant 153600 : i32
      %add3A_145 = arith.addi %add3A_144, %mul3A_82 : i32
      %dma_start3A_146 = arith.constant 0 : i32
      %dma_start3A_147 = tpu.memref_slice %arg14[%dma_start3A_146] : memref<10240xf32, #tpu.memory_space<vmem>> -> memref<640xf32, #tpu.memory_space<vmem>>
      %dma_start3A_148 = tpu.memref_slice %arg16[%add3A_83] : memref<163840xf32, #tpu.memory_space<vmem_shared>> -> memref<640xf32, #tpu.memory_space<vmem_shared>>
      %dma_start3A_149 = arith.constant 0 : i32
      %dma_start3A_150 = tpu.memref_slice %arg14[%dma_start3A_149] : memref<10240xf32, #tpu.memory_space<vmem>> -> memref<640xf32, #tpu.memory_space<vmem>>
      %dma_start3A_151 = tpu.memref_slice %arg16[%add3A_83] : memref<163840xf32, #tpu.memory_space<vmem_shared>> -> memref<640xf32, #tpu.memory_space<vmem_shared>>
      tpu.enqueue_dma source(%dma_start3A_151 : memref<640xf32, #tpu.memory_space<vmem_shared>>) target(%dma_start3A_150 : memref<640xf32, #tpu.memory_space<vmem>>) target_semaphore(%arg18 : memref<!tpu.dma_semaphore, #tpu.memory_space<semaphore_mem>>)
      %dma_start3A_152 = arith.constant 0 : i32
      %dma_start3A_153 = tpu.memref_slice %arg15[%dma_start3A_152] : memref<10240xi32, #tpu.memory_space<vmem>> -> memref<640xi32, #tpu.memory_space<vmem>>
      %dma_start3A_154 = tpu.memref_slice %arg17[%add3A_85] : memref<163840xi32, #tpu.memory_space<vmem_shared>> -> memref<640xi32, #tpu.memory_space<vmem_shared>>
      %dma_start3A_155 = arith.constant 0 : i32
      %dma_start3A_156 = tpu.memref_slice %arg15[%dma_start3A_155] : memref<10240xi32, #tpu.memory_space<vmem>> -> memref<640xi32, #tpu.memory_space<vmem>>
      %dma_start3A_157 = tpu.memref_slice %arg17[%add3A_85] : memref<163840xi32, #tpu.memory_space<vmem_shared>> -> memref<640xi32, #tpu.memory_space<vmem_shared>>
      tpu.enqueue_dma source(%dma_start3A_157 : memref<640xi32, #tpu.memory_space<vmem_shared>>) target(%dma_start3A_156 : memref<640xi32, #tpu.memory_space<vmem>>) target_semaphore(%arg18 : memref<!tpu.dma_semaphore, #tpu.memory_space<semaphore_mem>>)
      %dma_start3A_158 = arith.constant 640 : i32
      %dma_start3A_159 = tpu.memref_slice %arg14[%dma_start3A_158] : memref<10240xf32, #tpu.memory_space<vmem>> -> memref<640xf32, #tpu.memory_space<vmem>>
      %dma_start3A_160 = tpu.memref_slice %arg16[%add3A_87] : memref<163840xf32, #tpu.memory_space<vmem_shared>> -> memref<640xf32, #tpu.memory_space<vmem_shared>>
      %dma_start3A_161 = arith.constant 640 : i32
      %dma_start3A_162 = tpu.memref_slice %arg14[%dma_start3A_161] : memref<10240xf32, #tpu.memory_space<vmem>> -> memref<640xf32, #tpu.memory_space<vmem>>
      %dma_start3A_163 = tpu.memref_slice %arg16[%add3A_87] : memref<163840xf32, #tpu.memory_space<vmem_shared>> -> memref<640xf32, #tpu.memory_space<vmem_shared>>
      tpu.enqueue_dma source(%dma_start3A_163 : memref<640xf32, #tpu.memory_space<vmem_shared>>) target(%dma_start3A_162 : memref<640xf32, #tpu.memory_space<vmem>>) target_semaphore(%arg18 : memref<!tpu.dma_semaphore, #tpu.memory_space<semaphore_mem>>)
      %dma_start3A_164 = arith.constant 640 : i32
      %dma_start3A_165 = tpu.memref_slice %arg15[%dma_start3A_164] : memref<10240xi32, #tpu.memory_space<vmem>> -> memref<640xi32, #tpu.memory_space<vmem>>
      %dma_start3A_166 = tpu.memref_slice %arg17[%add3A_89] : memref<163840xi32, #tpu.memory_space<vmem_shared>> -> memref<640xi32, #tpu.memory_space<vmem_shared>>
      %dma_start3A_167 = arith.constant 640 : i32
      %dma_start3A_168 = tpu.memref_slice %arg15[%dma_start3A_167] : memref<10240xi32, #tpu.memory_space<vmem>> -> memref<640xi32, #tpu.memory_space<vmem>>
      %dma_start3A_169 = tpu.memref_slice %arg17[%add3A_89] : memref<163840xi32, #tpu.memory_space<vmem_shared>> -> memref<640xi32, #tpu.memory_space<vmem_shared>>
      tpu.enqueue_dma source(%dma_start3A_169 : memref<640xi32, #tpu.memory_space<vmem_shared>>) target(%dma_start3A_168 : memref<640xi32, #tpu.memory_space<vmem>>) target_semaphore(%arg18 : memref<!tpu.dma_semaphore, #tpu.memory_space<semaphore_mem>>)
      %dma_start3A_170 = arith.constant 1280 : i32
      %dma_start3A_171 = tpu.memref_slice %arg14[%dma_start3A_170] : memref<10240xf32, #tpu.memory_space<vmem>> -> memref<640xf32, #tpu.memory_space<vmem>>
      %dma_start3A_172 = tpu.memref_slice %arg16[%add3A_91] : memref<163840xf32, #tpu.memory_space<vmem_shared>> -> memref<640xf32, #tpu.memory_space<vmem_shared>>
      %dma_start3A_173 = arith.constant 1280 : i32
      %dma_start3A_174 = tpu.memref_slice %arg14[%dma_start3A_173] : memref<10240xf32, #tpu.memory_space<vmem>> -> memref<640xf32, #tpu.memory_space<vmem>>
      %dma_start3A_175 = tpu.memref_slice %arg16[%add3A_91] : memref<163840xf32, #tpu.memory_space<vmem_shared>> -> memref<640xf32, #tpu.memory_space<vmem_shared>>
      tpu.enqueue_dma source(%dma_start3A_175 : memref<640xf32, #tpu.memory_space<vmem_shared>>) target(%dma_start3A_174 : memref<640xf32, #tpu.memory_space<vmem>>) target_semaphore(%arg18 : memref<!tpu.dma_semaphore, #tpu.memory_space<semaphore_mem>>)
      %dma_start3A_176 = arith.constant 1280 : i32
      %dma_start3A_177 = tpu.memref_slice %arg15[%dma_start3A_176] : memref<10240xi32, #tpu.memory_space<vmem>> -> memref<640xi32, #tpu.memory_space<vmem>>
      %dma_start3A_178 = tpu.memref_slice %arg17[%add3A_93] : memref<163840xi32, #tpu.memory_space<vmem_shared>> -> memref<640xi32, #tpu.memory_space<vmem_shared>>
      %dma_start3A_179 = arith.constant 1280 : i32
      %dma_start3A_180 = tpu.memref_slice %arg15[%dma_start3A_179] : memref<10240xi32, #tpu.memory_space<vmem>> -> memref<640xi32, #tpu.memory_space<vmem>>
      %dma_start3A_181 = tpu.memref_slice %arg17[%add3A_93] : memref<163840xi32, #tpu.memory_space<vmem_shared>> -> memref<640xi32, #tpu.memory_space<vmem_shared>>
      tpu.enqueue_dma source(%dma_start3A_181 : memref<640xi32, #tpu.memory_space<vmem_shared>>) target(%dma_start3A_180 : memref<640xi32, #tpu.memory_space<vmem>>) target_semaphore(%arg18 : memref<!tpu.dma_semaphore, #tpu.memory_space<semaphore_mem>>)
      %dma_start3A_182 = arith.constant 1920 : i32
      %dma_start3A_183 = tpu.memref_slice %arg14[%dma_start3A_182] : memref<10240xf32, #tpu.memory_space<vmem>> -> memref<640xf32, #tpu.memory_space<vmem>>
      %dma_start3A_184 = tpu.memref_slice %arg16[%add3A_95] : memref<163840xf32, #tpu.memory_space<vmem_shared>> -> memref<640xf32, #tpu.memory_space<vmem_shared>>
      %dma_start3A_185 = arith.constant 1920 : i32
      %dma_start3A_186 = tpu.memref_slice %arg14[%dma_start3A_185] : memref<10240xf32, #tpu.memory_space<vmem>> -> memref<640xf32, #tpu.memory_space<vmem>>
      %dma_start3A_187 = tpu.memref_slice %arg16[%add3A_95] : memref<163840xf32, #tpu.memory_space<vmem_shared>> -> memref<640xf32, #tpu.memory_space<vmem_shared>>
      tpu.enqueue_dma source(%dma_start3A_187 : memref<640xf32, #tpu.memory_space<vmem_shared>>) target(%dma_start3A_186 : memref<640xf32, #tpu.memory_space<vmem>>) target_semaphore(%arg18 : memref<!tpu.dma_semaphore, #tpu.memory_space<semaphore_mem>>)
      %dma_start3A_188 = arith.constant 1920 : i32
      %dma_start3A_189 = tpu.memref_slice %arg15[%dma_start3A_188] : memref<10240xi32, #tpu.memory_space<vmem>> -> memref<640xi32, #tpu.memory_space<vmem>>
      %dma_start3A_190 = tpu.memref_slice %arg17[%add3A_97] : memref<163840xi32, #tpu.memory_space<vmem_shared>> -> memref<640xi32, #tpu.memory_space<vmem_shared>>
      %dma_start3A_191 = arith.constant 1920 : i32
      %dma_start3A_192 = tpu.memref_slice %arg15[%dma_start3A_191] : memref<10240xi32, #tpu.memory_space<vmem>> -> memref<640xi32, #tpu.memory_space<vmem>>
      %dma_start3A_193 = tpu.memref_slice %arg17[%add3A_97] : memref<163840xi32, #tpu.memory_space<vmem_shared>> -> memref<640xi32, #tpu.memory_space<vmem_shared>>
      tpu.enqueue_dma source(%dma_start3A_193 : memref<640xi32, #tpu.memory_space<vmem_shared>>) target(%dma_start3A_192 : memref<640xi32, #tpu.memory_space<vmem>>) target_semaphore(%arg18 : memref<!tpu.dma_semaphore, #tpu.memory_space<semaphore_mem>>)
      %dma_start3A_194 = arith.constant 2560 : i32
      %dma_start3A_195 = tpu.memref_slice %arg14[%dma_start3A_194] : memref<10240xf32, #tpu.memory_space<vmem>> -> memref<640xf32, #tpu.memory_space<vmem>>
      %dma_start3A_196 = tpu.memref_slice %arg16[%add3A_99] : memref<163840xf32, #tpu.memory_space<vmem_shared>> -> memref<640xf32, #tpu.memory_space<vmem_shared>>
      %dma_start3A_197 = arith.constant 2560 : i32
      %dma_start3A_198 = tpu.memref_slice %arg14[%dma_start3A_197] : memref<10240xf32, #tpu.memory_space<vmem>> -> memref<640xf32, #tpu.memory_space<vmem>>
      %dma_start3A_199 = tpu.memref_slice %arg16[%add3A_99] : memref<163840xf32, #tpu.memory_space<vmem_shared>> -> memref<640xf32, #tpu.memory_space<vmem_shared>>
      tpu.enqueue_dma source(%dma_start3A_199 : memref<640xf32, #tpu.memory_space<vmem_shared>>) target(%dma_start3A_198 : memref<640xf32, #tpu.memory_space<vmem>>) target_semaphore(%arg18 : memref<!tpu.dma_semaphore, #tpu.memory_space<semaphore_mem>>)
      %dma_start3A_200 = arith.constant 2560 : i32
      %dma_start3A_201 = tpu.memref_slice %arg15[%dma_start3A_200] : memref<10240xi32, #tpu.memory_space<vmem>> -> memref<640xi32, #tpu.memory_space<vmem>>
      %dma_start3A_202 = tpu.memref_slice %arg17[%add3A_101] : memref<163840xi32, #tpu.memory_space<vmem_shared>> -> memref<640xi32, #tpu.memory_space<vmem_shared>>
      %dma_start3A_203 = arith.constant 2560 : i32
      %dma_start3A_204 = tpu.memref_slice %arg15[%dma_start3A_203] : memref<10240xi32, #tpu.memory_space<vmem>> -> memref<640xi32, #tpu.memory_space<vmem>>
      %dma_start3A_205 = tpu.memref_slice %arg17[%add3A_101] : memref<163840xi32, #tpu.memory_space<vmem_shared>> -> memref<640xi32, #tpu.memory_space<vmem_shared>>
      tpu.enqueue_dma source(%dma_start3A_205 : memref<640xi32, #tpu.memory_space<vmem_shared>>) target(%dma_start3A_204 : memref<640xi32, #tpu.memory_space<vmem>>) target_semaphore(%arg18 : memref<!tpu.dma_semaphore, #tpu.memory_space<semaphore_mem>>)
      %dma_start3A_206 = arith.constant 3200 : i32
      %dma_start3A_207 = tpu.memref_slice %arg14[%dma_start3A_206] : memref<10240xf32, #tpu.memory_space<vmem>> -> memref<640xf32, #tpu.memory_space<vmem>>
      %dma_start3A_208 = tpu.memref_slice %arg16[%add3A_103] : memref<163840xf32, #tpu.memory_space<vmem_shared>> -> memref<640xf32, #tpu.memory_space<vmem_shared>>
      %dma_start3A_209 = arith.constant 3200 : i32
      %dma_start3A_210 = tpu.memref_slice %arg14[%dma_start3A_209] : memref<10240xf32, #tpu.memory_space<vmem>> -> memref<640xf32, #tpu.memory_space<vmem>>
      %dma_start3A_211 = tpu.memref_slice %arg16[%add3A_103] : memref<163840xf32, #tpu.memory_space<vmem_shared>> -> memref<640xf32, #tpu.memory_space<vmem_shared>>
      tpu.enqueue_dma source(%dma_start3A_211 : memref<640xf32, #tpu.memory_space<vmem_shared>>) target(%dma_start3A_210 : memref<640xf32, #tpu.memory_space<vmem>>) target_semaphore(%arg18 : memref<!tpu.dma_semaphore, #tpu.memory_space<semaphore_mem>>)
      %dma_start3A_212 = arith.constant 3200 : i32
      %dma_start3A_213 = tpu.memref_slice %arg15[%dma_start3A_212] : memref<10240xi32, #tpu.memory_space<vmem>> -> memref<640xi32, #tpu.memory_space<vmem>>
      %dma_start3A_214 = tpu.memref_slice %arg17[%add3A_105] : memref<163840xi32, #tpu.memory_space<vmem_shared>> -> memref<640xi32, #tpu.memory_space<vmem_shared>>
      %dma_start3A_215 = arith.constant 3200 : i32
      %dma_start3A_216 = tpu.memref_slice %arg15[%dma_start3A_215] : memref<10240xi32, #tpu.memory_space<vmem>> -> memref<640xi32, #tpu.memory_space<vmem>>
      %dma_start3A_217 = tpu.memref_slice %arg17[%add3A_105] : memref<163840xi32, #tpu.memory_space<vmem_shared>> -> memref<640xi32, #tpu.memory_space<vmem_shared>>
      tpu.enqueue_dma source(%dma_start3A_217 : memref<640xi32, #tpu.memory_space<vmem_shared>>) target(%dma_start3A_216 : memref<640xi32, #tpu.memory_space<vmem>>) target_semaphore(%arg18 : memref<!tpu.dma_semaphore, #tpu.memory_space<semaphore_mem>>)
      %dma_start3A_218 = arith.constant 3840 : i32
      %dma_start3A_219 = tpu.memref_slice %arg14[%dma_start3A_218] : memref<10240xf32, #tpu.memory_space<vmem>> -> memref<640xf32, #tpu.memory_space<vmem>>
      %dma_start3A_220 = tpu.memref_slice %arg16[%add3A_107] : memref<163840xf32, #tpu.memory_space<vmem_shared>> -> memref<640xf32, #tpu.memory_space<vmem_shared>>
      %dma_start3A_221 = arith.constant 3840 : i32
      %dma_start3A_222 = tpu.memref_slice %arg14[%dma_start3A_221] : memref<10240xf32, #tpu.memory_space<vmem>> -> memref<640xf32, #tpu.memory_space<vmem>>
      %dma_start3A_223 = tpu.memref_slice %arg16[%add3A_107] : memref<163840xf32, #tpu.memory_space<vmem_shared>> -> memref<640xf32, #tpu.memory_space<vmem_shared>>
      tpu.enqueue_dma source(%dma_start3A_223 : memref<640xf32, #tpu.memory_space<vmem_shared>>) target(%dma_start3A_222 : memref<640xf32, #tpu.memory_space<vmem>>) target_semaphore(%arg18 : memref<!tpu.dma_semaphore, #tpu.memory_space<semaphore_mem>>)
      %dma_start3A_224 = arith.constant 3840 : i32
      %dma_start3A_225 = tpu.memref_slice %arg15[%dma_start3A_224] : memref<10240xi32, #tpu.memory_space<vmem>> -> memref<640xi32, #tpu.memory_space<vmem>>
      %dma_start3A_226 = tpu.memref_slice %arg17[%add3A_109] : memref<163840xi32, #tpu.memory_space<vmem_shared>> -> memref<640xi32, #tpu.memory_space<vmem_shared>>
      %dma_start3A_227 = arith.constant 3840 : i32
      %dma_start3A_228 = tpu.memref_slice %arg15[%dma_start3A_227] : memref<10240xi32, #tpu.memory_space<vmem>> -> memref<640xi32, #tpu.memory_space<vmem>>
      %dma_start3A_229 = tpu.memref_slice %arg17[%add3A_109] : memref<163840xi32, #tpu.memory_space<vmem_shared>> -> memref<640xi32, #tpu.memory_space<vmem_shared>>
      tpu.enqueue_dma source(%dma_start3A_229 : memref<640xi32, #tpu.memory_space<vmem_shared>>) target(%dma_start3A_228 : memref<640xi32, #tpu.memory_space<vmem>>) target_semaphore(%arg18 : memref<!tpu.dma_semaphore, #tpu.memory_space<semaphore_mem>>)
      %dma_start3A_230 = arith.constant 4480 : i32
      %dma_start3A_231 = tpu.memref_slice %arg14[%dma_start3A_230] : memref<10240xf32, #tpu.memory_space<vmem>> -> memref<640xf32, #tpu.memory_space<vmem>>
      %dma_start3A_232 = tpu.memref_slice %arg16[%add3A_111] : memref<163840xf32, #tpu.memory_space<vmem_shared>> -> memref<640xf32, #tpu.memory_space<vmem_shared>>
      %dma_start3A_233 = arith.constant 4480 : i32
      %dma_start3A_234 = tpu.memref_slice %arg14[%dma_start3A_233] : memref<10240xf32, #tpu.memory_space<vmem>> -> memref<640xf32, #tpu.memory_space<vmem>>
      %dma_start3A_235 = tpu.memref_slice %arg16[%add3A_111] : memref<163840xf32, #tpu.memory_space<vmem_shared>> -> memref<640xf32, #tpu.memory_space<vmem_shared>>
      tpu.enqueue_dma source(%dma_start3A_235 : memref<640xf32, #tpu.memory_space<vmem_shared>>) target(%dma_start3A_234 : memref<640xf32, #tpu.memory_space<vmem>>) target_semaphore(%arg18 : memref<!tpu.dma_semaphore, #tpu.memory_space<semaphore_mem>>)
      %dma_start3A_236 = arith.constant 4480 : i32
      %dma_start3A_237 = tpu.memref_slice %arg15[%dma_start3A_236] : memref<10240xi32, #tpu.memory_space<vmem>> -> memref<640xi32, #tpu.memory_space<vmem>>
      %dma_start3A_238 = tpu.memref_slice %arg17[%add3A_113] : memref<163840xi32, #tpu.memory_space<vmem_shared>> -> memref<640xi32, #tpu.memory_space<vmem_shared>>
      %dma_start3A_239 = arith.constant 4480 : i32
      %dma_start3A_240 = tpu.memref_slice %arg15[%dma_start3A_239] : memref<10240xi32, #tpu.memory_space<vmem>> -> memref<640xi32, #tpu.memory_space<vmem>>
      %dma_start3A_241 = tpu.memref_slice %arg17[%add3A_113] : memref<163840xi32, #tpu.memory_space<vmem_shared>> -> memref<640xi32, #tpu.memory_space<vmem_shared>>
      tpu.enqueue_dma source(%dma_start3A_241 : memref<640xi32, #tpu.memory_space<vmem_shared>>) target(%dma_start3A_240 : memref<640xi32, #tpu.memory_space<vmem>>) target_semaphore(%arg18 : memref<!tpu.dma_semaphore, #tpu.memory_space<semaphore_mem>>)
      %dma_start3A_242 = arith.constant 5120 : i32
      %dma_start3A_243 = tpu.memref_slice %arg14[%dma_start3A_242] : memref<10240xf32, #tpu.memory_space<vmem>> -> memref<640xf32, #tpu.memory_space<vmem>>
      %dma_start3A_244 = tpu.memref_slice %arg16[%add3A_115] : memref<163840xf32, #tpu.memory_space<vmem_shared>> -> memref<640xf32, #tpu.memory_space<vmem_shared>>
      %dma_start3A_245 = arith.constant 5120 : i32
      %dma_start3A_246 = tpu.memref_slice %arg14[%dma_start3A_245] : memref<10240xf32, #tpu.memory_space<vmem>> -> memref<640xf32, #tpu.memory_space<vmem>>
      %dma_start3A_247 = tpu.memref_slice %arg16[%add3A_115] : memref<163840xf32, #tpu.memory_space<vmem_shared>> -> memref<640xf32, #tpu.memory_space<vmem_shared>>
      tpu.enqueue_dma source(%dma_start3A_247 : memref<640xf32, #tpu.memory_space<vmem_shared>>) target(%dma_start3A_246 : memref<640xf32, #tpu.memory_space<vmem>>) target_semaphore(%arg18 : memref<!tpu.dma_semaphore, #tpu.memory_space<semaphore_mem>>)
      %dma_start3A_248 = arith.constant 5120 : i32
      %dma_start3A_249 = tpu.memref_slice %arg15[%dma_start3A_248] : memref<10240xi32, #tpu.memory_space<vmem>> -> memref<640xi32, #tpu.memory_space<vmem>>
      %dma_start3A_250 = tpu.memref_slice %arg17[%add3A_117] : memref<163840xi32, #tpu.memory_space<vmem_shared>> -> memref<640xi32, #tpu.memory_space<vmem_shared>>
      %dma_start3A_251 = arith.constant 5120 : i32
      %dma_start3A_252 = tpu.memref_slice %arg15[%dma_start3A_251] : memref<10240xi32, #tpu.memory_space<vmem>> -> memref<640xi32, #tpu.memory_space<vmem>>
      %dma_start3A_253 = tpu.memref_slice %arg17[%add3A_117] : memref<163840xi32, #tpu.memory_space<vmem_shared>> -> memref<640xi32, #tpu.memory_space<vmem_shared>>
      tpu.enqueue_dma source(%dma_start3A_253 : memref<640xi32, #tpu.memory_space<vmem_shared>>) target(%dma_start3A_252 : memref<640xi32, #tpu.memory_space<vmem>>) target_semaphore(%arg18 : memref<!tpu.dma_semaphore, #tpu.memory_space<semaphore_mem>>)
      %dma_start3A_254 = arith.constant 5760 : i32
      %dma_start3A_255 = tpu.memref_slice %arg14[%dma_start3A_254] : memref<10240xf32, #tpu.memory_space<vmem>> -> memref<640xf32, #tpu.memory_space<vmem>>
      %dma_start3A_256 = tpu.memref_slice %arg16[%add3A_119] : memref<163840xf32, #tpu.memory_space<vmem_shared>> -> memref<640xf32, #tpu.memory_space<vmem_shared>>
      %dma_start3A_257 = arith.constant 5760 : i32
      %dma_start3A_258 = tpu.memref_slice %arg14[%dma_start3A_257] : memref<10240xf32, #tpu.memory_space<vmem>> -> memref<640xf32, #tpu.memory_space<vmem>>
      %dma_start3A_259 = tpu.memref_slice %arg16[%add3A_119] : memref<163840xf32, #tpu.memory_space<vmem_shared>> -> memref<640xf32, #tpu.memory_space<vmem_shared>>
      tpu.enqueue_dma source(%dma_start3A_259 : memref<640xf32, #tpu.memory_space<vmem_shared>>) target(%dma_start3A_258 : memref<640xf32, #tpu.memory_space<vmem>>) target_semaphore(%arg18 : memref<!tpu.dma_semaphore, #tpu.memory_space<semaphore_mem>>)
      %dma_start3A_260 = arith.constant 5760 : i32
      %dma_start3A_261 = tpu.memref_slice %arg15[%dma_start3A_260] : memref<10240xi32, #tpu.memory_space<vmem>> -> memref<640xi32, #tpu.memory_space<vmem>>
      %dma_start3A_262 = tpu.memref_slice %arg17[%add3A_121] : memref<163840xi32, #tpu.memory_space<vmem_shared>> -> memref<640xi32, #tpu.memory_space<vmem_shared>>
      %dma_start3A_263 = arith.constant 5760 : i32
      %dma_start3A_264 = tpu.memref_slice %arg15[%dma_start3A_263] : memref<10240xi32, #tpu.memory_space<vmem>> -> memref<640xi32, #tpu.memory_space<vmem>>
      %dma_start3A_265 = tpu.memref_slice %arg17[%add3A_121] : memref<163840xi32, #tpu.memory_space<vmem_shared>> -> memref<640xi32, #tpu.memory_space<vmem_shared>>
      tpu.enqueue_dma source(%dma_start3A_265 : memref<640xi32, #tpu.memory_space<vmem_shared>>) target(%dma_start3A_264 : memref<640xi32, #tpu.memory_space<vmem>>) target_semaphore(%arg18 : memref<!tpu.dma_semaphore, #tpu.memory_space<semaphore_mem>>)
      %dma_start3A_266 = arith.constant 6400 : i32
      %dma_start3A_267 = tpu.memref_slice %arg14[%dma_start3A_266] : memref<10240xf32, #tpu.memory_space<vmem>> -> memref<640xf32, #tpu.memory_space<vmem>>
      %dma_start3A_268 = tpu.memref_slice %arg16[%add3A_123] : memref<163840xf32, #tpu.memory_space<vmem_shared>> -> memref<640xf32, #tpu.memory_space<vmem_shared>>
      %dma_start3A_269 = arith.constant 6400 : i32
      %dma_start3A_270 = tpu.memref_slice %arg14[%dma_start3A_269] : memref<10240xf32, #tpu.memory_space<vmem>> -> memref<640xf32, #tpu.memory_space<vmem>>
      %dma_start3A_271 = tpu.memref_slice %arg16[%add3A_123] : memref<163840xf32, #tpu.memory_space<vmem_shared>> -> memref<640xf32, #tpu.memory_space<vmem_shared>>
      tpu.enqueue_dma source(%dma_start3A_271 : memref<640xf32, #tpu.memory_space<vmem_shared>>) target(%dma_start3A_270 : memref<640xf32, #tpu.memory_space<vmem>>) target_semaphore(%arg18 : memref<!tpu.dma_semaphore, #tpu.memory_space<semaphore_mem>>)
      %dma_start3A_272 = arith.constant 6400 : i32
      %dma_start3A_273 = tpu.memref_slice %arg15[%dma_start3A_272] : memref<10240xi32, #tpu.memory_space<vmem>> -> memref<640xi32, #tpu.memory_space<vmem>>
      %dma_start3A_274 = tpu.memref_slice %arg17[%add3A_125] : memref<163840xi32, #tpu.memory_space<vmem_shared>> -> memref<640xi32, #tpu.memory_space<vmem_shared>>
      %dma_start3A_275 = arith.constant 6400 : i32
      %dma_start3A_276 = tpu.memref_slice %arg15[%dma_start3A_275] : memref<10240xi32, #tpu.memory_space<vmem>> -> memref<640xi32, #tpu.memory_space<vmem>>
      %dma_start3A_277 = tpu.memref_slice %arg17[%add3A_125] : memref<163840xi32, #tpu.memory_space<vmem_shared>> -> memref<640xi32, #tpu.memory_space<vmem_shared>>
      tpu.enqueue_dma source(%dma_start3A_277 : memref<640xi32, #tpu.memory_space<vmem_shared>>) target(%dma_start3A_276 : memref<640xi32, #tpu.memory_space<vmem>>) target_semaphore(%arg18 : memref<!tpu.dma_semaphore, #tpu.memory_space<semaphore_mem>>)
      %dma_start3A_278 = arith.constant 7040 : i32
      %dma_start3A_279 = tpu.memref_slice %arg14[%dma_start3A_278] : memref<10240xf32, #tpu.memory_space<vmem>> -> memref<640xf32, #tpu.memory_space<vmem>>
      %dma_start3A_280 = tpu.memref_slice %arg16[%add3A_127] : memref<163840xf32, #tpu.memory_space<vmem_shared>> -> memref<640xf32, #tpu.memory_space<vmem_shared>>
      %dma_start3A_281 = arith.constant 7040 : i32
      %dma_start3A_282 = tpu.memref_slice %arg14[%dma_start3A_281] : memref<10240xf32, #tpu.memory_space<vmem>> -> memref<640xf32, #tpu.memory_space<vmem>>
      %dma_start3A_283 = tpu.memref_slice %arg16[%add3A_127] : memref<163840xf32, #tpu.memory_space<vmem_shared>> -> memref<640xf32, #tpu.memory_space<vmem_shared>>
      tpu.enqueue_dma source(%dma_start3A_283 : memref<640xf32, #tpu.memory_space<vmem_shared>>) target(%dma_start3A_282 : memref<640xf32, #tpu.memory_space<vmem>>) target_semaphore(%arg18 : memref<!tpu.dma_semaphore, #tpu.memory_space<semaphore_mem>>)
      %dma_start3A_284 = arith.constant 7040 : i32
      %dma_start3A_285 = tpu.memref_slice %arg15[%dma_start3A_284] : memref<10240xi32, #tpu.memory_space<vmem>> -> memref<640xi32, #tpu.memory_space<vmem>>
      %dma_start3A_286 = tpu.memref_slice %arg17[%add3A_129] : memref<163840xi32, #tpu.memory_space<vmem_shared>> -> memref<640xi32, #tpu.memory_space<vmem_shared>>
      %dma_start3A_287 = arith.constant 7040 : i32
      %dma_start3A_288 = tpu.memref_slice %arg15[%dma_start3A_287] : memref<10240xi32, #tpu.memory_space<vmem>> -> memref<640xi32, #tpu.memory_space<vmem>>
      %dma_start3A_289 = tpu.memref_slice %arg17[%add3A_129] : memref<163840xi32, #tpu.memory_space<vmem_shared>> -> memref<640xi32, #tpu.memory_space<vmem_shared>>
      tpu.enqueue_dma source(%dma_start3A_289 : memref<640xi32, #tpu.memory_space<vmem_shared>>) target(%dma_start3A_288 : memref<640xi32, #tpu.memory_space<vmem>>) target_semaphore(%arg18 : memref<!tpu.dma_semaphore, #tpu.memory_space<semaphore_mem>>)
      %dma_start3A_290 = arith.constant 7680 : i32
      %dma_start3A_291 = tpu.memref_slice %arg14[%dma_start3A_290] : memref<10240xf32, #tpu.memory_space<vmem>> -> memref<640xf32, #tpu.memory_space<vmem>>
      %dma_start3A_292 = tpu.memref_slice %arg16[%add3A_131] : memref<163840xf32, #tpu.memory_space<vmem_shared>> -> memref<640xf32, #tpu.memory_space<vmem_shared>>
      %dma_start3A_293 = arith.constant 7680 : i32
      %dma_start3A_294 = tpu.memref_slice %arg14[%dma_start3A_293] : memref<10240xf32, #tpu.memory_space<vmem>> -> memref<640xf32, #tpu.memory_space<vmem>>
      %dma_start3A_295 = tpu.memref_slice %arg16[%add3A_131] : memref<163840xf32, #tpu.memory_space<vmem_shared>> -> memref<640xf32, #tpu.memory_space<vmem_shared>>
      tpu.enqueue_dma source(%dma_start3A_295 : memref<640xf32, #tpu.memory_space<vmem_shared>>) target(%dma_start3A_294 : memref<640xf32, #tpu.memory_space<vmem>>) target_semaphore(%arg18 : memref<!tpu.dma_semaphore, #tpu.memory_space<semaphore_mem>>)
      %dma_start3A_296 = arith.constant 7680 : i32
      %dma_start3A_297 = tpu.memref_slice %arg15[%dma_start3A_296] : memref<10240xi32, #tpu.memory_space<vmem>> -> memref<640xi32, #tpu.memory_space<vmem>>
      %dma_start3A_298 = tpu.memref_slice %arg17[%add3A_133] : memref<163840xi32, #tpu.memory_space<vmem_shared>> -> memref<640xi32, #tpu.memory_space<vmem_shared>>
      %dma_start3A_299 = arith.constant 7680 : i32
      %dma_start3A_300 = tpu.memref_slice %arg15[%dma_start3A_299] : memref<10240xi32, #tpu.memory_space<vmem>> -> memref<640xi32, #tpu.memory_space<vmem>>
      %dma_start3A_301 = tpu.memref_slice %arg17[%add3A_133] : memref<163840xi32, #tpu.memory_space<vmem_shared>> -> memref<640xi32, #tpu.memory_space<vmem_shared>>
      tpu.enqueue_dma source(%dma_start3A_301 : memref<640xi32, #tpu.memory_space<vmem_shared>>) target(%dma_start3A_300 : memref<640xi32, #tpu.memory_space<vmem>>) target_semaphore(%arg18 : memref<!tpu.dma_semaphore, #tpu.memory_space<semaphore_mem>>)
      %dma_start3A_302 = arith.constant 8320 : i32
      %dma_start3A_303 = tpu.memref_slice %arg14[%dma_start3A_302] : memref<10240xf32, #tpu.memory_space<vmem>> -> memref<640xf32, #tpu.memory_space<vmem>>
      %dma_start3A_304 = tpu.memref_slice %arg16[%add3A_135] : memref<163840xf32, #tpu.memory_space<vmem_shared>> -> memref<640xf32, #tpu.memory_space<vmem_shared>>
      %dma_start3A_305 = arith.constant 8320 : i32
      %dma_start3A_306 = tpu.memref_slice %arg14[%dma_start3A_305] : memref<10240xf32, #tpu.memory_space<vmem>> -> memref<640xf32, #tpu.memory_space<vmem>>
      %dma_start3A_307 = tpu.memref_slice %arg16[%add3A_135] : memref<163840xf32, #tpu.memory_space<vmem_shared>> -> memref<640xf32, #tpu.memory_space<vmem_shared>>
      tpu.enqueue_dma source(%dma_start3A_307 : memref<640xf32, #tpu.memory_space<vmem_shared>>) target(%dma_start3A_306 : memref<640xf32, #tpu.memory_space<vmem>>) target_semaphore(%arg18 : memref<!tpu.dma_semaphore, #tpu.memory_space<semaphore_mem>>)
      %dma_start3A_308 = arith.constant 8320 : i32
      %dma_start3A_309 = tpu.memref_slice %arg15[%dma_start3A_308] : memref<10240xi32, #tpu.memory_space<vmem>> -> memref<640xi32, #tpu.memory_space<vmem>>
      %dma_start3A_310 = tpu.memref_slice %arg17[%add3A_137] : memref<163840xi32, #tpu.memory_space<vmem_shared>> -> memref<640xi32, #tpu.memory_space<vmem_shared>>
      %dma_start3A_311 = arith.constant 8320 : i32
      %dma_start3A_312 = tpu.memref_slice %arg15[%dma_start3A_311] : memref<10240xi32, #tpu.memory_space<vmem>> -> memref<640xi32, #tpu.memory_space<vmem>>
      %dma_start3A_313 = tpu.memref_slice %arg17[%add3A_137] : memref<163840xi32, #tpu.memory_space<vmem_shared>> -> memref<640xi32, #tpu.memory_space<vmem_shared>>
      tpu.enqueue_dma source(%dma_start3A_313 : memref<640xi32, #tpu.memory_space<vmem_shared>>) target(%dma_start3A_312 : memref<640xi32, #tpu.memory_space<vmem>>) target_semaphore(%arg18 : memref<!tpu.dma_semaphore, #tpu.memory_space<semaphore_mem>>)
      %dma_start3A_314 = arith.constant 8960 : i32
      %dma_start3A_315 = tpu.memref_slice %arg14[%dma_start3A_314] : memref<10240xf32, #tpu.memory_space<vmem>> -> memref<640xf32, #tpu.memory_space<vmem>>
      %dma_start3A_316 = tpu.memref_slice %arg16[%add3A_139] : memref<163840xf32, #tpu.memory_space<vmem_shared>> -> memref<640xf32, #tpu.memory_space<vmem_shared>>
      %dma_start3A_317 = arith.constant 8960 : i32
      %dma_start3A_318 = tpu.memref_slice %arg14[%dma_start3A_317] : memref<10240xf32, #tpu.memory_space<vmem>> -> memref<640xf32, #tpu.memory_space<vmem>>
      %dma_start3A_319 = tpu.memref_slice %arg16[%add3A_139] : memref<163840xf32, #tpu.memory_space<vmem_shared>> -> memref<640xf32, #tpu.memory_space<vmem_shared>>
      tpu.enqueue_dma source(%dma_start3A_319 : memref<640xf32, #tpu.memory_space<vmem_shared>>) target(%dma_start3A_318 : memref<640xf32, #tpu.memory_space<vmem>>) target_semaphore(%arg18 : memref<!tpu.dma_semaphore, #tpu.memory_space<semaphore_mem>>)
      %dma_start3A_320 = arith.constant 8960 : i32
      %dma_start3A_321 = tpu.memref_slice %arg15[%dma_start3A_320] : memref<10240xi32, #tpu.memory_space<vmem>> -> memref<640xi32, #tpu.memory_space<vmem>>
      %dma_start3A_322 = tpu.memref_slice %arg17[%add3A_141] : memref<163840xi32, #tpu.memory_space<vmem_shared>> -> memref<640xi32, #tpu.memory_space<vmem_shared>>
      %dma_start3A_323 = arith.constant 8960 : i32
      %dma_start3A_324 = tpu.memref_slice %arg15[%dma_start3A_323] : memref<10240xi32, #tpu.memory_space<vmem>> -> memref<640xi32, #tpu.memory_space<vmem>>
      %dma_start3A_325 = tpu.memref_slice %arg17[%add3A_141] : memref<163840xi32, #tpu.memory_space<vmem_shared>> -> memref<640xi32, #tpu.memory_space<vmem_shared>>
      tpu.enqueue_dma source(%dma_start3A_325 : memref<640xi32, #tpu.memory_space<vmem_shared>>) target(%dma_start3A_324 : memref<640xi32, #tpu.memory_space<vmem>>) target_semaphore(%arg18 : memref<!tpu.dma_semaphore, #tpu.memory_space<semaphore_mem>>)
      %dma_start3A_326 = arith.constant 9600 : i32
      %dma_start3A_327 = tpu.memref_slice %arg14[%dma_start3A_326] : memref<10240xf32, #tpu.memory_space<vmem>> -> memref<640xf32, #tpu.memory_space<vmem>>
      %dma_start3A_328 = tpu.memref_slice %arg16[%add3A_143] : memref<163840xf32, #tpu.memory_space<vmem_shared>> -> memref<640xf32, #tpu.memory_space<vmem_shared>>
      %dma_start3A_329 = arith.constant 9600 : i32
      %dma_start3A_330 = tpu.memref_slice %arg14[%dma_start3A_329] : memref<10240xf32, #tpu.memory_space<vmem>> -> memref<640xf32, #tpu.memory_space<vmem>>
      %dma_start3A_331 = tpu.memref_slice %arg16[%add3A_143] : memref<163840xf32, #tpu.memory_space<vmem_shared>> -> memref<640xf32, #tpu.memory_space<vmem_shared>>
      tpu.enqueue_dma source(%dma_start3A_331 : memref<640xf32, #tpu.memory_space<vmem_shared>>) target(%dma_start3A_330 : memref<640xf32, #tpu.memory_space<vmem>>) target_semaphore(%arg18 : memref<!tpu.dma_semaphore, #tpu.memory_space<semaphore_mem>>)
      %dma_start3A_332 = arith.constant 9600 : i32
      %dma_start3A_333 = tpu.memref_slice %arg15[%dma_start3A_332] : memref<10240xi32, #tpu.memory_space<vmem>> -> memref<640xi32, #tpu.memory_space<vmem>>
      %dma_start3A_334 = tpu.memref_slice %arg17[%add3A_145] : memref<163840xi32, #tpu.memory_space<vmem_shared>> -> memref<640xi32, #tpu.memory_space<vmem_shared>>
      %dma_start3A_335 = arith.constant 9600 : i32
      %dma_start3A_336 = tpu.memref_slice %arg15[%dma_start3A_335] : memref<10240xi32, #tpu.memory_space<vmem>> -> memref<640xi32, #tpu.memory_space<vmem>>
      %dma_start3A_337 = tpu.memref_slice %arg17[%add3A_145] : memref<163840xi32, #tpu.memory_space<vmem_shared>> -> memref<640xi32, #tpu.memory_space<vmem_shared>>
      tpu.enqueue_dma source(%dma_start3A_337 : memref<640xi32, #tpu.memory_space<vmem_shared>>) target(%dma_start3A_336 : memref<640xi32, #tpu.memory_space<vmem>>) target_semaphore(%arg18 : memref<!tpu.dma_semaphore, #tpu.memory_space<semaphore_mem>>)
      %dma_wait3A_338 = arith.constant 0 : i32
      %dma_wait3A_339 = tpu.memref_slice %arg14[%dma_wait3A_338] : memref<10240xf32, #tpu.memory_space<vmem>> -> memref<640xf32, #tpu.memory_space<vmem>>
      %dma_wait3A_340 = tpu.memref_slice %arg16[%add3A_83] : memref<163840xf32, #tpu.memory_space<vmem_shared>> -> memref<640xf32, #tpu.memory_space<vmem_shared>>
      %dma_wait3A_341 = arith.constant 0 : i32
      %dma_wait3A_342 = tpu.memref_slice %arg14[%dma_wait3A_341] : memref<10240xf32, #tpu.memory_space<vmem>> -> memref<640xf32, #tpu.memory_space<vmem>>
      %dma_wait3A_343 = tpu.memref_slice %arg16[%add3A_83] : memref<163840xf32, #tpu.memory_space<vmem_shared>> -> memref<640xf32, #tpu.memory_space<vmem_shared>>
      tpu.wait_dma2 semaphore(%arg18 : memref<!tpu.dma_semaphore, #tpu.memory_space<semaphore_mem>>) src(%dma_wait3A_343 : memref<640xf32, #tpu.memory_space<vmem_shared>>) dst(%dma_wait3A_342 : memref<640xf32, #tpu.memory_space<vmem>>)
      %dma_wait3A_344 = arith.constant 0 : i32
      %dma_wait3A_345 = tpu.memref_slice %arg15[%dma_wait3A_344] : memref<10240xi32, #tpu.memory_space<vmem>> -> memref<640xi32, #tpu.memory_space<vmem>>
      %dma_wait3A_346 = tpu.memref_slice %arg17[%add3A_85] : memref<163840xi32, #tpu.memory_space<vmem_shared>> -> memref<640xi32, #tpu.memory_space<vmem_shared>>
      %dma_wait3A_347 = arith.constant 0 : i32
      %dma_wait3A_348 = tpu.memref_slice %arg15[%dma_wait3A_347] : memref<10240xi32, #tpu.memory_space<vmem>> -> memref<640xi32, #tpu.memory_space<vmem>>
      %dma_wait3A_349 = tpu.memref_slice %arg17[%add3A_85] : memref<163840xi32, #tpu.memory_space<vmem_shared>> -> memref<640xi32, #tpu.memory_space<vmem_shared>>
      tpu.wait_dma2 semaphore(%arg18 : memref<!tpu.dma_semaphore, #tpu.memory_space<semaphore_mem>>) src(%dma_wait3A_349 : memref<640xi32, #tpu.memory_space<vmem_shared>>) dst(%dma_wait3A_348 : memref<640xi32, #tpu.memory_space<vmem>>)
      %dma_wait3A_350 = arith.constant 640 : i32
      %dma_wait3A_351 = tpu.memref_slice %arg14[%dma_wait3A_350] : memref<10240xf32, #tpu.memory_space<vmem>> -> memref<640xf32, #tpu.memory_space<vmem>>
      %dma_wait3A_352 = tpu.memref_slice %arg16[%add3A_87] : memref<163840xf32, #tpu.memory_space<vmem_shared>> -> memref<640xf32, #tpu.memory_space<vmem_shared>>
      %dma_wait3A_353 = arith.constant 640 : i32
      %dma_wait3A_354 = tpu.memref_slice %arg14[%dma_wait3A_353] : memref<10240xf32, #tpu.memory_space<vmem>> -> memref<640xf32, #tpu.memory_space<vmem>>
      %dma_wait3A_355 = tpu.memref_slice %arg16[%add3A_87] : memref<163840xf32, #tpu.memory_space<vmem_shared>> -> memref<640xf32, #tpu.memory_space<vmem_shared>>
      tpu.wait_dma2 semaphore(%arg18 : memref<!tpu.dma_semaphore, #tpu.memory_space<semaphore_mem>>) src(%dma_wait3A_355 : memref<640xf32, #tpu.memory_space<vmem_shared>>) dst(%dma_wait3A_354 : memref<640xf32, #tpu.memory_space<vmem>>)
      %dma_wait3A_356 = arith.constant 640 : i32
      %dma_wait3A_357 = tpu.memref_slice %arg15[%dma_wait3A_356] : memref<10240xi32, #tpu.memory_space<vmem>> -> memref<640xi32, #tpu.memory_space<vmem>>
      %dma_wait3A_358 = tpu.memref_slice %arg17[%add3A_89] : memref<163840xi32, #tpu.memory_space<vmem_shared>> -> memref<640xi32, #tpu.memory_space<vmem_shared>>
      %dma_wait3A_359 = arith.constant 640 : i32
      %dma_wait3A_360 = tpu.memref_slice %arg15[%dma_wait3A_359] : memref<10240xi32, #tpu.memory_space<vmem>> -> memref<640xi32, #tpu.memory_space<vmem>>
      %dma_wait3A_361 = tpu.memref_slice %arg17[%add3A_89] : memref<163840xi32, #tpu.memory_space<vmem_shared>> -> memref<640xi32, #tpu.memory_space<vmem_shared>>
      tpu.wait_dma2 semaphore(%arg18 : memref<!tpu.dma_semaphore, #tpu.memory_space<semaphore_mem>>) src(%dma_wait3A_361 : memref<640xi32, #tpu.memory_space<vmem_shared>>) dst(%dma_wait3A_360 : memref<640xi32, #tpu.memory_space<vmem>>)
      %dma_wait3A_362 = arith.constant 1280 : i32
      %dma_wait3A_363 = tpu.memref_slice %arg14[%dma_wait3A_362] : memref<10240xf32, #tpu.memory_space<vmem>> -> memref<640xf32, #tpu.memory_space<vmem>>
      %dma_wait3A_364 = tpu.memref_slice %arg16[%add3A_91] : memref<163840xf32, #tpu.memory_space<vmem_shared>> -> memref<640xf32, #tpu.memory_space<vmem_shared>>
      %dma_wait3A_365 = arith.constant 1280 : i32
      %dma_wait3A_366 = tpu.memref_slice %arg14[%dma_wait3A_365] : memref<10240xf32, #tpu.memory_space<vmem>> -> memref<640xf32, #tpu.memory_space<vmem>>
      %dma_wait3A_367 = tpu.memref_slice %arg16[%add3A_91] : memref<163840xf32, #tpu.memory_space<vmem_shared>> -> memref<640xf32, #tpu.memory_space<vmem_shared>>
      tpu.wait_dma2 semaphore(%arg18 : memref<!tpu.dma_semaphore, #tpu.memory_space<semaphore_mem>>) src(%dma_wait3A_367 : memref<640xf32, #tpu.memory_space<vmem_shared>>) dst(%dma_wait3A_366 : memref<640xf32, #tpu.memory_space<vmem>>)
      %dma_wait3A_368 = arith.constant 1280 : i32
      %dma_wait3A_369 = tpu.memref_slice %arg15[%dma_wait3A_368] : memref<10240xi32, #tpu.memory_space<vmem>> -> memref<640xi32, #tpu.memory_space<vmem>>
      %dma_wait3A_370 = tpu.memref_slice %arg17[%add3A_93] : memref<163840xi32, #tpu.memory_space<vmem_shared>> -> memref<640xi32, #tpu.memory_space<vmem_shared>>
      %dma_wait3A_371 = arith.constant 1280 : i32
      %dma_wait3A_372 = tpu.memref_slice %arg15[%dma_wait3A_371] : memref<10240xi32, #tpu.memory_space<vmem>> -> memref<640xi32, #tpu.memory_space<vmem>>
      %dma_wait3A_373 = tpu.memref_slice %arg17[%add3A_93] : memref<163840xi32, #tpu.memory_space<vmem_shared>> -> memref<640xi32, #tpu.memory_space<vmem_shared>>
      tpu.wait_dma2 semaphore(%arg18 : memref<!tpu.dma_semaphore, #tpu.memory_space<semaphore_mem>>) src(%dma_wait3A_373 : memref<640xi32, #tpu.memory_space<vmem_shared>>) dst(%dma_wait3A_372 : memref<640xi32, #tpu.memory_space<vmem>>)
      %dma_wait3A_374 = arith.constant 1920 : i32
      %dma_wait3A_375 = tpu.memref_slice %arg14[%dma_wait3A_374] : memref<10240xf32, #tpu.memory_space<vmem>> -> memref<640xf32, #tpu.memory_space<vmem>>
      %dma_wait3A_376 = tpu.memref_slice %arg16[%add3A_95] : memref<163840xf32, #tpu.memory_space<vmem_shared>> -> memref<640xf32, #tpu.memory_space<vmem_shared>>
      %dma_wait3A_377 = arith.constant 1920 : i32
      %dma_wait3A_378 = tpu.memref_slice %arg14[%dma_wait3A_377] : memref<10240xf32, #tpu.memory_space<vmem>> -> memref<640xf32, #tpu.memory_space<vmem>>
      %dma_wait3A_379 = tpu.memref_slice %arg16[%add3A_95] : memref<163840xf32, #tpu.memory_space<vmem_shared>> -> memref<640xf32, #tpu.memory_space<vmem_shared>>
      tpu.wait_dma2 semaphore(%arg18 : memref<!tpu.dma_semaphore, #tpu.memory_space<semaphore_mem>>) src(%dma_wait3A_379 : memref<640xf32, #tpu.memory_space<vmem_shared>>) dst(%dma_wait3A_378 : memref<640xf32, #tpu.memory_space<vmem>>)
      %dma_wait3A_380 = arith.constant 1920 : i32
      %dma_wait3A_381 = tpu.memref_slice %arg15[%dma_wait3A_380] : memref<10240xi32, #tpu.memory_space<vmem>> -> memref<640xi32, #tpu.memory_space<vmem>>
      %dma_wait3A_382 = tpu.memref_slice %arg17[%add3A_97] : memref<163840xi32, #tpu.memory_space<vmem_shared>> -> memref<640xi32, #tpu.memory_space<vmem_shared>>
      %dma_wait3A_383 = arith.constant 1920 : i32
      %dma_wait3A_384 = tpu.memref_slice %arg15[%dma_wait3A_383] : memref<10240xi32, #tpu.memory_space<vmem>> -> memref<640xi32, #tpu.memory_space<vmem>>
      %dma_wait3A_385 = tpu.memref_slice %arg17[%add3A_97] : memref<163840xi32, #tpu.memory_space<vmem_shared>> -> memref<640xi32, #tpu.memory_space<vmem_shared>>
      tpu.wait_dma2 semaphore(%arg18 : memref<!tpu.dma_semaphore, #tpu.memory_space<semaphore_mem>>) src(%dma_wait3A_385 : memref<640xi32, #tpu.memory_space<vmem_shared>>) dst(%dma_wait3A_384 : memref<640xi32, #tpu.memory_space<vmem>>)
      %dma_wait3A_386 = arith.constant 2560 : i32
      %dma_wait3A_387 = tpu.memref_slice %arg14[%dma_wait3A_386] : memref<10240xf32, #tpu.memory_space<vmem>> -> memref<640xf32, #tpu.memory_space<vmem>>
      %dma_wait3A_388 = tpu.memref_slice %arg16[%add3A_99] : memref<163840xf32, #tpu.memory_space<vmem_shared>> -> memref<640xf32, #tpu.memory_space<vmem_shared>>
      %dma_wait3A_389 = arith.constant 2560 : i32
      %dma_wait3A_390 = tpu.memref_slice %arg14[%dma_wait3A_389] : memref<10240xf32, #tpu.memory_space<vmem>> -> memref<640xf32, #tpu.memory_space<vmem>>
      %dma_wait3A_391 = tpu.memref_slice %arg16[%add3A_99] : memref<163840xf32, #tpu.memory_space<vmem_shared>> -> memref<640xf32, #tpu.memory_space<vmem_shared>>
      tpu.wait_dma2 semaphore(%arg18 : memref<!tpu.dma_semaphore, #tpu.memory_space<semaphore_mem>>) src(%dma_wait3A_391 : memref<640xf32, #tpu.memory_space<vmem_shared>>) dst(%dma_wait3A_390 : memref<640xf32, #tpu.memory_space<vmem>>)
      %dma_wait3A_392 = arith.constant 2560 : i32
      %dma_wait3A_393 = tpu.memref_slice %arg15[%dma_wait3A_392] : memref<10240xi32, #tpu.memory_space<vmem>> -> memref<640xi32, #tpu.memory_space<vmem>>
      %dma_wait3A_394 = tpu.memref_slice %arg17[%add3A_101] : memref<163840xi32, #tpu.memory_space<vmem_shared>> -> memref<640xi32, #tpu.memory_space<vmem_shared>>
      %dma_wait3A_395 = arith.constant 2560 : i32
      %dma_wait3A_396 = tpu.memref_slice %arg15[%dma_wait3A_395] : memref<10240xi32, #tpu.memory_space<vmem>> -> memref<640xi32, #tpu.memory_space<vmem>>
      %dma_wait3A_397 = tpu.memref_slice %arg17[%add3A_101] : memref<163840xi32, #tpu.memory_space<vmem_shared>> -> memref<640xi32, #tpu.memory_space<vmem_shared>>
      tpu.wait_dma2 semaphore(%arg18 : memref<!tpu.dma_semaphore, #tpu.memory_space<semaphore_mem>>) src(%dma_wait3A_397 : memref<640xi32, #tpu.memory_space<vmem_shared>>) dst(%dma_wait3A_396 : memref<640xi32, #tpu.memory_space<vmem>>)
      %dma_wait3A_398 = arith.constant 3200 : i32
      %dma_wait3A_399 = tpu.memref_slice %arg14[%dma_wait3A_398] : memref<10240xf32, #tpu.memory_space<vmem>> -> memref<640xf32, #tpu.memory_space<vmem>>
      %dma_wait3A_400 = tpu.memref_slice %arg16[%add3A_103] : memref<163840xf32, #tpu.memory_space<vmem_shared>> -> memref<640xf32, #tpu.memory_space<vmem_shared>>
      %dma_wait3A_401 = arith.constant 3200 : i32
      %dma_wait3A_402 = tpu.memref_slice %arg14[%dma_wait3A_401] : memref<10240xf32, #tpu.memory_space<vmem>> -> memref<640xf32, #tpu.memory_space<vmem>>
      %dma_wait3A_403 = tpu.memref_slice %arg16[%add3A_103] : memref<163840xf32, #tpu.memory_space<vmem_shared>> -> memref<640xf32, #tpu.memory_space<vmem_shared>>
      tpu.wait_dma2 semaphore(%arg18 : memref<!tpu.dma_semaphore, #tpu.memory_space<semaphore_mem>>) src(%dma_wait3A_403 : memref<640xf32, #tpu.memory_space<vmem_shared>>) dst(%dma_wait3A_402 : memref<640xf32, #tpu.memory_space<vmem>>)
      %dma_wait3A_404 = arith.constant 3200 : i32
      %dma_wait3A_405 = tpu.memref_slice %arg15[%dma_wait3A_404] : memref<10240xi32, #tpu.memory_space<vmem>> -> memref<640xi32, #tpu.memory_space<vmem>>
      %dma_wait3A_406 = tpu.memref_slice %arg17[%add3A_105] : memref<163840xi32, #tpu.memory_space<vmem_shared>> -> memref<640xi32, #tpu.memory_space<vmem_shared>>
      %dma_wait3A_407 = arith.constant 3200 : i32
      %dma_wait3A_408 = tpu.memref_slice %arg15[%dma_wait3A_407] : memref<10240xi32, #tpu.memory_space<vmem>> -> memref<640xi32, #tpu.memory_space<vmem>>
      %dma_wait3A_409 = tpu.memref_slice %arg17[%add3A_105] : memref<163840xi32, #tpu.memory_space<vmem_shared>> -> memref<640xi32, #tpu.memory_space<vmem_shared>>
      tpu.wait_dma2 semaphore(%arg18 : memref<!tpu.dma_semaphore, #tpu.memory_space<semaphore_mem>>) src(%dma_wait3A_409 : memref<640xi32, #tpu.memory_space<vmem_shared>>) dst(%dma_wait3A_408 : memref<640xi32, #tpu.memory_space<vmem>>)
      %dma_wait3A_410 = arith.constant 3840 : i32
      %dma_wait3A_411 = tpu.memref_slice %arg14[%dma_wait3A_410] : memref<10240xf32, #tpu.memory_space<vmem>> -> memref<640xf32, #tpu.memory_space<vmem>>
      %dma_wait3A_412 = tpu.memref_slice %arg16[%add3A_107] : memref<163840xf32, #tpu.memory_space<vmem_shared>> -> memref<640xf32, #tpu.memory_space<vmem_shared>>
      %dma_wait3A_413 = arith.constant 3840 : i32
      %dma_wait3A_414 = tpu.memref_slice %arg14[%dma_wait3A_413] : memref<10240xf32, #tpu.memory_space<vmem>> -> memref<640xf32, #tpu.memory_space<vmem>>
      %dma_wait3A_415 = tpu.memref_slice %arg16[%add3A_107] : memref<163840xf32, #tpu.memory_space<vmem_shared>> -> memref<640xf32, #tpu.memory_space<vmem_shared>>
      tpu.wait_dma2 semaphore(%arg18 : memref<!tpu.dma_semaphore, #tpu.memory_space<semaphore_mem>>) src(%dma_wait3A_415 : memref<640xf32, #tpu.memory_space<vmem_shared>>) dst(%dma_wait3A_414 : memref<640xf32, #tpu.memory_space<vmem>>)
      %dma_wait3A_416 = arith.constant 3840 : i32
      %dma_wait3A_417 = tpu.memref_slice %arg15[%dma_wait3A_416] : memref<10240xi32, #tpu.memory_space<vmem>> -> memref<640xi32, #tpu.memory_space<vmem>>
      %dma_wait3A_418 = tpu.memref_slice %arg17[%add3A_109] : memref<163840xi32, #tpu.memory_space<vmem_shared>> -> memref<640xi32, #tpu.memory_space<vmem_shared>>
      %dma_wait3A_419 = arith.constant 3840 : i32
      %dma_wait3A_420 = tpu.memref_slice %arg15[%dma_wait3A_419] : memref<10240xi32, #tpu.memory_space<vmem>> -> memref<640xi32, #tpu.memory_space<vmem>>
      %dma_wait3A_421 = tpu.memref_slice %arg17[%add3A_109] : memref<163840xi32, #tpu.memory_space<vmem_shared>> -> memref<640xi32, #tpu.memory_space<vmem_shared>>
      tpu.wait_dma2 semaphore(%arg18 : memref<!tpu.dma_semaphore, #tpu.memory_space<semaphore_mem>>) src(%dma_wait3A_421 : memref<640xi32, #tpu.memory_space<vmem_shared>>) dst(%dma_wait3A_420 : memref<640xi32, #tpu.memory_space<vmem>>)
      %dma_wait3A_422 = arith.constant 4480 : i32
      %dma_wait3A_423 = tpu.memref_slice %arg14[%dma_wait3A_422] : memref<10240xf32, #tpu.memory_space<vmem>> -> memref<640xf32, #tpu.memory_space<vmem>>
      %dma_wait3A_424 = tpu.memref_slice %arg16[%add3A_111] : memref<163840xf32, #tpu.memory_space<vmem_shared>> -> memref<640xf32, #tpu.memory_space<vmem_shared>>
      %dma_wait3A_425 = arith.constant 4480 : i32
      %dma_wait3A_426 = tpu.memref_slice %arg14[%dma_wait3A_425] : memref<10240xf32, #tpu.memory_space<vmem>> -> memref<640xf32, #tpu.memory_space<vmem>>
      %dma_wait3A_427 = tpu.memref_slice %arg16[%add3A_111] : memref<163840xf32, #tpu.memory_space<vmem_shared>> -> memref<640xf32, #tpu.memory_space<vmem_shared>>
      tpu.wait_dma2 semaphore(%arg18 : memref<!tpu.dma_semaphore, #tpu.memory_space<semaphore_mem>>) src(%dma_wait3A_427 : memref<640xf32, #tpu.memory_space<vmem_shared>>) dst(%dma_wait3A_426 : memref<640xf32, #tpu.memory_space<vmem>>)
      %dma_wait3A_428 = arith.constant 4480 : i32
      %dma_wait3A_429 = tpu.memref_slice %arg15[%dma_wait3A_428] : memref<10240xi32, #tpu.memory_space<vmem>> -> memref<640xi32, #tpu.memory_space<vmem>>
      %dma_wait3A_430 = tpu.memref_slice %arg17[%add3A_113] : memref<163840xi32, #tpu.memory_space<vmem_shared>> -> memref<640xi32, #tpu.memory_space<vmem_shared>>
      %dma_wait3A_431 = arith.constant 4480 : i32
      %dma_wait3A_432 = tpu.memref_slice %arg15[%dma_wait3A_431] : memref<10240xi32, #tpu.memory_space<vmem>> -> memref<640xi32, #tpu.memory_space<vmem>>
      %dma_wait3A_433 = tpu.memref_slice %arg17[%add3A_113] : memref<163840xi32, #tpu.memory_space<vmem_shared>> -> memref<640xi32, #tpu.memory_space<vmem_shared>>
      tpu.wait_dma2 semaphore(%arg18 : memref<!tpu.dma_semaphore, #tpu.memory_space<semaphore_mem>>) src(%dma_wait3A_433 : memref<640xi32, #tpu.memory_space<vmem_shared>>) dst(%dma_wait3A_432 : memref<640xi32, #tpu.memory_space<vmem>>)
      %dma_wait3A_434 = arith.constant 5120 : i32
      %dma_wait3A_435 = tpu.memref_slice %arg14[%dma_wait3A_434] : memref<10240xf32, #tpu.memory_space<vmem>> -> memref<640xf32, #tpu.memory_space<vmem>>
      %dma_wait3A_436 = tpu.memref_slice %arg16[%add3A_115] : memref<163840xf32, #tpu.memory_space<vmem_shared>> -> memref<640xf32, #tpu.memory_space<vmem_shared>>
      %dma_wait3A_437 = arith.constant 5120 : i32
      %dma_wait3A_438 = tpu.memref_slice %arg14[%dma_wait3A_437] : memref<10240xf32, #tpu.memory_space<vmem>> -> memref<640xf32, #tpu.memory_space<vmem>>
      %dma_wait3A_439 = tpu.memref_slice %arg16[%add3A_115] : memref<163840xf32, #tpu.memory_space<vmem_shared>> -> memref<640xf32, #tpu.memory_space<vmem_shared>>
      tpu.wait_dma2 semaphore(%arg18 : memref<!tpu.dma_semaphore, #tpu.memory_space<semaphore_mem>>) src(%dma_wait3A_439 : memref<640xf32, #tpu.memory_space<vmem_shared>>) dst(%dma_wait3A_438 : memref<640xf32, #tpu.memory_space<vmem>>)
      %dma_wait3A_440 = arith.constant 5120 : i32
      %dma_wait3A_441 = tpu.memref_slice %arg15[%dma_wait3A_440] : memref<10240xi32, #tpu.memory_space<vmem>> -> memref<640xi32, #tpu.memory_space<vmem>>
      %dma_wait3A_442 = tpu.memref_slice %arg17[%add3A_117] : memref<163840xi32, #tpu.memory_space<vmem_shared>> -> memref<640xi32, #tpu.memory_space<vmem_shared>>
      %dma_wait3A_443 = arith.constant 5120 : i32
      %dma_wait3A_444 = tpu.memref_slice %arg15[%dma_wait3A_443] : memref<10240xi32, #tpu.memory_space<vmem>> -> memref<640xi32, #tpu.memory_space<vmem>>
      %dma_wait3A_445 = tpu.memref_slice %arg17[%add3A_117] : memref<163840xi32, #tpu.memory_space<vmem_shared>> -> memref<640xi32, #tpu.memory_space<vmem_shared>>
      tpu.wait_dma2 semaphore(%arg18 : memref<!tpu.dma_semaphore, #tpu.memory_space<semaphore_mem>>) src(%dma_wait3A_445 : memref<640xi32, #tpu.memory_space<vmem_shared>>) dst(%dma_wait3A_444 : memref<640xi32, #tpu.memory_space<vmem>>)
      %dma_wait3A_446 = arith.constant 5760 : i32
      %dma_wait3A_447 = tpu.memref_slice %arg14[%dma_wait3A_446] : memref<10240xf32, #tpu.memory_space<vmem>> -> memref<640xf32, #tpu.memory_space<vmem>>
      %dma_wait3A_448 = tpu.memref_slice %arg16[%add3A_119] : memref<163840xf32, #tpu.memory_space<vmem_shared>> -> memref<640xf32, #tpu.memory_space<vmem_shared>>
      %dma_wait3A_449 = arith.constant 5760 : i32
      %dma_wait3A_450 = tpu.memref_slice %arg14[%dma_wait3A_449] : memref<10240xf32, #tpu.memory_space<vmem>> -> memref<640xf32, #tpu.memory_space<vmem>>
      %dma_wait3A_451 = tpu.memref_slice %arg16[%add3A_119] : memref<163840xf32, #tpu.memory_space<vmem_shared>> -> memref<640xf32, #tpu.memory_space<vmem_shared>>
      tpu.wait_dma2 semaphore(%arg18 : memref<!tpu.dma_semaphore, #tpu.memory_space<semaphore_mem>>) src(%dma_wait3A_451 : memref<640xf32, #tpu.memory_space<vmem_shared>>) dst(%dma_wait3A_450 : memref<640xf32, #tpu.memory_space<vmem>>)
      %dma_wait3A_452 = arith.constant 5760 : i32
      %dma_wait3A_453 = tpu.memref_slice %arg15[%dma_wait3A_452] : memref<10240xi32, #tpu.memory_space<vmem>> -> memref<640xi32, #tpu.memory_space<vmem>>
      %dma_wait3A_454 = tpu.memref_slice %arg17[%add3A_121] : memref<163840xi32, #tpu.memory_space<vmem_shared>> -> memref<640xi32, #tpu.memory_space<vmem_shared>>
      %dma_wait3A_455 = arith.constant 5760 : i32
      %dma_wait3A_456 = tpu.memref_slice %arg15[%dma_wait3A_455] : memref<10240xi32, #tpu.memory_space<vmem>> -> memref<640xi32, #tpu.memory_space<vmem>>
      %dma_wait3A_457 = tpu.memref_slice %arg17[%add3A_121] : memref<163840xi32, #tpu.memory_space<vmem_shared>> -> memref<640xi32, #tpu.memory_space<vmem_shared>>
      tpu.wait_dma2 semaphore(%arg18 : memref<!tpu.dma_semaphore, #tpu.memory_space<semaphore_mem>>) src(%dma_wait3A_457 : memref<640xi32, #tpu.memory_space<vmem_shared>>) dst(%dma_wait3A_456 : memref<640xi32, #tpu.memory_space<vmem>>)
      %dma_wait3A_458 = arith.constant 6400 : i32
      %dma_wait3A_459 = tpu.memref_slice %arg14[%dma_wait3A_458] : memref<10240xf32, #tpu.memory_space<vmem>> -> memref<640xf32, #tpu.memory_space<vmem>>
      %dma_wait3A_460 = tpu.memref_slice %arg16[%add3A_123] : memref<163840xf32, #tpu.memory_space<vmem_shared>> -> memref<640xf32, #tpu.memory_space<vmem_shared>>
      %dma_wait3A_461 = arith.constant 6400 : i32
      %dma_wait3A_462 = tpu.memref_slice %arg14[%dma_wait3A_461] : memref<10240xf32, #tpu.memory_space<vmem>> -> memref<640xf32, #tpu.memory_space<vmem>>
      %dma_wait3A_463 = tpu.memref_slice %arg16[%add3A_123] : memref<163840xf32, #tpu.memory_space<vmem_shared>> -> memref<640xf32, #tpu.memory_space<vmem_shared>>
      tpu.wait_dma2 semaphore(%arg18 : memref<!tpu.dma_semaphore, #tpu.memory_space<semaphore_mem>>) src(%dma_wait3A_463 : memref<640xf32, #tpu.memory_space<vmem_shared>>) dst(%dma_wait3A_462 : memref<640xf32, #tpu.memory_space<vmem>>)
      %dma_wait3A_464 = arith.constant 6400 : i32
      %dma_wait3A_465 = tpu.memref_slice %arg15[%dma_wait3A_464] : memref<10240xi32, #tpu.memory_space<vmem>> -> memref<640xi32, #tpu.memory_space<vmem>>
      %dma_wait3A_466 = tpu.memref_slice %arg17[%add3A_125] : memref<163840xi32, #tpu.memory_space<vmem_shared>> -> memref<640xi32, #tpu.memory_space<vmem_shared>>
      %dma_wait3A_467 = arith.constant 6400 : i32
      %dma_wait3A_468 = tpu.memref_slice %arg15[%dma_wait3A_467] : memref<10240xi32, #tpu.memory_space<vmem>> -> memref<640xi32, #tpu.memory_space<vmem>>
      %dma_wait3A_469 = tpu.memref_slice %arg17[%add3A_125] : memref<163840xi32, #tpu.memory_space<vmem_shared>> -> memref<640xi32, #tpu.memory_space<vmem_shared>>
      tpu.wait_dma2 semaphore(%arg18 : memref<!tpu.dma_semaphore, #tpu.memory_space<semaphore_mem>>) src(%dma_wait3A_469 : memref<640xi32, #tpu.memory_space<vmem_shared>>) dst(%dma_wait3A_468 : memref<640xi32, #tpu.memory_space<vmem>>)
      %dma_wait3A_470 = arith.constant 7040 : i32
      %dma_wait3A_471 = tpu.memref_slice %arg14[%dma_wait3A_470] : memref<10240xf32, #tpu.memory_space<vmem>> -> memref<640xf32, #tpu.memory_space<vmem>>
      %dma_wait3A_472 = tpu.memref_slice %arg16[%add3A_127] : memref<163840xf32, #tpu.memory_space<vmem_shared>> -> memref<640xf32, #tpu.memory_space<vmem_shared>>
      %dma_wait3A_473 = arith.constant 7040 : i32
      %dma_wait3A_474 = tpu.memref_slice %arg14[%dma_wait3A_473] : memref<10240xf32, #tpu.memory_space<vmem>> -> memref<640xf32, #tpu.memory_space<vmem>>
      %dma_wait3A_475 = tpu.memref_slice %arg16[%add3A_127] : memref<163840xf32, #tpu.memory_space<vmem_shared>> -> memref<640xf32, #tpu.memory_space<vmem_shared>>
      tpu.wait_dma2 semaphore(%arg18 : memref<!tpu.dma_semaphore, #tpu.memory_space<semaphore_mem>>) src(%dma_wait3A_475 : memref<640xf32, #tpu.memory_space<vmem_shared>>) dst(%dma_wait3A_474 : memref<640xf32, #tpu.memory_space<vmem>>)
      %dma_wait3A_476 = arith.constant 7040 : i32
      %dma_wait3A_477 = tpu.memref_slice %arg15[%dma_wait3A_476] : memref<10240xi32, #tpu.memory_space<vmem>> -> memref<640xi32, #tpu.memory_space<vmem>>
      %dma_wait3A_478 = tpu.memref_slice %arg17[%add3A_129] : memref<163840xi32, #tpu.memory_space<vmem_shared>> -> memref<640xi32, #tpu.memory_space<vmem_shared>>
      %dma_wait3A_479 = arith.constant 7040 : i32
      %dma_wait3A_480 = tpu.memref_slice %arg15[%dma_wait3A_479] : memref<10240xi32, #tpu.memory_space<vmem>> -> memref<640xi32, #tpu.memory_space<vmem>>
      %dma_wait3A_481 = tpu.memref_slice %arg17[%add3A_129] : memref<163840xi32, #tpu.memory_space<vmem_shared>> -> memref<640xi32, #tpu.memory_space<vmem_shared>>
      tpu.wait_dma2 semaphore(%arg18 : memref<!tpu.dma_semaphore, #tpu.memory_space<semaphore_mem>>) src(%dma_wait3A_481 : memref<640xi32, #tpu.memory_space<vmem_shared>>) dst(%dma_wait3A_480 : memref<640xi32, #tpu.memory_space<vmem>>)
      %dma_wait3A_482 = arith.constant 7680 : i32
      %dma_wait3A_483 = tpu.memref_slice %arg14[%dma_wait3A_482] : memref<10240xf32, #tpu.memory_space<vmem>> -> memref<640xf32, #tpu.memory_space<vmem>>
      %dma_wait3A_484 = tpu.memref_slice %arg16[%add3A_131] : memref<163840xf32, #tpu.memory_space<vmem_shared>> -> memref<640xf32, #tpu.memory_space<vmem_shared>>
      %dma_wait3A_485 = arith.constant 7680 : i32
      %dma_wait3A_486 = tpu.memref_slice %arg14[%dma_wait3A_485] : memref<10240xf32, #tpu.memory_space<vmem>> -> memref<640xf32, #tpu.memory_space<vmem>>
      %dma_wait3A_487 = tpu.memref_slice %arg16[%add3A_131] : memref<163840xf32, #tpu.memory_space<vmem_shared>> -> memref<640xf32, #tpu.memory_space<vmem_shared>>
      tpu.wait_dma2 semaphore(%arg18 : memref<!tpu.dma_semaphore, #tpu.memory_space<semaphore_mem>>) src(%dma_wait3A_487 : memref<640xf32, #tpu.memory_space<vmem_shared>>) dst(%dma_wait3A_486 : memref<640xf32, #tpu.memory_space<vmem>>)
      %dma_wait3A_488 = arith.constant 7680 : i32
      %dma_wait3A_489 = tpu.memref_slice %arg15[%dma_wait3A_488] : memref<10240xi32, #tpu.memory_space<vmem>> -> memref<640xi32, #tpu.memory_space<vmem>>
      %dma_wait3A_490 = tpu.memref_slice %arg17[%add3A_133] : memref<163840xi32, #tpu.memory_space<vmem_shared>> -> memref<640xi32, #tpu.memory_space<vmem_shared>>
      %dma_wait3A_491 = arith.constant 7680 : i32
      %dma_wait3A_492 = tpu.memref_slice %arg15[%dma_wait3A_491] : memref<10240xi32, #tpu.memory_space<vmem>> -> memref<640xi32, #tpu.memory_space<vmem>>
      %dma_wait3A_493 = tpu.memref_slice %arg17[%add3A_133] : memref<163840xi32, #tpu.memory_space<vmem_shared>> -> memref<640xi32, #tpu.memory_space<vmem_shared>>
      tpu.wait_dma2 semaphore(%arg18 : memref<!tpu.dma_semaphore, #tpu.memory_space<semaphore_mem>>) src(%dma_wait3A_493 : memref<640xi32, #tpu.memory_space<vmem_shared>>) dst(%dma_wait3A_492 : memref<640xi32, #tpu.memory_space<vmem>>)
      %dma_wait3A_494 = arith.constant 8320 : i32
      %dma_wait3A_495 = tpu.memref_slice %arg14[%dma_wait3A_494] : memref<10240xf32, #tpu.memory_space<vmem>> -> memref<640xf32, #tpu.memory_space<vmem>>
      %dma_wait3A_496 = tpu.memref_slice %arg16[%add3A_135] : memref<163840xf32, #tpu.memory_space<vmem_shared>> -> memref<640xf32, #tpu.memory_space<vmem_shared>>
      %dma_wait3A_497 = arith.constant 8320 : i32
      %dma_wait3A_498 = tpu.memref_slice %arg14[%dma_wait3A_497] : memref<10240xf32, #tpu.memory_space<vmem>> -> memref<640xf32, #tpu.memory_space<vmem>>
      %dma_wait3A_499 = tpu.memref_slice %arg16[%add3A_135] : memref<163840xf32, #tpu.memory_space<vmem_shared>> -> memref<640xf32, #tpu.memory_space<vmem_shared>>
      tpu.wait_dma2 semaphore(%arg18 : memref<!tpu.dma_semaphore, #tpu.memory_space<semaphore_mem>>) src(%dma_wait3A_499 : memref<640xf32, #tpu.memory_space<vmem_shared>>) dst(%dma_wait3A_498 : memref<640xf32, #tpu.memory_space<vmem>>)
      %dma_wait3A_500 = arith.constant 8320 : i32
      %dma_wait3A_501 = tpu.memref_slice %arg15[%dma_wait3A_500] : memref<10240xi32, #tpu.memory_space<vmem>> -> memref<640xi32, #tpu.memory_space<vmem>>
      %dma_wait3A_502 = tpu.memref_slice %arg17[%add3A_137] : memref<163840xi32, #tpu.memory_space<vmem_shared>> -> memref<640xi32, #tpu.memory_space<vmem_shared>>
      %dma_wait3A_503 = arith.constant 8320 : i32
      %dma_wait3A_504 = tpu.memref_slice %arg15[%dma_wait3A_503] : memref<10240xi32, #tpu.memory_space<vmem>> -> memref<640xi32, #tpu.memory_space<vmem>>
      %dma_wait3A_505 = tpu.memref_slice %arg17[%add3A_137] : memref<163840xi32, #tpu.memory_space<vmem_shared>> -> memref<640xi32, #tpu.memory_space<vmem_shared>>
      tpu.wait_dma2 semaphore(%arg18 : memref<!tpu.dma_semaphore, #tpu.memory_space<semaphore_mem>>) src(%dma_wait3A_505 : memref<640xi32, #tpu.memory_space<vmem_shared>>) dst(%dma_wait3A_504 : memref<640xi32, #tpu.memory_space<vmem>>)
      %dma_wait3A_506 = arith.constant 8960 : i32
      %dma_wait3A_507 = tpu.memref_slice %arg14[%dma_wait3A_506] : memref<10240xf32, #tpu.memory_space<vmem>> -> memref<640xf32, #tpu.memory_space<vmem>>
      %dma_wait3A_508 = tpu.memref_slice %arg16[%add3A_139] : memref<163840xf32, #tpu.memory_space<vmem_shared>> -> memref<640xf32, #tpu.memory_space<vmem_shared>>
      %dma_wait3A_509 = arith.constant 8960 : i32
      %dma_wait3A_510 = tpu.memref_slice %arg14[%dma_wait3A_509] : memref<10240xf32, #tpu.memory_space<vmem>> -> memref<640xf32, #tpu.memory_space<vmem>>
      %dma_wait3A_511 = tpu.memref_slice %arg16[%add3A_139] : memref<163840xf32, #tpu.memory_space<vmem_shared>> -> memref<640xf32, #tpu.memory_space<vmem_shared>>
      tpu.wait_dma2 semaphore(%arg18 : memref<!tpu.dma_semaphore, #tpu.memory_space<semaphore_mem>>) src(%dma_wait3A_511 : memref<640xf32, #tpu.memory_space<vmem_shared>>) dst(%dma_wait3A_510 : memref<640xf32, #tpu.memory_space<vmem>>)
      %dma_wait3A_512 = arith.constant 8960 : i32
      %dma_wait3A_513 = tpu.memref_slice %arg15[%dma_wait3A_512] : memref<10240xi32, #tpu.memory_space<vmem>> -> memref<640xi32, #tpu.memory_space<vmem>>
      %dma_wait3A_514 = tpu.memref_slice %arg17[%add3A_141] : memref<163840xi32, #tpu.memory_space<vmem_shared>> -> memref<640xi32, #tpu.memory_space<vmem_shared>>
      %dma_wait3A_515 = arith.constant 8960 : i32
      %dma_wait3A_516 = tpu.memref_slice %arg15[%dma_wait3A_515] : memref<10240xi32, #tpu.memory_space<vmem>> -> memref<640xi32, #tpu.memory_space<vmem>>
      %dma_wait3A_517 = tpu.memref_slice %arg17[%add3A_141] : memref<163840xi32, #tpu.memory_space<vmem_shared>> -> memref<640xi32, #tpu.memory_space<vmem_shared>>
      tpu.wait_dma2 semaphore(%arg18 : memref<!tpu.dma_semaphore, #tpu.memory_space<semaphore_mem>>) src(%dma_wait3A_517 : memref<640xi32, #tpu.memory_space<vmem_shared>>) dst(%dma_wait3A_516 : memref<640xi32, #tpu.memory_space<vmem>>)
      %dma_wait3A_518 = arith.constant 9600 : i32
      %dma_wait3A_519 = tpu.memref_slice %arg14[%dma_wait3A_518] : memref<10240xf32, #tpu.memory_space<vmem>> -> memref<640xf32, #tpu.memory_space<vmem>>
      %dma_wait3A_520 = tpu.memref_slice %arg16[%add3A_143] : memref<163840xf32, #tpu.memory_space<vmem_shared>> -> memref<640xf32, #tpu.memory_space<vmem_shared>>
      %dma_wait3A_521 = arith.constant 9600 : i32
      %dma_wait3A_522 = tpu.memref_slice %arg14[%dma_wait3A_521] : memref<10240xf32, #tpu.memory_space<vmem>> -> memref<640xf32, #tpu.memory_space<vmem>>
      %dma_wait3A_523 = tpu.memref_slice %arg16[%add3A_143] : memref<163840xf32, #tpu.memory_space<vmem_shared>> -> memref<640xf32, #tpu.memory_space<vmem_shared>>
      tpu.wait_dma2 semaphore(%arg18 : memref<!tpu.dma_semaphore, #tpu.memory_space<semaphore_mem>>) src(%dma_wait3A_523 : memref<640xf32, #tpu.memory_space<vmem_shared>>) dst(%dma_wait3A_522 : memref<640xf32, #tpu.memory_space<vmem>>)
      %dma_wait3A_524 = arith.constant 9600 : i32
      %dma_wait3A_525 = tpu.memref_slice %arg15[%dma_wait3A_524] : memref<10240xi32, #tpu.memory_space<vmem>> -> memref<640xi32, #tpu.memory_space<vmem>>
      %dma_wait3A_526 = tpu.memref_slice %arg17[%add3A_145] : memref<163840xi32, #tpu.memory_space<vmem_shared>> -> memref<640xi32, #tpu.memory_space<vmem_shared>>
      %dma_wait3A_527 = arith.constant 9600 : i32
      %dma_wait3A_528 = tpu.memref_slice %arg15[%dma_wait3A_527] : memref<10240xi32, #tpu.memory_space<vmem>> -> memref<640xi32, #tpu.memory_space<vmem>>
      %dma_wait3A_529 = tpu.memref_slice %arg17[%add3A_145] : memref<163840xi32, #tpu.memory_space<vmem_shared>> -> memref<640xi32, #tpu.memory_space<vmem_shared>>
      tpu.wait_dma2 semaphore(%arg18 : memref<!tpu.dma_semaphore, #tpu.memory_space<semaphore_mem>>) src(%dma_wait3A_529 : memref<640xi32, #tpu.memory_space<vmem_shared>>) dst(%dma_wait3A_528 : memref<640xi32, #tpu.memory_space<vmem>>)
      %scan3A_530 = arith.constant 0 : i32
      %scan3A_531 = arith.constant 0 : i32
      %scan3A_532 = arith.constant 40 : i32
      %scan3A_533 = arith.addi %scan3A_531, %scan3A_532 : i32
      %scan3A_534 = arith.constant 1 : i32
      scf.for %scan3A_536 = %scan3A_531 to %scan3A_533 step %scan3A_534  : i32 {
        %mul3A_537 = arith.constant 16 : i32
        %mul3A_538 = arith.muli %scan3A_536, %mul3A_537 : i32
        %get3A = arith.index_cast %mul3A_538 : i32 to index
        %get3A_539 = tpu.vector_load %arg14[%get3A] {strides = array<i32>} : memref<10240xf32, #tpu.memory_space<vmem>>, vector<16xf32>,
        %mul3A_540 = arith.constant 16 : i32
        %mul3A_541 = arith.muli %scan3A_536, %mul3A_540 : i32
        %get3A_542 = arith.index_cast %mul3A_541 : i32 to index
        %get3A_543 = tpu.vector_load %arg15[%get3A_542] {strides = array<i32>} : memref<10240xi32, #tpu.memory_space<vmem>>, vector<16xi32>,
        %mul3A_544 = arith.constant 16 : i32
        %mul3A_545 = arith.muli %scan3A_536, %mul3A_544 : i32
        %add3A_546 = arith.constant 640 : i32
        %add3A_547 = arith.addi %add3A_546, %mul3A_545 : i32
        %get3A_548 = arith.index_cast %add3A_547 : i32 to index
        %get3A_549 = tpu.vector_load %arg14[%get3A_548] {strides = array<i32>} : memref<10240xf32, #tpu.memory_space<vmem>>, vector<16xf32>,
        %add3A_550 = arith.addf %get3A_539, %get3A_549 : vector<16xf32>
        %mul3A_551 = arith.constant 16 : i32
        %mul3A_552 = arith.muli %scan3A_536, %mul3A_551 : i32
        %add3A_553 = arith.constant 640 : i32
        %add3A_554 = arith.addi %add3A_553, %mul3A_552 : i32
        %get3A_555 = arith.index_cast %add3A_554 : i32 to index
        %get3A_556 = tpu.vector_load %arg15[%get3A_555] {strides = array<i32>} : memref<10240xi32, #tpu.memory_space<vmem>>, vector<16xi32>,
        %max3A = arith.maxsi %get3A_543, %get3A_556 : vector<16xi32>
        %mul3A_557 = arith.constant 16 : i32
        %mul3A_558 = arith.muli %scan3A_536, %mul3A_557 : i32
        %add3A_559 = arith.constant 1280 : i32
        %add3A_560 = arith.addi %add3A_559, %mul3A_558 : i32
        %get3A_561 = arith.index_cast %add3A_560 : i32 to index
        %get3A_562 = tpu.vector_load %arg14[%get3A_561] {strides = array<i32>} : memref<10240xf32, #tpu.memory_space<vmem>>, vector<16xf32>,
        %add3A_563 = arith.addf %add3A_550, %get3A_562 : vector<16xf32>
        %mul3A_564 = arith.constant 16 : i32
        %mul3A_565 = arith.muli %scan3A_536, %mul3A_564 : i32
        %add3A_566 = arith.constant 1280 : i32
        %add3A_567 = arith.addi %add3A_566, %mul3A_565 : i32
        %get3A_568 = arith.index_cast %add3A_567 : i32 to index
        %get3A_569 = tpu.vector_load %arg15[%get3A_568] {strides = array<i32>} : memref<10240xi32, #tpu.memory_space<vmem>>, vector<16xi32>,
        %max3A_570 = arith.maxsi %max3A, %get3A_569 : vector<16xi32>
        %mul3A_571 = arith.constant 16 : i32
        %mul3A_572 = arith.muli %scan3A_536, %mul3A_571 : i32
        %add3A_573 = arith.constant 1920 : i32
        %add3A_574 = arith.addi %add3A_573, %mul3A_572 : i32
        %get3A_575 = arith.index_cast %add3A_574 : i32 to index
        %get3A_576 = tpu.vector_load %arg14[%get3A_575] {strides = array<i32>} : memref<10240xf32, #tpu.memory_space<vmem>>, vector<16xf32>,
        %add3A_577 = arith.addf %add3A_563, %get3A_576 : vector<16xf32>
        %mul3A_578 = arith.constant 16 : i32
        %mul3A_579 = arith.muli %scan3A_536, %mul3A_578 : i32
        %add3A_580 = arith.constant 1920 : i32
        %add3A_581 = arith.addi %add3A_580, %mul3A_579 : i32
        %get3A_582 = arith.index_cast %add3A_581 : i32 to index
        %get3A_583 = tpu.vector_load %arg15[%get3A_582] {strides = array<i32>} : memref<10240xi32, #tpu.memory_space<vmem>>, vector<16xi32>,
        %max3A_584 = arith.maxsi %max3A_570, %get3A_583 : vector<16xi32>
        %mul3A_585 = arith.constant 16 : i32
        %mul3A_586 = arith.muli %scan3A_536, %mul3A_585 : i32
        %add3A_587 = arith.constant 2560 : i32
        %add3A_588 = arith.addi %add3A_587, %mul3A_586 : i32
        %get3A_589 = arith.index_cast %add3A_588 : i32 to index
        %get3A_590 = tpu.vector_load %arg14[%get3A_589] {strides = array<i32>} : memref<10240xf32, #tpu.memory_space<vmem>>, vector<16xf32>,
        %add3A_591 = arith.addf %add3A_577, %get3A_590 : vector<16xf32>
        %mul3A_592 = arith.constant 16 : i32
        %mul3A_593 = arith.muli %scan3A_536, %mul3A_592 : i32
        %add3A_594 = arith.constant 2560 : i32
        %add3A_595 = arith.addi %add3A_594, %mul3A_593 : i32
        %get3A_596 = arith.index_cast %add3A_595 : i32 to index
        %get3A_597 = tpu.vector_load %arg15[%get3A_596] {strides = array<i32>} : memref<10240xi32, #tpu.memory_space<vmem>>, vector<16xi32>,
        %max3A_598 = arith.maxsi %max3A_584, %get3A_597 : vector<16xi32>
        %mul3A_599 = arith.constant 16 : i32
        %mul3A_600 = arith.muli %scan3A_536, %mul3A_599 : i32
        %add3A_601 = arith.constant 3200 : i32
        %add3A_602 = arith.addi %add3A_601, %mul3A_600 : i32
        %get3A_603 = arith.index_cast %add3A_602 : i32 to index
        %get3A_604 = tpu.vector_load %arg14[%get3A_603] {strides = array<i32>} : memref<10240xf32, #tpu.memory_space<vmem>>, vector<16xf32>,
        %add3A_605 = arith.addf %add3A_591, %get3A_604 : vector<16xf32>
        %mul3A_606 = arith.constant 16 : i32
        %mul3A_607 = arith.muli %scan3A_536, %mul3A_606 : i32
        %add3A_608 = arith.constant 3200 : i32
        %add3A_609 = arith.addi %add3A_608, %mul3A_607 : i32
        %get3A_610 = arith.index_cast %add3A_609 : i32 to index
        %get3A_611 = tpu.vector_load %arg15[%get3A_610] {strides = array<i32>} : memref<10240xi32, #tpu.memory_space<vmem>>, vector<16xi32>,
        %max3A_612 = arith.maxsi %max3A_598, %get3A_611 : vector<16xi32>
        %mul3A_613 = arith.constant 16 : i32
        %mul3A_614 = arith.muli %scan3A_536, %mul3A_613 : i32
        %add3A_615 = arith.constant 3840 : i32
        %add3A_616 = arith.addi %add3A_615, %mul3A_614 : i32
        %get3A_617 = arith.index_cast %add3A_616 : i32 to index
        %get3A_618 = tpu.vector_load %arg14[%get3A_617] {strides = array<i32>} : memref<10240xf32, #tpu.memory_space<vmem>>, vector<16xf32>,
        %add3A_619 = arith.addf %add3A_605, %get3A_618 : vector<16xf32>
        %mul3A_620 = arith.constant 16 : i32
        %mul3A_621 = arith.muli %scan3A_536, %mul3A_620 : i32
        %add3A_622 = arith.constant 3840 : i32
        %add3A_623 = arith.addi %add3A_622, %mul3A_621 : i32
        %get3A_624 = arith.index_cast %add3A_623 : i32 to index
        %get3A_625 = tpu.vector_load %arg15[%get3A_624] {strides = array<i32>} : memref<10240xi32, #tpu.memory_space<vmem>>, vector<16xi32>,
        %max3A_626 = arith.maxsi %max3A_612, %get3A_625 : vector<16xi32>
        %mul3A_627 = arith.constant 16 : i32
        %mul3A_628 = arith.muli %scan3A_536, %mul3A_627 : i32
        %add3A_629 = arith.constant 4480 : i32
        %add3A_630 = arith.addi %add3A_629, %mul3A_628 : i32
        %get3A_631 = arith.index_cast %add3A_630 : i32 to index
        %get3A_632 = tpu.vector_load %arg14[%get3A_631] {strides = array<i32>} : memref<10240xf32, #tpu.memory_space<vmem>>, vector<16xf32>,
        %add3A_633 = arith.addf %add3A_619, %get3A_632 : vector<16xf32>
        %mul3A_634 = arith.constant 16 : i32
        %mul3A_635 = arith.muli %scan3A_536, %mul3A_634 : i32
        %add3A_636 = arith.constant 4480 : i32
        %add3A_637 = arith.addi %add3A_636, %mul3A_635 : i32
        %get3A_638 = arith.index_cast %add3A_637 : i32 to index
        %get3A_639 = tpu.vector_load %arg15[%get3A_638] {strides = array<i32>} : memref<10240xi32, #tpu.memory_space<vmem>>, vector<16xi32>,
        %max3A_640 = arith.maxsi %max3A_626, %get3A_639 : vector<16xi32>
        %mul3A_641 = arith.constant 16 : i32
        %mul3A_642 = arith.muli %scan3A_536, %mul3A_641 : i32
        %add3A_643 = arith.constant 5120 : i32
        %add3A_644 = arith.addi %add3A_643, %mul3A_642 : i32
        %get3A_645 = arith.index_cast %add3A_644 : i32 to index
        %get3A_646 = tpu.vector_load %arg14[%get3A_645] {strides = array<i32>} : memref<10240xf32, #tpu.memory_space<vmem>>, vector<16xf32>,
        %add3A_647 = arith.addf %add3A_633, %get3A_646 : vector<16xf32>
        %mul3A_648 = arith.constant 16 : i32
        %mul3A_649 = arith.muli %scan3A_536, %mul3A_648 : i32
        %add3A_650 = arith.constant 5120 : i32
        %add3A_651 = arith.addi %add3A_650, %mul3A_649 : i32
        %get3A_652 = arith.index_cast %add3A_651 : i32 to index
        %get3A_653 = tpu.vector_load %arg15[%get3A_652] {strides = array<i32>} : memref<10240xi32, #tpu.memory_space<vmem>>, vector<16xi32>,
        %max3A_654 = arith.maxsi %max3A_640, %get3A_653 : vector<16xi32>
        %mul3A_655 = arith.constant 16 : i32
        %mul3A_656 = arith.muli %scan3A_536, %mul3A_655 : i32
        %add3A_657 = arith.constant 5760 : i32
        %add3A_658 = arith.addi %add3A_657, %mul3A_656 : i32
        %get3A_659 = arith.index_cast %add3A_658 : i32 to index
        %get3A_660 = tpu.vector_load %arg14[%get3A_659] {strides = array<i32>} : memref<10240xf32, #tpu.memory_space<vmem>>, vector<16xf32>,
        %add3A_661 = arith.addf %add3A_647, %get3A_660 : vector<16xf32>
        %mul3A_662 = arith.constant 16 : i32
        %mul3A_663 = arith.muli %scan3A_536, %mul3A_662 : i32
        %add3A_664 = arith.constant 5760 : i32
        %add3A_665 = arith.addi %add3A_664, %mul3A_663 : i32
        %get3A_666 = arith.index_cast %add3A_665 : i32 to index
        %get3A_667 = tpu.vector_load %arg15[%get3A_666] {strides = array<i32>} : memref<10240xi32, #tpu.memory_space<vmem>>, vector<16xi32>,
        %max3A_668 = arith.maxsi %max3A_654, %get3A_667 : vector<16xi32>
        %mul3A_669 = arith.constant 16 : i32
        %mul3A_670 = arith.muli %scan3A_536, %mul3A_669 : i32
        %add3A_671 = arith.constant 6400 : i32
        %add3A_672 = arith.addi %add3A_671, %mul3A_670 : i32
        %get3A_673 = arith.index_cast %add3A_672 : i32 to index
        %get3A_674 = tpu.vector_load %arg14[%get3A_673] {strides = array<i32>} : memref<10240xf32, #tpu.memory_space<vmem>>, vector<16xf32>,
        %add3A_675 = arith.addf %add3A_661, %get3A_674 : vector<16xf32>
        %mul3A_676 = arith.constant 16 : i32
        %mul3A_677 = arith.muli %scan3A_536, %mul3A_676 : i32
        %add3A_678 = arith.constant 6400 : i32
        %add3A_679 = arith.addi %add3A_678, %mul3A_677 : i32
        %get3A_680 = arith.index_cast %add3A_679 : i32 to index
        %get3A_681 = tpu.vector_load %arg15[%get3A_680] {strides = array<i32>} : memref<10240xi32, #tpu.memory_space<vmem>>, vector<16xi32>,
        %max3A_682 = arith.maxsi %max3A_668, %get3A_681 : vector<16xi32>
        %mul3A_683 = arith.constant 16 : i32
        %mul3A_684 = arith.muli %scan3A_536, %mul3A_683 : i32
        %add3A_685 = arith.constant 7040 : i32
        %add3A_686 = arith.addi %add3A_685, %mul3A_684 : i32
        %get3A_687 = arith.index_cast %add3A_686 : i32 to index
        %get3A_688 = tpu.vector_load %arg14[%get3A_687] {strides = array<i32>} : memref<10240xf32, #tpu.memory_space<vmem>>, vector<16xf32>,
        %add3A_689 = arith.addf %add3A_675, %get3A_688 : vector<16xf32>
        %mul3A_690 = arith.constant 16 : i32
        %mul3A_691 = arith.muli %scan3A_536, %mul3A_690 : i32
        %add3A_692 = arith.constant 7040 : i32
        %add3A_693 = arith.addi %add3A_692, %mul3A_691 : i32
        %get3A_694 = arith.index_cast %add3A_693 : i32 to index
        %get3A_695 = tpu.vector_load %arg15[%get3A_694] {strides = array<i32>} : memref<10240xi32, #tpu.memory_space<vmem>>, vector<16xi32>,
        %max3A_696 = arith.maxsi %max3A_682, %get3A_695 : vector<16xi32>
        %mul3A_697 = arith.constant 16 : i32
        %mul3A_698 = arith.muli %scan3A_536, %mul3A_697 : i32
        %add3A_699 = arith.constant 7680 : i32
        %add3A_700 = arith.addi %add3A_699, %mul3A_698 : i32
        %get3A_701 = arith.index_cast %add3A_700 : i32 to index
        %get3A_702 = tpu.vector_load %arg14[%get3A_701] {strides = array<i32>} : memref<10240xf32, #tpu.memory_space<vmem>>, vector<16xf32>,
        %add3A_703 = arith.addf %add3A_689, %get3A_702 : vector<16xf32>
        %mul3A_704 = arith.constant 16 : i32
        %mul3A_705 = arith.muli %scan3A_536, %mul3A_704 : i32
        %add3A_706 = arith.constant 7680 : i32
        %add3A_707 = arith.addi %add3A_706, %mul3A_705 : i32
        %get3A_708 = arith.index_cast %add3A_707 : i32 to index
        %get3A_709 = tpu.vector_load %arg15[%get3A_708] {strides = array<i32>} : memref<10240xi32, #tpu.memory_space<vmem>>, vector<16xi32>,
        %max3A_710 = arith.maxsi %max3A_696, %get3A_709 : vector<16xi32>
        %mul3A_711 = arith.constant 16 : i32
        %mul3A_712 = arith.muli %scan3A_536, %mul3A_711 : i32
        %add3A_713 = arith.constant 8320 : i32
        %add3A_714 = arith.addi %add3A_713, %mul3A_712 : i32
        %get3A_715 = arith.index_cast %add3A_714 : i32 to index
        %get3A_716 = tpu.vector_load %arg14[%get3A_715] {strides = array<i32>} : memref<10240xf32, #tpu.memory_space<vmem>>, vector<16xf32>,
        %add3A_717 = arith.addf %add3A_703, %get3A_716 : vector<16xf32>
        %mul3A_718 = arith.constant 16 : i32
        %mul3A_719 = arith.muli %scan3A_536, %mul3A_718 : i32
        %add3A_720 = arith.constant 8320 : i32
        %add3A_721 = arith.addi %add3A_720, %mul3A_719 : i32
        %get3A_722 = arith.index_cast %add3A_721 : i32 to index
        %get3A_723 = tpu.vector_load %arg15[%get3A_722] {strides = array<i32>} : memref<10240xi32, #tpu.memory_space<vmem>>, vector<16xi32>,
        %max3A_724 = arith.maxsi %max3A_710, %get3A_723 : vector<16xi32>
        %mul3A_725 = arith.constant 16 : i32
        %mul3A_726 = arith.muli %scan3A_536, %mul3A_725 : i32
        %add3A_727 = arith.constant 8960 : i32
        %add3A_728 = arith.addi %add3A_727, %mul3A_726 : i32
        %get3A_729 = arith.index_cast %add3A_728 : i32 to index
        %get3A_730 = tpu.vector_load %arg14[%get3A_729] {strides = array<i32>} : memref<10240xf32, #tpu.memory_space<vmem>>, vector<16xf32>,
        %add3A_731 = arith.addf %add3A_717, %get3A_730 : vector<16xf32>
        %mul3A_732 = arith.constant 16 : i32
        %mul3A_733 = arith.muli %scan3A_536, %mul3A_732 : i32
        %add3A_734 = arith.constant 8960 : i32
        %add3A_735 = arith.addi %add3A_734, %mul3A_733 : i32
        %get3A_736 = arith.index_cast %add3A_735 : i32 to index
        %get3A_737 = tpu.vector_load %arg15[%get3A_736] {strides = array<i32>} : memref<10240xi32, #tpu.memory_space<vmem>>, vector<16xi32>,
        %max3A_738 = arith.maxsi %max3A_724, %get3A_737 : vector<16xi32>
        %mul3A_739 = arith.constant 16 : i32
        %mul3A_740 = arith.muli %scan3A_536, %mul3A_739 : i32
        %add3A_741 = arith.constant 9600 : i32
        %add3A_742 = arith.addi %add3A_741, %mul3A_740 : i32
        %get3A_743 = arith.index_cast %add3A_742 : i32 to index
        %get3A_744 = tpu.vector_load %arg14[%get3A_743] {strides = array<i32>} : memref<10240xf32, #tpu.memory_space<vmem>>, vector<16xf32>,
        %add3A_745 = arith.addf %add3A_731, %get3A_744 : vector<16xf32>
        %mul3A_746 = arith.constant 16 : i32
        %mul3A_747 = arith.muli %scan3A_536, %mul3A_746 : i32
        %add3A_748 = arith.constant 9600 : i32
        %add3A_749 = arith.addi %add3A_748, %mul3A_747 : i32
        %get3A_750 = arith.index_cast %add3A_749 : i32 to index
        %get3A_751 = tpu.vector_load %arg15[%get3A_750] {strides = array<i32>} : memref<10240xi32, #tpu.memory_space<vmem>>, vector<16xi32>,
        %max3A_752 = arith.maxsi %max3A_738, %get3A_751 : vector<16xi32>
        %mul3A_753 = arith.constant 16 : i32
        %mul3A_754 = arith.muli %scan3A_536, %mul3A_753 : i32
        %swap3A = arith.index_cast %mul3A_754 : i32 to index
        %swap3A_755 = tpu.vector_load %arg12[%swap3A] {strides = array<i32>} : memref<10240xf32, #tpu.memory_space<vmem>>, vector<16xf32>,
        tpu.vector_store %arg12[%swap3A], %add3A_745 {strides = array<i32>} : memref<10240xf32, #tpu.memory_space<vmem>>, vector<16xf32>,
        %lt3A = arith.constant 0 : i32
        %lt3A_756 = vector.broadcast %lt3A : i32 to vector<16xi32>
        %lt3A_757 = arith.cmpi slt, %max3A_752, %lt3A_756 : vector<16xi32>
        %and3A = arith.constant 16383 : i32
        %and3A_758 = vector.broadcast %and3A : i32 to vector<16xi32>
        %and3A_759 = arith.andi %max3A_752, %and3A_758 : vector<16xi32>
        %jit3A = arith.constant 0 : i32
        %broadcast_in_dim3A_760 = vector.broadcast %jit3A : i32 to vector<16xi32>
        %select_n3A = arith.select %lt3A_757, %broadcast_in_dim3A_760, %and3A_759 : vector<16xi1>, vector<16xi32>
        %mul3A_761 = arith.constant 16 : i32
        %mul3A_762 = arith.muli %scan3A_536, %mul3A_761 : i32
        %swap3A_763 = arith.index_cast %mul3A_762 : i32 to index
        %swap3A_764 = tpu.vector_load %arg13[%swap3A_763] {strides = array<i32>} : memref<10240xi32, #tpu.memory_space<vmem>>, vector<16xi32>,
        tpu.vector_store %arg13[%swap3A_763], %select_n3A {strides = array<i32>} : memref<10240xi32, #tpu.memory_space<vmem>>, vector<16xi32>,
      }
      %scan3A_535 = arith.constant 40 : i32
      "tpu.region"() ({
        %run_scoped3A = tpu.sem_alloc : memref<!tpu.dma_semaphore, #tpu.memory_space<semaphore_mem>>
        %dma_start3A_536 = arith.constant 0 : i32
        %dma_start3A_537 = tpu.memref_slice %arg12[%dma_start3A_536] : memref<10240xf32, #tpu.memory_space<vmem>> -> memref<640xf32, #tpu.memory_space<vmem>>
        %dma_start3A_538 = tpu.memref_slice %arg6[%mul3A_82] : memref<10240xf32, #tpu.memory_space<hbm>> -> memref<640xf32, #tpu.memory_space<hbm>>
        %dma_start3A_539 = tpu.memref_slice %arg6[%mul3A_82] : memref<10240xf32, #tpu.memory_space<hbm>> -> memref<640xf32, #tpu.memory_space<hbm>>
        %dma_start3A_540 = arith.constant 0 : i32
        %dma_start3A_541 = tpu.memref_slice %arg12[%dma_start3A_540] : memref<10240xf32, #tpu.memory_space<vmem>> -> memref<640xf32, #tpu.memory_space<vmem>>
        tpu.enqueue_dma source(%dma_start3A_541 : memref<640xf32, #tpu.memory_space<vmem>>) target(%dma_start3A_539 : memref<640xf32, #tpu.memory_space<hbm>>) target_semaphore(%run_scoped3A : memref<!tpu.dma_semaphore, #tpu.memory_space<semaphore_mem>>)
        %dma_wait3A_542 = arith.constant 0 : i32
        %dma_wait3A_543 = tpu.memref_slice %arg12[%dma_wait3A_542] : memref<10240xf32, #tpu.memory_space<vmem>> -> memref<640xf32, #tpu.memory_space<vmem>>
        %dma_wait3A_544 = tpu.memref_slice %arg6[%mul3A_82] : memref<10240xf32, #tpu.memory_space<hbm>> -> memref<640xf32, #tpu.memory_space<hbm>>
        %dma_wait3A_545 = tpu.memref_slice %arg6[%mul3A_82] : memref<10240xf32, #tpu.memory_space<hbm>> -> memref<640xf32, #tpu.memory_space<hbm>>
        %dma_wait3A_546 = arith.constant 0 : i32
        %dma_wait3A_547 = tpu.memref_slice %arg12[%dma_wait3A_546] : memref<10240xf32, #tpu.memory_space<vmem>> -> memref<640xf32, #tpu.memory_space<vmem>>
        tpu.wait_dma2 semaphore(%run_scoped3A : memref<!tpu.dma_semaphore, #tpu.memory_space<semaphore_mem>>) src(%dma_wait3A_547 : memref<640xf32, #tpu.memory_space<vmem>>) dst(%dma_wait3A_545 : memref<640xf32, #tpu.memory_space<hbm>>)
        tpu.yield
      }) : () -> ()
      "tpu.region"() ({
        %run_scoped3A = tpu.sem_alloc : memref<!tpu.dma_semaphore, #tpu.memory_space<semaphore_mem>>
        %dma_start3A_536 = arith.constant 0 : i32
        %dma_start3A_537 = tpu.memref_slice %arg13[%dma_start3A_536] : memref<10240xi32, #tpu.memory_space<vmem>> -> memref<640xi32, #tpu.memory_space<vmem>>
        %dma_start3A_538 = tpu.memref_slice %arg7[%mul3A_82] : memref<10240xi32, #tpu.memory_space<hbm>> -> memref<640xi32, #tpu.memory_space<hbm>>
        %dma_start3A_539 = tpu.memref_slice %arg7[%mul3A_82] : memref<10240xi32, #tpu.memory_space<hbm>> -> memref<640xi32, #tpu.memory_space<hbm>>
        %dma_start3A_540 = arith.constant 0 : i32
        %dma_start3A_541 = tpu.memref_slice %arg13[%dma_start3A_540] : memref<10240xi32, #tpu.memory_space<vmem>> -> memref<640xi32, #tpu.memory_space<vmem>>
        tpu.enqueue_dma source(%dma_start3A_541 : memref<640xi32, #tpu.memory_space<vmem>>) target(%dma_start3A_539 : memref<640xi32, #tpu.memory_space<hbm>>) target_semaphore(%run_scoped3A : memref<!tpu.dma_semaphore, #tpu.memory_space<semaphore_mem>>)
        %dma_wait3A_542 = arith.constant 0 : i32
        %dma_wait3A_543 = tpu.memref_slice %arg13[%dma_wait3A_542] : memref<10240xi32, #tpu.memory_space<vmem>> -> memref<640xi32, #tpu.memory_space<vmem>>
        %dma_wait3A_544 = tpu.memref_slice %arg7[%mul3A_82] : memref<10240xi32, #tpu.memory_space<hbm>> -> memref<640xi32, #tpu.memory_space<hbm>>
        %dma_wait3A_545 = tpu.memref_slice %arg7[%mul3A_82] : memref<10240xi32, #tpu.memory_space<hbm>> -> memref<640xi32, #tpu.memory_space<hbm>>
        %dma_wait3A_546 = arith.constant 0 : i32
        %dma_wait3A_547 = tpu.memref_slice %arg13[%dma_wait3A_546] : memref<10240xi32, #tpu.memory_space<vmem>> -> memref<640xi32, #tpu.memory_space<vmem>>
        tpu.wait_dma2 semaphore(%run_scoped3A : memref<!tpu.dma_semaphore, #tpu.memory_space<semaphore_mem>>) src(%dma_wait3A_547 : memref<640xi32, #tpu.memory_space<vmem>>) dst(%dma_wait3A_545 : memref<640xi32, #tpu.memory_space<hbm>>)
        tpu.yield
      }) : () -> ()
    } else {
    }
    %eq3A_2 = arith.constant 1 : i32
    %eq3A_3 = arith.cmpi eq, %arg0, %eq3A_2 : i32
    %convert_element_type3A_4 = arith.extui %eq3A_3 : i1 to i32
    %cond3A_5 = arith.constant 0 : i32
    %cond3A_6 = arith.cmpi ne, %convert_element_type3A_4, %cond3A_5 : i32
    scf.if %cond3A_6 {
      %broadcast_in_dim3A = arith.constant -1 : i32
      %broadcast_in_dim3A_7 = vector.broadcast %broadcast_in_dim3A : i32 to vector<16xi32>
      %broadcast_in_dim3A_8 = arith.constant 0.000000e+00 : f32
      %broadcast_in_dim3A_9 = vector.broadcast %broadcast_in_dim3A_8 : f32 to vector<16xf32>
      %mul3A = arith.constant 6272 : i32
      %mul3A_10 = arith.muli %arg1, %mul3A : i32
      %dma_start3A = arith.constant 0 : i32
      %dma_start3A_11 = tpu.memref_slice %arg10[%dma_start3A] : memref<20000xi32, #tpu.memory_space<vmem>> -> memref<6272xi32, #tpu.memory_space<vmem>>
      %dma_start3A_12 = tpu.memref_slice %arg4[%mul3A_10] : memref<100352xi32, #tpu.memory_space<hbm>> -> memref<6272xi32, #tpu.memory_space<hbm>>
      %dma_start3A_13 = arith.constant 0 : i32
      %dma_start3A_14 = tpu.memref_slice %arg10[%dma_start3A_13] : memref<20000xi32, #tpu.memory_space<vmem>> -> memref<6272xi32, #tpu.memory_space<vmem>>
      %dma_start3A_15 = tpu.memref_slice %arg4[%mul3A_10] : memref<100352xi32, #tpu.memory_space<hbm>> -> memref<6272xi32, #tpu.memory_space<hbm>>
      tpu.enqueue_dma source(%dma_start3A_15 : memref<6272xi32, #tpu.memory_space<hbm>>) target(%dma_start3A_14 : memref<6272xi32, #tpu.memory_space<vmem>>) target_semaphore(%arg18 : memref<!tpu.dma_semaphore, #tpu.memory_space<semaphore_mem>>)
      %dma_start3A_16 = arith.constant 0 : i32
      %dma_start3A_17 = tpu.memref_slice %arg11[%dma_start3A_16] : memref<20000xi32, #tpu.memory_space<vmem>> -> memref<6272xi32, #tpu.memory_space<vmem>>
      %dma_start3A_18 = tpu.memref_slice %arg5[%mul3A_10] : memref<100352xi32, #tpu.memory_space<hbm>> -> memref<6272xi32, #tpu.memory_space<hbm>>
      %dma_start3A_19 = arith.constant 0 : i32
      %dma_start3A_20 = tpu.memref_slice %arg11[%dma_start3A_19] : memref<20000xi32, #tpu.memory_space<vmem>> -> memref<6272xi32, #tpu.memory_space<vmem>>
      %dma_start3A_21 = tpu.memref_slice %arg5[%mul3A_10] : memref<100352xi32, #tpu.memory_space<hbm>> -> memref<6272xi32, #tpu.memory_space<hbm>>
      tpu.enqueue_dma source(%dma_start3A_21 : memref<6272xi32, #tpu.memory_space<hbm>>) target(%dma_start3A_20 : memref<6272xi32, #tpu.memory_space<vmem>>) target_semaphore(%arg18 : memref<!tpu.dma_semaphore, #tpu.memory_space<semaphore_mem>>)
      %scan3A = arith.constant 0 : i32
      %scan3A_22 = arith.constant 0 : i32
      %scan3A_23 = arith.constant 144 : i32
      %scan3A_24 = arith.addi %scan3A_22, %scan3A_23 : i32
      %scan3A_25 = arith.constant 4 : i32
      scf.for %scan3A_536 = %scan3A_22 to %scan3A_24 step %scan3A_25  : i32 {
        %mul3A_537 = arith.constant 16 : i32
        %mul3A_538 = arith.muli %scan3A_536, %mul3A_537 : i32
        %swap3A = arith.index_cast %mul3A_538 : i32 to index
        %swap3A_539 = tpu.vector_load %arg12[%swap3A] {strides = array<i32>} : memref<10240xf32, #tpu.memory_space<vmem>>, vector<16xf32>,
        tpu.vector_store %arg12[%swap3A], %broadcast_in_dim3A_9 {strides = array<i32>} : memref<10240xf32, #tpu.memory_space<vmem>>, vector<16xf32>,
        %mul3A_540 = arith.constant 16 : i32
        %mul3A_541 = arith.muli %scan3A_536, %mul3A_540 : i32
        %swap3A_542 = arith.index_cast %mul3A_541 : i32 to index
        %swap3A_543 = tpu.vector_load %arg13[%swap3A_542] {strides = array<i32>} : memref<10240xi32, #tpu.memory_space<vmem>>, vector<16xi32>,
        tpu.vector_store %arg13[%swap3A_542], %broadcast_in_dim3A_7 {strides = array<i32>} : memref<10240xi32, #tpu.memory_space<vmem>>, vector<16xi32>,
        %scan3A_544 = arith.constant 1 : i32
        %scan3A_545 = arith.addi %scan3A_536, %scan3A_544 : i32
        %mul3A_546 = arith.constant 16 : i32
        %mul3A_547 = arith.muli %scan3A_545, %mul3A_546 : i32
        %swap3A_548 = arith.index_cast %mul3A_547 : i32 to index
        %swap3A_549 = tpu.vector_load %arg12[%swap3A_548] {strides = array<i32>} : memref<10240xf32, #tpu.memory_space<vmem>>, vector<16xf32>,
        tpu.vector_store %arg12[%swap3A_548], %broadcast_in_dim3A_9 {strides = array<i32>} : memref<10240xf32, #tpu.memory_space<vmem>>, vector<16xf32>,
        %mul3A_550 = arith.constant 16 : i32
        %mul3A_551 = arith.muli %scan3A_545, %mul3A_550 : i32
        %swap3A_552 = arith.index_cast %mul3A_551 : i32 to index
        %swap3A_553 = tpu.vector_load %arg13[%swap3A_552] {strides = array<i32>} : memref<10240xi32, #tpu.memory_space<vmem>>, vector<16xi32>,
        tpu.vector_store %arg13[%swap3A_552], %broadcast_in_dim3A_7 {strides = array<i32>} : memref<10240xi32, #tpu.memory_space<vmem>>, vector<16xi32>,
        %scan3A_554 = arith.constant 2 : i32
        %scan3A_555 = arith.addi %scan3A_536, %scan3A_554 : i32
        %mul3A_556 = arith.constant 16 : i32
        %mul3A_557 = arith.muli %scan3A_555, %mul3A_556 : i32
        %swap3A_558 = arith.index_cast %mul3A_557 : i32 to index
        %swap3A_559 = tpu.vector_load %arg12[%swap3A_558] {strides = array<i32>} : memref<10240xf32, #tpu.memory_space<vmem>>, vector<16xf32>,
        tpu.vector_store %arg12[%swap3A_558], %broadcast_in_dim3A_9 {strides = array<i32>} : memref<10240xf32, #tpu.memory_space<vmem>>, vector<16xf32>,
        %mul3A_560 = arith.constant 16 : i32
        %mul3A_561 = arith.muli %scan3A_555, %mul3A_560 : i32
        %swap3A_562 = arith.index_cast %mul3A_561 : i32 to index
        %swap3A_563 = tpu.vector_load %arg13[%swap3A_562] {strides = array<i32>} : memref<10240xi32, #tpu.memory_space<vmem>>, vector<16xi32>,
        tpu.vector_store %arg13[%swap3A_562], %broadcast_in_dim3A_7 {strides = array<i32>} : memref<10240xi32, #tpu.memory_space<vmem>>, vector<16xi32>,
        %scan3A_564 = arith.constant 3 : i32
        %scan3A_565 = arith.addi %scan3A_536, %scan3A_564 : i32
        %mul3A_566 = arith.constant 16 : i32
        %mul3A_567 = arith.muli %scan3A_565, %mul3A_566 : i32
        %swap3A_568 = arith.index_cast %mul3A_567 : i32 to index
        %swap3A_569 = tpu.vector_load %arg12[%swap3A_568] {strides = array<i32>} : memref<10240xf32, #tpu.memory_space<vmem>>, vector<16xf32>,
        tpu.vector_store %arg12[%swap3A_568], %broadcast_in_dim3A_9 {strides = array<i32>} : memref<10240xf32, #tpu.memory_space<vmem>>, vector<16xf32>,
        %mul3A_570 = arith.constant 16 : i32
        %mul3A_571 = arith.muli %scan3A_565, %mul3A_570 : i32
        %swap3A_572 = arith.index_cast %mul3A_571 : i32 to index
        %swap3A_573 = tpu.vector_load %arg13[%swap3A_572] {strides = array<i32>} : memref<10240xi32, #tpu.memory_space<vmem>>, vector<16xi32>,
        tpu.vector_store %arg13[%swap3A_572], %broadcast_in_dim3A_7 {strides = array<i32>} : memref<10240xi32, #tpu.memory_space<vmem>>, vector<16xi32>,
      }
      %scan3A_26 = arith.constant 144 : i32
      %dma_wait3A = arith.constant 0 : i32
      %dma_wait3A_27 = tpu.memref_slice %arg10[%dma_wait3A] : memref<20000xi32, #tpu.memory_space<vmem>> -> memref<6272xi32, #tpu.memory_space<vmem>>
      %dma_wait3A_28 = tpu.memref_slice %arg4[%mul3A_10] : memref<100352xi32, #tpu.memory_space<hbm>> -> memref<6272xi32, #tpu.memory_space<hbm>>
      %dma_wait3A_29 = arith.constant 0 : i32
      %dma_wait3A_30 = tpu.memref_slice %arg10[%dma_wait3A_29] : memref<20000xi32, #tpu.memory_space<vmem>> -> memref<6272xi32, #tpu.memory_space<vmem>>
      %dma_wait3A_31 = tpu.memref_slice %arg4[%mul3A_10] : memref<100352xi32, #tpu.memory_space<hbm>> -> memref<6272xi32, #tpu.memory_space<hbm>>
      tpu.wait_dma2 semaphore(%arg18 : memref<!tpu.dma_semaphore, #tpu.memory_space<semaphore_mem>>) src(%dma_wait3A_31 : memref<6272xi32, #tpu.memory_space<hbm>>) dst(%dma_wait3A_30 : memref<6272xi32, #tpu.memory_space<vmem>>)
      %dma_wait3A_32 = arith.constant 0 : i32
      %dma_wait3A_33 = tpu.memref_slice %arg11[%dma_wait3A_32] : memref<20000xi32, #tpu.memory_space<vmem>> -> memref<6272xi32, #tpu.memory_space<vmem>>
      %dma_wait3A_34 = tpu.memref_slice %arg5[%mul3A_10] : memref<100352xi32, #tpu.memory_space<hbm>> -> memref<6272xi32, #tpu.memory_space<hbm>>
      %dma_wait3A_35 = arith.constant 0 : i32
      %dma_wait3A_36 = tpu.memref_slice %arg11[%dma_wait3A_35] : memref<20000xi32, #tpu.memory_space<vmem>> -> memref<6272xi32, #tpu.memory_space<vmem>>
      %dma_wait3A_37 = tpu.memref_slice %arg5[%mul3A_10] : memref<100352xi32, #tpu.memory_space<hbm>> -> memref<6272xi32, #tpu.memory_space<hbm>>
      tpu.wait_dma2 semaphore(%arg18 : memref<!tpu.dma_semaphore, #tpu.memory_space<semaphore_mem>>) src(%dma_wait3A_37 : memref<6272xi32, #tpu.memory_space<hbm>>) dst(%dma_wait3A_36 : memref<6272xi32, #tpu.memory_space<vmem>>)
      %broadcast_in_dim3A_38 = arith.constant 1.000000e+00 : f32
      %broadcast_in_dim3A_39 = vector.broadcast %broadcast_in_dim3A_38 : f32 to vector<16xf32>
      %scan3A_40 = arith.constant 0 : i32
      %scan3A_41 = arith.constant 0 : i32
      %scan3A_42 = arith.constant 49 : i32
      %scan3A_43 = arith.addi %scan3A_41, %scan3A_42 : i32
      %scan3A_44 = arith.constant 1 : i32
      scf.for %scan3A_536 = %scan3A_41 to %scan3A_43 step %scan3A_44  : i32 {
        %mul3A_537 = arith.constant 128 : i32
        %mul3A_538 = arith.muli %scan3A_536, %mul3A_537 : i32
        %add3A_539 = arith.constant 0 : i32
        %add3A_540 = arith.addi %mul3A_538, %add3A_539 : i32
        %get3A = arith.index_cast %add3A_540 : i32 to index
        %get3A_541 = tpu.vector_load %arg11[%get3A] {strides = array<i32>} : memref<20000xi32, #tpu.memory_space<vmem>>, vector<16xi32>,
        %add3A_542 = arith.constant 16 : i32
        %add3A_543 = arith.addi %mul3A_538, %add3A_542 : i32
        %get3A_544 = arith.index_cast %add3A_543 : i32 to index
        %get3A_545 = tpu.vector_load %arg11[%get3A_544] {strides = array<i32>} : memref<20000xi32, #tpu.memory_space<vmem>>, vector<16xi32>,
        %add3A_546 = arith.constant 32 : i32
        %add3A_547 = arith.addi %mul3A_538, %add3A_546 : i32
        %get3A_548 = arith.index_cast %add3A_547 : i32 to index
        %get3A_549 = tpu.vector_load %arg11[%get3A_548] {strides = array<i32>} : memref<20000xi32, #tpu.memory_space<vmem>>, vector<16xi32>,
        %add3A_550 = arith.constant 48 : i32
        %add3A_551 = arith.addi %mul3A_538, %add3A_550 : i32
        %get3A_552 = arith.index_cast %add3A_551 : i32 to index
        %get3A_553 = tpu.vector_load %arg11[%get3A_552] {strides = array<i32>} : memref<20000xi32, #tpu.memory_space<vmem>>, vector<16xi32>,
        %add3A_554 = arith.constant 64 : i32
        %add3A_555 = arith.addi %mul3A_538, %add3A_554 : i32
        %get3A_556 = arith.index_cast %add3A_555 : i32 to index
        %get3A_557 = tpu.vector_load %arg11[%get3A_556] {strides = array<i32>} : memref<20000xi32, #tpu.memory_space<vmem>>, vector<16xi32>,
        %add3A_558 = arith.constant 80 : i32
        %add3A_559 = arith.addi %mul3A_538, %add3A_558 : i32
        %get3A_560 = arith.index_cast %add3A_559 : i32 to index
        %get3A_561 = tpu.vector_load %arg11[%get3A_560] {strides = array<i32>} : memref<20000xi32, #tpu.memory_space<vmem>>, vector<16xi32>,
        %add3A_562 = arith.constant 96 : i32
        %add3A_563 = arith.addi %mul3A_538, %add3A_562 : i32
        %get3A_564 = arith.index_cast %add3A_563 : i32 to index
        %get3A_565 = tpu.vector_load %arg11[%get3A_564] {strides = array<i32>} : memref<20000xi32, #tpu.memory_space<vmem>>, vector<16xi32>,
        %add3A_566 = arith.constant 112 : i32
        %add3A_567 = arith.addi %mul3A_538, %add3A_566 : i32
        %get3A_568 = arith.index_cast %add3A_567 : i32 to index
        %get3A_569 = tpu.vector_load %arg11[%get3A_568] {strides = array<i32>} : memref<20000xi32, #tpu.memory_space<vmem>>, vector<16xi32>,
        %add3A_570 = arith.constant 0 : i32
        %add3A_571 = arith.addi %mul3A_538, %add3A_570 : i32
        %get3A_572 = arith.index_cast %add3A_571 : i32 to index
        %get3A_573 = tpu.vector_load %arg10[%get3A_572] {strides = array<i32>} : memref<20000xi32, #tpu.memory_space<vmem>>, vector<16xi32>,
        %add3A_574 = arith.constant 16 : i32
        %add3A_575 = arith.addi %mul3A_538, %add3A_574 : i32
        %get3A_576 = arith.index_cast %add3A_575 : i32 to index
        %get3A_577 = tpu.vector_load %arg10[%get3A_576] {strides = array<i32>} : memref<20000xi32, #tpu.memory_space<vmem>>, vector<16xi32>,
        %add3A_578 = arith.constant 32 : i32
        %add3A_579 = arith.addi %mul3A_538, %add3A_578 : i32
        %get3A_580 = arith.index_cast %add3A_579 : i32 to index
        %get3A_581 = tpu.vector_load %arg10[%get3A_580] {strides = array<i32>} : memref<20000xi32, #tpu.memory_space<vmem>>, vector<16xi32>,
        %add3A_582 = arith.constant 48 : i32
        %add3A_583 = arith.addi %mul3A_538, %add3A_582 : i32
        %get3A_584 = arith.index_cast %add3A_583 : i32 to index
        %get3A_585 = tpu.vector_load %arg10[%get3A_584] {strides = array<i32>} : memref<20000xi32, #tpu.memory_space<vmem>>, vector<16xi32>,
        %add3A_586 = arith.constant 64 : i32
        %add3A_587 = arith.addi %mul3A_538, %add3A_586 : i32
        %get3A_588 = arith.index_cast %add3A_587 : i32 to index
        %get3A_589 = tpu.vector_load %arg10[%get3A_588] {strides = array<i32>} : memref<20000xi32, #tpu.memory_space<vmem>>, vector<16xi32>,
        %add3A_590 = arith.constant 80 : i32
        %add3A_591 = arith.addi %mul3A_538, %add3A_590 : i32
        %get3A_592 = arith.index_cast %add3A_591 : i32 to index
        %get3A_593 = tpu.vector_load %arg10[%get3A_592] {strides = array<i32>} : memref<20000xi32, #tpu.memory_space<vmem>>, vector<16xi32>,
        %add3A_594 = arith.constant 96 : i32
        %add3A_595 = arith.addi %mul3A_538, %add3A_594 : i32
        %get3A_596 = arith.index_cast %add3A_595 : i32 to index
        %get3A_597 = tpu.vector_load %arg10[%get3A_596] {strides = array<i32>} : memref<20000xi32, #tpu.memory_space<vmem>>, vector<16xi32>,
        %add3A_598 = arith.constant 112 : i32
        %add3A_599 = arith.addi %mul3A_538, %add3A_598 : i32
        %get3A_600 = arith.index_cast %add3A_599 : i32 to index
        %get3A_601 = tpu.vector_load %arg10[%get3A_600] {strides = array<i32>} : memref<20000xi32, #tpu.memory_space<vmem>>, vector<16xi32>,
        tpu.vector_store_idx %arg13[%get3A_541], %get3A_573 : memref<10240xi32, #tpu.memory_space<vmem>>[vector<16xi32>], vector<16xi32>,
        tpu.vector_store_idx %arg12[%get3A_541], %broadcast_in_dim3A_39 {add = true} : memref<10240xf32, #tpu.memory_space<vmem>>[vector<16xi32>], vector<16xf32>,
        tpu.vector_store_idx %arg13[%get3A_545], %get3A_577 : memref<10240xi32, #tpu.memory_space<vmem>>[vector<16xi32>], vector<16xi32>,
        tpu.vector_store_idx %arg12[%get3A_545], %broadcast_in_dim3A_39 {add = true} : memref<10240xf32, #tpu.memory_space<vmem>>[vector<16xi32>], vector<16xf32>,
        tpu.vector_store_idx %arg13[%get3A_549], %get3A_581 : memref<10240xi32, #tpu.memory_space<vmem>>[vector<16xi32>], vector<16xi32>,
        tpu.vector_store_idx %arg12[%get3A_549], %broadcast_in_dim3A_39 {add = true} : memref<10240xf32, #tpu.memory_space<vmem>>[vector<16xi32>], vector<16xf32>,
        tpu.vector_store_idx %arg13[%get3A_553], %get3A_585 : memref<10240xi32, #tpu.memory_space<vmem>>[vector<16xi32>], vector<16xi32>,
        tpu.vector_store_idx %arg12[%get3A_553], %broadcast_in_dim3A_39 {add = true} : memref<10240xf32, #tpu.memory_space<vmem>>[vector<16xi32>], vector<16xf32>,
        tpu.vector_store_idx %arg13[%get3A_557], %get3A_589 : memref<10240xi32, #tpu.memory_space<vmem>>[vector<16xi32>], vector<16xi32>,
        tpu.vector_store_idx %arg12[%get3A_557], %broadcast_in_dim3A_39 {add = true} : memref<10240xf32, #tpu.memory_space<vmem>>[vector<16xi32>], vector<16xf32>,
        tpu.vector_store_idx %arg13[%get3A_561], %get3A_593 : memref<10240xi32, #tpu.memory_space<vmem>>[vector<16xi32>], vector<16xi32>,
        tpu.vector_store_idx %arg12[%get3A_561], %broadcast_in_dim3A_39 {add = true} : memref<10240xf32, #tpu.memory_space<vmem>>[vector<16xi32>], vector<16xf32>,
        tpu.vector_store_idx %arg13[%get3A_565], %get3A_597 : memref<10240xi32, #tpu.memory_space<vmem>>[vector<16xi32>], vector<16xi32>,
        tpu.vector_store_idx %arg12[%get3A_565], %broadcast_in_dim3A_39 {add = true} : memref<10240xf32, #tpu.memory_space<vmem>>[vector<16xi32>], vector<16xf32>,
        tpu.vector_store_idx %arg13[%get3A_569], %get3A_601 : memref<10240xi32, #tpu.memory_space<vmem>>[vector<16xi32>], vector<16xi32>,
        tpu.vector_store_idx %arg12[%get3A_569], %broadcast_in_dim3A_39 {add = true} : memref<10240xf32, #tpu.memory_space<vmem>>[vector<16xi32>], vector<16xf32>,
      }
      %scan3A_45 = arith.constant 49 : i32
      %shift_left3A = arith.constant 14 : i32
      %shift_left3A_46 = arith.shli %arg1, %shift_left3A : i32
      %mul3A_47 = arith.constant 2304 : i32
      %mul3A_48 = arith.muli %arg1, %mul3A_47 : i32
      %dma_start3A_49 = arith.constant 0 : i32
      %dma_start3A_50 = tpu.memref_slice %arg12[%dma_start3A_49] : memref<10240xf32, #tpu.memory_space<vmem>> -> memref<2304xf32, #tpu.memory_space<vmem>>
      %dma_start3A_51 = tpu.memref_slice %arg16[%mul3A_48] : memref<163840xf32, #tpu.memory_space<vmem_shared>> -> memref<2304xf32, #tpu.memory_space<vmem_shared>>
      %dma_start3A_52 = tpu.memref_slice %arg16[%mul3A_48] : memref<163840xf32, #tpu.memory_space<vmem_shared>> -> memref<2304xf32, #tpu.memory_space<vmem_shared>>
      %dma_start3A_53 = arith.constant 0 : i32
      %dma_start3A_54 = tpu.memref_slice %arg12[%dma_start3A_53] : memref<10240xf32, #tpu.memory_space<vmem>> -> memref<2304xf32, #tpu.memory_space<vmem>>
      tpu.enqueue_dma source(%dma_start3A_54 : memref<2304xf32, #tpu.memory_space<vmem>>) target(%dma_start3A_52 : memref<2304xf32, #tpu.memory_space<vmem_shared>>) target_semaphore(%arg18 : memref<!tpu.dma_semaphore, #tpu.memory_space<semaphore_mem>>)
      %scan3A_55 = arith.constant 0 : i32
      %scan3A_56 = arith.constant 0 : i32
      %scan3A_57 = arith.constant 36 : i32
      %scan3A_58 = arith.addi %scan3A_56, %scan3A_57 : i32
      %scan3A_59 = arith.constant 1 : i32
      scf.for %scan3A_536 = %scan3A_56 to %scan3A_58 step %scan3A_59  : i32 {
        %mul3A_537 = arith.constant 64 : i32
        %mul3A_538 = arith.muli %scan3A_536, %mul3A_537 : i32
        %add3A_539 = arith.constant 0 : i32
        %add3A_540 = arith.addi %mul3A_538, %add3A_539 : i32
        %get3A = arith.index_cast %add3A_540 : i32 to index
        %get3A_541 = tpu.vector_load %arg13[%get3A] {strides = array<i32>} : memref<10240xi32, #tpu.memory_space<vmem>>, vector<16xi32>,
        %add3A_542 = arith.constant 16 : i32
        %add3A_543 = arith.addi %mul3A_538, %add3A_542 : i32
        %get3A_544 = arith.index_cast %add3A_543 : i32 to index
        %get3A_545 = tpu.vector_load %arg13[%get3A_544] {strides = array<i32>} : memref<10240xi32, #tpu.memory_space<vmem>>, vector<16xi32>,
        %add3A_546 = arith.constant 32 : i32
        %add3A_547 = arith.addi %mul3A_538, %add3A_546 : i32
        %get3A_548 = arith.index_cast %add3A_547 : i32 to index
        %get3A_549 = tpu.vector_load %arg13[%get3A_548] {strides = array<i32>} : memref<10240xi32, #tpu.memory_space<vmem>>, vector<16xi32>,
        %add3A_550 = arith.constant 48 : i32
        %add3A_551 = arith.addi %mul3A_538, %add3A_550 : i32
        %get3A_552 = arith.index_cast %add3A_551 : i32 to index
        %get3A_553 = tpu.vector_load %arg13[%get3A_552] {strides = array<i32>} : memref<10240xi32, #tpu.memory_space<vmem>>, vector<16xi32>,
        %lt3A = arith.constant 0 : i32
        %lt3A_554 = vector.broadcast %lt3A : i32 to vector<16xi32>
        %lt3A_555 = arith.cmpi slt, %get3A_541, %lt3A_554 : vector<16xi32>
        %or3A = vector.broadcast %shift_left3A_46 : i32 to vector<16xi32>
        %or3A_556 = arith.ori %get3A_541, %or3A : vector<16xi32>
        %select_n3A = arith.select %lt3A_555, %get3A_541, %or3A_556 : vector<16xi1>, vector<16xi32>
        %add3A_557 = arith.constant 0 : i32
        %add3A_558 = arith.addi %mul3A_538, %add3A_557 : i32
        %swap3A = arith.index_cast %add3A_558 : i32 to index
        %swap3A_559 = tpu.vector_load %arg13[%swap3A] {strides = array<i32>} : memref<10240xi32, #tpu.memory_space<vmem>>, vector<16xi32>,
        tpu.vector_store %arg13[%swap3A], %select_n3A {strides = array<i32>} : memref<10240xi32, #tpu.memory_space<vmem>>, vector<16xi32>,
        %lt3A_560 = arith.constant 0 : i32
        %lt3A_561 = vector.broadcast %lt3A_560 : i32 to vector<16xi32>
        %lt3A_562 = arith.cmpi slt, %get3A_545, %lt3A_561 : vector<16xi32>
        %or3A_563 = vector.broadcast %shift_left3A_46 : i32 to vector<16xi32>
        %or3A_564 = arith.ori %get3A_545, %or3A_563 : vector<16xi32>
        %select_n3A_565 = arith.select %lt3A_562, %get3A_545, %or3A_564 : vector<16xi1>, vector<16xi32>
        %add3A_566 = arith.constant 16 : i32
        %add3A_567 = arith.addi %mul3A_538, %add3A_566 : i32
        %swap3A_568 = arith.index_cast %add3A_567 : i32 to index
        %swap3A_569 = tpu.vector_load %arg13[%swap3A_568] {strides = array<i32>} : memref<10240xi32, #tpu.memory_space<vmem>>, vector<16xi32>,
        tpu.vector_store %arg13[%swap3A_568], %select_n3A_565 {strides = array<i32>} : memref<10240xi32, #tpu.memory_space<vmem>>, vector<16xi32>,
        %lt3A_570 = arith.constant 0 : i32
        %lt3A_571 = vector.broadcast %lt3A_570 : i32 to vector<16xi32>
        %lt3A_572 = arith.cmpi slt, %get3A_549, %lt3A_571 : vector<16xi32>
        %or3A_573 = vector.broadcast %shift_left3A_46 : i32 to vector<16xi32>
        %or3A_574 = arith.ori %get3A_549, %or3A_573 : vector<16xi32>
        %select_n3A_575 = arith.select %lt3A_572, %get3A_549, %or3A_574 : vector<16xi1>, vector<16xi32>
        %add3A_576 = arith.constant 32 : i32
        %add3A_577 = arith.addi %mul3A_538, %add3A_576 : i32
        %swap3A_578 = arith.index_cast %add3A_577 : i32 to index
        %swap3A_579 = tpu.vector_load %arg13[%swap3A_578] {strides = array<i32>} : memref<10240xi32, #tpu.memory_space<vmem>>, vector<16xi32>,
        tpu.vector_store %arg13[%swap3A_578], %select_n3A_575 {strides = array<i32>} : memref<10240xi32, #tpu.memory_space<vmem>>, vector<16xi32>,
        %lt3A_580 = arith.constant 0 : i32
        %lt3A_581 = vector.broadcast %lt3A_580 : i32 to vector<16xi32>
        %lt3A_582 = arith.cmpi slt, %get3A_553, %lt3A_581 : vector<16xi32>
        %or3A_583 = vector.broadcast %shift_left3A_46 : i32 to vector<16xi32>
        %or3A_584 = arith.ori %get3A_553, %or3A_583 : vector<16xi32>
        %select_n3A_585 = arith.select %lt3A_582, %get3A_553, %or3A_584 : vector<16xi1>, vector<16xi32>
        %add3A_586 = arith.constant 48 : i32
        %add3A_587 = arith.addi %mul3A_538, %add3A_586 : i32
        %swap3A_588 = arith.index_cast %add3A_587 : i32 to index
        %swap3A_589 = tpu.vector_load %arg13[%swap3A_588] {strides = array<i32>} : memref<10240xi32, #tpu.memory_space<vmem>>, vector<16xi32>,
        tpu.vector_store %arg13[%swap3A_588], %select_n3A_585 {strides = array<i32>} : memref<10240xi32, #tpu.memory_space<vmem>>, vector<16xi32>,
      }
      %scan3A_60 = arith.constant 36 : i32
      %mul3A_61 = arith.constant 2304 : i32
      %mul3A_62 = arith.muli %arg1, %mul3A_61 : i32
      %dma_start3A_63 = arith.constant 0 : i32
      %dma_start3A_64 = tpu.memref_slice %arg13[%dma_start3A_63] : memref<10240xi32, #tpu.memory_space<vmem>> -> memref<2304xi32, #tpu.memory_space<vmem>>
      %dma_start3A_65 = tpu.memref_slice %arg17[%mul3A_62] : memref<163840xi32, #tpu.memory_space<vmem_shared>> -> memref<2304xi32, #tpu.memory_space<vmem_shared>>
      %dma_start3A_66 = tpu.memref_slice %arg17[%mul3A_62] : memref<163840xi32, #tpu.memory_space<vmem_shared>> -> memref<2304xi32, #tpu.memory_space<vmem_shared>>
      %dma_start3A_67 = arith.constant 0 : i32
      %dma_start3A_68 = tpu.memref_slice %arg13[%dma_start3A_67] : memref<10240xi32, #tpu.memory_space<vmem>> -> memref<2304xi32, #tpu.memory_space<vmem>>
      tpu.enqueue_dma source(%dma_start3A_68 : memref<2304xi32, #tpu.memory_space<vmem>>) target(%dma_start3A_66 : memref<2304xi32, #tpu.memory_space<vmem_shared>>) target_semaphore(%arg18 : memref<!tpu.dma_semaphore, #tpu.memory_space<semaphore_mem>>)
      %dma_wait3A_69 = arith.constant 0 : i32
      %dma_wait3A_70 = tpu.memref_slice %arg12[%dma_wait3A_69] : memref<10240xf32, #tpu.memory_space<vmem>> -> memref<2304xf32, #tpu.memory_space<vmem>>
      %dma_wait3A_71 = tpu.memref_slice %arg16[%mul3A_48] : memref<163840xf32, #tpu.memory_space<vmem_shared>> -> memref<2304xf32, #tpu.memory_space<vmem_shared>>
      %dma_wait3A_72 = tpu.memref_slice %arg16[%mul3A_48] : memref<163840xf32, #tpu.memory_space<vmem_shared>> -> memref<2304xf32, #tpu.memory_space<vmem_shared>>
      %dma_wait3A_73 = arith.constant 0 : i32
      %dma_wait3A_74 = tpu.memref_slice %arg12[%dma_wait3A_73] : memref<10240xf32, #tpu.memory_space<vmem>> -> memref<2304xf32, #tpu.memory_space<vmem>>
      tpu.wait_dma2 semaphore(%arg18 : memref<!tpu.dma_semaphore, #tpu.memory_space<semaphore_mem>>) src(%dma_wait3A_74 : memref<2304xf32, #tpu.memory_space<vmem>>) dst(%dma_wait3A_72 : memref<2304xf32, #tpu.memory_space<vmem_shared>>)
      %dma_wait3A_75 = arith.constant 0 : i32
      %dma_wait3A_76 = tpu.memref_slice %arg13[%dma_wait3A_75] : memref<10240xi32, #tpu.memory_space<vmem>> -> memref<2304xi32, #tpu.memory_space<vmem>>
      %dma_wait3A_77 = tpu.memref_slice %arg17[%mul3A_62] : memref<163840xi32, #tpu.memory_space<vmem_shared>> -> memref<2304xi32, #tpu.memory_space<vmem_shared>>
      %dma_wait3A_78 = tpu.memref_slice %arg17[%mul3A_62] : memref<163840xi32, #tpu.memory_space<vmem_shared>> -> memref<2304xi32, #tpu.memory_space<vmem_shared>>
      %dma_wait3A_79 = arith.constant 0 : i32
      %dma_wait3A_80 = tpu.memref_slice %arg13[%dma_wait3A_79] : memref<10240xi32, #tpu.memory_space<vmem>> -> memref<2304xi32, #tpu.memory_space<vmem>>
      tpu.wait_dma2 semaphore(%arg18 : memref<!tpu.dma_semaphore, #tpu.memory_space<semaphore_mem>>) src(%dma_wait3A_80 : memref<2304xi32, #tpu.memory_space<vmem>>) dst(%dma_wait3A_78 : memref<2304xi32, #tpu.memory_space<vmem_shared>>)
      %barrier3A = arith.constant 0 : index
      tpu.barrier barrier_id(%barrier3A)
      %mul3A_81 = arith.constant 144 : i32
      %mul3A_82 = arith.muli %arg1, %mul3A_81 : i32
      %add3A = arith.constant 0 : i32
      %add3A_83 = arith.addi %add3A, %mul3A_82 : i32
      %add3A_84 = arith.constant 0 : i32
      %add3A_85 = arith.addi %add3A_84, %mul3A_82 : i32
      %add3A_86 = arith.constant 2304 : i32
      %add3A_87 = arith.addi %add3A_86, %mul3A_82 : i32
      %add3A_88 = arith.constant 2304 : i32
      %add3A_89 = arith.addi %add3A_88, %mul3A_82 : i32
      %add3A_90 = arith.constant 4608 : i32
      %add3A_91 = arith.addi %add3A_90, %mul3A_82 : i32
      %add3A_92 = arith.constant 4608 : i32
      %add3A_93 = arith.addi %add3A_92, %mul3A_82 : i32
      %add3A_94 = arith.constant 6912 : i32
      %add3A_95 = arith.addi %add3A_94, %mul3A_82 : i32
      %add3A_96 = arith.constant 6912 : i32
      %add3A_97 = arith.addi %add3A_96, %mul3A_82 : i32
      %add3A_98 = arith.constant 9216 : i32
      %add3A_99 = arith.addi %add3A_98, %mul3A_82 : i32
      %add3A_100 = arith.constant 9216 : i32
      %add3A_101 = arith.addi %add3A_100, %mul3A_82 : i32
      %add3A_102 = arith.constant 11520 : i32
      %add3A_103 = arith.addi %add3A_102, %mul3A_82 : i32
      %add3A_104 = arith.constant 11520 : i32
      %add3A_105 = arith.addi %add3A_104, %mul3A_82 : i32
      %add3A_106 = arith.constant 13824 : i32
      %add3A_107 = arith.addi %add3A_106, %mul3A_82 : i32
      %add3A_108 = arith.constant 13824 : i32
      %add3A_109 = arith.addi %add3A_108, %mul3A_82 : i32
      %add3A_110 = arith.constant 16128 : i32
      %add3A_111 = arith.addi %add3A_110, %mul3A_82 : i32
      %add3A_112 = arith.constant 16128 : i32
      %add3A_113 = arith.addi %add3A_112, %mul3A_82 : i32
      %add3A_114 = arith.constant 18432 : i32
      %add3A_115 = arith.addi %add3A_114, %mul3A_82 : i32
      %add3A_116 = arith.constant 18432 : i32
      %add3A_117 = arith.addi %add3A_116, %mul3A_82 : i32
      %add3A_118 = arith.constant 20736 : i32
      %add3A_119 = arith.addi %add3A_118, %mul3A_82 : i32
      %add3A_120 = arith.constant 20736 : i32
      %add3A_121 = arith.addi %add3A_120, %mul3A_82 : i32
      %add3A_122 = arith.constant 23040 : i32
      %add3A_123 = arith.addi %add3A_122, %mul3A_82 : i32
      %add3A_124 = arith.constant 23040 : i32
      %add3A_125 = arith.addi %add3A_124, %mul3A_82 : i32
      %add3A_126 = arith.constant 25344 : i32
      %add3A_127 = arith.addi %add3A_126, %mul3A_82 : i32
      %add3A_128 = arith.constant 25344 : i32
      %add3A_129 = arith.addi %add3A_128, %mul3A_82 : i32
      %add3A_130 = arith.constant 27648 : i32
      %add3A_131 = arith.addi %add3A_130, %mul3A_82 : i32
      %add3A_132 = arith.constant 27648 : i32
      %add3A_133 = arith.addi %add3A_132, %mul3A_82 : i32
      %add3A_134 = arith.constant 29952 : i32
      %add3A_135 = arith.addi %add3A_134, %mul3A_82 : i32
      %add3A_136 = arith.constant 29952 : i32
      %add3A_137 = arith.addi %add3A_136, %mul3A_82 : i32
      %add3A_138 = arith.constant 32256 : i32
      %add3A_139 = arith.addi %add3A_138, %mul3A_82 : i32
      %add3A_140 = arith.constant 32256 : i32
      %add3A_141 = arith.addi %add3A_140, %mul3A_82 : i32
      %add3A_142 = arith.constant 34560 : i32
      %add3A_143 = arith.addi %add3A_142, %mul3A_82 : i32
      %add3A_144 = arith.constant 34560 : i32
      %add3A_145 = arith.addi %add3A_144, %mul3A_82 : i32
      %dma_start3A_146 = arith.constant 0 : i32
      %dma_start3A_147 = tpu.memref_slice %arg14[%dma_start3A_146] : memref<10240xf32, #tpu.memory_space<vmem>> -> memref<144xf32, #tpu.memory_space<vmem>>
      %dma_start3A_148 = tpu.memref_slice %arg16[%add3A_83] : memref<163840xf32, #tpu.memory_space<vmem_shared>> -> memref<144xf32, #tpu.memory_space<vmem_shared>>
      %dma_start3A_149 = arith.constant 0 : i32
      %dma_start3A_150 = tpu.memref_slice %arg14[%dma_start3A_149] : memref<10240xf32, #tpu.memory_space<vmem>> -> memref<144xf32, #tpu.memory_space<vmem>>
      %dma_start3A_151 = tpu.memref_slice %arg16[%add3A_83] : memref<163840xf32, #tpu.memory_space<vmem_shared>> -> memref<144xf32, #tpu.memory_space<vmem_shared>>
      tpu.enqueue_dma source(%dma_start3A_151 : memref<144xf32, #tpu.memory_space<vmem_shared>>) target(%dma_start3A_150 : memref<144xf32, #tpu.memory_space<vmem>>) target_semaphore(%arg18 : memref<!tpu.dma_semaphore, #tpu.memory_space<semaphore_mem>>)
      %dma_start3A_152 = arith.constant 0 : i32
      %dma_start3A_153 = tpu.memref_slice %arg15[%dma_start3A_152] : memref<10240xi32, #tpu.memory_space<vmem>> -> memref<144xi32, #tpu.memory_space<vmem>>
      %dma_start3A_154 = tpu.memref_slice %arg17[%add3A_85] : memref<163840xi32, #tpu.memory_space<vmem_shared>> -> memref<144xi32, #tpu.memory_space<vmem_shared>>
      %dma_start3A_155 = arith.constant 0 : i32
      %dma_start3A_156 = tpu.memref_slice %arg15[%dma_start3A_155] : memref<10240xi32, #tpu.memory_space<vmem>> -> memref<144xi32, #tpu.memory_space<vmem>>
      %dma_start3A_157 = tpu.memref_slice %arg17[%add3A_85] : memref<163840xi32, #tpu.memory_space<vmem_shared>> -> memref<144xi32, #tpu.memory_space<vmem_shared>>
      tpu.enqueue_dma source(%dma_start3A_157 : memref<144xi32, #tpu.memory_space<vmem_shared>>) target(%dma_start3A_156 : memref<144xi32, #tpu.memory_space<vmem>>) target_semaphore(%arg18 : memref<!tpu.dma_semaphore, #tpu.memory_space<semaphore_mem>>)
      %dma_start3A_158 = arith.constant 144 : i32
      %dma_start3A_159 = tpu.memref_slice %arg14[%dma_start3A_158] : memref<10240xf32, #tpu.memory_space<vmem>> -> memref<144xf32, #tpu.memory_space<vmem>>
      %dma_start3A_160 = tpu.memref_slice %arg16[%add3A_87] : memref<163840xf32, #tpu.memory_space<vmem_shared>> -> memref<144xf32, #tpu.memory_space<vmem_shared>>
      %dma_start3A_161 = arith.constant 144 : i32
      %dma_start3A_162 = tpu.memref_slice %arg14[%dma_start3A_161] : memref<10240xf32, #tpu.memory_space<vmem>> -> memref<144xf32, #tpu.memory_space<vmem>>
      %dma_start3A_163 = tpu.memref_slice %arg16[%add3A_87] : memref<163840xf32, #tpu.memory_space<vmem_shared>> -> memref<144xf32, #tpu.memory_space<vmem_shared>>
      tpu.enqueue_dma source(%dma_start3A_163 : memref<144xf32, #tpu.memory_space<vmem_shared>>) target(%dma_start3A_162 : memref<144xf32, #tpu.memory_space<vmem>>) target_semaphore(%arg18 : memref<!tpu.dma_semaphore, #tpu.memory_space<semaphore_mem>>)
      %dma_start3A_164 = arith.constant 144 : i32
      %dma_start3A_165 = tpu.memref_slice %arg15[%dma_start3A_164] : memref<10240xi32, #tpu.memory_space<vmem>> -> memref<144xi32, #tpu.memory_space<vmem>>
      %dma_start3A_166 = tpu.memref_slice %arg17[%add3A_89] : memref<163840xi32, #tpu.memory_space<vmem_shared>> -> memref<144xi32, #tpu.memory_space<vmem_shared>>
      %dma_start3A_167 = arith.constant 144 : i32
      %dma_start3A_168 = tpu.memref_slice %arg15[%dma_start3A_167] : memref<10240xi32, #tpu.memory_space<vmem>> -> memref<144xi32, #tpu.memory_space<vmem>>
      %dma_start3A_169 = tpu.memref_slice %arg17[%add3A_89] : memref<163840xi32, #tpu.memory_space<vmem_shared>> -> memref<144xi32, #tpu.memory_space<vmem_shared>>
      tpu.enqueue_dma source(%dma_start3A_169 : memref<144xi32, #tpu.memory_space<vmem_shared>>) target(%dma_start3A_168 : memref<144xi32, #tpu.memory_space<vmem>>) target_semaphore(%arg18 : memref<!tpu.dma_semaphore, #tpu.memory_space<semaphore_mem>>)
      %dma_start3A_170 = arith.constant 288 : i32
      %dma_start3A_171 = tpu.memref_slice %arg14[%dma_start3A_170] : memref<10240xf32, #tpu.memory_space<vmem>> -> memref<144xf32, #tpu.memory_space<vmem>>
      %dma_start3A_172 = tpu.memref_slice %arg16[%add3A_91] : memref<163840xf32, #tpu.memory_space<vmem_shared>> -> memref<144xf32, #tpu.memory_space<vmem_shared>>
      %dma_start3A_173 = arith.constant 288 : i32
      %dma_start3A_174 = tpu.memref_slice %arg14[%dma_start3A_173] : memref<10240xf32, #tpu.memory_space<vmem>> -> memref<144xf32, #tpu.memory_space<vmem>>
      %dma_start3A_175 = tpu.memref_slice %arg16[%add3A_91] : memref<163840xf32, #tpu.memory_space<vmem_shared>> -> memref<144xf32, #tpu.memory_space<vmem_shared>>
      tpu.enqueue_dma source(%dma_start3A_175 : memref<144xf32, #tpu.memory_space<vmem_shared>>) target(%dma_start3A_174 : memref<144xf32, #tpu.memory_space<vmem>>) target_semaphore(%arg18 : memref<!tpu.dma_semaphore, #tpu.memory_space<semaphore_mem>>)
      %dma_start3A_176 = arith.constant 288 : i32
      %dma_start3A_177 = tpu.memref_slice %arg15[%dma_start3A_176] : memref<10240xi32, #tpu.memory_space<vmem>> -> memref<144xi32, #tpu.memory_space<vmem>>
      %dma_start3A_178 = tpu.memref_slice %arg17[%add3A_93] : memref<163840xi32, #tpu.memory_space<vmem_shared>> -> memref<144xi32, #tpu.memory_space<vmem_shared>>
      %dma_start3A_179 = arith.constant 288 : i32
      %dma_start3A_180 = tpu.memref_slice %arg15[%dma_start3A_179] : memref<10240xi32, #tpu.memory_space<vmem>> -> memref<144xi32, #tpu.memory_space<vmem>>
      %dma_start3A_181 = tpu.memref_slice %arg17[%add3A_93] : memref<163840xi32, #tpu.memory_space<vmem_shared>> -> memref<144xi32, #tpu.memory_space<vmem_shared>>
      tpu.enqueue_dma source(%dma_start3A_181 : memref<144xi32, #tpu.memory_space<vmem_shared>>) target(%dma_start3A_180 : memref<144xi32, #tpu.memory_space<vmem>>) target_semaphore(%arg18 : memref<!tpu.dma_semaphore, #tpu.memory_space<semaphore_mem>>)
      %dma_start3A_182 = arith.constant 432 : i32
      %dma_start3A_183 = tpu.memref_slice %arg14[%dma_start3A_182] : memref<10240xf32, #tpu.memory_space<vmem>> -> memref<144xf32, #tpu.memory_space<vmem>>
      %dma_start3A_184 = tpu.memref_slice %arg16[%add3A_95] : memref<163840xf32, #tpu.memory_space<vmem_shared>> -> memref<144xf32, #tpu.memory_space<vmem_shared>>
      %dma_start3A_185 = arith.constant 432 : i32
      %dma_start3A_186 = tpu.memref_slice %arg14[%dma_start3A_185] : memref<10240xf32, #tpu.memory_space<vmem>> -> memref<144xf32, #tpu.memory_space<vmem>>
      %dma_start3A_187 = tpu.memref_slice %arg16[%add3A_95] : memref<163840xf32, #tpu.memory_space<vmem_shared>> -> memref<144xf32, #tpu.memory_space<vmem_shared>>
      tpu.enqueue_dma source(%dma_start3A_187 : memref<144xf32, #tpu.memory_space<vmem_shared>>) target(%dma_start3A_186 : memref<144xf32, #tpu.memory_space<vmem>>) target_semaphore(%arg18 : memref<!tpu.dma_semaphore, #tpu.memory_space<semaphore_mem>>)
      %dma_start3A_188 = arith.constant 432 : i32
      %dma_start3A_189 = tpu.memref_slice %arg15[%dma_start3A_188] : memref<10240xi32, #tpu.memory_space<vmem>> -> memref<144xi32, #tpu.memory_space<vmem>>
      %dma_start3A_190 = tpu.memref_slice %arg17[%add3A_97] : memref<163840xi32, #tpu.memory_space<vmem_shared>> -> memref<144xi32, #tpu.memory_space<vmem_shared>>
      %dma_start3A_191 = arith.constant 432 : i32
      %dma_start3A_192 = tpu.memref_slice %arg15[%dma_start3A_191] : memref<10240xi32, #tpu.memory_space<vmem>> -> memref<144xi32, #tpu.memory_space<vmem>>
      %dma_start3A_193 = tpu.memref_slice %arg17[%add3A_97] : memref<163840xi32, #tpu.memory_space<vmem_shared>> -> memref<144xi32, #tpu.memory_space<vmem_shared>>
      tpu.enqueue_dma source(%dma_start3A_193 : memref<144xi32, #tpu.memory_space<vmem_shared>>) target(%dma_start3A_192 : memref<144xi32, #tpu.memory_space<vmem>>) target_semaphore(%arg18 : memref<!tpu.dma_semaphore, #tpu.memory_space<semaphore_mem>>)
      %dma_start3A_194 = arith.constant 576 : i32
      %dma_start3A_195 = tpu.memref_slice %arg14[%dma_start3A_194] : memref<10240xf32, #tpu.memory_space<vmem>> -> memref<144xf32, #tpu.memory_space<vmem>>
      %dma_start3A_196 = tpu.memref_slice %arg16[%add3A_99] : memref<163840xf32, #tpu.memory_space<vmem_shared>> -> memref<144xf32, #tpu.memory_space<vmem_shared>>
      %dma_start3A_197 = arith.constant 576 : i32
      %dma_start3A_198 = tpu.memref_slice %arg14[%dma_start3A_197] : memref<10240xf32, #tpu.memory_space<vmem>> -> memref<144xf32, #tpu.memory_space<vmem>>
      %dma_start3A_199 = tpu.memref_slice %arg16[%add3A_99] : memref<163840xf32, #tpu.memory_space<vmem_shared>> -> memref<144xf32, #tpu.memory_space<vmem_shared>>
      tpu.enqueue_dma source(%dma_start3A_199 : memref<144xf32, #tpu.memory_space<vmem_shared>>) target(%dma_start3A_198 : memref<144xf32, #tpu.memory_space<vmem>>) target_semaphore(%arg18 : memref<!tpu.dma_semaphore, #tpu.memory_space<semaphore_mem>>)
      %dma_start3A_200 = arith.constant 576 : i32
      %dma_start3A_201 = tpu.memref_slice %arg15[%dma_start3A_200] : memref<10240xi32, #tpu.memory_space<vmem>> -> memref<144xi32, #tpu.memory_space<vmem>>
      %dma_start3A_202 = tpu.memref_slice %arg17[%add3A_101] : memref<163840xi32, #tpu.memory_space<vmem_shared>> -> memref<144xi32, #tpu.memory_space<vmem_shared>>
      %dma_start3A_203 = arith.constant 576 : i32
      %dma_start3A_204 = tpu.memref_slice %arg15[%dma_start3A_203] : memref<10240xi32, #tpu.memory_space<vmem>> -> memref<144xi32, #tpu.memory_space<vmem>>
      %dma_start3A_205 = tpu.memref_slice %arg17[%add3A_101] : memref<163840xi32, #tpu.memory_space<vmem_shared>> -> memref<144xi32, #tpu.memory_space<vmem_shared>>
      tpu.enqueue_dma source(%dma_start3A_205 : memref<144xi32, #tpu.memory_space<vmem_shared>>) target(%dma_start3A_204 : memref<144xi32, #tpu.memory_space<vmem>>) target_semaphore(%arg18 : memref<!tpu.dma_semaphore, #tpu.memory_space<semaphore_mem>>)
      %dma_start3A_206 = arith.constant 720 : i32
      %dma_start3A_207 = tpu.memref_slice %arg14[%dma_start3A_206] : memref<10240xf32, #tpu.memory_space<vmem>> -> memref<144xf32, #tpu.memory_space<vmem>>
      %dma_start3A_208 = tpu.memref_slice %arg16[%add3A_103] : memref<163840xf32, #tpu.memory_space<vmem_shared>> -> memref<144xf32, #tpu.memory_space<vmem_shared>>
      %dma_start3A_209 = arith.constant 720 : i32
      %dma_start3A_210 = tpu.memref_slice %arg14[%dma_start3A_209] : memref<10240xf32, #tpu.memory_space<vmem>> -> memref<144xf32, #tpu.memory_space<vmem>>
      %dma_start3A_211 = tpu.memref_slice %arg16[%add3A_103] : memref<163840xf32, #tpu.memory_space<vmem_shared>> -> memref<144xf32, #tpu.memory_space<vmem_shared>>
      tpu.enqueue_dma source(%dma_start3A_211 : memref<144xf32, #tpu.memory_space<vmem_shared>>) target(%dma_start3A_210 : memref<144xf32, #tpu.memory_space<vmem>>) target_semaphore(%arg18 : memref<!tpu.dma_semaphore, #tpu.memory_space<semaphore_mem>>)
      %dma_start3A_212 = arith.constant 720 : i32
      %dma_start3A_213 = tpu.memref_slice %arg15[%dma_start3A_212] : memref<10240xi32, #tpu.memory_space<vmem>> -> memref<144xi32, #tpu.memory_space<vmem>>
      %dma_start3A_214 = tpu.memref_slice %arg17[%add3A_105] : memref<163840xi32, #tpu.memory_space<vmem_shared>> -> memref<144xi32, #tpu.memory_space<vmem_shared>>
      %dma_start3A_215 = arith.constant 720 : i32
      %dma_start3A_216 = tpu.memref_slice %arg15[%dma_start3A_215] : memref<10240xi32, #tpu.memory_space<vmem>> -> memref<144xi32, #tpu.memory_space<vmem>>
      %dma_start3A_217 = tpu.memref_slice %arg17[%add3A_105] : memref<163840xi32, #tpu.memory_space<vmem_shared>> -> memref<144xi32, #tpu.memory_space<vmem_shared>>
      tpu.enqueue_dma source(%dma_start3A_217 : memref<144xi32, #tpu.memory_space<vmem_shared>>) target(%dma_start3A_216 : memref<144xi32, #tpu.memory_space<vmem>>) target_semaphore(%arg18 : memref<!tpu.dma_semaphore, #tpu.memory_space<semaphore_mem>>)
      %dma_start3A_218 = arith.constant 864 : i32
      %dma_start3A_219 = tpu.memref_slice %arg14[%dma_start3A_218] : memref<10240xf32, #tpu.memory_space<vmem>> -> memref<144xf32, #tpu.memory_space<vmem>>
      %dma_start3A_220 = tpu.memref_slice %arg16[%add3A_107] : memref<163840xf32, #tpu.memory_space<vmem_shared>> -> memref<144xf32, #tpu.memory_space<vmem_shared>>
      %dma_start3A_221 = arith.constant 864 : i32
      %dma_start3A_222 = tpu.memref_slice %arg14[%dma_start3A_221] : memref<10240xf32, #tpu.memory_space<vmem>> -> memref<144xf32, #tpu.memory_space<vmem>>
      %dma_start3A_223 = tpu.memref_slice %arg16[%add3A_107] : memref<163840xf32, #tpu.memory_space<vmem_shared>> -> memref<144xf32, #tpu.memory_space<vmem_shared>>
      tpu.enqueue_dma source(%dma_start3A_223 : memref<144xf32, #tpu.memory_space<vmem_shared>>) target(%dma_start3A_222 : memref<144xf32, #tpu.memory_space<vmem>>) target_semaphore(%arg18 : memref<!tpu.dma_semaphore, #tpu.memory_space<semaphore_mem>>)
      %dma_start3A_224 = arith.constant 864 : i32
      %dma_start3A_225 = tpu.memref_slice %arg15[%dma_start3A_224] : memref<10240xi32, #tpu.memory_space<vmem>> -> memref<144xi32, #tpu.memory_space<vmem>>
      %dma_start3A_226 = tpu.memref_slice %arg17[%add3A_109] : memref<163840xi32, #tpu.memory_space<vmem_shared>> -> memref<144xi32, #tpu.memory_space<vmem_shared>>
      %dma_start3A_227 = arith.constant 864 : i32
      %dma_start3A_228 = tpu.memref_slice %arg15[%dma_start3A_227] : memref<10240xi32, #tpu.memory_space<vmem>> -> memref<144xi32, #tpu.memory_space<vmem>>
      %dma_start3A_229 = tpu.memref_slice %arg17[%add3A_109] : memref<163840xi32, #tpu.memory_space<vmem_shared>> -> memref<144xi32, #tpu.memory_space<vmem_shared>>
      tpu.enqueue_dma source(%dma_start3A_229 : memref<144xi32, #tpu.memory_space<vmem_shared>>) target(%dma_start3A_228 : memref<144xi32, #tpu.memory_space<vmem>>) target_semaphore(%arg18 : memref<!tpu.dma_semaphore, #tpu.memory_space<semaphore_mem>>)
      %dma_start3A_230 = arith.constant 1008 : i32
      %dma_start3A_231 = tpu.memref_slice %arg14[%dma_start3A_230] : memref<10240xf32, #tpu.memory_space<vmem>> -> memref<144xf32, #tpu.memory_space<vmem>>
      %dma_start3A_232 = tpu.memref_slice %arg16[%add3A_111] : memref<163840xf32, #tpu.memory_space<vmem_shared>> -> memref<144xf32, #tpu.memory_space<vmem_shared>>
      %dma_start3A_233 = arith.constant 1008 : i32
      %dma_start3A_234 = tpu.memref_slice %arg14[%dma_start3A_233] : memref<10240xf32, #tpu.memory_space<vmem>> -> memref<144xf32, #tpu.memory_space<vmem>>
      %dma_start3A_235 = tpu.memref_slice %arg16[%add3A_111] : memref<163840xf32, #tpu.memory_space<vmem_shared>> -> memref<144xf32, #tpu.memory_space<vmem_shared>>
      tpu.enqueue_dma source(%dma_start3A_235 : memref<144xf32, #tpu.memory_space<vmem_shared>>) target(%dma_start3A_234 : memref<144xf32, #tpu.memory_space<vmem>>) target_semaphore(%arg18 : memref<!tpu.dma_semaphore, #tpu.memory_space<semaphore_mem>>)
      %dma_start3A_236 = arith.constant 1008 : i32
      %dma_start3A_237 = tpu.memref_slice %arg15[%dma_start3A_236] : memref<10240xi32, #tpu.memory_space<vmem>> -> memref<144xi32, #tpu.memory_space<vmem>>
      %dma_start3A_238 = tpu.memref_slice %arg17[%add3A_113] : memref<163840xi32, #tpu.memory_space<vmem_shared>> -> memref<144xi32, #tpu.memory_space<vmem_shared>>
      %dma_start3A_239 = arith.constant 1008 : i32
      %dma_start3A_240 = tpu.memref_slice %arg15[%dma_start3A_239] : memref<10240xi32, #tpu.memory_space<vmem>> -> memref<144xi32, #tpu.memory_space<vmem>>
      %dma_start3A_241 = tpu.memref_slice %arg17[%add3A_113] : memref<163840xi32, #tpu.memory_space<vmem_shared>> -> memref<144xi32, #tpu.memory_space<vmem_shared>>
      tpu.enqueue_dma source(%dma_start3A_241 : memref<144xi32, #tpu.memory_space<vmem_shared>>) target(%dma_start3A_240 : memref<144xi32, #tpu.memory_space<vmem>>) target_semaphore(%arg18 : memref<!tpu.dma_semaphore, #tpu.memory_space<semaphore_mem>>)
      %dma_start3A_242 = arith.constant 1152 : i32
      %dma_start3A_243 = tpu.memref_slice %arg14[%dma_start3A_242] : memref<10240xf32, #tpu.memory_space<vmem>> -> memref<144xf32, #tpu.memory_space<vmem>>
      %dma_start3A_244 = tpu.memref_slice %arg16[%add3A_115] : memref<163840xf32, #tpu.memory_space<vmem_shared>> -> memref<144xf32, #tpu.memory_space<vmem_shared>>
      %dma_start3A_245 = arith.constant 1152 : i32
      %dma_start3A_246 = tpu.memref_slice %arg14[%dma_start3A_245] : memref<10240xf32, #tpu.memory_space<vmem>> -> memref<144xf32, #tpu.memory_space<vmem>>
      %dma_start3A_247 = tpu.memref_slice %arg16[%add3A_115] : memref<163840xf32, #tpu.memory_space<vmem_shared>> -> memref<144xf32, #tpu.memory_space<vmem_shared>>
      tpu.enqueue_dma source(%dma_start3A_247 : memref<144xf32, #tpu.memory_space<vmem_shared>>) target(%dma_start3A_246 : memref<144xf32, #tpu.memory_space<vmem>>) target_semaphore(%arg18 : memref<!tpu.dma_semaphore, #tpu.memory_space<semaphore_mem>>)
      %dma_start3A_248 = arith.constant 1152 : i32
      %dma_start3A_249 = tpu.memref_slice %arg15[%dma_start3A_248] : memref<10240xi32, #tpu.memory_space<vmem>> -> memref<144xi32, #tpu.memory_space<vmem>>
      %dma_start3A_250 = tpu.memref_slice %arg17[%add3A_117] : memref<163840xi32, #tpu.memory_space<vmem_shared>> -> memref<144xi32, #tpu.memory_space<vmem_shared>>
      %dma_start3A_251 = arith.constant 1152 : i32
      %dma_start3A_252 = tpu.memref_slice %arg15[%dma_start3A_251] : memref<10240xi32, #tpu.memory_space<vmem>> -> memref<144xi32, #tpu.memory_space<vmem>>
      %dma_start3A_253 = tpu.memref_slice %arg17[%add3A_117] : memref<163840xi32, #tpu.memory_space<vmem_shared>> -> memref<144xi32, #tpu.memory_space<vmem_shared>>
      tpu.enqueue_dma source(%dma_start3A_253 : memref<144xi32, #tpu.memory_space<vmem_shared>>) target(%dma_start3A_252 : memref<144xi32, #tpu.memory_space<vmem>>) target_semaphore(%arg18 : memref<!tpu.dma_semaphore, #tpu.memory_space<semaphore_mem>>)
      %dma_start3A_254 = arith.constant 1296 : i32
      %dma_start3A_255 = tpu.memref_slice %arg14[%dma_start3A_254] : memref<10240xf32, #tpu.memory_space<vmem>> -> memref<144xf32, #tpu.memory_space<vmem>>
      %dma_start3A_256 = tpu.memref_slice %arg16[%add3A_119] : memref<163840xf32, #tpu.memory_space<vmem_shared>> -> memref<144xf32, #tpu.memory_space<vmem_shared>>
      %dma_start3A_257 = arith.constant 1296 : i32
      %dma_start3A_258 = tpu.memref_slice %arg14[%dma_start3A_257] : memref<10240xf32, #tpu.memory_space<vmem>> -> memref<144xf32, #tpu.memory_space<vmem>>
      %dma_start3A_259 = tpu.memref_slice %arg16[%add3A_119] : memref<163840xf32, #tpu.memory_space<vmem_shared>> -> memref<144xf32, #tpu.memory_space<vmem_shared>>
      tpu.enqueue_dma source(%dma_start3A_259 : memref<144xf32, #tpu.memory_space<vmem_shared>>) target(%dma_start3A_258 : memref<144xf32, #tpu.memory_space<vmem>>) target_semaphore(%arg18 : memref<!tpu.dma_semaphore, #tpu.memory_space<semaphore_mem>>)
      %dma_start3A_260 = arith.constant 1296 : i32
      %dma_start3A_261 = tpu.memref_slice %arg15[%dma_start3A_260] : memref<10240xi32, #tpu.memory_space<vmem>> -> memref<144xi32, #tpu.memory_space<vmem>>
      %dma_start3A_262 = tpu.memref_slice %arg17[%add3A_121] : memref<163840xi32, #tpu.memory_space<vmem_shared>> -> memref<144xi32, #tpu.memory_space<vmem_shared>>
      %dma_start3A_263 = arith.constant 1296 : i32
      %dma_start3A_264 = tpu.memref_slice %arg15[%dma_start3A_263] : memref<10240xi32, #tpu.memory_space<vmem>> -> memref<144xi32, #tpu.memory_space<vmem>>
      %dma_start3A_265 = tpu.memref_slice %arg17[%add3A_121] : memref<163840xi32, #tpu.memory_space<vmem_shared>> -> memref<144xi32, #tpu.memory_space<vmem_shared>>
      tpu.enqueue_dma source(%dma_start3A_265 : memref<144xi32, #tpu.memory_space<vmem_shared>>) target(%dma_start3A_264 : memref<144xi32, #tpu.memory_space<vmem>>) target_semaphore(%arg18 : memref<!tpu.dma_semaphore, #tpu.memory_space<semaphore_mem>>)
      %dma_start3A_266 = arith.constant 1440 : i32
      %dma_start3A_267 = tpu.memref_slice %arg14[%dma_start3A_266] : memref<10240xf32, #tpu.memory_space<vmem>> -> memref<144xf32, #tpu.memory_space<vmem>>
      %dma_start3A_268 = tpu.memref_slice %arg16[%add3A_123] : memref<163840xf32, #tpu.memory_space<vmem_shared>> -> memref<144xf32, #tpu.memory_space<vmem_shared>>
      %dma_start3A_269 = arith.constant 1440 : i32
      %dma_start3A_270 = tpu.memref_slice %arg14[%dma_start3A_269] : memref<10240xf32, #tpu.memory_space<vmem>> -> memref<144xf32, #tpu.memory_space<vmem>>
      %dma_start3A_271 = tpu.memref_slice %arg16[%add3A_123] : memref<163840xf32, #tpu.memory_space<vmem_shared>> -> memref<144xf32, #tpu.memory_space<vmem_shared>>
      tpu.enqueue_dma source(%dma_start3A_271 : memref<144xf32, #tpu.memory_space<vmem_shared>>) target(%dma_start3A_270 : memref<144xf32, #tpu.memory_space<vmem>>) target_semaphore(%arg18 : memref<!tpu.dma_semaphore, #tpu.memory_space<semaphore_mem>>)
      %dma_start3A_272 = arith.constant 1440 : i32
      %dma_start3A_273 = tpu.memref_slice %arg15[%dma_start3A_272] : memref<10240xi32, #tpu.memory_space<vmem>> -> memref<144xi32, #tpu.memory_space<vmem>>
      %dma_start3A_274 = tpu.memref_slice %arg17[%add3A_125] : memref<163840xi32, #tpu.memory_space<vmem_shared>> -> memref<144xi32, #tpu.memory_space<vmem_shared>>
      %dma_start3A_275 = arith.constant 1440 : i32
      %dma_start3A_276 = tpu.memref_slice %arg15[%dma_start3A_275] : memref<10240xi32, #tpu.memory_space<vmem>> -> memref<144xi32, #tpu.memory_space<vmem>>
      %dma_start3A_277 = tpu.memref_slice %arg17[%add3A_125] : memref<163840xi32, #tpu.memory_space<vmem_shared>> -> memref<144xi32, #tpu.memory_space<vmem_shared>>
      tpu.enqueue_dma source(%dma_start3A_277 : memref<144xi32, #tpu.memory_space<vmem_shared>>) target(%dma_start3A_276 : memref<144xi32, #tpu.memory_space<vmem>>) target_semaphore(%arg18 : memref<!tpu.dma_semaphore, #tpu.memory_space<semaphore_mem>>)
      %dma_start3A_278 = arith.constant 1584 : i32
      %dma_start3A_279 = tpu.memref_slice %arg14[%dma_start3A_278] : memref<10240xf32, #tpu.memory_space<vmem>> -> memref<144xf32, #tpu.memory_space<vmem>>
      %dma_start3A_280 = tpu.memref_slice %arg16[%add3A_127] : memref<163840xf32, #tpu.memory_space<vmem_shared>> -> memref<144xf32, #tpu.memory_space<vmem_shared>>
      %dma_start3A_281 = arith.constant 1584 : i32
      %dma_start3A_282 = tpu.memref_slice %arg14[%dma_start3A_281] : memref<10240xf32, #tpu.memory_space<vmem>> -> memref<144xf32, #tpu.memory_space<vmem>>
      %dma_start3A_283 = tpu.memref_slice %arg16[%add3A_127] : memref<163840xf32, #tpu.memory_space<vmem_shared>> -> memref<144xf32, #tpu.memory_space<vmem_shared>>
      tpu.enqueue_dma source(%dma_start3A_283 : memref<144xf32, #tpu.memory_space<vmem_shared>>) target(%dma_start3A_282 : memref<144xf32, #tpu.memory_space<vmem>>) target_semaphore(%arg18 : memref<!tpu.dma_semaphore, #tpu.memory_space<semaphore_mem>>)
      %dma_start3A_284 = arith.constant 1584 : i32
      %dma_start3A_285 = tpu.memref_slice %arg15[%dma_start3A_284] : memref<10240xi32, #tpu.memory_space<vmem>> -> memref<144xi32, #tpu.memory_space<vmem>>
      %dma_start3A_286 = tpu.memref_slice %arg17[%add3A_129] : memref<163840xi32, #tpu.memory_space<vmem_shared>> -> memref<144xi32, #tpu.memory_space<vmem_shared>>
      %dma_start3A_287 = arith.constant 1584 : i32
      %dma_start3A_288 = tpu.memref_slice %arg15[%dma_start3A_287] : memref<10240xi32, #tpu.memory_space<vmem>> -> memref<144xi32, #tpu.memory_space<vmem>>
      %dma_start3A_289 = tpu.memref_slice %arg17[%add3A_129] : memref<163840xi32, #tpu.memory_space<vmem_shared>> -> memref<144xi32, #tpu.memory_space<vmem_shared>>
      tpu.enqueue_dma source(%dma_start3A_289 : memref<144xi32, #tpu.memory_space<vmem_shared>>) target(%dma_start3A_288 : memref<144xi32, #tpu.memory_space<vmem>>) target_semaphore(%arg18 : memref<!tpu.dma_semaphore, #tpu.memory_space<semaphore_mem>>)
      %dma_start3A_290 = arith.constant 1728 : i32
      %dma_start3A_291 = tpu.memref_slice %arg14[%dma_start3A_290] : memref<10240xf32, #tpu.memory_space<vmem>> -> memref<144xf32, #tpu.memory_space<vmem>>
      %dma_start3A_292 = tpu.memref_slice %arg16[%add3A_131] : memref<163840xf32, #tpu.memory_space<vmem_shared>> -> memref<144xf32, #tpu.memory_space<vmem_shared>>
      %dma_start3A_293 = arith.constant 1728 : i32
      %dma_start3A_294 = tpu.memref_slice %arg14[%dma_start3A_293] : memref<10240xf32, #tpu.memory_space<vmem>> -> memref<144xf32, #tpu.memory_space<vmem>>
      %dma_start3A_295 = tpu.memref_slice %arg16[%add3A_131] : memref<163840xf32, #tpu.memory_space<vmem_shared>> -> memref<144xf32, #tpu.memory_space<vmem_shared>>
      tpu.enqueue_dma source(%dma_start3A_295 : memref<144xf32, #tpu.memory_space<vmem_shared>>) target(%dma_start3A_294 : memref<144xf32, #tpu.memory_space<vmem>>) target_semaphore(%arg18 : memref<!tpu.dma_semaphore, #tpu.memory_space<semaphore_mem>>)
      %dma_start3A_296 = arith.constant 1728 : i32
      %dma_start3A_297 = tpu.memref_slice %arg15[%dma_start3A_296] : memref<10240xi32, #tpu.memory_space<vmem>> -> memref<144xi32, #tpu.memory_space<vmem>>
      %dma_start3A_298 = tpu.memref_slice %arg17[%add3A_133] : memref<163840xi32, #tpu.memory_space<vmem_shared>> -> memref<144xi32, #tpu.memory_space<vmem_shared>>
      %dma_start3A_299 = arith.constant 1728 : i32
      %dma_start3A_300 = tpu.memref_slice %arg15[%dma_start3A_299] : memref<10240xi32, #tpu.memory_space<vmem>> -> memref<144xi32, #tpu.memory_space<vmem>>
      %dma_start3A_301 = tpu.memref_slice %arg17[%add3A_133] : memref<163840xi32, #tpu.memory_space<vmem_shared>> -> memref<144xi32, #tpu.memory_space<vmem_shared>>
      tpu.enqueue_dma source(%dma_start3A_301 : memref<144xi32, #tpu.memory_space<vmem_shared>>) target(%dma_start3A_300 : memref<144xi32, #tpu.memory_space<vmem>>) target_semaphore(%arg18 : memref<!tpu.dma_semaphore, #tpu.memory_space<semaphore_mem>>)
      %dma_start3A_302 = arith.constant 1872 : i32
      %dma_start3A_303 = tpu.memref_slice %arg14[%dma_start3A_302] : memref<10240xf32, #tpu.memory_space<vmem>> -> memref<144xf32, #tpu.memory_space<vmem>>
      %dma_start3A_304 = tpu.memref_slice %arg16[%add3A_135] : memref<163840xf32, #tpu.memory_space<vmem_shared>> -> memref<144xf32, #tpu.memory_space<vmem_shared>>
      %dma_start3A_305 = arith.constant 1872 : i32
      %dma_start3A_306 = tpu.memref_slice %arg14[%dma_start3A_305] : memref<10240xf32, #tpu.memory_space<vmem>> -> memref<144xf32, #tpu.memory_space<vmem>>
      %dma_start3A_307 = tpu.memref_slice %arg16[%add3A_135] : memref<163840xf32, #tpu.memory_space<vmem_shared>> -> memref<144xf32, #tpu.memory_space<vmem_shared>>
      tpu.enqueue_dma source(%dma_start3A_307 : memref<144xf32, #tpu.memory_space<vmem_shared>>) target(%dma_start3A_306 : memref<144xf32, #tpu.memory_space<vmem>>) target_semaphore(%arg18 : memref<!tpu.dma_semaphore, #tpu.memory_space<semaphore_mem>>)
      %dma_start3A_308 = arith.constant 1872 : i32
      %dma_start3A_309 = tpu.memref_slice %arg15[%dma_start3A_308] : memref<10240xi32, #tpu.memory_space<vmem>> -> memref<144xi32, #tpu.memory_space<vmem>>
      %dma_start3A_310 = tpu.memref_slice %arg17[%add3A_137] : memref<163840xi32, #tpu.memory_space<vmem_shared>> -> memref<144xi32, #tpu.memory_space<vmem_shared>>
      %dma_start3A_311 = arith.constant 1872 : i32
      %dma_start3A_312 = tpu.memref_slice %arg15[%dma_start3A_311] : memref<10240xi32, #tpu.memory_space<vmem>> -> memref<144xi32, #tpu.memory_space<vmem>>
      %dma_start3A_313 = tpu.memref_slice %arg17[%add3A_137] : memref<163840xi32, #tpu.memory_space<vmem_shared>> -> memref<144xi32, #tpu.memory_space<vmem_shared>>
      tpu.enqueue_dma source(%dma_start3A_313 : memref<144xi32, #tpu.memory_space<vmem_shared>>) target(%dma_start3A_312 : memref<144xi32, #tpu.memory_space<vmem>>) target_semaphore(%arg18 : memref<!tpu.dma_semaphore, #tpu.memory_space<semaphore_mem>>)
      %dma_start3A_314 = arith.constant 2016 : i32
      %dma_start3A_315 = tpu.memref_slice %arg14[%dma_start3A_314] : memref<10240xf32, #tpu.memory_space<vmem>> -> memref<144xf32, #tpu.memory_space<vmem>>
      %dma_start3A_316 = tpu.memref_slice %arg16[%add3A_139] : memref<163840xf32, #tpu.memory_space<vmem_shared>> -> memref<144xf32, #tpu.memory_space<vmem_shared>>
      %dma_start3A_317 = arith.constant 2016 : i32
      %dma_start3A_318 = tpu.memref_slice %arg14[%dma_start3A_317] : memref<10240xf32, #tpu.memory_space<vmem>> -> memref<144xf32, #tpu.memory_space<vmem>>
      %dma_start3A_319 = tpu.memref_slice %arg16[%add3A_139] : memref<163840xf32, #tpu.memory_space<vmem_shared>> -> memref<144xf32, #tpu.memory_space<vmem_shared>>
      tpu.enqueue_dma source(%dma_start3A_319 : memref<144xf32, #tpu.memory_space<vmem_shared>>) target(%dma_start3A_318 : memref<144xf32, #tpu.memory_space<vmem>>) target_semaphore(%arg18 : memref<!tpu.dma_semaphore, #tpu.memory_space<semaphore_mem>>)
      %dma_start3A_320 = arith.constant 2016 : i32
      %dma_start3A_321 = tpu.memref_slice %arg15[%dma_start3A_320] : memref<10240xi32, #tpu.memory_space<vmem>> -> memref<144xi32, #tpu.memory_space<vmem>>
      %dma_start3A_322 = tpu.memref_slice %arg17[%add3A_141] : memref<163840xi32, #tpu.memory_space<vmem_shared>> -> memref<144xi32, #tpu.memory_space<vmem_shared>>
      %dma_start3A_323 = arith.constant 2016 : i32
      %dma_start3A_324 = tpu.memref_slice %arg15[%dma_start3A_323] : memref<10240xi32, #tpu.memory_space<vmem>> -> memref<144xi32, #tpu.memory_space<vmem>>
      %dma_start3A_325 = tpu.memref_slice %arg17[%add3A_141] : memref<163840xi32, #tpu.memory_space<vmem_shared>> -> memref<144xi32, #tpu.memory_space<vmem_shared>>
      tpu.enqueue_dma source(%dma_start3A_325 : memref<144xi32, #tpu.memory_space<vmem_shared>>) target(%dma_start3A_324 : memref<144xi32, #tpu.memory_space<vmem>>) target_semaphore(%arg18 : memref<!tpu.dma_semaphore, #tpu.memory_space<semaphore_mem>>)
      %dma_start3A_326 = arith.constant 2160 : i32
      %dma_start3A_327 = tpu.memref_slice %arg14[%dma_start3A_326] : memref<10240xf32, #tpu.memory_space<vmem>> -> memref<144xf32, #tpu.memory_space<vmem>>
      %dma_start3A_328 = tpu.memref_slice %arg16[%add3A_143] : memref<163840xf32, #tpu.memory_space<vmem_shared>> -> memref<144xf32, #tpu.memory_space<vmem_shared>>
      %dma_start3A_329 = arith.constant 2160 : i32
      %dma_start3A_330 = tpu.memref_slice %arg14[%dma_start3A_329] : memref<10240xf32, #tpu.memory_space<vmem>> -> memref<144xf32, #tpu.memory_space<vmem>>
      %dma_start3A_331 = tpu.memref_slice %arg16[%add3A_143] : memref<163840xf32, #tpu.memory_space<vmem_shared>> -> memref<144xf32, #tpu.memory_space<vmem_shared>>
      tpu.enqueue_dma source(%dma_start3A_331 : memref<144xf32, #tpu.memory_space<vmem_shared>>) target(%dma_start3A_330 : memref<144xf32, #tpu.memory_space<vmem>>) target_semaphore(%arg18 : memref<!tpu.dma_semaphore, #tpu.memory_space<semaphore_mem>>)
      %dma_start3A_332 = arith.constant 2160 : i32
      %dma_start3A_333 = tpu.memref_slice %arg15[%dma_start3A_332] : memref<10240xi32, #tpu.memory_space<vmem>> -> memref<144xi32, #tpu.memory_space<vmem>>
      %dma_start3A_334 = tpu.memref_slice %arg17[%add3A_145] : memref<163840xi32, #tpu.memory_space<vmem_shared>> -> memref<144xi32, #tpu.memory_space<vmem_shared>>
      %dma_start3A_335 = arith.constant 2160 : i32
      %dma_start3A_336 = tpu.memref_slice %arg15[%dma_start3A_335] : memref<10240xi32, #tpu.memory_space<vmem>> -> memref<144xi32, #tpu.memory_space<vmem>>
      %dma_start3A_337 = tpu.memref_slice %arg17[%add3A_145] : memref<163840xi32, #tpu.memory_space<vmem_shared>> -> memref<144xi32, #tpu.memory_space<vmem_shared>>
      tpu.enqueue_dma source(%dma_start3A_337 : memref<144xi32, #tpu.memory_space<vmem_shared>>) target(%dma_start3A_336 : memref<144xi32, #tpu.memory_space<vmem>>) target_semaphore(%arg18 : memref<!tpu.dma_semaphore, #tpu.memory_space<semaphore_mem>>)
      %dma_wait3A_338 = arith.constant 0 : i32
      %dma_wait3A_339 = tpu.memref_slice %arg14[%dma_wait3A_338] : memref<10240xf32, #tpu.memory_space<vmem>> -> memref<144xf32, #tpu.memory_space<vmem>>
      %dma_wait3A_340 = tpu.memref_slice %arg16[%add3A_83] : memref<163840xf32, #tpu.memory_space<vmem_shared>> -> memref<144xf32, #tpu.memory_space<vmem_shared>>
      %dma_wait3A_341 = arith.constant 0 : i32
      %dma_wait3A_342 = tpu.memref_slice %arg14[%dma_wait3A_341] : memref<10240xf32, #tpu.memory_space<vmem>> -> memref<144xf32, #tpu.memory_space<vmem>>
      %dma_wait3A_343 = tpu.memref_slice %arg16[%add3A_83] : memref<163840xf32, #tpu.memory_space<vmem_shared>> -> memref<144xf32, #tpu.memory_space<vmem_shared>>
      tpu.wait_dma2 semaphore(%arg18 : memref<!tpu.dma_semaphore, #tpu.memory_space<semaphore_mem>>) src(%dma_wait3A_343 : memref<144xf32, #tpu.memory_space<vmem_shared>>) dst(%dma_wait3A_342 : memref<144xf32, #tpu.memory_space<vmem>>)
      %dma_wait3A_344 = arith.constant 0 : i32
      %dma_wait3A_345 = tpu.memref_slice %arg15[%dma_wait3A_344] : memref<10240xi32, #tpu.memory_space<vmem>> -> memref<144xi32, #tpu.memory_space<vmem>>
      %dma_wait3A_346 = tpu.memref_slice %arg17[%add3A_85] : memref<163840xi32, #tpu.memory_space<vmem_shared>> -> memref<144xi32, #tpu.memory_space<vmem_shared>>
      %dma_wait3A_347 = arith.constant 0 : i32
      %dma_wait3A_348 = tpu.memref_slice %arg15[%dma_wait3A_347] : memref<10240xi32, #tpu.memory_space<vmem>> -> memref<144xi32, #tpu.memory_space<vmem>>
      %dma_wait3A_349 = tpu.memref_slice %arg17[%add3A_85] : memref<163840xi32, #tpu.memory_space<vmem_shared>> -> memref<144xi32, #tpu.memory_space<vmem_shared>>
      tpu.wait_dma2 semaphore(%arg18 : memref<!tpu.dma_semaphore, #tpu.memory_space<semaphore_mem>>) src(%dma_wait3A_349 : memref<144xi32, #tpu.memory_space<vmem_shared>>) dst(%dma_wait3A_348 : memref<144xi32, #tpu.memory_space<vmem>>)
      %dma_wait3A_350 = arith.constant 144 : i32
      %dma_wait3A_351 = tpu.memref_slice %arg14[%dma_wait3A_350] : memref<10240xf32, #tpu.memory_space<vmem>> -> memref<144xf32, #tpu.memory_space<vmem>>
      %dma_wait3A_352 = tpu.memref_slice %arg16[%add3A_87] : memref<163840xf32, #tpu.memory_space<vmem_shared>> -> memref<144xf32, #tpu.memory_space<vmem_shared>>
      %dma_wait3A_353 = arith.constant 144 : i32
      %dma_wait3A_354 = tpu.memref_slice %arg14[%dma_wait3A_353] : memref<10240xf32, #tpu.memory_space<vmem>> -> memref<144xf32, #tpu.memory_space<vmem>>
      %dma_wait3A_355 = tpu.memref_slice %arg16[%add3A_87] : memref<163840xf32, #tpu.memory_space<vmem_shared>> -> memref<144xf32, #tpu.memory_space<vmem_shared>>
      tpu.wait_dma2 semaphore(%arg18 : memref<!tpu.dma_semaphore, #tpu.memory_space<semaphore_mem>>) src(%dma_wait3A_355 : memref<144xf32, #tpu.memory_space<vmem_shared>>) dst(%dma_wait3A_354 : memref<144xf32, #tpu.memory_space<vmem>>)
      %dma_wait3A_356 = arith.constant 144 : i32
      %dma_wait3A_357 = tpu.memref_slice %arg15[%dma_wait3A_356] : memref<10240xi32, #tpu.memory_space<vmem>> -> memref<144xi32, #tpu.memory_space<vmem>>
      %dma_wait3A_358 = tpu.memref_slice %arg17[%add3A_89] : memref<163840xi32, #tpu.memory_space<vmem_shared>> -> memref<144xi32, #tpu.memory_space<vmem_shared>>
      %dma_wait3A_359 = arith.constant 144 : i32
      %dma_wait3A_360 = tpu.memref_slice %arg15[%dma_wait3A_359] : memref<10240xi32, #tpu.memory_space<vmem>> -> memref<144xi32, #tpu.memory_space<vmem>>
      %dma_wait3A_361 = tpu.memref_slice %arg17[%add3A_89] : memref<163840xi32, #tpu.memory_space<vmem_shared>> -> memref<144xi32, #tpu.memory_space<vmem_shared>>
      tpu.wait_dma2 semaphore(%arg18 : memref<!tpu.dma_semaphore, #tpu.memory_space<semaphore_mem>>) src(%dma_wait3A_361 : memref<144xi32, #tpu.memory_space<vmem_shared>>) dst(%dma_wait3A_360 : memref<144xi32, #tpu.memory_space<vmem>>)
      %dma_wait3A_362 = arith.constant 288 : i32
      %dma_wait3A_363 = tpu.memref_slice %arg14[%dma_wait3A_362] : memref<10240xf32, #tpu.memory_space<vmem>> -> memref<144xf32, #tpu.memory_space<vmem>>
      %dma_wait3A_364 = tpu.memref_slice %arg16[%add3A_91] : memref<163840xf32, #tpu.memory_space<vmem_shared>> -> memref<144xf32, #tpu.memory_space<vmem_shared>>
      %dma_wait3A_365 = arith.constant 288 : i32
      %dma_wait3A_366 = tpu.memref_slice %arg14[%dma_wait3A_365] : memref<10240xf32, #tpu.memory_space<vmem>> -> memref<144xf32, #tpu.memory_space<vmem>>
      %dma_wait3A_367 = tpu.memref_slice %arg16[%add3A_91] : memref<163840xf32, #tpu.memory_space<vmem_shared>> -> memref<144xf32, #tpu.memory_space<vmem_shared>>
      tpu.wait_dma2 semaphore(%arg18 : memref<!tpu.dma_semaphore, #tpu.memory_space<semaphore_mem>>) src(%dma_wait3A_367 : memref<144xf32, #tpu.memory_space<vmem_shared>>) dst(%dma_wait3A_366 : memref<144xf32, #tpu.memory_space<vmem>>)
      %dma_wait3A_368 = arith.constant 288 : i32
      %dma_wait3A_369 = tpu.memref_slice %arg15[%dma_wait3A_368] : memref<10240xi32, #tpu.memory_space<vmem>> -> memref<144xi32, #tpu.memory_space<vmem>>
      %dma_wait3A_370 = tpu.memref_slice %arg17[%add3A_93] : memref<163840xi32, #tpu.memory_space<vmem_shared>> -> memref<144xi32, #tpu.memory_space<vmem_shared>>
      %dma_wait3A_371 = arith.constant 288 : i32
      %dma_wait3A_372 = tpu.memref_slice %arg15[%dma_wait3A_371] : memref<10240xi32, #tpu.memory_space<vmem>> -> memref<144xi32, #tpu.memory_space<vmem>>
      %dma_wait3A_373 = tpu.memref_slice %arg17[%add3A_93] : memref<163840xi32, #tpu.memory_space<vmem_shared>> -> memref<144xi32, #tpu.memory_space<vmem_shared>>
      tpu.wait_dma2 semaphore(%arg18 : memref<!tpu.dma_semaphore, #tpu.memory_space<semaphore_mem>>) src(%dma_wait3A_373 : memref<144xi32, #tpu.memory_space<vmem_shared>>) dst(%dma_wait3A_372 : memref<144xi32, #tpu.memory_space<vmem>>)
      %dma_wait3A_374 = arith.constant 432 : i32
      %dma_wait3A_375 = tpu.memref_slice %arg14[%dma_wait3A_374] : memref<10240xf32, #tpu.memory_space<vmem>> -> memref<144xf32, #tpu.memory_space<vmem>>
      %dma_wait3A_376 = tpu.memref_slice %arg16[%add3A_95] : memref<163840xf32, #tpu.memory_space<vmem_shared>> -> memref<144xf32, #tpu.memory_space<vmem_shared>>
      %dma_wait3A_377 = arith.constant 432 : i32
      %dma_wait3A_378 = tpu.memref_slice %arg14[%dma_wait3A_377] : memref<10240xf32, #tpu.memory_space<vmem>> -> memref<144xf32, #tpu.memory_space<vmem>>
      %dma_wait3A_379 = tpu.memref_slice %arg16[%add3A_95] : memref<163840xf32, #tpu.memory_space<vmem_shared>> -> memref<144xf32, #tpu.memory_space<vmem_shared>>
      tpu.wait_dma2 semaphore(%arg18 : memref<!tpu.dma_semaphore, #tpu.memory_space<semaphore_mem>>) src(%dma_wait3A_379 : memref<144xf32, #tpu.memory_space<vmem_shared>>) dst(%dma_wait3A_378 : memref<144xf32, #tpu.memory_space<vmem>>)
      %dma_wait3A_380 = arith.constant 432 : i32
      %dma_wait3A_381 = tpu.memref_slice %arg15[%dma_wait3A_380] : memref<10240xi32, #tpu.memory_space<vmem>> -> memref<144xi32, #tpu.memory_space<vmem>>
      %dma_wait3A_382 = tpu.memref_slice %arg17[%add3A_97] : memref<163840xi32, #tpu.memory_space<vmem_shared>> -> memref<144xi32, #tpu.memory_space<vmem_shared>>
      %dma_wait3A_383 = arith.constant 432 : i32
      %dma_wait3A_384 = tpu.memref_slice %arg15[%dma_wait3A_383] : memref<10240xi32, #tpu.memory_space<vmem>> -> memref<144xi32, #tpu.memory_space<vmem>>
      %dma_wait3A_385 = tpu.memref_slice %arg17[%add3A_97] : memref<163840xi32, #tpu.memory_space<vmem_shared>> -> memref<144xi32, #tpu.memory_space<vmem_shared>>
      tpu.wait_dma2 semaphore(%arg18 : memref<!tpu.dma_semaphore, #tpu.memory_space<semaphore_mem>>) src(%dma_wait3A_385 : memref<144xi32, #tpu.memory_space<vmem_shared>>) dst(%dma_wait3A_384 : memref<144xi32, #tpu.memory_space<vmem>>)
      %dma_wait3A_386 = arith.constant 576 : i32
      %dma_wait3A_387 = tpu.memref_slice %arg14[%dma_wait3A_386] : memref<10240xf32, #tpu.memory_space<vmem>> -> memref<144xf32, #tpu.memory_space<vmem>>
      %dma_wait3A_388 = tpu.memref_slice %arg16[%add3A_99] : memref<163840xf32, #tpu.memory_space<vmem_shared>> -> memref<144xf32, #tpu.memory_space<vmem_shared>>
      %dma_wait3A_389 = arith.constant 576 : i32
      %dma_wait3A_390 = tpu.memref_slice %arg14[%dma_wait3A_389] : memref<10240xf32, #tpu.memory_space<vmem>> -> memref<144xf32, #tpu.memory_space<vmem>>
      %dma_wait3A_391 = tpu.memref_slice %arg16[%add3A_99] : memref<163840xf32, #tpu.memory_space<vmem_shared>> -> memref<144xf32, #tpu.memory_space<vmem_shared>>
      tpu.wait_dma2 semaphore(%arg18 : memref<!tpu.dma_semaphore, #tpu.memory_space<semaphore_mem>>) src(%dma_wait3A_391 : memref<144xf32, #tpu.memory_space<vmem_shared>>) dst(%dma_wait3A_390 : memref<144xf32, #tpu.memory_space<vmem>>)
      %dma_wait3A_392 = arith.constant 576 : i32
      %dma_wait3A_393 = tpu.memref_slice %arg15[%dma_wait3A_392] : memref<10240xi32, #tpu.memory_space<vmem>> -> memref<144xi32, #tpu.memory_space<vmem>>
      %dma_wait3A_394 = tpu.memref_slice %arg17[%add3A_101] : memref<163840xi32, #tpu.memory_space<vmem_shared>> -> memref<144xi32, #tpu.memory_space<vmem_shared>>
      %dma_wait3A_395 = arith.constant 576 : i32
      %dma_wait3A_396 = tpu.memref_slice %arg15[%dma_wait3A_395] : memref<10240xi32, #tpu.memory_space<vmem>> -> memref<144xi32, #tpu.memory_space<vmem>>
      %dma_wait3A_397 = tpu.memref_slice %arg17[%add3A_101] : memref<163840xi32, #tpu.memory_space<vmem_shared>> -> memref<144xi32, #tpu.memory_space<vmem_shared>>
      tpu.wait_dma2 semaphore(%arg18 : memref<!tpu.dma_semaphore, #tpu.memory_space<semaphore_mem>>) src(%dma_wait3A_397 : memref<144xi32, #tpu.memory_space<vmem_shared>>) dst(%dma_wait3A_396 : memref<144xi32, #tpu.memory_space<vmem>>)
      %dma_wait3A_398 = arith.constant 720 : i32
      %dma_wait3A_399 = tpu.memref_slice %arg14[%dma_wait3A_398] : memref<10240xf32, #tpu.memory_space<vmem>> -> memref<144xf32, #tpu.memory_space<vmem>>
      %dma_wait3A_400 = tpu.memref_slice %arg16[%add3A_103] : memref<163840xf32, #tpu.memory_space<vmem_shared>> -> memref<144xf32, #tpu.memory_space<vmem_shared>>
      %dma_wait3A_401 = arith.constant 720 : i32
      %dma_wait3A_402 = tpu.memref_slice %arg14[%dma_wait3A_401] : memref<10240xf32, #tpu.memory_space<vmem>> -> memref<144xf32, #tpu.memory_space<vmem>>
      %dma_wait3A_403 = tpu.memref_slice %arg16[%add3A_103] : memref<163840xf32, #tpu.memory_space<vmem_shared>> -> memref<144xf32, #tpu.memory_space<vmem_shared>>
      tpu.wait_dma2 semaphore(%arg18 : memref<!tpu.dma_semaphore, #tpu.memory_space<semaphore_mem>>) src(%dma_wait3A_403 : memref<144xf32, #tpu.memory_space<vmem_shared>>) dst(%dma_wait3A_402 : memref<144xf32, #tpu.memory_space<vmem>>)
      %dma_wait3A_404 = arith.constant 720 : i32
      %dma_wait3A_405 = tpu.memref_slice %arg15[%dma_wait3A_404] : memref<10240xi32, #tpu.memory_space<vmem>> -> memref<144xi32, #tpu.memory_space<vmem>>
      %dma_wait3A_406 = tpu.memref_slice %arg17[%add3A_105] : memref<163840xi32, #tpu.memory_space<vmem_shared>> -> memref<144xi32, #tpu.memory_space<vmem_shared>>
      %dma_wait3A_407 = arith.constant 720 : i32
      %dma_wait3A_408 = tpu.memref_slice %arg15[%dma_wait3A_407] : memref<10240xi32, #tpu.memory_space<vmem>> -> memref<144xi32, #tpu.memory_space<vmem>>
      %dma_wait3A_409 = tpu.memref_slice %arg17[%add3A_105] : memref<163840xi32, #tpu.memory_space<vmem_shared>> -> memref<144xi32, #tpu.memory_space<vmem_shared>>
      tpu.wait_dma2 semaphore(%arg18 : memref<!tpu.dma_semaphore, #tpu.memory_space<semaphore_mem>>) src(%dma_wait3A_409 : memref<144xi32, #tpu.memory_space<vmem_shared>>) dst(%dma_wait3A_408 : memref<144xi32, #tpu.memory_space<vmem>>)
      %dma_wait3A_410 = arith.constant 864 : i32
      %dma_wait3A_411 = tpu.memref_slice %arg14[%dma_wait3A_410] : memref<10240xf32, #tpu.memory_space<vmem>> -> memref<144xf32, #tpu.memory_space<vmem>>
      %dma_wait3A_412 = tpu.memref_slice %arg16[%add3A_107] : memref<163840xf32, #tpu.memory_space<vmem_shared>> -> memref<144xf32, #tpu.memory_space<vmem_shared>>
      %dma_wait3A_413 = arith.constant 864 : i32
      %dma_wait3A_414 = tpu.memref_slice %arg14[%dma_wait3A_413] : memref<10240xf32, #tpu.memory_space<vmem>> -> memref<144xf32, #tpu.memory_space<vmem>>
      %dma_wait3A_415 = tpu.memref_slice %arg16[%add3A_107] : memref<163840xf32, #tpu.memory_space<vmem_shared>> -> memref<144xf32, #tpu.memory_space<vmem_shared>>
      tpu.wait_dma2 semaphore(%arg18 : memref<!tpu.dma_semaphore, #tpu.memory_space<semaphore_mem>>) src(%dma_wait3A_415 : memref<144xf32, #tpu.memory_space<vmem_shared>>) dst(%dma_wait3A_414 : memref<144xf32, #tpu.memory_space<vmem>>)
      %dma_wait3A_416 = arith.constant 864 : i32
      %dma_wait3A_417 = tpu.memref_slice %arg15[%dma_wait3A_416] : memref<10240xi32, #tpu.memory_space<vmem>> -> memref<144xi32, #tpu.memory_space<vmem>>
      %dma_wait3A_418 = tpu.memref_slice %arg17[%add3A_109] : memref<163840xi32, #tpu.memory_space<vmem_shared>> -> memref<144xi32, #tpu.memory_space<vmem_shared>>
      %dma_wait3A_419 = arith.constant 864 : i32
      %dma_wait3A_420 = tpu.memref_slice %arg15[%dma_wait3A_419] : memref<10240xi32, #tpu.memory_space<vmem>> -> memref<144xi32, #tpu.memory_space<vmem>>
      %dma_wait3A_421 = tpu.memref_slice %arg17[%add3A_109] : memref<163840xi32, #tpu.memory_space<vmem_shared>> -> memref<144xi32, #tpu.memory_space<vmem_shared>>
      tpu.wait_dma2 semaphore(%arg18 : memref<!tpu.dma_semaphore, #tpu.memory_space<semaphore_mem>>) src(%dma_wait3A_421 : memref<144xi32, #tpu.memory_space<vmem_shared>>) dst(%dma_wait3A_420 : memref<144xi32, #tpu.memory_space<vmem>>)
      %dma_wait3A_422 = arith.constant 1008 : i32
      %dma_wait3A_423 = tpu.memref_slice %arg14[%dma_wait3A_422] : memref<10240xf32, #tpu.memory_space<vmem>> -> memref<144xf32, #tpu.memory_space<vmem>>
      %dma_wait3A_424 = tpu.memref_slice %arg16[%add3A_111] : memref<163840xf32, #tpu.memory_space<vmem_shared>> -> memref<144xf32, #tpu.memory_space<vmem_shared>>
      %dma_wait3A_425 = arith.constant 1008 : i32
      %dma_wait3A_426 = tpu.memref_slice %arg14[%dma_wait3A_425] : memref<10240xf32, #tpu.memory_space<vmem>> -> memref<144xf32, #tpu.memory_space<vmem>>
      %dma_wait3A_427 = tpu.memref_slice %arg16[%add3A_111] : memref<163840xf32, #tpu.memory_space<vmem_shared>> -> memref<144xf32, #tpu.memory_space<vmem_shared>>
      tpu.wait_dma2 semaphore(%arg18 : memref<!tpu.dma_semaphore, #tpu.memory_space<semaphore_mem>>) src(%dma_wait3A_427 : memref<144xf32, #tpu.memory_space<vmem_shared>>) dst(%dma_wait3A_426 : memref<144xf32, #tpu.memory_space<vmem>>)
      %dma_wait3A_428 = arith.constant 1008 : i32
      %dma_wait3A_429 = tpu.memref_slice %arg15[%dma_wait3A_428] : memref<10240xi32, #tpu.memory_space<vmem>> -> memref<144xi32, #tpu.memory_space<vmem>>
      %dma_wait3A_430 = tpu.memref_slice %arg17[%add3A_113] : memref<163840xi32, #tpu.memory_space<vmem_shared>> -> memref<144xi32, #tpu.memory_space<vmem_shared>>
      %dma_wait3A_431 = arith.constant 1008 : i32
      %dma_wait3A_432 = tpu.memref_slice %arg15[%dma_wait3A_431] : memref<10240xi32, #tpu.memory_space<vmem>> -> memref<144xi32, #tpu.memory_space<vmem>>
      %dma_wait3A_433 = tpu.memref_slice %arg17[%add3A_113] : memref<163840xi32, #tpu.memory_space<vmem_shared>> -> memref<144xi32, #tpu.memory_space<vmem_shared>>
      tpu.wait_dma2 semaphore(%arg18 : memref<!tpu.dma_semaphore, #tpu.memory_space<semaphore_mem>>) src(%dma_wait3A_433 : memref<144xi32, #tpu.memory_space<vmem_shared>>) dst(%dma_wait3A_432 : memref<144xi32, #tpu.memory_space<vmem>>)
      %dma_wait3A_434 = arith.constant 1152 : i32
      %dma_wait3A_435 = tpu.memref_slice %arg14[%dma_wait3A_434] : memref<10240xf32, #tpu.memory_space<vmem>> -> memref<144xf32, #tpu.memory_space<vmem>>
      %dma_wait3A_436 = tpu.memref_slice %arg16[%add3A_115] : memref<163840xf32, #tpu.memory_space<vmem_shared>> -> memref<144xf32, #tpu.memory_space<vmem_shared>>
      %dma_wait3A_437 = arith.constant 1152 : i32
      %dma_wait3A_438 = tpu.memref_slice %arg14[%dma_wait3A_437] : memref<10240xf32, #tpu.memory_space<vmem>> -> memref<144xf32, #tpu.memory_space<vmem>>
      %dma_wait3A_439 = tpu.memref_slice %arg16[%add3A_115] : memref<163840xf32, #tpu.memory_space<vmem_shared>> -> memref<144xf32, #tpu.memory_space<vmem_shared>>
      tpu.wait_dma2 semaphore(%arg18 : memref<!tpu.dma_semaphore, #tpu.memory_space<semaphore_mem>>) src(%dma_wait3A_439 : memref<144xf32, #tpu.memory_space<vmem_shared>>) dst(%dma_wait3A_438 : memref<144xf32, #tpu.memory_space<vmem>>)
      %dma_wait3A_440 = arith.constant 1152 : i32
      %dma_wait3A_441 = tpu.memref_slice %arg15[%dma_wait3A_440] : memref<10240xi32, #tpu.memory_space<vmem>> -> memref<144xi32, #tpu.memory_space<vmem>>
      %dma_wait3A_442 = tpu.memref_slice %arg17[%add3A_117] : memref<163840xi32, #tpu.memory_space<vmem_shared>> -> memref<144xi32, #tpu.memory_space<vmem_shared>>
      %dma_wait3A_443 = arith.constant 1152 : i32
      %dma_wait3A_444 = tpu.memref_slice %arg15[%dma_wait3A_443] : memref<10240xi32, #tpu.memory_space<vmem>> -> memref<144xi32, #tpu.memory_space<vmem>>
      %dma_wait3A_445 = tpu.memref_slice %arg17[%add3A_117] : memref<163840xi32, #tpu.memory_space<vmem_shared>> -> memref<144xi32, #tpu.memory_space<vmem_shared>>
      tpu.wait_dma2 semaphore(%arg18 : memref<!tpu.dma_semaphore, #tpu.memory_space<semaphore_mem>>) src(%dma_wait3A_445 : memref<144xi32, #tpu.memory_space<vmem_shared>>) dst(%dma_wait3A_444 : memref<144xi32, #tpu.memory_space<vmem>>)
      %dma_wait3A_446 = arith.constant 1296 : i32
      %dma_wait3A_447 = tpu.memref_slice %arg14[%dma_wait3A_446] : memref<10240xf32, #tpu.memory_space<vmem>> -> memref<144xf32, #tpu.memory_space<vmem>>
      %dma_wait3A_448 = tpu.memref_slice %arg16[%add3A_119] : memref<163840xf32, #tpu.memory_space<vmem_shared>> -> memref<144xf32, #tpu.memory_space<vmem_shared>>
      %dma_wait3A_449 = arith.constant 1296 : i32
      %dma_wait3A_450 = tpu.memref_slice %arg14[%dma_wait3A_449] : memref<10240xf32, #tpu.memory_space<vmem>> -> memref<144xf32, #tpu.memory_space<vmem>>
      %dma_wait3A_451 = tpu.memref_slice %arg16[%add3A_119] : memref<163840xf32, #tpu.memory_space<vmem_shared>> -> memref<144xf32, #tpu.memory_space<vmem_shared>>
      tpu.wait_dma2 semaphore(%arg18 : memref<!tpu.dma_semaphore, #tpu.memory_space<semaphore_mem>>) src(%dma_wait3A_451 : memref<144xf32, #tpu.memory_space<vmem_shared>>) dst(%dma_wait3A_450 : memref<144xf32, #tpu.memory_space<vmem>>)
      %dma_wait3A_452 = arith.constant 1296 : i32
      %dma_wait3A_453 = tpu.memref_slice %arg15[%dma_wait3A_452] : memref<10240xi32, #tpu.memory_space<vmem>> -> memref<144xi32, #tpu.memory_space<vmem>>
      %dma_wait3A_454 = tpu.memref_slice %arg17[%add3A_121] : memref<163840xi32, #tpu.memory_space<vmem_shared>> -> memref<144xi32, #tpu.memory_space<vmem_shared>>
      %dma_wait3A_455 = arith.constant 1296 : i32
      %dma_wait3A_456 = tpu.memref_slice %arg15[%dma_wait3A_455] : memref<10240xi32, #tpu.memory_space<vmem>> -> memref<144xi32, #tpu.memory_space<vmem>>
      %dma_wait3A_457 = tpu.memref_slice %arg17[%add3A_121] : memref<163840xi32, #tpu.memory_space<vmem_shared>> -> memref<144xi32, #tpu.memory_space<vmem_shared>>
      tpu.wait_dma2 semaphore(%arg18 : memref<!tpu.dma_semaphore, #tpu.memory_space<semaphore_mem>>) src(%dma_wait3A_457 : memref<144xi32, #tpu.memory_space<vmem_shared>>) dst(%dma_wait3A_456 : memref<144xi32, #tpu.memory_space<vmem>>)
      %dma_wait3A_458 = arith.constant 1440 : i32
      %dma_wait3A_459 = tpu.memref_slice %arg14[%dma_wait3A_458] : memref<10240xf32, #tpu.memory_space<vmem>> -> memref<144xf32, #tpu.memory_space<vmem>>
      %dma_wait3A_460 = tpu.memref_slice %arg16[%add3A_123] : memref<163840xf32, #tpu.memory_space<vmem_shared>> -> memref<144xf32, #tpu.memory_space<vmem_shared>>
      %dma_wait3A_461 = arith.constant 1440 : i32
      %dma_wait3A_462 = tpu.memref_slice %arg14[%dma_wait3A_461] : memref<10240xf32, #tpu.memory_space<vmem>> -> memref<144xf32, #tpu.memory_space<vmem>>
      %dma_wait3A_463 = tpu.memref_slice %arg16[%add3A_123] : memref<163840xf32, #tpu.memory_space<vmem_shared>> -> memref<144xf32, #tpu.memory_space<vmem_shared>>
      tpu.wait_dma2 semaphore(%arg18 : memref<!tpu.dma_semaphore, #tpu.memory_space<semaphore_mem>>) src(%dma_wait3A_463 : memref<144xf32, #tpu.memory_space<vmem_shared>>) dst(%dma_wait3A_462 : memref<144xf32, #tpu.memory_space<vmem>>)
      %dma_wait3A_464 = arith.constant 1440 : i32
      %dma_wait3A_465 = tpu.memref_slice %arg15[%dma_wait3A_464] : memref<10240xi32, #tpu.memory_space<vmem>> -> memref<144xi32, #tpu.memory_space<vmem>>
      %dma_wait3A_466 = tpu.memref_slice %arg17[%add3A_125] : memref<163840xi32, #tpu.memory_space<vmem_shared>> -> memref<144xi32, #tpu.memory_space<vmem_shared>>
      %dma_wait3A_467 = arith.constant 1440 : i32
      %dma_wait3A_468 = tpu.memref_slice %arg15[%dma_wait3A_467] : memref<10240xi32, #tpu.memory_space<vmem>> -> memref<144xi32, #tpu.memory_space<vmem>>
      %dma_wait3A_469 = tpu.memref_slice %arg17[%add3A_125] : memref<163840xi32, #tpu.memory_space<vmem_shared>> -> memref<144xi32, #tpu.memory_space<vmem_shared>>
      tpu.wait_dma2 semaphore(%arg18 : memref<!tpu.dma_semaphore, #tpu.memory_space<semaphore_mem>>) src(%dma_wait3A_469 : memref<144xi32, #tpu.memory_space<vmem_shared>>) dst(%dma_wait3A_468 : memref<144xi32, #tpu.memory_space<vmem>>)
      %dma_wait3A_470 = arith.constant 1584 : i32
      %dma_wait3A_471 = tpu.memref_slice %arg14[%dma_wait3A_470] : memref<10240xf32, #tpu.memory_space<vmem>> -> memref<144xf32, #tpu.memory_space<vmem>>
      %dma_wait3A_472 = tpu.memref_slice %arg16[%add3A_127] : memref<163840xf32, #tpu.memory_space<vmem_shared>> -> memref<144xf32, #tpu.memory_space<vmem_shared>>
      %dma_wait3A_473 = arith.constant 1584 : i32
      %dma_wait3A_474 = tpu.memref_slice %arg14[%dma_wait3A_473] : memref<10240xf32, #tpu.memory_space<vmem>> -> memref<144xf32, #tpu.memory_space<vmem>>
      %dma_wait3A_475 = tpu.memref_slice %arg16[%add3A_127] : memref<163840xf32, #tpu.memory_space<vmem_shared>> -> memref<144xf32, #tpu.memory_space<vmem_shared>>
      tpu.wait_dma2 semaphore(%arg18 : memref<!tpu.dma_semaphore, #tpu.memory_space<semaphore_mem>>) src(%dma_wait3A_475 : memref<144xf32, #tpu.memory_space<vmem_shared>>) dst(%dma_wait3A_474 : memref<144xf32, #tpu.memory_space<vmem>>)
      %dma_wait3A_476 = arith.constant 1584 : i32
      %dma_wait3A_477 = tpu.memref_slice %arg15[%dma_wait3A_476] : memref<10240xi32, #tpu.memory_space<vmem>> -> memref<144xi32, #tpu.memory_space<vmem>>
      %dma_wait3A_478 = tpu.memref_slice %arg17[%add3A_129] : memref<163840xi32, #tpu.memory_space<vmem_shared>> -> memref<144xi32, #tpu.memory_space<vmem_shared>>
      %dma_wait3A_479 = arith.constant 1584 : i32
      %dma_wait3A_480 = tpu.memref_slice %arg15[%dma_wait3A_479] : memref<10240xi32, #tpu.memory_space<vmem>> -> memref<144xi32, #tpu.memory_space<vmem>>
      %dma_wait3A_481 = tpu.memref_slice %arg17[%add3A_129] : memref<163840xi32, #tpu.memory_space<vmem_shared>> -> memref<144xi32, #tpu.memory_space<vmem_shared>>
      tpu.wait_dma2 semaphore(%arg18 : memref<!tpu.dma_semaphore, #tpu.memory_space<semaphore_mem>>) src(%dma_wait3A_481 : memref<144xi32, #tpu.memory_space<vmem_shared>>) dst(%dma_wait3A_480 : memref<144xi32, #tpu.memory_space<vmem>>)
      %dma_wait3A_482 = arith.constant 1728 : i32
      %dma_wait3A_483 = tpu.memref_slice %arg14[%dma_wait3A_482] : memref<10240xf32, #tpu.memory_space<vmem>> -> memref<144xf32, #tpu.memory_space<vmem>>
      %dma_wait3A_484 = tpu.memref_slice %arg16[%add3A_131] : memref<163840xf32, #tpu.memory_space<vmem_shared>> -> memref<144xf32, #tpu.memory_space<vmem_shared>>
      %dma_wait3A_485 = arith.constant 1728 : i32
      %dma_wait3A_486 = tpu.memref_slice %arg14[%dma_wait3A_485] : memref<10240xf32, #tpu.memory_space<vmem>> -> memref<144xf32, #tpu.memory_space<vmem>>
      %dma_wait3A_487 = tpu.memref_slice %arg16[%add3A_131] : memref<163840xf32, #tpu.memory_space<vmem_shared>> -> memref<144xf32, #tpu.memory_space<vmem_shared>>
      tpu.wait_dma2 semaphore(%arg18 : memref<!tpu.dma_semaphore, #tpu.memory_space<semaphore_mem>>) src(%dma_wait3A_487 : memref<144xf32, #tpu.memory_space<vmem_shared>>) dst(%dma_wait3A_486 : memref<144xf32, #tpu.memory_space<vmem>>)
      %dma_wait3A_488 = arith.constant 1728 : i32
      %dma_wait3A_489 = tpu.memref_slice %arg15[%dma_wait3A_488] : memref<10240xi32, #tpu.memory_space<vmem>> -> memref<144xi32, #tpu.memory_space<vmem>>
      %dma_wait3A_490 = tpu.memref_slice %arg17[%add3A_133] : memref<163840xi32, #tpu.memory_space<vmem_shared>> -> memref<144xi32, #tpu.memory_space<vmem_shared>>
      %dma_wait3A_491 = arith.constant 1728 : i32
      %dma_wait3A_492 = tpu.memref_slice %arg15[%dma_wait3A_491] : memref<10240xi32, #tpu.memory_space<vmem>> -> memref<144xi32, #tpu.memory_space<vmem>>
      %dma_wait3A_493 = tpu.memref_slice %arg17[%add3A_133] : memref<163840xi32, #tpu.memory_space<vmem_shared>> -> memref<144xi32, #tpu.memory_space<vmem_shared>>
      tpu.wait_dma2 semaphore(%arg18 : memref<!tpu.dma_semaphore, #tpu.memory_space<semaphore_mem>>) src(%dma_wait3A_493 : memref<144xi32, #tpu.memory_space<vmem_shared>>) dst(%dma_wait3A_492 : memref<144xi32, #tpu.memory_space<vmem>>)
      %dma_wait3A_494 = arith.constant 1872 : i32
      %dma_wait3A_495 = tpu.memref_slice %arg14[%dma_wait3A_494] : memref<10240xf32, #tpu.memory_space<vmem>> -> memref<144xf32, #tpu.memory_space<vmem>>
      %dma_wait3A_496 = tpu.memref_slice %arg16[%add3A_135] : memref<163840xf32, #tpu.memory_space<vmem_shared>> -> memref<144xf32, #tpu.memory_space<vmem_shared>>
      %dma_wait3A_497 = arith.constant 1872 : i32
      %dma_wait3A_498 = tpu.memref_slice %arg14[%dma_wait3A_497] : memref<10240xf32, #tpu.memory_space<vmem>> -> memref<144xf32, #tpu.memory_space<vmem>>
      %dma_wait3A_499 = tpu.memref_slice %arg16[%add3A_135] : memref<163840xf32, #tpu.memory_space<vmem_shared>> -> memref<144xf32, #tpu.memory_space<vmem_shared>>
      tpu.wait_dma2 semaphore(%arg18 : memref<!tpu.dma_semaphore, #tpu.memory_space<semaphore_mem>>) src(%dma_wait3A_499 : memref<144xf32, #tpu.memory_space<vmem_shared>>) dst(%dma_wait3A_498 : memref<144xf32, #tpu.memory_space<vmem>>)
      %dma_wait3A_500 = arith.constant 1872 : i32
      %dma_wait3A_501 = tpu.memref_slice %arg15[%dma_wait3A_500] : memref<10240xi32, #tpu.memory_space<vmem>> -> memref<144xi32, #tpu.memory_space<vmem>>
      %dma_wait3A_502 = tpu.memref_slice %arg17[%add3A_137] : memref<163840xi32, #tpu.memory_space<vmem_shared>> -> memref<144xi32, #tpu.memory_space<vmem_shared>>
      %dma_wait3A_503 = arith.constant 1872 : i32
      %dma_wait3A_504 = tpu.memref_slice %arg15[%dma_wait3A_503] : memref<10240xi32, #tpu.memory_space<vmem>> -> memref<144xi32, #tpu.memory_space<vmem>>
      %dma_wait3A_505 = tpu.memref_slice %arg17[%add3A_137] : memref<163840xi32, #tpu.memory_space<vmem_shared>> -> memref<144xi32, #tpu.memory_space<vmem_shared>>
      tpu.wait_dma2 semaphore(%arg18 : memref<!tpu.dma_semaphore, #tpu.memory_space<semaphore_mem>>) src(%dma_wait3A_505 : memref<144xi32, #tpu.memory_space<vmem_shared>>) dst(%dma_wait3A_504 : memref<144xi32, #tpu.memory_space<vmem>>)
      %dma_wait3A_506 = arith.constant 2016 : i32
      %dma_wait3A_507 = tpu.memref_slice %arg14[%dma_wait3A_506] : memref<10240xf32, #tpu.memory_space<vmem>> -> memref<144xf32, #tpu.memory_space<vmem>>
      %dma_wait3A_508 = tpu.memref_slice %arg16[%add3A_139] : memref<163840xf32, #tpu.memory_space<vmem_shared>> -> memref<144xf32, #tpu.memory_space<vmem_shared>>
      %dma_wait3A_509 = arith.constant 2016 : i32
      %dma_wait3A_510 = tpu.memref_slice %arg14[%dma_wait3A_509] : memref<10240xf32, #tpu.memory_space<vmem>> -> memref<144xf32, #tpu.memory_space<vmem>>
      %dma_wait3A_511 = tpu.memref_slice %arg16[%add3A_139] : memref<163840xf32, #tpu.memory_space<vmem_shared>> -> memref<144xf32, #tpu.memory_space<vmem_shared>>
      tpu.wait_dma2 semaphore(%arg18 : memref<!tpu.dma_semaphore, #tpu.memory_space<semaphore_mem>>) src(%dma_wait3A_511 : memref<144xf32, #tpu.memory_space<vmem_shared>>) dst(%dma_wait3A_510 : memref<144xf32, #tpu.memory_space<vmem>>)
      %dma_wait3A_512 = arith.constant 2016 : i32
      %dma_wait3A_513 = tpu.memref_slice %arg15[%dma_wait3A_512] : memref<10240xi32, #tpu.memory_space<vmem>> -> memref<144xi32, #tpu.memory_space<vmem>>
      %dma_wait3A_514 = tpu.memref_slice %arg17[%add3A_141] : memref<163840xi32, #tpu.memory_space<vmem_shared>> -> memref<144xi32, #tpu.memory_space<vmem_shared>>
      %dma_wait3A_515 = arith.constant 2016 : i32
      %dma_wait3A_516 = tpu.memref_slice %arg15[%dma_wait3A_515] : memref<10240xi32, #tpu.memory_space<vmem>> -> memref<144xi32, #tpu.memory_space<vmem>>
      %dma_wait3A_517 = tpu.memref_slice %arg17[%add3A_141] : memref<163840xi32, #tpu.memory_space<vmem_shared>> -> memref<144xi32, #tpu.memory_space<vmem_shared>>
      tpu.wait_dma2 semaphore(%arg18 : memref<!tpu.dma_semaphore, #tpu.memory_space<semaphore_mem>>) src(%dma_wait3A_517 : memref<144xi32, #tpu.memory_space<vmem_shared>>) dst(%dma_wait3A_516 : memref<144xi32, #tpu.memory_space<vmem>>)
      %dma_wait3A_518 = arith.constant 2160 : i32
      %dma_wait3A_519 = tpu.memref_slice %arg14[%dma_wait3A_518] : memref<10240xf32, #tpu.memory_space<vmem>> -> memref<144xf32, #tpu.memory_space<vmem>>
      %dma_wait3A_520 = tpu.memref_slice %arg16[%add3A_143] : memref<163840xf32, #tpu.memory_space<vmem_shared>> -> memref<144xf32, #tpu.memory_space<vmem_shared>>
      %dma_wait3A_521 = arith.constant 2160 : i32
      %dma_wait3A_522 = tpu.memref_slice %arg14[%dma_wait3A_521] : memref<10240xf32, #tpu.memory_space<vmem>> -> memref<144xf32, #tpu.memory_space<vmem>>
      %dma_wait3A_523 = tpu.memref_slice %arg16[%add3A_143] : memref<163840xf32, #tpu.memory_space<vmem_shared>> -> memref<144xf32, #tpu.memory_space<vmem_shared>>
      tpu.wait_dma2 semaphore(%arg18 : memref<!tpu.dma_semaphore, #tpu.memory_space<semaphore_mem>>) src(%dma_wait3A_523 : memref<144xf32, #tpu.memory_space<vmem_shared>>) dst(%dma_wait3A_522 : memref<144xf32, #tpu.memory_space<vmem>>)
      %dma_wait3A_524 = arith.constant 2160 : i32
      %dma_wait3A_525 = tpu.memref_slice %arg15[%dma_wait3A_524] : memref<10240xi32, #tpu.memory_space<vmem>> -> memref<144xi32, #tpu.memory_space<vmem>>
      %dma_wait3A_526 = tpu.memref_slice %arg17[%add3A_145] : memref<163840xi32, #tpu.memory_space<vmem_shared>> -> memref<144xi32, #tpu.memory_space<vmem_shared>>
      %dma_wait3A_527 = arith.constant 2160 : i32
      %dma_wait3A_528 = tpu.memref_slice %arg15[%dma_wait3A_527] : memref<10240xi32, #tpu.memory_space<vmem>> -> memref<144xi32, #tpu.memory_space<vmem>>
      %dma_wait3A_529 = tpu.memref_slice %arg17[%add3A_145] : memref<163840xi32, #tpu.memory_space<vmem_shared>> -> memref<144xi32, #tpu.memory_space<vmem_shared>>
      tpu.wait_dma2 semaphore(%arg18 : memref<!tpu.dma_semaphore, #tpu.memory_space<semaphore_mem>>) src(%dma_wait3A_529 : memref<144xi32, #tpu.memory_space<vmem_shared>>) dst(%dma_wait3A_528 : memref<144xi32, #tpu.memory_space<vmem>>)
      %scan3A_530 = arith.constant 0 : i32
      %scan3A_531 = arith.constant 0 : i32
      %scan3A_532 = arith.constant 9 : i32
      %scan3A_533 = arith.addi %scan3A_531, %scan3A_532 : i32
      %scan3A_534 = arith.constant 1 : i32
      scf.for %scan3A_536 = %scan3A_531 to %scan3A_533 step %scan3A_534  : i32 {
        %mul3A_537 = arith.constant 16 : i32
        %mul3A_538 = arith.muli %scan3A_536, %mul3A_537 : i32
        %get3A = arith.index_cast %mul3A_538 : i32 to index
        %get3A_539 = tpu.vector_load %arg14[%get3A] {strides = array<i32>} : memref<10240xf32, #tpu.memory_space<vmem>>, vector<16xf32>,
        %mul3A_540 = arith.constant 16 : i32
        %mul3A_541 = arith.muli %scan3A_536, %mul3A_540 : i32
        %get3A_542 = arith.index_cast %mul3A_541 : i32 to index
        %get3A_543 = tpu.vector_load %arg15[%get3A_542] {strides = array<i32>} : memref<10240xi32, #tpu.memory_space<vmem>>, vector<16xi32>,
        %mul3A_544 = arith.constant 16 : i32
        %mul3A_545 = arith.muli %scan3A_536, %mul3A_544 : i32
        %add3A_546 = arith.constant 144 : i32
        %add3A_547 = arith.addi %add3A_546, %mul3A_545 : i32
        %get3A_548 = arith.index_cast %add3A_547 : i32 to index
        %get3A_549 = tpu.vector_load %arg14[%get3A_548] {strides = array<i32>} : memref<10240xf32, #tpu.memory_space<vmem>>, vector<16xf32>,
        %add3A_550 = arith.addf %get3A_539, %get3A_549 : vector<16xf32>
        %mul3A_551 = arith.constant 16 : i32
        %mul3A_552 = arith.muli %scan3A_536, %mul3A_551 : i32
        %add3A_553 = arith.constant 144 : i32
        %add3A_554 = arith.addi %add3A_553, %mul3A_552 : i32
        %get3A_555 = arith.index_cast %add3A_554 : i32 to index
        %get3A_556 = tpu.vector_load %arg15[%get3A_555] {strides = array<i32>} : memref<10240xi32, #tpu.memory_space<vmem>>, vector<16xi32>,
        %max3A = arith.maxsi %get3A_543, %get3A_556 : vector<16xi32>
        %mul3A_557 = arith.constant 16 : i32
        %mul3A_558 = arith.muli %scan3A_536, %mul3A_557 : i32
        %add3A_559 = arith.constant 288 : i32
        %add3A_560 = arith.addi %add3A_559, %mul3A_558 : i32
        %get3A_561 = arith.index_cast %add3A_560 : i32 to index
        %get3A_562 = tpu.vector_load %arg14[%get3A_561] {strides = array<i32>} : memref<10240xf32, #tpu.memory_space<vmem>>, vector<16xf32>,
        %add3A_563 = arith.addf %add3A_550, %get3A_562 : vector<16xf32>
        %mul3A_564 = arith.constant 16 : i32
        %mul3A_565 = arith.muli %scan3A_536, %mul3A_564 : i32
        %add3A_566 = arith.constant 288 : i32
        %add3A_567 = arith.addi %add3A_566, %mul3A_565 : i32
        %get3A_568 = arith.index_cast %add3A_567 : i32 to index
        %get3A_569 = tpu.vector_load %arg15[%get3A_568] {strides = array<i32>} : memref<10240xi32, #tpu.memory_space<vmem>>, vector<16xi32>,
        %max3A_570 = arith.maxsi %max3A, %get3A_569 : vector<16xi32>
        %mul3A_571 = arith.constant 16 : i32
        %mul3A_572 = arith.muli %scan3A_536, %mul3A_571 : i32
        %add3A_573 = arith.constant 432 : i32
        %add3A_574 = arith.addi %add3A_573, %mul3A_572 : i32
        %get3A_575 = arith.index_cast %add3A_574 : i32 to index
        %get3A_576 = tpu.vector_load %arg14[%get3A_575] {strides = array<i32>} : memref<10240xf32, #tpu.memory_space<vmem>>, vector<16xf32>,
        %add3A_577 = arith.addf %add3A_563, %get3A_576 : vector<16xf32>
        %mul3A_578 = arith.constant 16 : i32
        %mul3A_579 = arith.muli %scan3A_536, %mul3A_578 : i32
        %add3A_580 = arith.constant 432 : i32
        %add3A_581 = arith.addi %add3A_580, %mul3A_579 : i32
        %get3A_582 = arith.index_cast %add3A_581 : i32 to index
        %get3A_583 = tpu.vector_load %arg15[%get3A_582] {strides = array<i32>} : memref<10240xi32, #tpu.memory_space<vmem>>, vector<16xi32>,
        %max3A_584 = arith.maxsi %max3A_570, %get3A_583 : vector<16xi32>
        %mul3A_585 = arith.constant 16 : i32
        %mul3A_586 = arith.muli %scan3A_536, %mul3A_585 : i32
        %add3A_587 = arith.constant 576 : i32
        %add3A_588 = arith.addi %add3A_587, %mul3A_586 : i32
        %get3A_589 = arith.index_cast %add3A_588 : i32 to index
        %get3A_590 = tpu.vector_load %arg14[%get3A_589] {strides = array<i32>} : memref<10240xf32, #tpu.memory_space<vmem>>, vector<16xf32>,
        %add3A_591 = arith.addf %add3A_577, %get3A_590 : vector<16xf32>
        %mul3A_592 = arith.constant 16 : i32
        %mul3A_593 = arith.muli %scan3A_536, %mul3A_592 : i32
        %add3A_594 = arith.constant 576 : i32
        %add3A_595 = arith.addi %add3A_594, %mul3A_593 : i32
        %get3A_596 = arith.index_cast %add3A_595 : i32 to index
        %get3A_597 = tpu.vector_load %arg15[%get3A_596] {strides = array<i32>} : memref<10240xi32, #tpu.memory_space<vmem>>, vector<16xi32>,
        %max3A_598 = arith.maxsi %max3A_584, %get3A_597 : vector<16xi32>
        %mul3A_599 = arith.constant 16 : i32
        %mul3A_600 = arith.muli %scan3A_536, %mul3A_599 : i32
        %add3A_601 = arith.constant 720 : i32
        %add3A_602 = arith.addi %add3A_601, %mul3A_600 : i32
        %get3A_603 = arith.index_cast %add3A_602 : i32 to index
        %get3A_604 = tpu.vector_load %arg14[%get3A_603] {strides = array<i32>} : memref<10240xf32, #tpu.memory_space<vmem>>, vector<16xf32>,
        %add3A_605 = arith.addf %add3A_591, %get3A_604 : vector<16xf32>
        %mul3A_606 = arith.constant 16 : i32
        %mul3A_607 = arith.muli %scan3A_536, %mul3A_606 : i32
        %add3A_608 = arith.constant 720 : i32
        %add3A_609 = arith.addi %add3A_608, %mul3A_607 : i32
        %get3A_610 = arith.index_cast %add3A_609 : i32 to index
        %get3A_611 = tpu.vector_load %arg15[%get3A_610] {strides = array<i32>} : memref<10240xi32, #tpu.memory_space<vmem>>, vector<16xi32>,
        %max3A_612 = arith.maxsi %max3A_598, %get3A_611 : vector<16xi32>
        %mul3A_613 = arith.constant 16 : i32
        %mul3A_614 = arith.muli %scan3A_536, %mul3A_613 : i32
        %add3A_615 = arith.constant 864 : i32
        %add3A_616 = arith.addi %add3A_615, %mul3A_614 : i32
        %get3A_617 = arith.index_cast %add3A_616 : i32 to index
        %get3A_618 = tpu.vector_load %arg14[%get3A_617] {strides = array<i32>} : memref<10240xf32, #tpu.memory_space<vmem>>, vector<16xf32>,
        %add3A_619 = arith.addf %add3A_605, %get3A_618 : vector<16xf32>
        %mul3A_620 = arith.constant 16 : i32
        %mul3A_621 = arith.muli %scan3A_536, %mul3A_620 : i32
        %add3A_622 = arith.constant 864 : i32
        %add3A_623 = arith.addi %add3A_622, %mul3A_621 : i32
        %get3A_624 = arith.index_cast %add3A_623 : i32 to index
        %get3A_625 = tpu.vector_load %arg15[%get3A_624] {strides = array<i32>} : memref<10240xi32, #tpu.memory_space<vmem>>, vector<16xi32>,
        %max3A_626 = arith.maxsi %max3A_612, %get3A_625 : vector<16xi32>
        %mul3A_627 = arith.constant 16 : i32
        %mul3A_628 = arith.muli %scan3A_536, %mul3A_627 : i32
        %add3A_629 = arith.constant 1008 : i32
        %add3A_630 = arith.addi %add3A_629, %mul3A_628 : i32
        %get3A_631 = arith.index_cast %add3A_630 : i32 to index
        %get3A_632 = tpu.vector_load %arg14[%get3A_631] {strides = array<i32>} : memref<10240xf32, #tpu.memory_space<vmem>>, vector<16xf32>,
        %add3A_633 = arith.addf %add3A_619, %get3A_632 : vector<16xf32>
        %mul3A_634 = arith.constant 16 : i32
        %mul3A_635 = arith.muli %scan3A_536, %mul3A_634 : i32
        %add3A_636 = arith.constant 1008 : i32
        %add3A_637 = arith.addi %add3A_636, %mul3A_635 : i32
        %get3A_638 = arith.index_cast %add3A_637 : i32 to index
        %get3A_639 = tpu.vector_load %arg15[%get3A_638] {strides = array<i32>} : memref<10240xi32, #tpu.memory_space<vmem>>, vector<16xi32>,
        %max3A_640 = arith.maxsi %max3A_626, %get3A_639 : vector<16xi32>
        %mul3A_641 = arith.constant 16 : i32
        %mul3A_642 = arith.muli %scan3A_536, %mul3A_641 : i32
        %add3A_643 = arith.constant 1152 : i32
        %add3A_644 = arith.addi %add3A_643, %mul3A_642 : i32
        %get3A_645 = arith.index_cast %add3A_644 : i32 to index
        %get3A_646 = tpu.vector_load %arg14[%get3A_645] {strides = array<i32>} : memref<10240xf32, #tpu.memory_space<vmem>>, vector<16xf32>,
        %add3A_647 = arith.addf %add3A_633, %get3A_646 : vector<16xf32>
        %mul3A_648 = arith.constant 16 : i32
        %mul3A_649 = arith.muli %scan3A_536, %mul3A_648 : i32
        %add3A_650 = arith.constant 1152 : i32
        %add3A_651 = arith.addi %add3A_650, %mul3A_649 : i32
        %get3A_652 = arith.index_cast %add3A_651 : i32 to index
        %get3A_653 = tpu.vector_load %arg15[%get3A_652] {strides = array<i32>} : memref<10240xi32, #tpu.memory_space<vmem>>, vector<16xi32>,
        %max3A_654 = arith.maxsi %max3A_640, %get3A_653 : vector<16xi32>
        %mul3A_655 = arith.constant 16 : i32
        %mul3A_656 = arith.muli %scan3A_536, %mul3A_655 : i32
        %add3A_657 = arith.constant 1296 : i32
        %add3A_658 = arith.addi %add3A_657, %mul3A_656 : i32
        %get3A_659 = arith.index_cast %add3A_658 : i32 to index
        %get3A_660 = tpu.vector_load %arg14[%get3A_659] {strides = array<i32>} : memref<10240xf32, #tpu.memory_space<vmem>>, vector<16xf32>,
        %add3A_661 = arith.addf %add3A_647, %get3A_660 : vector<16xf32>
        %mul3A_662 = arith.constant 16 : i32
        %mul3A_663 = arith.muli %scan3A_536, %mul3A_662 : i32
        %add3A_664 = arith.constant 1296 : i32
        %add3A_665 = arith.addi %add3A_664, %mul3A_663 : i32
        %get3A_666 = arith.index_cast %add3A_665 : i32 to index
        %get3A_667 = tpu.vector_load %arg15[%get3A_666] {strides = array<i32>} : memref<10240xi32, #tpu.memory_space<vmem>>, vector<16xi32>,
        %max3A_668 = arith.maxsi %max3A_654, %get3A_667 : vector<16xi32>
        %mul3A_669 = arith.constant 16 : i32
        %mul3A_670 = arith.muli %scan3A_536, %mul3A_669 : i32
        %add3A_671 = arith.constant 1440 : i32
        %add3A_672 = arith.addi %add3A_671, %mul3A_670 : i32
        %get3A_673 = arith.index_cast %add3A_672 : i32 to index
        %get3A_674 = tpu.vector_load %arg14[%get3A_673] {strides = array<i32>} : memref<10240xf32, #tpu.memory_space<vmem>>, vector<16xf32>,
        %add3A_675 = arith.addf %add3A_661, %get3A_674 : vector<16xf32>
        %mul3A_676 = arith.constant 16 : i32
        %mul3A_677 = arith.muli %scan3A_536, %mul3A_676 : i32
        %add3A_678 = arith.constant 1440 : i32
        %add3A_679 = arith.addi %add3A_678, %mul3A_677 : i32
        %get3A_680 = arith.index_cast %add3A_679 : i32 to index
        %get3A_681 = tpu.vector_load %arg15[%get3A_680] {strides = array<i32>} : memref<10240xi32, #tpu.memory_space<vmem>>, vector<16xi32>,
        %max3A_682 = arith.maxsi %max3A_668, %get3A_681 : vector<16xi32>
        %mul3A_683 = arith.constant 16 : i32
        %mul3A_684 = arith.muli %scan3A_536, %mul3A_683 : i32
        %add3A_685 = arith.constant 1584 : i32
        %add3A_686 = arith.addi %add3A_685, %mul3A_684 : i32
        %get3A_687 = arith.index_cast %add3A_686 : i32 to index
        %get3A_688 = tpu.vector_load %arg14[%get3A_687] {strides = array<i32>} : memref<10240xf32, #tpu.memory_space<vmem>>, vector<16xf32>,
        %add3A_689 = arith.addf %add3A_675, %get3A_688 : vector<16xf32>
        %mul3A_690 = arith.constant 16 : i32
        %mul3A_691 = arith.muli %scan3A_536, %mul3A_690 : i32
        %add3A_692 = arith.constant 1584 : i32
        %add3A_693 = arith.addi %add3A_692, %mul3A_691 : i32
        %get3A_694 = arith.index_cast %add3A_693 : i32 to index
        %get3A_695 = tpu.vector_load %arg15[%get3A_694] {strides = array<i32>} : memref<10240xi32, #tpu.memory_space<vmem>>, vector<16xi32>,
        %max3A_696 = arith.maxsi %max3A_682, %get3A_695 : vector<16xi32>
        %mul3A_697 = arith.constant 16 : i32
        %mul3A_698 = arith.muli %scan3A_536, %mul3A_697 : i32
        %add3A_699 = arith.constant 1728 : i32
        %add3A_700 = arith.addi %add3A_699, %mul3A_698 : i32
        %get3A_701 = arith.index_cast %add3A_700 : i32 to index
        %get3A_702 = tpu.vector_load %arg14[%get3A_701] {strides = array<i32>} : memref<10240xf32, #tpu.memory_space<vmem>>, vector<16xf32>,
        %add3A_703 = arith.addf %add3A_689, %get3A_702 : vector<16xf32>
        %mul3A_704 = arith.constant 16 : i32
        %mul3A_705 = arith.muli %scan3A_536, %mul3A_704 : i32
        %add3A_706 = arith.constant 1728 : i32
        %add3A_707 = arith.addi %add3A_706, %mul3A_705 : i32
        %get3A_708 = arith.index_cast %add3A_707 : i32 to index
        %get3A_709 = tpu.vector_load %arg15[%get3A_708] {strides = array<i32>} : memref<10240xi32, #tpu.memory_space<vmem>>, vector<16xi32>,
        %max3A_710 = arith.maxsi %max3A_696, %get3A_709 : vector<16xi32>
        %mul3A_711 = arith.constant 16 : i32
        %mul3A_712 = arith.muli %scan3A_536, %mul3A_711 : i32
        %add3A_713 = arith.constant 1872 : i32
        %add3A_714 = arith.addi %add3A_713, %mul3A_712 : i32
        %get3A_715 = arith.index_cast %add3A_714 : i32 to index
        %get3A_716 = tpu.vector_load %arg14[%get3A_715] {strides = array<i32>} : memref<10240xf32, #tpu.memory_space<vmem>>, vector<16xf32>,
        %add3A_717 = arith.addf %add3A_703, %get3A_716 : vector<16xf32>
        %mul3A_718 = arith.constant 16 : i32
        %mul3A_719 = arith.muli %scan3A_536, %mul3A_718 : i32
        %add3A_720 = arith.constant 1872 : i32
        %add3A_721 = arith.addi %add3A_720, %mul3A_719 : i32
        %get3A_722 = arith.index_cast %add3A_721 : i32 to index
        %get3A_723 = tpu.vector_load %arg15[%get3A_722] {strides = array<i32>} : memref<10240xi32, #tpu.memory_space<vmem>>, vector<16xi32>,
        %max3A_724 = arith.maxsi %max3A_710, %get3A_723 : vector<16xi32>
        %mul3A_725 = arith.constant 16 : i32
        %mul3A_726 = arith.muli %scan3A_536, %mul3A_725 : i32
        %add3A_727 = arith.constant 2016 : i32
        %add3A_728 = arith.addi %add3A_727, %mul3A_726 : i32
        %get3A_729 = arith.index_cast %add3A_728 : i32 to index
        %get3A_730 = tpu.vector_load %arg14[%get3A_729] {strides = array<i32>} : memref<10240xf32, #tpu.memory_space<vmem>>, vector<16xf32>,
        %add3A_731 = arith.addf %add3A_717, %get3A_730 : vector<16xf32>
        %mul3A_732 = arith.constant 16 : i32
        %mul3A_733 = arith.muli %scan3A_536, %mul3A_732 : i32
        %add3A_734 = arith.constant 2016 : i32
        %add3A_735 = arith.addi %add3A_734, %mul3A_733 : i32
        %get3A_736 = arith.index_cast %add3A_735 : i32 to index
        %get3A_737 = tpu.vector_load %arg15[%get3A_736] {strides = array<i32>} : memref<10240xi32, #tpu.memory_space<vmem>>, vector<16xi32>,
        %max3A_738 = arith.maxsi %max3A_724, %get3A_737 : vector<16xi32>
        %mul3A_739 = arith.constant 16 : i32
        %mul3A_740 = arith.muli %scan3A_536, %mul3A_739 : i32
        %add3A_741 = arith.constant 2160 : i32
        %add3A_742 = arith.addi %add3A_741, %mul3A_740 : i32
        %get3A_743 = arith.index_cast %add3A_742 : i32 to index
        %get3A_744 = tpu.vector_load %arg14[%get3A_743] {strides = array<i32>} : memref<10240xf32, #tpu.memory_space<vmem>>, vector<16xf32>,
        %add3A_745 = arith.addf %add3A_731, %get3A_744 : vector<16xf32>
        %mul3A_746 = arith.constant 16 : i32
        %mul3A_747 = arith.muli %scan3A_536, %mul3A_746 : i32
        %add3A_748 = arith.constant 2160 : i32
        %add3A_749 = arith.addi %add3A_748, %mul3A_747 : i32
        %get3A_750 = arith.index_cast %add3A_749 : i32 to index
        %get3A_751 = tpu.vector_load %arg15[%get3A_750] {strides = array<i32>} : memref<10240xi32, #tpu.memory_space<vmem>>, vector<16xi32>,
        %max3A_752 = arith.maxsi %max3A_738, %get3A_751 : vector<16xi32>
        %mul3A_753 = arith.constant 16 : i32
        %mul3A_754 = arith.muli %scan3A_536, %mul3A_753 : i32
        %swap3A = arith.index_cast %mul3A_754 : i32 to index
        %swap3A_755 = tpu.vector_load %arg12[%swap3A] {strides = array<i32>} : memref<10240xf32, #tpu.memory_space<vmem>>, vector<16xf32>,
        tpu.vector_store %arg12[%swap3A], %add3A_745 {strides = array<i32>} : memref<10240xf32, #tpu.memory_space<vmem>>, vector<16xf32>,
        %lt3A = arith.constant 0 : i32
        %lt3A_756 = vector.broadcast %lt3A : i32 to vector<16xi32>
        %lt3A_757 = arith.cmpi slt, %max3A_752, %lt3A_756 : vector<16xi32>
        %and3A = arith.constant 16383 : i32
        %and3A_758 = vector.broadcast %and3A : i32 to vector<16xi32>
        %and3A_759 = arith.andi %max3A_752, %and3A_758 : vector<16xi32>
        %jit3A = arith.constant 0 : i32
        %broadcast_in_dim3A_760 = vector.broadcast %jit3A : i32 to vector<16xi32>
        %select_n3A = arith.select %lt3A_757, %broadcast_in_dim3A_760, %and3A_759 : vector<16xi1>, vector<16xi32>
        %mul3A_761 = arith.constant 16 : i32
        %mul3A_762 = arith.muli %scan3A_536, %mul3A_761 : i32
        %swap3A_763 = arith.index_cast %mul3A_762 : i32 to index
        %swap3A_764 = tpu.vector_load %arg13[%swap3A_763] {strides = array<i32>} : memref<10240xi32, #tpu.memory_space<vmem>>, vector<16xi32>,
        tpu.vector_store %arg13[%swap3A_763], %select_n3A {strides = array<i32>} : memref<10240xi32, #tpu.memory_space<vmem>>, vector<16xi32>,
      }
      %scan3A_535 = arith.constant 9 : i32
      "tpu.region"() ({
        %run_scoped3A = tpu.sem_alloc : memref<!tpu.dma_semaphore, #tpu.memory_space<semaphore_mem>>
        %dma_start3A_536 = arith.constant 0 : i32
        %dma_start3A_537 = tpu.memref_slice %arg12[%dma_start3A_536] : memref<10240xf32, #tpu.memory_space<vmem>> -> memref<144xf32, #tpu.memory_space<vmem>>
        %dma_start3A_538 = tpu.memref_slice %arg8[%mul3A_82] : memref<2304xf32, #tpu.memory_space<hbm>> -> memref<144xf32, #tpu.memory_space<hbm>>
        %dma_start3A_539 = tpu.memref_slice %arg8[%mul3A_82] : memref<2304xf32, #tpu.memory_space<hbm>> -> memref<144xf32, #tpu.memory_space<hbm>>
        %dma_start3A_540 = arith.constant 0 : i32
        %dma_start3A_541 = tpu.memref_slice %arg12[%dma_start3A_540] : memref<10240xf32, #tpu.memory_space<vmem>> -> memref<144xf32, #tpu.memory_space<vmem>>
        tpu.enqueue_dma source(%dma_start3A_541 : memref<144xf32, #tpu.memory_space<vmem>>) target(%dma_start3A_539 : memref<144xf32, #tpu.memory_space<hbm>>) target_semaphore(%run_scoped3A : memref<!tpu.dma_semaphore, #tpu.memory_space<semaphore_mem>>)
        %dma_wait3A_542 = arith.constant 0 : i32
        %dma_wait3A_543 = tpu.memref_slice %arg12[%dma_wait3A_542] : memref<10240xf32, #tpu.memory_space<vmem>> -> memref<144xf32, #tpu.memory_space<vmem>>
        %dma_wait3A_544 = tpu.memref_slice %arg8[%mul3A_82] : memref<2304xf32, #tpu.memory_space<hbm>> -> memref<144xf32, #tpu.memory_space<hbm>>
        %dma_wait3A_545 = tpu.memref_slice %arg8[%mul3A_82] : memref<2304xf32, #tpu.memory_space<hbm>> -> memref<144xf32, #tpu.memory_space<hbm>>
        %dma_wait3A_546 = arith.constant 0 : i32
        %dma_wait3A_547 = tpu.memref_slice %arg12[%dma_wait3A_546] : memref<10240xf32, #tpu.memory_space<vmem>> -> memref<144xf32, #tpu.memory_space<vmem>>
        tpu.wait_dma2 semaphore(%run_scoped3A : memref<!tpu.dma_semaphore, #tpu.memory_space<semaphore_mem>>) src(%dma_wait3A_547 : memref<144xf32, #tpu.memory_space<vmem>>) dst(%dma_wait3A_545 : memref<144xf32, #tpu.memory_space<hbm>>)
        tpu.yield
      }) : () -> ()
      "tpu.region"() ({
        %run_scoped3A = tpu.sem_alloc : memref<!tpu.dma_semaphore, #tpu.memory_space<semaphore_mem>>
        %dma_start3A_536 = arith.constant 0 : i32
        %dma_start3A_537 = tpu.memref_slice %arg13[%dma_start3A_536] : memref<10240xi32, #tpu.memory_space<vmem>> -> memref<144xi32, #tpu.memory_space<vmem>>
        %dma_start3A_538 = tpu.memref_slice %arg9[%mul3A_82] : memref<2304xi32, #tpu.memory_space<hbm>> -> memref<144xi32, #tpu.memory_space<hbm>>
        %dma_start3A_539 = tpu.memref_slice %arg9[%mul3A_82] : memref<2304xi32, #tpu.memory_space<hbm>> -> memref<144xi32, #tpu.memory_space<hbm>>
        %dma_start3A_540 = arith.constant 0 : i32
        %dma_start3A_541 = tpu.memref_slice %arg13[%dma_start3A_540] : memref<10240xi32, #tpu.memory_space<vmem>> -> memref<144xi32, #tpu.memory_space<vmem>>
        tpu.enqueue_dma source(%dma_start3A_541 : memref<144xi32, #tpu.memory_space<vmem>>) target(%dma_start3A_539 : memref<144xi32, #tpu.memory_space<hbm>>) target_semaphore(%run_scoped3A : memref<!tpu.dma_semaphore, #tpu.memory_space<semaphore_mem>>)
        %dma_wait3A_542 = arith.constant 0 : i32
        %dma_wait3A_543 = tpu.memref_slice %arg13[%dma_wait3A_542] : memref<10240xi32, #tpu.memory_space<vmem>> -> memref<144xi32, #tpu.memory_space<vmem>>
        %dma_wait3A_544 = tpu.memref_slice %arg9[%mul3A_82] : memref<2304xi32, #tpu.memory_space<hbm>> -> memref<144xi32, #tpu.memory_space<hbm>>
        %dma_wait3A_545 = tpu.memref_slice %arg9[%mul3A_82] : memref<2304xi32, #tpu.memory_space<hbm>> -> memref<144xi32, #tpu.memory_space<hbm>>
        %dma_wait3A_546 = arith.constant 0 : i32
        %dma_wait3A_547 = tpu.memref_slice %arg13[%dma_wait3A_546] : memref<10240xi32, #tpu.memory_space<vmem>> -> memref<144xi32, #tpu.memory_space<vmem>>
        tpu.wait_dma2 semaphore(%run_scoped3A : memref<!tpu.dma_semaphore, #tpu.memory_space<semaphore_mem>>) src(%dma_wait3A_547 : memref<144xi32, #tpu.memory_space<vmem>>) dst(%dma_wait3A_545 : memref<144xi32, #tpu.memory_space<hbm>>)
        tpu.yield
      }) : () -> ()
    } else {
    }
    return
  }
}

module attributes {stable_mosaic.version = 14 : i64} {
  func.func @_phi_body(%arg0: i32, %arg1: memref<2048x128xf32, #tpu.memory_space<vmem>>, %arg2: memref<128x128xf32, #tpu.memory_space<vmem>>, %arg3: memref<1x128xf32, #tpu.memory_space<vmem>>, %arg4: memref<2048x128xf32, #tpu.memory_space<vmem>>) attributes {dimension_semantics = [#tpu.dimension_semantics<arbitrary>], iteration_bounds = array<i64: 5>, scalar_prefetch = 0 : i64, scratch_operands = 0 : i64, tpu.core_type = #tpu.core_type<tc>, window_params = [{transform_indices = @transform_0, window_bounds = array<i64: 2048, 128>}, {pipeline_mode = #tpu.pipeline_mode<synchronous>, transform_indices = @transform_1, window_bounds = array<i64: 128, 128>}, {pipeline_mode = #tpu.pipeline_mode<synchronous>, transform_indices = @transform_2, window_bounds = array<i64: 1, 128>}, {transform_indices = @transform_3, window_bounds = array<i64: 2048, 128>}]} {
    %get3A = arith.constant 0 : index
    %get3A_0 = arith.constant 0 : index
    %get3A_1 = vector.load %arg1[%get3A, %get3A_0] : memref<2048x128xf32, #tpu.memory_space<vmem>>, vector<2048x128xf32>
    %get3A_2 = arith.constant 0 : index
    %get3A_3 = arith.constant 0 : index
    %get3A_4 = vector.load %arg2[%get3A_2, %get3A_3] : memref<128x128xf32, #tpu.memory_space<vmem>>, vector<128x128xf32>
    %dot_general3A = arith.constant dense<0.000000e+00> : vector<2048x128xf32>
    %dot_general3A_5 = tpu.matmul %get3A_1, %get3A_4, %dot_general3A {dimension_numbers = #tpu.dot_dimension_numbers<[1], [0], [0], [1], [0, 0, 1, 1], [], []>, transpose_lhs_hint = false} : vector<2048x128xf32>, vector<128x128xf32>, vector<2048x128xf32> -> vector<2048x128xf32>
    %get3A_6 = arith.constant 0 : index
    %get3A_7 = arith.constant 0 : index
    %get3A_8 = vector.load %arg3[%get3A_6, %get3A_7] : memref<1x128xf32, #tpu.memory_space<vmem>>, vector<1x128xf32>
    %add3A = vector.broadcast %get3A_8 : vector<1x128xf32> to vector<2048x128xf32>
    %add3A_9 = arith.addf %dot_general3A_5, %add3A : vector<2048x128xf32>
    %max3A = arith.constant 0.000000e+00 : f32
    %max3A_10 = vector.broadcast %max3A : f32 to vector<2048x128xf32>
    %max3A_11 = arith.maximumf %add3A_9, %max3A_10 : vector<2048x128xf32>
    %swap3A = arith.constant 0 : index
    %swap3A_12 = arith.constant 0 : index
    %swap3A_13 = vector.load %arg4[%swap3A, %swap3A_12] : memref<2048x128xf32, #tpu.memory_space<vmem>>, vector<2048x128xf32>
    tpu.vector_store %arg4[%swap3A, %swap3A_12], %max3A_11 {strides = array<i32>} : memref<2048x128xf32, #tpu.memory_space<vmem>>, vector<2048x128xf32>,
    return
  }
  func.func @transform_0(%arg0: i32) -> (i32, i32) {
    %c0_i32 = arith.constant 0 : i32
    %c0_i32_0 = arith.constant 0 : i32
    return %arg0, %c0_i32 : i32, i32
  }
  func.func @transform_1(%arg0: i32) -> (i32, i32) {
    %c0_i32 = arith.constant 0 : i32
    %c0_i32_0 = arith.constant 0 : i32
    %c0_i32_1 = arith.constant 0 : i32
    return %c0_i32, %c0_i32_0 : i32, i32
  }
  func.func @transform_2(%arg0: i32) -> (i32, i32) {
    %c0_i32 = arith.constant 0 : i32
    %c0_i32_0 = arith.constant 0 : i32
    %c0_i32_1 = arith.constant 0 : i32
    return %c0_i32, %c0_i32_0 : i32, i32
  }
  func.func @transform_3(%arg0: i32) -> (i32, i32) {
    %c0_i32 = arith.constant 0 : i32
    %c0_i32_0 = arith.constant 0 : i32
    return %arg0, %c0_i32 : i32, i32
  }
}

module attributes {stable_mosaic.version = 14 : i64} {
  func.func @_c_body(%arg0: memref<2048x128xf32, #tpu.memory_space<vmem>>, %arg1: memref<128x128xf32, #tpu.memory_space<vmem>>, %arg2: memref<1x128xf32, #tpu.memory_space<vmem>>, %arg3: memref<128x128xf32, #tpu.memory_space<vmem>>, %arg4: memref<1x128xf32, #tpu.memory_space<vmem>>, %arg5: memref<2048x128xf32, #tpu.memory_space<vmem>>, %arg6: memref<2048x128xf32, #tpu.memory_space<vmem>>) attributes {dimension_semantics = [], scalar_prefetch = 0 : i64, scratch_operands = 0 : i64, tpu.core_type = #tpu.core_type<tc>} {
    %get3A = arith.constant 0 : index
    %get3A_0 = arith.constant 0 : index
    %get3A_1 = vector.load %arg0[%get3A, %get3A_0] : memref<2048x128xf32, #tpu.memory_space<vmem>>, vector<2048x128xf32>
    %get3A_2 = arith.constant 0 : index
    %get3A_3 = arith.constant 0 : index
    %get3A_4 = vector.load %arg1[%get3A_2, %get3A_3] : memref<128x128xf32, #tpu.memory_space<vmem>>, vector<128x128xf32>
    %dot_general3A = arith.constant dense<0.000000e+00> : vector<2048x128xf32>
    %dot_general3A_5 = tpu.matmul %get3A_1, %get3A_4, %dot_general3A {dimension_numbers = #tpu.dot_dimension_numbers<[1], [0], [0], [1], [0, 0, 1, 1], [], []>, transpose_lhs_hint = false} : vector<2048x128xf32>, vector<128x128xf32>, vector<2048x128xf32> -> vector<2048x128xf32>
    %get3A_6 = arith.constant 0 : index
    %get3A_7 = arith.constant 0 : index
    %get3A_8 = vector.load %arg2[%get3A_6, %get3A_7] : memref<1x128xf32, #tpu.memory_space<vmem>>, vector<1x128xf32>
    %add3A = vector.broadcast %get3A_8 : vector<1x128xf32> to vector<2048x128xf32>
    %add3A_9 = arith.addf %dot_general3A_5, %add3A : vector<2048x128xf32>
    %max3A = arith.constant 0.000000e+00 : f32
    %max3A_10 = vector.broadcast %max3A : f32 to vector<2048x128xf32>
    %max3A_11 = arith.maximumf %add3A_9, %max3A_10 : vector<2048x128xf32>
    %swap3A = arith.constant 0 : index
    %swap3A_12 = arith.constant 0 : index
    %swap3A_13 = vector.load %arg5[%swap3A, %swap3A_12] : memref<2048x128xf32, #tpu.memory_space<vmem>>, vector<2048x128xf32>
    tpu.vector_store %arg5[%swap3A, %swap3A_12], %max3A_11 {strides = array<i32>} : memref<2048x128xf32, #tpu.memory_space<vmem>>, vector<2048x128xf32>,
    %get3A_14 = arith.constant 0 : index
    %get3A_15 = arith.constant 0 : index
    %get3A_16 = vector.load %arg3[%get3A_14, %get3A_15] : memref<128x128xf32, #tpu.memory_space<vmem>>, vector<128x128xf32>
    %dot_general3A_17 = arith.constant dense<0.000000e+00> : vector<2048x128xf32>
    %dot_general3A_18 = tpu.matmul %get3A_1, %get3A_16, %dot_general3A_17 {dimension_numbers = #tpu.dot_dimension_numbers<[1], [0], [0], [1], [0, 0, 1, 1], [], []>, transpose_lhs_hint = false} : vector<2048x128xf32>, vector<128x128xf32>, vector<2048x128xf32> -> vector<2048x128xf32>
    %get3A_19 = arith.constant 0 : index
    %get3A_20 = arith.constant 0 : index
    %get3A_21 = vector.load %arg4[%get3A_19, %get3A_20] : memref<1x128xf32, #tpu.memory_space<vmem>>, vector<1x128xf32>
    %add3A_22 = vector.broadcast %get3A_21 : vector<1x128xf32> to vector<2048x128xf32>
    %add3A_23 = arith.addf %dot_general3A_18, %add3A_22 : vector<2048x128xf32>
    %max3A_24 = arith.constant 0.000000e+00 : f32
    %max3A_25 = vector.broadcast %max3A_24 : f32 to vector<2048x128xf32>
    %max3A_26 = arith.maximumf %add3A_23, %max3A_25 : vector<2048x128xf32>
    %swap3A_27 = arith.constant 0 : index
    %swap3A_28 = arith.constant 0 : index
    %swap3A_29 = vector.load %arg6[%swap3A_27, %swap3A_28] : memref<2048x128xf32, #tpu.memory_space<vmem>>, vector<2048x128xf32>
    tpu.vector_store %arg6[%swap3A_27, %swap3A_28], %max3A_26 {strides = array<i32>} : memref<2048x128xf32, #tpu.memory_space<vmem>>, vector<2048x128xf32>,
    return
  }
}

module attributes {stable_mosaic.version = 14 : i64} {
  func.func @_out_body(%arg0: i32, %arg1: memref<2048x128xf32, #tpu.memory_space<vmem>>, %arg2: memref<128x128xf32, #tpu.memory_space<vmem>>, %arg3: memref<1x128xf32, #tpu.memory_space<vmem>>, %arg4: memref<2048x1xf32, #tpu.memory_space<vmem>>, %arg5: memref<2048x128xf32, #tpu.memory_space<vmem>>, %arg6: memref<2048x1xf32, #tpu.memory_space<vmem>>, %arg7: memref<2048x128xf32, #tpu.memory_space<vmem>>, %arg8: memref<128x128xf32, #tpu.memory_space<vmem>>, %arg9: memref<1x128xf32, #tpu.memory_space<vmem>>, %arg10: memref<2048x128xf32, #tpu.memory_space<vmem>>) attributes {dimension_semantics = [#tpu.dimension_semantics<arbitrary>], iteration_bounds = array<i64: 5>, scalar_prefetch = 0 : i64, scratch_operands = 0 : i64, tpu.core_type = #tpu.core_type<tc>, window_params = [{transform_indices = @transform_0, window_bounds = array<i64: 2048, 128>}, {pipeline_mode = #tpu.pipeline_mode<synchronous>, transform_indices = @transform_1, window_bounds = array<i64: 128, 128>}, {pipeline_mode = #tpu.pipeline_mode<synchronous>, transform_indices = @transform_2, window_bounds = array<i64: 1, 128>}, {transform_indices = @transform_3, window_bounds = array<i64: 2048, 1>}, {transform_indices = @transform_4, window_bounds = array<i64: 2048, 128>}, {transform_indices = @transform_5, window_bounds = array<i64: 2048, 1>}, {transform_indices = @transform_6, window_bounds = array<i64: 2048, 128>}, {pipeline_mode = #tpu.pipeline_mode<synchronous>, transform_indices = @transform_7, window_bounds = array<i64: 128, 128>}, {pipeline_mode = #tpu.pipeline_mode<synchronous>, transform_indices = @transform_8, window_bounds = array<i64: 1, 128>}, {transform_indices = @transform_9, window_bounds = array<i64: 2048, 128>}]} {
    %get3A = arith.constant 0 : index
    %get3A_0 = arith.constant 0 : index
    %get3A_1 = vector.load %arg1[%get3A, %get3A_0] : memref<2048x128xf32, #tpu.memory_space<vmem>>, vector<2048x128xf32>
    %get3A_2 = arith.constant 0 : index
    %get3A_3 = arith.constant 0 : index
    %get3A_4 = vector.load %arg2[%get3A_2, %get3A_3] : memref<128x128xf32, #tpu.memory_space<vmem>>, vector<128x128xf32>
    %dot_general3A = arith.constant dense<0.000000e+00> : vector<2048x128xf32>
    %dot_general3A_5 = tpu.matmul %get3A_1, %get3A_4, %dot_general3A {dimension_numbers = #tpu.dot_dimension_numbers<[1], [0], [0], [1], [0, 0, 1, 1], [], []>, transpose_lhs_hint = false} : vector<2048x128xf32>, vector<128x128xf32>, vector<2048x128xf32> -> vector<2048x128xf32>
    %get3A_6 = arith.constant 0 : index
    %get3A_7 = arith.constant 0 : index
    %get3A_8 = vector.load %arg3[%get3A_6, %get3A_7] : memref<1x128xf32, #tpu.memory_space<vmem>>, vector<1x128xf32>
    %add3A = vector.broadcast %get3A_8 : vector<1x128xf32> to vector<2048x128xf32>
    %add3A_9 = arith.addf %dot_general3A_5, %add3A : vector<2048x128xf32>
    %max3A = arith.constant 0.000000e+00 : f32
    %max3A_10 = vector.broadcast %max3A : f32 to vector<2048x128xf32>
    %max3A_11 = arith.maximumf %add3A_9, %max3A_10 : vector<2048x128xf32>
    %get3A_12 = arith.constant 0 : index
    %get3A_13 = arith.constant 0 : index
    %get3A_14 = vector.load %arg4[%get3A_12, %get3A_13] : memref<2048x1xf32, #tpu.memory_space<vmem>>, vector<2048x1xf32>
    %get3A_15 = arith.constant 0 : index
    %get3A_16 = arith.constant 0 : index
    %get3A_17 = vector.load %arg5[%get3A_15, %get3A_16] : memref<2048x128xf32, #tpu.memory_space<vmem>>, vector<2048x128xf32>
    %mul3A = vector.broadcast %get3A_14 : vector<2048x1xf32> to vector<2048x128xf32>
    %mul3A_18 = arith.mulf %mul3A, %get3A_17 : vector<2048x128xf32>
    %add3A_19 = arith.addf %max3A_11, %mul3A_18 : vector<2048x128xf32>
    %eq3A = arith.constant 0 : i32
    %eq3A_20 = arith.cmpi eq, %arg0, %eq3A : i32
    %jit3A = arith.constant 1.000000e+00 : f32
    %jit3A_21 = arith.constant 0.000000e+00 : f32
    %select_n3A = arith.select %eq3A_20, %jit3A, %jit3A_21 : f32
    %get3A_22 = arith.constant 0 : index
    %get3A_23 = arith.constant 0 : index
    %get3A_24 = vector.load %arg6[%get3A_22, %get3A_23] : memref<2048x1xf32, #tpu.memory_space<vmem>>, vector<2048x1xf32>
    %get3A_25 = arith.constant 0 : index
    %get3A_26 = arith.constant 0 : index
    %get3A_27 = vector.load %arg7[%get3A_25, %get3A_26] : memref<2048x128xf32, #tpu.memory_space<vmem>>, vector<2048x128xf32>
    %mul3A_28 = vector.broadcast %get3A_24 : vector<2048x1xf32> to vector<2048x128xf32>
    %mul3A_29 = arith.mulf %mul3A_28, %get3A_27 : vector<2048x128xf32>
    %mul3A_30 = vector.broadcast %select_n3A : f32 to vector<2048x128xf32>
    %mul3A_31 = arith.mulf %mul3A_30, %mul3A_29 : vector<2048x128xf32>
    %add3A_32 = arith.addf %add3A_19, %mul3A_31 : vector<2048x128xf32>
    %get3A_33 = arith.constant 0 : index
    %get3A_34 = arith.constant 0 : index
    %get3A_35 = vector.load %arg8[%get3A_33, %get3A_34] : memref<128x128xf32, #tpu.memory_space<vmem>>, vector<128x128xf32>
    %dot_general3A_36 = arith.constant dense<0.000000e+00> : vector<2048x128xf32>
    %dot_general3A_37 = tpu.matmul %add3A_32, %get3A_35, %dot_general3A_36 {dimension_numbers = #tpu.dot_dimension_numbers<[1], [0], [0], [1], [0, 0, 1, 1], [], []>, transpose_lhs_hint = false} : vector<2048x128xf32>, vector<128x128xf32>, vector<2048x128xf32> -> vector<2048x128xf32>
    %get3A_38 = arith.constant 0 : index
    %get3A_39 = arith.constant 0 : index
    %get3A_40 = vector.load %arg9[%get3A_38, %get3A_39] : memref<1x128xf32, #tpu.memory_space<vmem>>, vector<1x128xf32>
    %add3A_41 = vector.broadcast %get3A_40 : vector<1x128xf32> to vector<2048x128xf32>
    %add3A_42 = arith.addf %dot_general3A_37, %add3A_41 : vector<2048x128xf32>
    %swap3A = arith.constant 0 : index
    %swap3A_43 = arith.constant 0 : index
    %swap3A_44 = vector.load %arg10[%swap3A, %swap3A_43] : memref<2048x128xf32, #tpu.memory_space<vmem>>, vector<2048x128xf32>
    tpu.vector_store %arg10[%swap3A, %swap3A_43], %add3A_42 {strides = array<i32>} : memref<2048x128xf32, #tpu.memory_space<vmem>>, vector<2048x128xf32>,
    return
  }
  func.func @transform_0(%arg0: i32) -> (i32, i32) {
    %c0_i32 = arith.constant 0 : i32
    %c0_i32_0 = arith.constant 0 : i32
    return %arg0, %c0_i32 : i32, i32
  }
  func.func @transform_1(%arg0: i32) -> (i32, i32) {
    %c0_i32 = arith.constant 0 : i32
    %c0_i32_0 = arith.constant 0 : i32
    %c0_i32_1 = arith.constant 0 : i32
    return %c0_i32, %c0_i32_0 : i32, i32
  }
  func.func @transform_2(%arg0: i32) -> (i32, i32) {
    %c0_i32 = arith.constant 0 : i32
    %c0_i32_0 = arith.constant 0 : i32
    %c0_i32_1 = arith.constant 0 : i32
    return %c0_i32, %c0_i32_0 : i32, i32
  }
  func.func @transform_3(%arg0: i32) -> (i32, i32) {
    %c0_i32 = arith.constant 0 : i32
    %c0_i32_0 = arith.constant 0 : i32
    return %arg0, %c0_i32 : i32, i32
  }
  func.func @transform_4(%arg0: i32) -> (i32, i32) {
    %c0_i32 = arith.constant 0 : i32
    %c0_i32_0 = arith.constant 0 : i32
    return %arg0, %c0_i32 : i32, i32
  }
  func.func @transform_5(%arg0: i32) -> (i32, i32) {
    %c0_i32 = arith.constant 0 : i32
    %c0_i32_0 = arith.constant 0 : i32
    %c0_i32_1 = arith.constant 0 : i32
    return %c0_i32, %c0_i32_0 : i32, i32
  }
  func.func @transform_6(%arg0: i32) -> (i32, i32) {
    %c0_i32 = arith.constant 0 : i32
    %c0_i32_0 = arith.constant 0 : i32
    %c0_i32_1 = arith.constant 0 : i32
    return %c0_i32, %c0_i32_0 : i32, i32
  }
  func.func @transform_7(%arg0: i32) -> (i32, i32) {
    %c0_i32 = arith.constant 0 : i32
    %c0_i32_0 = arith.constant 0 : i32
    %c0_i32_1 = arith.constant 0 : i32
    return %c0_i32, %c0_i32_0 : i32, i32
  }
  func.func @transform_8(%arg0: i32) -> (i32, i32) {
    %c0_i32 = arith.constant 0 : i32
    %c0_i32_0 = arith.constant 0 : i32
    %c0_i32_1 = arith.constant 0 : i32
    return %c0_i32, %c0_i32_0 : i32, i32
  }
  func.func @transform_9(%arg0: i32) -> (i32, i32) {
    %c0_i32 = arith.constant 0 : i32
    %c0_i32_0 = arith.constant 0 : i32
    return %arg0, %c0_i32 : i32, i32
  }
}

</mosaic_0001>

<sc_bundles>
// kernel: kernel.10.cloned.1.call-start
scs
__scs_entry_jumppad:
0x0: {  	(pc) =	sbr.rel $0x88, $3  }
0x1: {  	(tag) =	ssettag $0x0;
	lr =	simm.s32 $0x1  }
0x2: {  	[smem:$0x3F93] =	sst lr;
	_ =	strace $0xD0000000  }
0x3: {  	_ = 	snop  }
0x4: {  	_ = 	snop  }
0x5: {  	_ = 	snop  }
0x6: {  	_ = 	snop  }
0x7: {  	_ = 	snop  }
__scs_overlays_trampoline_lowered:
0x8: {  	[smem:$0x3FA2] =	sst s0  }
0x9: {  	[smem:$0x3FA3] =	sst s1  }
0xa: {  	[smem:$0x3FA4] =	sst s2  }
0xb: {  	[smem:$0x3FA5] =	sst s3  }
0xc: {  	[smem:$0x3FA6] =	sst s4  }
0xd: {  	[smem:$0x3FA7] =	sst s5  }
0xe: {  	[smem:$0x3FA8] =	sst s6  }
0xf: {  	[smem:$0x3FA9] =	sst s7  }
0x10: {  	[smem:$0x3FAA] =	sst s8  }
0x11: {  	[smem:$0x3FAB] =	sst s9;
	s0 =	simm.s32 @!p0 $0x0  }
0x12: {  	s1 =	sld [smem:$0x3F91];
	s0 =	simm.s32 @p0 $0x1  }
0x13: {  	[smem:$0x3FAC] =	sst s0;
	s0 =	simm.s32 @!p1 $0x0  }
0x14: {  	s2 =	sld [smem:$0x3F90];
	s0 =	simm.s32 @p1 $0x1  }
0x15: {  	[smem:$0x3FAD] =	sst s0;
	s0 =	simm.s32 @!p2 $0x0  }
0x16: {  	s3 =	sld [smem:$0x3FDB];
	s0 =	simm.s32 @p2 $0x1  }
0x17: {  	s4 =	simm.s32 $0x1BF5;
	[smem:$0x3FAF] =	sst s0  }
0x18: {  	s0 =	sld [smem:$0x3F92];
	_ =	swait.ge [sflag:s4], $0x0  }
0x19: {  	s7 =	sld [smem:$0x3F93]  }
0x1a: {  	s8 =	sadd.s32 $0xFFFFE003, lr  }
0x1b: {  	s9 =	sadd.s32 $0xFFFFFEF7, lr;
	s5 =	simm.s32 $0xFFFFFFFF;
	p2 =	slt.u32 s8, $0xFFFFF086  }
0x1c: {  	p1 =	slt.u32 s9, $0xF7A;
	s5 =	simm.s32 @!p2 $0x0  }
0x1d: {  	s5 =	simm.s32 @p1 $0x1;
	p0 =	seq.s32 s7, s2  }
0x1e: {  	s7 =	smul.u32 @!p0 $0xF7A, s2;
	p2 =	seq.s32 @!p0 s5, $0x0  }
0x1f: {  	s9 =	smul.u32 $0xF7A, s1;
	s8 =	simm.s32 @!p0 $0x1BF5;
	p2 =	por !p2, p0  }
0x20: {  	[sflag:s8] =	ssyncset.s32 @!p0 $0xFFFFF086;
	s6 =	sadd.s32 @!p0 s3, s7;
	s7 =	simm.s32 @!p0 $0x108  }
0x21: {  	s3 =	sadd.s32 s3, s9;
	s6 =	sadd.s32 @!p0 $0x88, s6;
	s7 =	simm.s32 @p2 $0x1082  }
0x22: {  	[simem:s7], [sflag:s8] =	dma.local @!p0 [hbm:s6], $0xF7A  }
0x23: {  	s9 =	sor.u32 $0xD0000000, s2;
	s6 =	simm.s32 $0x108;
	_ =	swait.ge @!p0 [sflag:s8], $0x0  }
0x24: {  	s3 =	sadd.s32 $0x88, s3;
	s6 =	simm.s32 @!p1 $0x1082;
	[sflag:s4] =	ssyncset.s32 $0xFFFFF086  }
0x25: {  	[simem:s6], [sflag:s4] =	dma.local [hbm:s3], $0xF7A  }
0x26: {  	[smem:$0x3F93] =	sst s1;
	(tag) =	ssettag s2;
	_ =	strace s9  }
0x27: {  	s1 =	sld [smem:$0x3FA3]  }
0x28: {  	s2 =	sld [smem:$0x3FA4]  }
0x29: {  	s4 =	sld [smem:$0x3FA6]  }
0x2a: {  	p0 =	seq.s32 s5, $0x0;
	s5 =	sld [smem:$0x3FA7]  }
0x2b: {  	s6 =	sld [smem:$0x3FA8]  }
0x2c: {  	s7 =	sld [smem:$0x3FA9]  }
0x2d: {  	s3 =	simm.s32 $0x108;
	s8 =	sld [smem:$0x3FAA]  }
0x2e: {  	s3 =	simm.s32 @!p0 $0x1082;
	s9 =	sld [smem:$0x3FAB]  }
0x2f: {  	lr =	sadd.s32 s0, s3;
	s0 =	sld [smem:$0x3FA2]  }
0x30: {  	s3 =	sld [smem:$0x3FA5]  }
0x31: {  	[smem:$0x3FAE] =	sst s10  }
0x32: {  	s10 =	sld [smem:$0x3FAC];
	_ =	sdelay $0x3  }
0x33: {  	p0 =	seq.s32 s10, $0x1;
	s10 =	sld [smem:$0x3FAE];
	_ =	sdelay $0x3  }
0x34: {  	[smem:$0x3FAE] =	sst s10  }
0x35: {  	s10 =	sld [smem:$0x3FAD];
	_ =	sdelay $0x3  }
0x36: {  	p1 =	seq.s32 s10, $0x1;
	s10 =	sld [smem:$0x3FAE];
	_ =	sdelay $0x3  }
0x37: {  	[smem:$0x3FAE] =	sst s10  }
0x38: {  	s10 =	sld [smem:$0x3FAF]  }
0x39: {  	_ = 	snop;
	(pc) =	sbr.ind lr, $3  }
0x3a: {  	_ = 	snop  }
0x3b: {  	_ = 	snop  }
0x3c: {  	p2 =	seq.s32 s10, $0x1;
	s10 =	sld [smem:$0x3FAE]  }
0x3d: {  	_ =	shalt  }
0x3e: {  	_ =	shalt  }
0x3f: {  	_ =	shalt  }
0x40: {  	_ =	shalt  }
0x41: {  	_ =	shalt  }
0x42: {  	_ =	shalt  }
0x43: {  	_ =	shalt  }
0x44: {  	_ =	shalt  }
0x45: {  	_ =	shalt  }
0x46: {  	_ =	shalt  }
0x47: {  	_ =	shalt  }
0x48: {  	_ =	shalt  }
0x49: {  	_ =	shalt  }
0x4a: {  	_ =	shalt  }
0x4b: {  	_ =	shalt  }
0x4c: {  	_ =	shalt  }
0x4d: {  	_ =	shalt  }
0x4e: {  	_ =	shalt  }
0x4f: {  	_ =	shalt  }
0x50: {  	_ =	shalt  }
0x51: {  	_ =	shalt  }
0x52: {  	_ =	shalt  }
0x53: {  	_ =	shalt  }
0x54: {  	_ =	shalt  }
0x55: {  	_ =	shalt  }
0x56: {  	_ =	shalt  }
0x57: {  	_ =	shalt  }
0x58: {  	_ =	shalt  }
0x59: {  	_ =	shalt  }
0x5a: {  	_ =	shalt  }
0x5b: {  	_ =	shalt  }
0x5c: {  	_ =	shalt  }
0x5d: {  	_ =	shalt  }
0x5e: {  	_ =	shalt  }
0x5f: {  	_ =	shalt  }
0x60: {  	_ =	shalt  }
0x61: {  	_ =	shalt  }
0x62: {  	_ =	shalt  }
0x63: {  	_ =	shalt  }
0x64: {  	_ =	shalt  }
0x65: {  	_ =	shalt  }
0x66: {  	_ =	shalt  }
0x67: {  	_ =	shalt  }
0x68: {  	_ =	shalt  }
0x69: {  	_ =	shalt  }
0x6a: {  	_ =	shalt  }
0x6b: {  	_ =	shalt  }
0x6c: {  	_ =	shalt  }
0x6d: {  	_ =	shalt  }
0x6e: {  	_ =	shalt  }
0x6f: {  	_ =	shalt  }
0x70: {  	_ =	shalt  }
0x71: {  	_ =	shalt  }
0x72: {  	_ =	shalt  }
0x73: {  	_ =	shalt  }
0x74: {  	_ =	shalt  }
0x75: {  	_ =	shalt  }
0x76: {  	_ =	shalt  }
0x77: {  	_ =	shalt  }
0x78: {  	_ =	shalt  }
0x79: {  	_ =	shalt  }
0x7a: {  	_ =	shalt  }
0x7b: {  	_ =	shalt  }
0x7c: {  	_ =	shalt  }
0x7d: {  	_ =	shalt  }
0x7e: {  	_ =	shalt  }
0x7f: {  	_ =	shalt  }
0x80: {  	_ =	shalt  }
0x81: {  	_ =	shalt  }
0x82: {  	_ =	shalt  }
0x83: {  	_ =	shalt  }
0x84: {  	_ =	shalt  }
0x85: {  	_ =	shalt  }
0x86: {  	_ =	shalt  }
0x87: {  	_ =	shalt  }
.Lfunc_end0:
.L_simem_size_0:
called_computation.1_lowered:
.L_overlay_start_0:
0x88: {  	s2 =	sld [smem:$0x3FD9]  }
0x89: {  	s3 =	sld [smem:$0x3FFE];
	_ =	sdelay $0x1  }
0x8a: {  	s1 =	srdreg.scid  }
0x8b: {  	s0 =	sand.u32 $0x1, s1  }
0x8c: {  	s14 =	sshll.u32 s0, $0xA;
	s2 =	sadd.s32 s3, s2  }
0x8d: {  	s2 =	sadd.s32 s2, s14  }
0x8e: {  	[smem:$0x3FBA] =	sst s2  }
0x8f: {  	_ = 	snop  }
0x90: {  	s2 =	sld [smem:$0x3FD0];
	_ =	sdelay $0x2  }
0x91: {  	s15 =	simm.s32 $0xA;
	s4 =	simm.s32 $0x10  }
0x92: {  	[smem:s4], [sflag:s15] =	dma.local [hbm:s2], $0x1  }
0x93: {  	_ =	swait.eq [sflag:s15], $0x1  }
0x94: {  	[sflag:s15] =	ssyncset.done $0x0  }
0x95: {  	[sflag:s15] =	ssyncadd.s32 $0xFFFFFFFF  }
0x96: {  	s16 =	sld [smem:$0x10];
	(tm) =	ssettm $0x1  }
0x97: {  	s17 =	sld [smem:$0x3FFB];
	_ =	sdelay $0x3  }
0x98: {  	_ =	strace s17  }
0x99: {  	s3 =	sld [smem:$0x3FFC];
	_ =	sdelay $0x3  }
0x9a: {  	_ =	strace s3  }
0x9b: {  	s3 =	sld [smem:$0x3FFD];
	_ =	sdelay $0x3  }
0x9c: {  	_ =	strace s3  }
0x9d: {  	_ =	strace $0x8FFFFFFF  }
0x9e: {  	s18 =	sld [smem:$0x3FDB];
	_ =	sdelay $0x1  }
0x9f: {  	s19 =	simm.s32 $_scs_section_size  }
0xa0: {  	s5 =	simm.s32 $_size__tile_overlayer_lowered;
	s6 =	simm.s32 $_tile_overlayer_lowered  }
0xa1: {  	s22 =	simm.s32 $0x1BFF;
	s21 =	sshll.u32 s6, $0x1;
	s3 =	sadd.s32 s19, s18  }
0xa2: {  	s7 =	simm.s32 $0x0;
	s20 =	sshll.u32 s5, $0x1;
	s5 =	sadd.s32 s21, s3  }
0xa3: {  	[timem:s7], [sflag:s22] =	dma.local [hbm:s5], s20  }
0xa4: {  	_ =	swait.ge [sflag:s22], s20  }
0xa5: {  	s4 =	ssub.s32 $0x0, s20;
	[sflag:s22] =	ssyncset.done $0x0  }
0xa6: {  	[sflag:s22] =	ssyncadd.s32 s4;
	_ =	sdelay $0x1  }
0xa7: {  	s23 =	simm.s32 $0x1B8B  }
0xa8: {  	_ =	swait.ge [sflag:s23], $0x1  }
0xa9: {  	[sflag:s23] =	ssyncset.done $0x0  }
0xaa: {  	s25 =	simm.s32 $0x1B8E;
	s24 =	sld [smem:$0x3FFE];
	[sflag:s23] =	ssyncadd.s32 $0xFFFFFFFF  }
0xab: {  	s26 =	simm.s32 $execute0_lowered;
	[smem:$0x3FD2] =	sst s25  }
0xac: {  	s5 =	sshll.u32 s26, $0x1;
	_ =	strace $0x80000049;
	[dreg:$0x1] =	wrdreg $0xFFFFFFFF  }
0xad: {  	s28 =	simm.s32 $_size_execute0_lowered;
	s3 =	sadd.s32 s3, s5;
	[dreg:$0x0] =	wrdreg $0x0  }
0xae: {  	s5 =	sshll.u32 s28, $0x1;
	[dreg:$0x2] =	wrdreg s3  }
0xaf: {  	[dreg:$0x3] =	wrdreg s5  }
0xb0: {  	[dreg:$0x4] =	wrdreg $0xC0  }
0xb1: {  	_ =	task [dreg:s7], $0x5FFFF  }
0xb2: {  	[dreg:$0x1] =	wrdreg $0xFFFFFFFF  }
0xb3: {  	[dreg:$0x0] =	wrdreg $0x60  }
0xb4: {  	[dreg:$0x2] =	wrdreg s16  }
0xb5: {  	[dreg:$0x3] =	wrdreg s24  }
0xb6: {  	[dreg:$0x4] =	wrdreg $0x9  }
0xb7: {  	_ =	task.clear_ibuf [dreg:s7], $0x5FFFF;
	_ =	strace $0x90000049  }
0xb8: {  	s29 =	simm.s32 $0x9;
	_ =	strace $0x8000004B  }
0xb9: {  	_ =	swait.ge [sflag:s29], $0x1  }
0xba: {  	[sflag:s29] =	ssyncadd.s32 $0xFFFFFFFF  }
0xbb: {  	_ =	strace $0x9000004B  }
0xbc: {  	_ =	sfence  }
0xbd: {  	s30 =	sld [smem:$0x0];
	_ =	sdelay $0x2  }
0xbe: {  	s31 =	sshll.u32 s1, $0xD;
	s1 =	sshrl.u32 s1, $0x2  }
0xbf: {  	s3 =	sand.u32 $0x4000, s31;
	s1 =	sadd.s32 s1, s30  }
0xc0: {  	s0 =	sor.u32 s3, s0;
	s1 =	sshll.u32 s1, $0x11  }
0xc1: {  	s0 =	sor.u32 s1, s0  }
0xc2: {  	s0 =	sadd.s32 $0x8F2B, s0  }
0xc3: {  	[sflag:s0] =	ssyncadd.remote.s32 $0x1  }
0xc4: {  	_ =	sfence.sel $0xFFFF  }
0xc5: {  	[dreg:$0x0] =	wrdreg $0xFFFFFFFF;
	(pc) =	sbr.abs _section_cstart, $3  }
0xc6: {  	[dreg:$0x1] =	wrdreg $0xFFFFFFFF  }
0xc7: {  	_ =	task.clear_ibuf [dreg:s7], $0x2FFFF;
	_ =	strace $0x9FFFFFFF  }
0xc8: {  	(tm) =	ssettm $0x7FFFFFFF  }
0xc9: {  	_ =	shalt  }
tec
execute0_lowered:
.L_overlay_start_1:
0x0: {  	(tag) =	ssettag $0x1  }
0x1: {  	s1 =	srdreg.scid;
	s0 =	stileid.u32  }
0x2: {  	s19 =	sand.u32 $0x1, s1;
	s29 =	sshll.u32 s0, $0x1  }
0x3: {  	s2 =	rddreg [dreg:$0x0];
	s21 =	sor.u32 s19, s29  }
0x4: {  	s20 =	rddreg [dreg:$0x1];
	s3 =	simm.s32 $0x0;
	s4 =	smul.u32 $0x28, s21  }
0x5: {  	[smem:$0x7FF] =	sst s3  }
0x6: {  	s1 =	rddreg [dreg:$0x2];
	_ =	strace $0x8000004A;
	s4 =	sadd.s32 s4, s20  }
0x7: {  	s6 =	smul.u32 $0x9, s21;
	s5 =	sadd.s32 $0x1D400, s4;
	s4 =	simm.s32 $0x2  }
0x8: {  	[tilespmem:s3], [sflag:$0x2] =	stream.linear.gather [hbm4b:s5+s3], $0x140, $0x38;
	[tilespmem:$0xC600] =	vst v63  }
0x9: {  	_ =	swait.ge [sflag:s4], $0x140  }
0xa: {  	s6 =	sadd.s32 s6, s20;
	[sflag:s4] =	ssyncset.done $0x0  }
0xb: {  	s7 =	simm.s32 $0xA180;
	s6 =	sadd.s32 $0x1DA00, s6;
	[sflag:s4] =	ssyncadd.s32 $0xFFFFFEC0  }
0xc: {  	[tilespmem:s7], [sflag:$0x2] =	stream.linear.gather [hbm4b:s6+s3], $0x48, $0x38;
	[tilespmem:$0xC600] =	vst v63  }
0xd: {  	_ =	swait.ge [sflag:s4], $0x48  }
0xe: {  	[sflag:s4] =	ssyncset.done $0x0  }
0xf: {  	s8 =	simm.s32 $0x50;
	s9 =	simm.s32 $0x180;
	[sflag:s4] =	ssyncadd.s32 $0xFFFFFFB8  }
0x10: {  	[tilespmem:s9], [sflag:$0x1] =	stream.indirect.gather [hbm4b:s2+s8], $0x80, s3, s8, $0xb8;
	[tilespmem:$0xC600] =	vst v63  }
0x11: {  	s10 =	simm.s32 $0x2980  }
0x12: {  	[tilespmem:s10], [sflag:$0x1] =	stream.indirect.gather [hbm4b:s2+s8], $0x80, s8, s8, $0xb8;
	[tilespmem:$0xC600] =	vst v63  }
0x13: {  	s11 =	simm.s32 $0xA0;
	s12 =	simm.s32 $0x5180  }
0x14: {  	[tilespmem:s12], [sflag:$0x1] =	stream.indirect.gather [hbm4b:s2+s8], $0x80, s11, s8, $0xb8;
	[tilespmem:$0xC600] =	vst v63  }
0x15: {  	s14 =	simm.s32 $0xF0;
	s15 =	simm.s32 $0x7980;
	s16 =	simm.s32 $0x48  }
0x16: {  	[tilespmem:s15], [sflag:$0x1] =	stream.indirect.gather [hbm4b:s2+s8], $0x80, s14, s8, $0xb8;
	[tilespmem:$0xC600] =	vst v63  }
0x17: {  	s17 =	simm.s32 $0xA200;
	s18 =	simm.s32 $0x1;
	s13 =	sadd.s32 $0x1DC00, s20  }
0x18: {  	[tilespmem:s17], [sflag:$0x1] =	stream.indirect.gather [hbm4b:s13+s16], $0x80, s7, s16, $0xb8;
	[tilespmem:$0xC600] =	vst v63  }
0x19: {  	_ =	swait.ge [sflag:s18], $0x2800  }
0x1a: {  	[sflag:s18] =	ssyncset.done $0x0  }
0x1b: {  	[sflag:s18] =	ssyncadd.s32 $0xFFFFD800  }
0x1c: {  	_ =	swait.ge [sflag:s18], $0x2800  }
0x1d: {  	[sflag:s18] =	ssyncset.done $0x0  }
0x1e: {  	[sflag:s18] =	ssyncadd.s32 $0xFFFFD800  }
0x1f: {  	_ =	swait.ge [sflag:s18], $0x2800  }
0x20: {  	[sflag:s18] =	ssyncset.done $0x0  }
0x21: {  	[sflag:s18] =	ssyncadd.s32 $0xFFFFD800  }
0x22: {  	_ =	swait.ge [sflag:s18], $0x2800  }
0x23: {  	s23 =	ssub.s32 $0x2, s19;
	s22 =	smul.u32 $0x1400, s21;
	[sflag:s18] =	ssyncset.done $0x0  }
0x24: {  	s21 =	smul.u32 $0x480, s21;
	s30 =	sshrl.u32 s23, $0x1;
	[sflag:s18] =	ssyncadd.s32 $0xFFFFD800  }
0x25: {  	s31 =	ssub.s32 s23, s30;
	_ =	swait.ge [sflag:s18], $0x2400  }
0x26: {  	s22 =	sadd.s32 s22, s20;
	s20 =	sadd.s32 s21, s20;
	[sflag:s18] =	ssyncset.done $0x0  }
0x27: {  	s21 =	smax.u32 s31, $0x1;
	s19 =	sadd.s32 $0x25C00, s22;
	[sflag:s18] =	ssyncadd.s32 $0xFFFFDC00  }
0x28: {  	[hbm4b:s19+s3] =	stream.linear.scatter [tilespmem:s9], [sflag:$0x2], $0xA000, $0x38;
	[tilespmem:$0xC600] =	vst v63  }
0x29: {  	p0 =	sne.s32 s21, $0x1;
	_ =	swait.ge [sflag:s4], $0xA000  }
.Ltmp0:
0x2a: {  	[sflag:s4] =	ssyncset.done $0x0;
	(pc) =	sbr.rel @!p0 .LBB2_2-.Ltmp0, $4  }
0x2b: {  	s20 =	sadd.s32 $0x2C00, s20;
	[sflag:s4] =	ssyncadd.s32 $0xFFFF6000  }
0x2c: {  	[hbm4b:s20+s3] =	stream.linear.scatter [tilespmem:s17], [sflag:$0x2], $0x2400, $0x38;
	[tilespmem:$0xC600] =	vst v63  }
0x2d: {  	_ =	swait.ge [sflag:s4], $0x2400  }
0x2e: {  	s21 =	sadd.s32 $0xFFFFFFFF, s21;
	[sflag:s4] =	ssyncset.done $0x0  }
.LBB2_1:
0x2f: {  	p0 =	sne.s32 s21, $0x1;
	s21 =	sadd.s32 $0xFFFFFFFF, s21;
	[sflag:s4] =	ssyncadd.s32 $0xFFFFDC00  }
0x30: {  	[tilespmem:s3], [sflag:$0x2] =	stream.linear.gather [hbm4b:s5+s3], $0x140, $0x38;
	[tilespmem:$0xC600] =	vst v63  }
0x31: {  	_ =	swait.ge [sflag:s4], $0x140  }
0x32: {  	[sflag:s4] =	ssyncset.done $0x0  }
0x33: {  	[sflag:s4] =	ssyncadd.s32 $0xFFFFFEC0  }
0x34: {  	[tilespmem:s7], [sflag:$0x2] =	stream.linear.gather [hbm4b:s6+s3], $0x48, $0x38;
	[tilespmem:$0xC600] =	vst v63  }
0x35: {  	_ =	swait.ge [sflag:s4], $0x48  }
0x36: {  	[sflag:s4] =	ssyncset.done $0x0  }
0x37: {  	[sflag:s4] =	ssyncadd.s32 $0xFFFFFFB8  }
0x38: {  	[tilespmem:s9], [sflag:$0x1] =	stream.indirect.gather [hbm4b:s2+s8], $0x80, s3, s8, $0xb8;
	[tilespmem:$0xC600] =	vst v63  }
0x39: {  	_ = 	snop  }
0x3a: {  	[tilespmem:s10], [sflag:$0x1] =	stream.indirect.gather [hbm4b:s2+s8], $0x80, s8, s8, $0xb8;
	[tilespmem:$0xC600] =	vst v63  }
0x3b: {  	_ = 	snop  }
0x3c: {  	[tilespmem:s12], [sflag:$0x1] =	stream.indirect.gather [hbm4b:s2+s8], $0x80, s11, s8, $0xb8;
	[tilespmem:$0xC600] =	vst v63  }
0x3d: {  	_ = 	snop  }
0x3e: {  	[tilespmem:s15], [sflag:$0x1] =	stream.indirect.gather [hbm4b:s2+s8], $0x80, s14, s8, $0xb8;
	[tilespmem:$0xC600] =	vst v63  }
0x3f: {  	_ = 	snop  }
0x40: {  	[tilespmem:s17], [sflag:$0x1] =	stream.indirect.gather [hbm4b:s13+s16], $0x80, s7, s16, $0xb8;
	[tilespmem:$0xC600] =	vst v63  }
0x41: {  	_ =	swait.ge [sflag:s18], $0x2800  }
0x42: {  	[sflag:s18] =	ssyncset.done $0x0  }
0x43: {  	[sflag:s18] =	ssyncadd.s32 $0xFFFFD800  }
0x44: {  	_ =	swait.ge [sflag:s18], $0x2800  }
0x45: {  	[sflag:s18] =	ssyncset.done $0x0  }
0x46: {  	[sflag:s18] =	ssyncadd.s32 $0xFFFFD800  }
0x47: {  	_ =	swait.ge [sflag:s18], $0x2800  }
0x48: {  	[sflag:s18] =	ssyncset.done $0x0  }
0x49: {  	[sflag:s18] =	ssyncadd.s32 $0xFFFFD800  }
0x4a: {  	_ =	swait.ge [sflag:s18], $0x2800  }
0x4b: {  	[sflag:s18] =	ssyncset.done $0x0  }
0x4c: {  	[sflag:s18] =	ssyncadd.s32 $0xFFFFD800  }
0x4d: {  	_ =	swait.ge [sflag:s18], $0x2400  }
0x4e: {  	[sflag:s18] =	ssyncset.done $0x0  }
0x4f: {  	[sflag:s18] =	ssyncadd.s32 $0xFFFFDC00  }
0x50: {  	[hbm4b:s19+s3] =	stream.linear.scatter [tilespmem:s9], [sflag:$0x2], $0xA000, $0x38;
	[tilespmem:$0xC600] =	vst v63  }
0x51: {  	_ =	swait.ge [sflag:s4], $0xA000  }
.Ltmp1:
0x52: {  	[sflag:s4] =	ssyncset.done $0x0;
	(pc) =	sbr.rel @p0 .LBB2_1-.Ltmp1, $4  }
0x53: {  	[sflag:s4] =	ssyncadd.s32 $0xFFFF6000  }
0x54: {  	[hbm4b:s20+s3] =	stream.linear.scatter [tilespmem:s17], [sflag:$0x2], $0x2400, $0x38;
	[tilespmem:$0xC600] =	vst v63  }
0x55: {  	_ =	swait.ge [sflag:s4], $0x2400  }
0x56: {  	[sflag:s4] =	ssyncset.done $0x0  }
.LBB2_2:
0x57: {  	[sflag:s4] =	ssyncadd.s32 $0xFFFFDC00  }
0x58: {  	_ =	sfence.sel $0x180000  }
0x59: {  	[bflag:$0x0] =	sbarrier.arrive $0xFFFF  }
0x5a: {  	p0 =	sne.s32 s0, $0x0;
	_ =	strace $0x9000004A  }
0x5b: {  	s0 =	sadd.s32 @!p0 $0x100000, s1;
	[bflag:$0x2] =	sbarrier.arrive $0xFFFF  }
0x5c: {  	[sflag:s0] =	ssyncadd.tile.s32 @!p0 $0x1;
	_ =	shalt  }
.Lfunc_end2:
_tile_overlayer_lowered:
.L_overlay_start_2:
0x5d: {  	(tag) =	ssettag $0x2  }
0x5e: {  	s0 =	rddreg [dreg:$0x0];
	s2 =	stileid.u32  }
0x5f: {  	s1 =	rddreg [dreg:$0x1];
	p0 =	sne.s32 s2, $0x0  }
0x60: {  	s3 =	rddreg [dreg:$0x2];
	[bflag:$0x3] =	sbarrier.arrive $0xFFFF;
	s2 =	simm.s32 @!p0 $0x1C02  }
0x61: {  	[timem:s3], [sflag:s2] =	dma.local @!p0 [hbm:s0], s1  }
0x62: {  	s0 =	simm.s32 @!p0 $0x2  }
0x63: {  	_ =	swait.ge @!p0 [sflag:s0], s1  }
0x64: {  	s1 =	ssub.s32 @!p0 $0x0, s1;
	[sflag:s0] =	ssyncset.done @!p0 $0x0  }
0x65: {  	[sflag:s0] =	ssyncadd.s32 @!p0 s1  }
0x66: {  	[bflag:$0x3] =	sbarrier.arrive $0xFFFF  }
0x67: {  	_ =	shalt  }

// kernel: kernel.7.cloned.1.call-start
scs
__scs_entry_jumppad:
0x0: {  	(pc) =	sbr.rel $0x88, $3  }
0x1: {  	(tag) =	ssettag $0x0;
	lr =	simm.s32 $0x1  }
0x2: {  	[smem:$0x3F93] =	sst lr;
	_ =	strace $0xD0000000  }
0x3: {  	_ = 	snop  }
0x4: {  	_ = 	snop  }
0x5: {  	_ = 	snop  }
0x6: {  	_ = 	snop  }
0x7: {  	_ = 	snop  }
__scs_overlays_trampoline_lowered:
0x8: {  	[smem:$0x3FA2] =	sst s0  }
0x9: {  	[smem:$0x3FA3] =	sst s1  }
0xa: {  	[smem:$0x3FA4] =	sst s2  }
0xb: {  	[smem:$0x3FA5] =	sst s3  }
0xc: {  	[smem:$0x3FA6] =	sst s4  }
0xd: {  	[smem:$0x3FA7] =	sst s5  }
0xe: {  	[smem:$0x3FA8] =	sst s6  }
0xf: {  	[smem:$0x3FA9] =	sst s7  }
0x10: {  	[smem:$0x3FAA] =	sst s8  }
0x11: {  	[smem:$0x3FAB] =	sst s9;
	s0 =	simm.s32 @!p0 $0x0  }
0x12: {  	s1 =	sld [smem:$0x3F91];
	s0 =	simm.s32 @p0 $0x1  }
0x13: {  	[smem:$0x3FAC] =	sst s0;
	s0 =	simm.s32 @!p1 $0x0  }
0x14: {  	s2 =	sld [smem:$0x3F90];
	s0 =	simm.s32 @p1 $0x1  }
0x15: {  	[smem:$0x3FAD] =	sst s0;
	s0 =	simm.s32 @!p2 $0x0  }
0x16: {  	s3 =	sld [smem:$0x3FDB];
	s0 =	simm.s32 @p2 $0x1  }
0x17: {  	s4 =	simm.s32 $0x1BF5;
	[smem:$0x3FAF] =	sst s0  }
0x18: {  	s0 =	sld [smem:$0x3F92];
	_ =	swait.ge [sflag:s4], $0x0  }
0x19: {  	s7 =	sld [smem:$0x3F93]  }
0x1a: {  	s8 =	sadd.s32 $0xFFFFE003, lr  }
0x1b: {  	s9 =	sadd.s32 $0xFFFFFEF7, lr;
	s5 =	simm.s32 $0xFFFFFFFF;
	p2 =	slt.u32 s8, $0xFFFFF086  }
0x1c: {  	p1 =	slt.u32 s9, $0xF7A;
	s5 =	simm.s32 @!p2 $0x0  }
0x1d: {  	s5 =	simm.s32 @p1 $0x1;
	p0 =	seq.s32 s7, s2  }
0x1e: {  	s7 =	smul.u32 @!p0 $0xF7A, s2;
	p2 =	seq.s32 @!p0 s5, $0x0  }
0x1f: {  	s9 =	smul.u32 $0xF7A, s1;
	s8 =	simm.s32 @!p0 $0x1BF5;
	p2 =	por !p2, p0  }
0x20: {  	[sflag:s8] =	ssyncset.s32 @!p0 $0xFFFFF086;
	s6 =	sadd.s32 @!p0 s3, s7;
	s7 =	simm.s32 @!p0 $0x108  }
0x21: {  	s3 =	sadd.s32 s3, s9;
	s6 =	sadd.s32 @!p0 $0x88, s6;
	s7 =	simm.s32 @p2 $0x1082  }
0x22: {  	[simem:s7], [sflag:s8] =	dma.local @!p0 [hbm:s6], $0xF7A  }
0x23: {  	s9 =	sor.u32 $0xD0000000, s2;
	s6 =	simm.s32 $0x108;
	_ =	swait.ge @!p0 [sflag:s8], $0x0  }
0x24: {  	s3 =	sadd.s32 $0x88, s3;
	s6 =	simm.s32 @!p1 $0x1082;
	[sflag:s4] =	ssyncset.s32 $0xFFFFF086  }
0x25: {  	[simem:s6], [sflag:s4] =	dma.local [hbm:s3], $0xF7A  }
0x26: {  	[smem:$0x3F93] =	sst s1;
	(tag) =	ssettag s2;
	_ =	strace s9  }
0x27: {  	s1 =	sld [smem:$0x3FA3]  }
0x28: {  	s2 =	sld [smem:$0x3FA4]  }
0x29: {  	s4 =	sld [smem:$0x3FA6]  }
0x2a: {  	p0 =	seq.s32 s5, $0x0;
	s5 =	sld [smem:$0x3FA7]  }
0x2b: {  	s6 =	sld [smem:$0x3FA8]  }
0x2c: {  	s7 =	sld [smem:$0x3FA9]  }
0x2d: {  	s3 =	simm.s32 $0x108;
	s8 =	sld [smem:$0x3FAA]  }
0x2e: {  	s3 =	simm.s32 @!p0 $0x1082;
	s9 =	sld [smem:$0x3FAB]  }
0x2f: {  	lr =	sadd.s32 s0, s3;
	s0 =	sld [smem:$0x3FA2]  }
0x30: {  	s3 =	sld [smem:$0x3FA5]  }
0x31: {  	[smem:$0x3FAE] =	sst s10  }
0x32: {  	s10 =	sld [smem:$0x3FAC];
	_ =	sdelay $0x3  }
0x33: {  	p0 =	seq.s32 s10, $0x1;
	s10 =	sld [smem:$0x3FAE];
	_ =	sdelay $0x3  }
0x34: {  	[smem:$0x3FAE] =	sst s10  }
0x35: {  	s10 =	sld [smem:$0x3FAD];
	_ =	sdelay $0x3  }
0x36: {  	p1 =	seq.s32 s10, $0x1;
	s10 =	sld [smem:$0x3FAE];
	_ =	sdelay $0x3  }
0x37: {  	[smem:$0x3FAE] =	sst s10  }
0x38: {  	s10 =	sld [smem:$0x3FAF]  }
0x39: {  	_ = 	snop;
	(pc) =	sbr.ind lr, $3  }
0x3a: {  	_ = 	snop  }
0x3b: {  	_ = 	snop  }
0x3c: {  	p2 =	seq.s32 s10, $0x1;
	s10 =	sld [smem:$0x3FAE]  }
0x3d: {  	_ =	shalt  }
0x3e: {  	_ =	shalt  }
0x3f: {  	_ =	shalt  }
0x40: {  	_ =	shalt  }
0x41: {  	_ =	shalt  }
0x42: {  	_ =	shalt  }
0x43: {  	_ =	shalt  }
0x44: {  	_ =	shalt  }
0x45: {  	_ =	shalt  }
0x46: {  	_ =	shalt  }
0x47: {  	_ =	shalt  }
0x48: {  	_ =	shalt  }
0x49: {  	_ =	shalt  }
0x4a: {  	_ =	shalt  }
0x4b: {  	_ =	shalt  }
0x4c: {  	_ =	shalt  }
0x4d: {  	_ =	shalt  }
0x4e: {  	_ =	shalt  }
0x4f: {  	_ =	shalt  }
0x50: {  	_ =	shalt  }
0x51: {  	_ =	shalt  }
0x52: {  	_ =	shalt  }
0x53: {  	_ =	shalt  }
0x54: {  	_ =	shalt  }
0x55: {  	_ =	shalt  }
0x56: {  	_ =	shalt  }
0x57: {  	_ =	shalt  }
0x58: {  	_ =	shalt  }
0x59: {  	_ =	shalt  }
0x5a: {  	_ =	shalt  }
0x5b: {  	_ =	shalt  }
0x5c: {  	_ =	shalt  }
0x5d: {  	_ =	shalt  }
0x5e: {  	_ =	shalt  }
0x5f: {  	_ =	shalt  }
0x60: {  	_ =	shalt  }
0x61: {  	_ =	shalt  }
0x62: {  	_ =	shalt  }
0x63: {  	_ =	shalt  }
0x64: {  	_ =	shalt  }
0x65: {  	_ =	shalt  }
0x66: {  	_ =	shalt  }
0x67: {  	_ =	shalt  }
0x68: {  	_ =	shalt  }
0x69: {  	_ =	shalt  }
0x6a: {  	_ =	shalt  }
0x6b: {  	_ =	shalt  }
0x6c: {  	_ =	shalt  }
0x6d: {  	_ =	shalt  }
0x6e: {  	_ =	shalt  }
0x6f: {  	_ =	shalt  }
0x70: {  	_ =	shalt  }
0x71: {  	_ =	shalt  }
0x72: {  	_ =	shalt  }
0x73: {  	_ =	shalt  }
0x74: {  	_ =	shalt  }
0x75: {  	_ =	shalt  }
0x76: {  	_ =	shalt  }
0x77: {  	_ =	shalt  }
0x78: {  	_ =	shalt  }
0x79: {  	_ =	shalt  }
0x7a: {  	_ =	shalt  }
0x7b: {  	_ =	shalt  }
0x7c: {  	_ =	shalt  }
0x7d: {  	_ =	shalt  }
0x7e: {  	_ =	shalt  }
0x7f: {  	_ =	shalt  }
0x80: {  	_ =	shalt  }
0x81: {  	_ =	shalt  }
0x82: {  	_ =	shalt  }
0x83: {  	_ =	shalt  }
0x84: {  	_ =	shalt  }
0x85: {  	_ =	shalt  }
0x86: {  	_ =	shalt  }
0x87: {  	_ =	shalt  }
.Lfunc_end0:
.L_simem_size_0:
called_computation_lowered:
.L_overlay_start_0:
0x88: {  	s2 =	sld [smem:$0x3FD9]  }
0x89: {  	s3 =	sld [smem:$0x3FFE];
	_ =	sdelay $0x1  }
0x8a: {  	s1 =	srdreg.scid  }
0x8b: {  	s0 =	sand.u32 $0x1, s1  }
0x8c: {  	s16 =	sshll.u32 s0, $0xA;
	s2 =	sadd.s32 s3, s2  }
0x8d: {  	s2 =	sadd.s32 s2, s16  }
0x8e: {  	[smem:$0x3FBA] =	sst s2  }
0x8f: {  	_ = 	snop  }
0x90: {  	(tm) =	ssettm $0x1  }
0x91: {  	s17 =	sld [smem:$0x3FFB];
	_ =	sdelay $0x3  }
0x92: {  	_ =	strace s17  }
0x93: {  	s2 =	sld [smem:$0x3FFC];
	_ =	sdelay $0x3  }
0x94: {  	_ =	strace s2  }
0x95: {  	s2 =	sld [smem:$0x3FFD];
	_ =	sdelay $0x3  }
0x96: {  	_ =	strace s2  }
0x97: {  	_ =	strace $0x8FFFFFFF  }
0x98: {  	s18 =	sld [smem:$0x3FDB];
	_ =	sdelay $0x1  }
0x99: {  	s19 =	simm.s32 $_scs_section_size  }
0x9a: {  	s4 =	simm.s32 $_size__tile_overlayer_lowered;
	s5 =	simm.s32 $_tile_overlayer_lowered  }
0x9b: {  	s22 =	simm.s32 $0x1BFF;
	s21 =	sshll.u32 s5, $0x1;
	s2 =	sadd.s32 s19, s18  }
0x9c: {  	s6 =	simm.s32 $0x0;
	s20 =	sshll.u32 s4, $0x1;
	s4 =	sadd.s32 s21, s2  }
0x9d: {  	[timem:s6], [sflag:s22] =	dma.local [hbm:s4], s20  }
0x9e: {  	_ =	swait.ge [sflag:s22], s20  }
0x9f: {  	s3 =	ssub.s32 $0x0, s20;
	[sflag:s22] =	ssyncset.done $0x0  }
0xa0: {  	[sflag:s22] =	ssyncadd.s32 s3;
	_ =	sdelay $0x1  }
0xa1: {  	s23 =	simm.s32 $0x1B8B  }
0xa2: {  	_ =	swait.ge [sflag:s23], $0x1  }
0xa3: {  	[sflag:s23] =	ssyncset.done $0x0  }
0xa4: {  	s25 =	simm.s32 $0x1B8E;
	s24 =	sld [smem:$0x3FFE];
	[sflag:s23] =	ssyncadd.s32 $0xFFFFFFFF  }
0xa5: {  	s26 =	simm.s32 $execute0_lowered;
	[smem:$0x3FD2] =	sst s25  }
0xa6: {  	s4 =	sshll.u32 s26, $0x1;
	_ =	strace $0x80000046;
	[dreg:$0x1] =	wrdreg $0xFFFFFFFF  }
0xa7: {  	s28 =	simm.s32 $_size_execute0_lowered;
	s2 =	sadd.s32 s2, s4;
	[dreg:$0x0] =	wrdreg $0x0  }
0xa8: {  	s4 =	sshll.u32 s28, $0x1;
	[dreg:$0x2] =	wrdreg s2  }
0xa9: {  	[dreg:$0x3] =	wrdreg s4  }
0xaa: {  	[dreg:$0x4] =	wrdreg $0xC0  }
0xab: {  	_ =	task [dreg:s6], $0x5FFFF  }
0xac: {  	[dreg:$0x1] =	wrdreg $0xFFFFFFFF  }
0xad: {  	[dreg:$0x0] =	wrdreg $0x60  }
0xae: {  	[dreg:$0x2] =	wrdreg s24  }
0xaf: {  	[dreg:$0x3] =	wrdreg $0x13D000  }
0xb0: {  	[dreg:$0x4] =	wrdreg $0x165000  }
0xb1: {  	[dreg:$0x5] =	wrdreg $0x9  }
0xb2: {  	_ =	task.clear_ibuf [dreg:s6], $0x6FFFF;
	_ =	strace $0x90000046  }
0xb3: {  	s29 =	simm.s32 $0x9;
	_ =	strace $0x80000048  }
0xb4: {  	_ =	swait.ge [sflag:s29], $0x1  }
0xb5: {  	[sflag:s29] =	ssyncadd.s32 $0xFFFFFFFF  }
0xb6: {  	_ =	strace $0x90000048  }
0xb7: {  	_ =	sfence  }
0xb8: {  	s30 =	sld [smem:$0x0];
	_ =	sdelay $0x2  }
0xb9: {  	s31 =	sshll.u32 s1, $0xD;
	s1 =	sshrl.u32 s1, $0x2  }
0xba: {  	s3 =	sand.u32 $0x4000, s31;
	s1 =	sadd.s32 s1, s30  }
0xbb: {  	s0 =	sor.u32 s3, s0;
	s1 =	sshll.u32 s1, $0x11  }
0xbc: {  	s0 =	sor.u32 s1, s0  }
0xbd: {  	s0 =	sadd.s32 $0x8F2B, s0  }
0xbe: {  	[sflag:s0] =	ssyncadd.remote.s32 $0x1  }
0xbf: {  	_ =	sfence.sel $0xFFFF  }
0xc0: {  	[dreg:$0x0] =	wrdreg $0xFFFFFFFF;
	(pc) =	sbr.abs _section_cstart, $3  }
0xc1: {  	[dreg:$0x1] =	wrdreg $0xFFFFFFFF  }
0xc2: {  	_ =	task.clear_ibuf [dreg:s6], $0x2FFFF;
	_ =	strace $0x9FFFFFFF  }
0xc3: {  	(tm) =	ssettm $0x7FFFFFFF  }
tec
execute0_lowered:
.L_overlay_start_1:
0x0: {  	(tag) =	ssettag $0x1  }
0x1: {  	s2 =	rddreg [dreg:$0x0];
	s25 =	stileid.u32  }
0x2: {  	s8 =	rddreg [dreg:$0x1];
	s0 =	smul.u32 $0x9C4, s25  }
0x3: {  	s9 =	rddreg [dreg:$0x2];
	s3 =	smul.u32 $0x310, s25  }
0x4: {  	s1 =	simm.s32 $0x0;
	s5 =	srdreg.scid;
	s4 =	smul.u32 $0x280, s25  }
0x5: {  	[smem:$0x7FF] =	sst s1;
	s5 =	sand.u32 $0x1, s5;
	s12 =	smul.u32 $0x2800, s25  }
0x6: {  	s6 =	ssub.s32 $0x2, s5;
	p0 =	seq.s32 s5, $0x1;
	s11 =	sadd.s32 s0, s2  }
0x7: {  	s0 =	smul.u32 $0x90, s25;
	s15 =	sadd.s32 s3, s2;
	s24 =	sshrl.u32 s4, $0x3  }
0x8: {  	s10 =	sshrl.u32 s6, $0x1;
	s26 =	sadd.s32 s12, s8;
	s28 =	sadd.s32 s12, s9  }
0x9: {  	s30 =	sadd.s32 $0x2800, s4;
	s3 =	sadd.s32 $0x5000, s4;
	s5 =	sadd.s32 $0x7800, s4  }
0xa: {  	s12 =	sadd.s32 $0x11800, s4;
	s14 =	sor.u32 $0x14000, s4;
	s16 =	sadd.s32 $0x16800, s4  }
0xb: {  	s19 =	sadd.s32 $0x19000, s4;
	s20 =	sadd.s32 $0x1B800, s4;
	s21 =	sadd.s32 $0x1E000, s4  }
0xc: {  	s22 =	sadd.s32 $0x20800, s4;
	s23 =	sadd.s32 $0x23000, s4;
	[dreg:$0x4] =	wrdreg s26  }
0xd: {  	s13 =	sadd.s32 s24, s2;
	s18 =	ssub.s32 s6, s10;
	[dreg:$0x5] =	wrdreg s28  }
0xe: {  	s6 =	sadd.s32 $0xA000, s4;
	s10 =	sadd.s32 $0xF000, s4;
	s26 =	sadd.s32 s4, s8  }
0xf: {  	s24 =	sadd.s32 $0x25800, s4;
	s28 =	sadd.s32 s30, s8;
	[dreg:$0x6] =	wrdreg s26  }
0x10: {  	s7 =	sshrl.u32 s0, $0x3;
	[dreg:$0x8] =	wrdreg s28;
	s26 =	sadd.s32 s5, s8  }
0x11: {  	s28 =	sadd.s32 s5, s9;
	s17 =	sadd.s32 s7, s2;
	[dreg:$0xc] =	wrdreg s26  }
0x12: {  	s7 =	sadd.s32 $0xC800, s4;
	s4 =	sadd.s32 s4, s9;
	[dreg:$0xd] =	wrdreg s28  }
0x13: {  	s2 =	sadd.s32 s30, s9;
	[dreg:$0x7] =	wrdreg s4  }
0x14: {  	s30 =	sadd.s32 s3, s8;
	[dreg:$0x9] =	wrdreg s2  }
0x15: {  	s26 =	sadd.s32 s12, s9;
	[dreg:$0xa] =	wrdreg s30  }
0x16: {  	s28 =	sadd.s32 s14, s8;
	[dreg:$0x15] =	wrdreg s26  }
0x17: {  	s4 =	sadd.s32 s3, s9;
	[dreg:$0x16] =	wrdreg s28  }
0x18: {  	s30 =	sadd.s32 s6, s8;
	[dreg:$0xb] =	wrdreg s4  }
0x19: {  	s3 =	sadd.s32 s6, s9;
	[dreg:$0xe] =	wrdreg s30  }
0x1a: {  	s5 =	sadd.s32 s7, s9;
	[dreg:$0xf] =	wrdreg s3  }
0x1b: {  	s6 =	sadd.s32 s10, s8;
	[dreg:$0x11] =	wrdreg s5  }
0x1c: {  	s4 =	sadd.s32 s7, s8;
	[dreg:$0x12] =	wrdreg s6  }
0x1d: {  	s7 =	sadd.s32 s10, s9;
	[dreg:$0x10] =	wrdreg s4  }
0x1e: {  	s10 =	sadd.s32 s12, s8;
	[dreg:$0x13] =	wrdreg s7  }
0x1f: {  	s30 =	sadd.s32 s14, s9;
	[dreg:$0x14] =	wrdreg s10  }
0x20: {  	s3 =	sadd.s32 s16, s8;
	[dreg:$0x17] =	wrdreg s30  }
0x21: {  	s5 =	sadd.s32 s19, s8;
	[dreg:$0x18] =	wrdreg s3  }
0x22: {  	s6 =	sadd.s32 s19, s9;
	[dreg:$0x1a] =	wrdreg s5  }
0x23: {  	s12 =	sadd.s32 s21, s8;
	[dreg:$0x1b] =	wrdreg s6  }
0x24: {  	s14 =	sadd.s32 s21, s9;
	[dreg:$0x1e] =	wrdreg s12  }
0x25: {  	s28 =	sadd.s32 $0x900, s0;
	s19 =	sadd.s32 s22, s9;
	[dreg:$0x1f] =	wrdreg s14  }
0x26: {  	s21 =	smul.u32 $0x900, s25;
	s4 =	sadd.s32 s16, s9;
	[smem:$0x7E1] =	sst s19  }
0x27: {  	s7 =	sadd.s32 s20, s8;
	s10 =	sadd.s32 s20, s9;
	[dreg:$0x19] =	wrdreg s4  }
0x28: {  	s16 =	sadd.s32 s22, s8;
	s20 =	sadd.s32 s23, s8;
	[dreg:$0x1c] =	wrdreg s7  }
0x29: {  	s22 =	sadd.s32 s23, s9;
	s23 =	sadd.s32 s24, s8;
	[dreg:$0x1d] =	wrdreg s10  }
0x2a: {  	s24 =	sadd.s32 s24, s9;
	s3 =	sadd.s32 $0x1200, s0;
	[smem:$0x7E0] =	sst s16  }
0x2b: {  	s5 =	sadd.s32 $0x2400, s0;
	s6 =	sadd.s32 $0x2D00, s0;
	[smem:$0x7E2] =	sst s20  }
0x2c: {  	s12 =	sadd.s32 $0x4800, s0;
	s14 =	sadd.s32 $0x5100, s0;
	[smem:$0x7E3] =	sst s22  }
0x2d: {  	s19 =	sadd.s32 $0x6300, s0;
	s30 =	sadd.s32 s0, s8;
	[smem:$0x7E4] =	sst s23  }
0x2e: {  	[smem:$0x7E5] =	sst s24;
	s26 =	sadd.s32 s21, s8;
	s2 =	sadd.s32 s21, s9  }
0x2f: {  	s4 =	sadd.s32 $0x1B00, s0;
	s7 =	sadd.s32 $0x3600, s0;
	s10 =	sadd.s32 $0x3F00, s0  }
0x30: {  	s16 =	sadd.s32 $0x5A00, s0;
	s20 =	sadd.s32 $0x6C00, s0;
	[smem:$0x7E8] =	sst s30  }
0x31: {  	s21 =	sadd.s32 $0x7500, s0;
	s22 =	sadd.s32 $0x7E00, s0;
	[smem:$0x7E6] =	sst s26  }
0x32: {  	s23 =	sadd.s32 $0x8700, s0;
	s0 =	sadd.s32 s0, s9;
	[smem:$0x7E7] =	sst s2  }
0x33: {  	s30 =	sadd.s32 s3, s8;
	[smem:$0x7E9] =	sst s0  }
0x34: {  	s26 =	sadd.s32 s28, s8;
	[smem:$0x7EC] =	sst s30  }
0x35: {  	s28 =	sadd.s32 s28, s9;
	[smem:$0x7EA] =	sst s26  }
0x36: {  	s2 =	sadd.s32 s3, s9;
	[smem:$0x7EB] =	sst s28  }
0x37: {  	s3 =	sadd.s32 s4, s8;
	[smem:$0x7ED] =	sst s2  }
0x38: {  	s24 =	sadd.s32 s4, s9;
	[smem:$0x7EE] =	sst s3  }
0x39: {  	s30 =	sadd.s32 s6, s8;
	[smem:$0x7EF] =	sst s24  }
0x3a: {  	s4 =	sadd.s32 s7, s9;
	[smem:$0x7F2] =	sst s30  }
0x3b: {  	s26 =	sadd.s32 s5, s8;
	[smem:$0x7F5] =	sst s4  }
0x3c: {  	s29 =	simm.s32 $0x4E80;
	s28 =	sadd.s32 s5, s9;
	[smem:$0x7F0] =	sst s26  }
0x3d: {  	s18 =	smax.u32 s18, $0x1;
	s2 =	sadd.s32 s6, s9;
	[smem:$0x7F1] =	sst s28  }
0x3e: {  	s31 =	sadd.s32 s19, s8;
	s3 =	sadd.s32 s7, s8;
	[smem:$0x7F3] =	sst s2  }
0x3f: {  	s0 =	sadd.s32 s19, s9;
	s5 =	sadd.s32 s10, s8;
	[smem:$0x7F4] =	sst s3  }
0x40: {  	s19 =	simm.s32 $0x1;
	s6 =	sadd.s32 s10, s9;
	[smem:$0x7F6] =	sst s5  }
0x41: {  	s7 =	sadd.s32 s12, s8;
	s10 =	sadd.s32 s12, s9;
	[smem:$0x7F7] =	sst s6  }
0x42: {  	s12 =	sadd.s32 s14, s8;
	s24 =	sadd.s32 s14, s9;
	[smem:$0x7F8] =	sst s7  }
0x43: {  	s4 =	sadd.s32 s21, s8;
	s14 =	sadd.s32 $0x16800, s15;
	[smem:$0x7F9] =	sst s10  }
0x44: {  	s15 =	sadd.s32 $0x19A00, s15;
	s30 =	sshll.u32 s25, $0xE;
	[smem:$0x7FA] =	sst s12  }
0x45: {  	[smem:$0x7FB] =	sst s24;
	s26 =	sadd.s32 s16, s8;
	s28 =	sadd.s32 s16, s9  }
0x46: {  	s2 =	sadd.s32 s20, s8;
	s3 =	sadd.s32 s20, s9;
	s5 =	sadd.s32 s21, s9  }
0x47: {  	s6 =	sadd.s32 s22, s8;
	s7 =	sadd.s32 s22, s9;
	s8 =	sadd.s32 s23, s8  }
.Ltmp0:
0x48: {  	s9 =	sadd.s32 s23, s9;
	s10 =	sadd.s32 $0xCA00, s11;
	(pc) =	sbr.rel .LBB2_1-.Ltmp0, $4  }
0x49: {  	s11 =	sadd.s32 $0x2C00, s11;
	s12 =	sadd.s32 $0x1CC00, s13;
	s13 =	sadd.s32 $0x1D400, s13  }
0x4a: {  	s16 =	sadd.s32 $0x1D200, s17;
	s17 =	sadd.s32 $0x1DA00, s17;
	[smem:$0x7FC] =	sst s26  }
0x4b: {  	v1 =	vimm.f32 $0.0e+00;
	s20 =	simm.s32 $0xC500;
	s21 =	simm.s32 $0x9D00;
	[smem:$0x7FD] =	sst s28  }
0x4c: {  	v2 =	vimm.s32 $0xFFFFFFFF;
	v3 =	vimm.f32 $1.000000000e+00;
	s22 =	simm.s32 $0x2;
	v0 =	vmov s30;
	s23 =	simm.s32 $0x0;
	_ =	strace $0x80000047  }
.LBB2_19:
0x4d: {  	v7 =	vadd.f32 v7, v11  }
0x4e: {  	v4 =	vsel vm0, v10, v4;
	v63 =	vld [tilespmem:s24+$0xF570]  }
0x4f: {  	vm0 =	vgt.s32 v4, v5;
	v7 =	vadd.f32 v8, v7  }
0x50: {  	v4 =	vsel vm0, v4, v5  }
0x51: {  	vm0 =	vgt.s32 v4, v6;
	v5 =	vadd.f32 v9, v7  }
0x52: {  	v4 =	vsel vm0, v4, v6  }
0x53: {  	vm0 =	vgt.s32 v4, $0x0;
	v5 =	vadd.f32 v63, v5  }
0x54: {  	v4 =	vnsel vm0, $0x0, v4  }
0x55: {  	v4 =	vand.u32 $0x3FFF, v4;
	[tilespmem:s24+$0x9D00] =	vst v5  }
0x56: {  	[tilespmem:s24+$0xC500] =	vst v4  }
0x57: {  	[hbm4b:s16+s1] =	stream.linear.scatter [tilespmem:s21], [sflag:$0x2], $0x90, $0x38;
	[tilespmem:$0x18D00] =	vst v63  }
0x58: {  	_ =	swait.ge [sflag:s22], $0x90  }
0x59: {  	[sflag:s22] =	ssyncset.done $0x0  }
0x5a: {  	[sflag:s22] =	ssyncadd.s32 $0xFFFFFF70  }
0x5b: {  	[hbm4b:s17+s1] =	stream.linear.scatter [tilespmem:s20], [sflag:$0x2], $0x90, $0x38;
	[tilespmem:$0x18D00] =	vst v63  }
0x5c: {  	_ =	swait.ge [sflag:s22], $0x90  }
0x5d: {  	[sflag:s22] =	ssyncset.done $0x0  }
0x5e: {  	[sflag:s22] =	ssyncadd.s32 $0xFFFFFF70  }
.LBB2_20:
0x5f: {  	s23 =	sadd.s32 $0x1, s23  }
0x60: {  	p1 =	sne.s32 s23, s18  }
.Ltmp1:
0x61: {  	_ = 	snop;
	(pc) =	sbr.rel @!p1 .LBB2_21-.Ltmp1, $1  }
0x62: {  	_ =	sdelay $0x3  }
.LBB2_1:
.Ltmp2:
0x63: {  	(pc) =	sbr.rel @!p0 .LBB2_2-.Ltmp2, $1  }
0x64: {  	_ =	sdelay $0x3  }
0x65: {  	[tilespmem:s1], [sflag:$0x1] =	stream.linear.gather [hbm4b:s14+s1], $0x1880, $0x38;
	[tilespmem:$0x18D00] =	vst v63  }
0x66: {  	s25 =	simm.s32 $0x9D20  }
0x67: {  	[tilespmem:s29], [sflag:$0x1] =	stream.linear.gather [hbm4b:s15+s1], $0x1880, $0x38;
	[tilespmem:$0x18D00] =	vst v63  }
0x68: {  	s24 =	simm.s32 $0xC520;
	[tilespmem:s25+$0xFFFFFFE0] =	vst v1  }
0x69: {  	[tilespmem:s24+$0xFFFFFFE0] =	vst v2  }
0x6a: {  	[tilespmem:s25+$0xFFFFFFF0] =	vst v1  }
0x6b: {  	[tilespmem:s24+$0xFFFFFFF0] =	vst v2  }
0x6c: {  	[tilespmem:s25+$0x0] =	vst v1  }
0x6d: {  	[tilespmem:s24+$0x0] =	vst v2  }
0x6e: {  	[tilespmem:s25+$0x10] =	vst v1  }
0x6f: {  	s26 =	simm.s32 $0x9D60;
	s25 =	simm.s32 $0x0;
	[tilespmem:s24+$0x10] =	vst v2  }
.LBB2_12:
0x70: {  	[tilespmem:s26+$0xFFFFFFE0] =	vst v1;
	s24 =	sadd.s32 $0x40, s24  }
0x71: {  	s25 =	sadd.s32 $0x4, s25;
	[tilespmem:s24+$0xFFFFFFE0] =	vst v2  }
0x72: {  	p1 =	slt.u32 s25, $0x8C;
	[tilespmem:s26+$0xFFFFFFF0] =	vst v1  }
.Ltmp3:
0x73: {  	[tilespmem:s24+$0xFFFFFFF0] =	vst v2;
	(pc) =	sbr.rel @p1 .LBB2_12-.Ltmp3, $4  }
0x74: {  	[tilespmem:s26+$0x0] =	vst v1  }
0x75: {  	[tilespmem:s24+$0x0] =	vst v2  }
0x76: {  	[tilespmem:s26+$0x10] =	vst v1  }
0x77: {  	s26 =	sadd.s32 $0x40, s26;
	[tilespmem:s24+$0x10] =	vst v2  }
0x78: {  	_ =	swait.ge [sflag:s19], $0x1880  }
0x79: {  	[sflag:s19] =	ssyncset.done $0x0  }
0x7a: {  	[sflag:s19] =	ssyncadd.s32 $0xFFFFE780  }
0x7b: {  	_ =	swait.ge [sflag:s19], $0x1880  }
0x7c: {  	[sflag:s19] =	ssyncset.done $0x0  }
0x7d: {  	s24 =	simm.s32 $0x0;
	[sflag:s19] =	ssyncadd.s32 $0xFFFFE780  }
0x7e: {  	v5 =	vld [tilespmem:s24+$0x4EC0]  }
0x7f: {  	v4 =	vld [tilespmem:s24+$0x4ED0]  }
0x80: {  	v7 =	vld [tilespmem:s24+$0x4EB0]  }
0x81: {  	v6 =	vld [tilespmem:s24+$0x60]  }
0x82: {  	v13 =	vld [tilespmem:s24+$0x10]  }
0x83: {  	v14 =	vld [tilespmem:s24+$0x4EA0]  }
0x84: {  	v15 =	vld [tilespmem:s24+$0x0]  }
0x85: {  	v17 =	vld [tilespmem:s24+$0x4E80]  }
0x86: {  	v16 =	vld [tilespmem:s24+$0x4E90]  }
0x87: {  	v9 =	vld [tilespmem:s24+$0x4EE0]  }
0x88: {  	v18 =	vld [tilespmem:s24+$0x30]  }
0x89: {  	v8 =	vld [tilespmem:s24+$0x4EF0]  }
0x8a: {  	v19 =	vld [tilespmem:s24+$0x20]  }
0x8b: {  	v12 =	vld [tilespmem:s24+$0x40]  }
0x8c: {  	v11 =	vld [tilespmem:s24+$0x50]  }
0x8d: {  	v10 =	vld [tilespmem:s24+$0x70];
	[tilespmem:v17+s20+$0x0] =	vst.idx.msk $0xffff, v15  }
0x8e: {  	[tilespmem:v17+s21+$0x0] =	vst.idx.add.f32.msk $0xffff, v3  }
0x8f: {  	[tilespmem:v16+s20+$0x0] =	vst.idx.msk $0xffff, v13  }
0x90: {  	[tilespmem:v16+s21+$0x0] =	vst.idx.add.f32.msk $0xffff, v3  }
0x91: {  	[tilespmem:v14+s20+$0x0] =	vst.idx.msk $0xffff, v19  }
0x92: {  	[tilespmem:v14+s21+$0x0] =	vst.idx.add.f32.msk $0xffff, v3  }
0x93: {  	s24 =	simm.s32 $0x200;
	[tilespmem:v7+s20+$0x0] =	vst.idx.msk $0xffff, v18  }
.LBB2_14:
0x94: {  	p1 =	sne.s32 s24, $0x6000;
	[tilespmem:v7+s21+$0x0] =	vst.idx.add.f32.msk $0xffff, v3;
	s25 =	smov.u32 s24;
	s24 =	sadd.s32 $0x200, s24  }
0x95: {  	[tilespmem:v5+s20+$0x0] =	vst.idx.msk $0xffff, v12  }
0x96: {  	[tilespmem:v5+s21+$0x0] =	vst.idx.add.f32.msk $0xffff, v3  }
0x97: {  	[tilespmem:v4+s20+$0x0] =	vst.idx.msk $0xffff, v11  }
0x98: {  	[tilespmem:v4+s21+$0x0] =	vst.idx.add.f32.msk $0xffff, v3  }
0x99: {  	[tilespmem:v9+s20+$0x0] =	vst.idx.msk $0xffff, v6  }
0x9a: {  	[tilespmem:v9+s21+$0x0] =	vst.idx.add.f32.msk $0xffff, v3  }
0x9b: {  	[tilespmem:v8+s20+$0x0] =	vst.idx.msk $0xffff, v10  }
0x9c: {  	s25 =	sshra.s32 s25, $0x2;
	[tilespmem:v8+s21+$0x0] =	vst.idx.add.f32.msk $0xffff, v3  }
0x9d: {  	v5 =	vld [tilespmem:s25+$0x4EC0]  }
0x9e: {  	v4 =	vld [tilespmem:s25+$0x4ED0]  }
0x9f: {  	v7 =	vld [tilespmem:s25+$0x4EB0]  }
0xa0: {  	v6 =	vld [tilespmem:s25+$0x60]  }
0xa1: {  	v13 =	vld [tilespmem:s25+$0x10]  }
0xa2: {  	v14 =	vld [tilespmem:s25+$0x4EA0]  }
0xa3: {  	v15 =	vld [tilespmem:s25+$0x0]  }
0xa4: {  	v16 =	vld [tilespmem:s25+$0x4E90]  }
0xa5: {  	v17 =	vld [tilespmem:s25+$0x4E80]  }
0xa6: {  	v9 =	vld [tilespmem:s25+$0x4EE0]  }
0xa7: {  	v18 =	vld [tilespmem:s25+$0x30]  }
0xa8: {  	v8 =	vld [tilespmem:s25+$0x4EF0]  }
0xa9: {  	v19 =	vld [tilespmem:s25+$0x20]  }
0xaa: {  	v12 =	vld [tilespmem:s25+$0x40]  }
0xab: {  	v11 =	vld [tilespmem:s25+$0x50]  }
0xac: {  	v10 =	vld [tilespmem:s25+$0x70]  }
0xad: {  	[tilespmem:v17+s20+$0x0] =	vst.idx.msk $0xffff, v15  }
0xae: {  	[tilespmem:v17+s21+$0x0] =	vst.idx.add.f32.msk $0xffff, v3  }
.Ltmp4:
0xaf: {  	[tilespmem:v16+s20+$0x0] =	vst.idx.msk $0xffff, v13;
	(pc) =	sbr.rel @p1 .LBB2_14-.Ltmp4, $4  }
0xb0: {  	[tilespmem:v16+s21+$0x0] =	vst.idx.add.f32.msk $0xffff, v3  }
0xb1: {  	[tilespmem:v14+s20+$0x0] =	vst.idx.msk $0xffff, v19  }
0xb2: {  	[tilespmem:v14+s21+$0x0] =	vst.idx.add.f32.msk $0xffff, v3  }
0xb3: {  	[tilespmem:v7+s20+$0x0] =	vst.idx.msk $0xffff, v18  }
0xb4: {  	_ =	sdelay $0x3  }
0xb5: {  	[tilespmem:v7+s21+$0x0] =	vst.idx.add.f32.msk $0xffff, v3  }
0xb6: {  	[tilespmem:v5+s20+$0x0] =	vst.idx.msk $0xffff, v12  }
0xb7: {  	[tilespmem:v5+s21+$0x0] =	vst.idx.add.f32.msk $0xffff, v3  }
0xb8: {  	[tilespmem:v4+s20+$0x0] =	vst.idx.msk $0xffff, v11  }
0xb9: {  	[tilespmem:v4+s21+$0x0] =	vst.idx.add.f32.msk $0xffff, v3  }
0xba: {  	[tilespmem:v9+s20+$0x0] =	vst.idx.msk $0xffff, v6  }
0xbb: {  	s24 =	sld [smem:$0x7E6];
	[tilespmem:v9+s21+$0x0] =	vst.idx.add.f32.msk $0xffff, v3  }
0xbc: {  	[tilespmem:v8+s20+$0x0] =	vst.idx.msk $0xffff, v10  }
0xbd: {  	[tilespmem:v8+s21+$0x0] =	vst.idx.add.f32.msk $0xffff, v3  }
0xbe: {  	[spmem:s24] =	stream.linear.scatter [tilespmem:s21], [sflag:$0x1], $0x900, $0x38;
	[tilespmem:$0x18D00] =	vst v63  }
0xbf: {  	s24 =	simm.s32 $0x0  }
0xc0: {  	v6 =	vld [tilespmem:s24+$0xC500]  }
0xc1: {  	v5 =	vld [tilespmem:s24+$0xC510]  }
0xc2: {  	s25 =	simm.s32 $0x100;
	v4 =	vld [tilespmem:s24+$0xC520]  }
.LBB2_16:
0xc3: {  	p1 =	sne.s32 s25, $0x2300;
	v7 =	vld [tilespmem:s24+$0xC530];
	_ =	sdelay $0x1  }
0xc4: {  	vm0 =	vlt.s32 v6, $0x0  }
0xc5: {  	v8 =	vsel vm0, $0x0, v0;
	vm0 =	vlt.s32 v5, $0x0  }
.Ltmp5:
0xc6: {  	v6 =	vor.u32 v6, v8;
	v8 =	vsel vm0, $0x0, v0;
	vm0 =	vlt.s32 v4, $0x0;
	(pc) =	sbr.rel @p1 .LBB2_16-.Ltmp5, $4  }
0xc7: {  	s26 =	sshra.s32 s25, $0x2;
	[tilespmem:s24+$0xC500] =	vst v6;
	v5 =	vor.u32 v5, v8;
	v8 =	vsel vm0, $0x0, v0;
	vm0 =	vlt.s32 v7, $0x0  }
0xc8: {  	v6 =	vld [tilespmem:s26+$0xC500];
	[tilespmem:s24+$0xC510] =	vst v5;
	v4 =	vor.u32 v4, v8;
	v8 =	vsel vm0, $0x0, v0  }
0xc9: {  	v5 =	vld [tilespmem:s26+$0xC510];
	[tilespmem:s24+$0xC520] =	vst v4;
	v7 =	vor.u32 v7, v8  }
0xca: {  	s25 =	sadd.s32 $0x100, s25;
	v4 =	vld [tilespmem:s26+$0xC520];
	[tilespmem:s24+$0xC530] =	vst v7;
	s24 =	smov.u32 s26  }
0xcb: {  	v7 =	vld [tilespmem:s24+$0xC530];
	_ =	sdelay $0x1  }
0xcc: {  	vm0 =	vlt.s32 v6, $0x0  }
0xcd: {  	v8 =	vsel vm0, $0x0, v0;
	vm0 =	vlt.s32 v5, $0x0  }
0xce: {  	v6 =	vor.u32 v6, v8;
	v8 =	vsel vm0, $0x0, v0;
	vm0 =	vlt.s32 v4, $0x0  }
0xcf: {  	[tilespmem:s24+$0xC500] =	vst v6;
	v5 =	vor.u32 v5, v8;
	v6 =	vsel vm0, $0x0, v0;
	vm0 =	vlt.s32 v7, $0x0  }
0xd0: {  	s28 =	sld [smem:$0x7E7];
	[tilespmem:s24+$0xC510] =	vst v5;
	v4 =	vor.u32 v4, v6;
	v5 =	vsel vm0, $0x0, v0  }
0xd1: {  	[tilespmem:s24+$0xC520] =	vst v4;
	v4 =	vor.u32 v7, v5  }
0xd2: {  	[tilespmem:s24+$0xC530] =	vst v4  }
0xd3: {  	[spmem:s28] =	stream.linear.scatter [tilespmem:s20], [sflag:$0x1], $0x900, $0x38;
	[tilespmem:$0x18D00] =	vst v63  }
0xd4: {  	_ =	swait.ge [sflag:s19], $0x900  }
0xd5: {  	[sflag:s19] =	ssyncset.done $0x0  }
0xd6: {  	[sflag:s19] =	ssyncadd.s32 $0xFFFFF700  }
0xd7: {  	_ =	swait.ge [sflag:s19], $0x900  }
0xd8: {  	[sflag:s19] =	ssyncset.done $0x0  }
0xd9: {  	[sflag:s19] =	ssyncadd.s32 $0xFFFFF700  }
0xda: {  	[bflag:$0x0] =	sbarrier.arrive $0xFFFF  }
0xdb: {  	s30 =	sld [smem:$0x7E8];
	_ =	sdelay $0x1  }
0xdc: {  	s25 =	simm.s32 $0xED00  }
0xdd: {  	[tilespmem:s25], [sflag:$0x1] =	stream.linear.gather [spmem:s30], $0x90, $0x38;
	[tilespmem:$0x18D00] =	vst v63  }
0xde: {  	s25 =	sld [smem:$0x7E9];
	_ =	sdelay $0x1  }
0xdf: {  	s26 =	simm.s32 $0x11500;
	s28 =	sld [smem:$0x7EA]  }
0xe0: {  	[tilespmem:s26], [sflag:$0x1] =	stream.linear.gather [spmem:s25], $0x90, $0x38;
	[tilespmem:$0x18D00] =	vst v63  }
0xe1: {  	s30 =	simm.s32 $0xED90;
	s25 =	sld [smem:$0x7EB]  }
0xe2: {  	[tilespmem:s30], [sflag:$0x1] =	stream.linear.gather [spmem:s28], $0x90, $0x38;
	[tilespmem:$0x18D00] =	vst v63  }
0xe3: {  	s26 =	simm.s32 $0x11590;
	s28 =	sld [smem:$0x7EC]  }
0xe4: {  	[tilespmem:s26], [sflag:$0x1] =	stream.linear.gather [spmem:s25], $0x90, $0x38;
	[tilespmem:$0x18D00] =	vst v63  }
0xe5: {  	s30 =	simm.s32 $0xEE20;
	s25 =	sld [smem:$0x7ED]  }
0xe6: {  	[tilespmem:s30], [sflag:$0x1] =	stream.linear.gather [spmem:s28], $0x90, $0x38;
	[tilespmem:$0x18D00] =	vst v63  }
0xe7: {  	s26 =	simm.s32 $0x11620;
	s28 =	sld [smem:$0x7EE]  }
0xe8: {  	[tilespmem:s26], [sflag:$0x1] =	stream.linear.gather [spmem:s25], $0x90, $0x38;
	[tilespmem:$0x18D00] =	vst v63  }
0xe9: {  	s30 =	simm.s32 $0xEEB0;
	s25 =	sld [smem:$0x7EF]  }
0xea: {  	[tilespmem:s30], [sflag:$0x1] =	stream.linear.gather [spmem:s28], $0x90, $0x38;
	[tilespmem:$0x18D00] =	vst v63  }
0xeb: {  	s26 =	simm.s32 $0x116B0;
	s28 =	sld [smem:$0x7F0]  }
0xec: {  	[tilespmem:s26], [sflag:$0x1] =	stream.linear.gather [spmem:s25], $0x90, $0x38;
	[tilespmem:$0x18D00] =	vst v63  }
0xed: {  	s30 =	simm.s32 $0xEF40;
	s25 =	sld [smem:$0x7F1]  }
0xee: {  	[tilespmem:s30], [sflag:$0x1] =	stream.linear.gather [spmem:s28], $0x90, $0x38;
	[tilespmem:$0x18D00] =	vst v63  }
0xef: {  	s26 =	simm.s32 $0x11740;
	s28 =	sld [smem:$0x7F2]  }
0xf0: {  	[tilespmem:s26], [sflag:$0x1] =	stream.linear.gather [spmem:s25], $0x90, $0x38;
	[tilespmem:$0x18D00] =	vst v63  }
0xf1: {  	s30 =	simm.s32 $0xEFD0;
	s25 =	sld [smem:$0x7F3]  }
0xf2: {  	[tilespmem:s30], [sflag:$0x1] =	stream.linear.gather [spmem:s28], $0x90, $0x38;
	[tilespmem:$0x18D00] =	vst v63  }
0xf3: {  	s26 =	simm.s32 $0x117D0;
	s28 =	sld [smem:$0x7F4]  }
0xf4: {  	[tilespmem:s26], [sflag:$0x1] =	stream.linear.gather [spmem:s25], $0x90, $0x38;
	[tilespmem:$0x18D00] =	vst v63  }
0xf5: {  	s30 =	simm.s32 $0xF060;
	s25 =	sld [smem:$0x7F5]  }
0xf6: {  	[tilespmem:s30], [sflag:$0x1] =	stream.linear.gather [spmem:s28], $0x90, $0x38;
	[tilespmem:$0x18D00] =	vst v63  }
0xf7: {  	s26 =	simm.s32 $0x11860;
	s28 =	sld [smem:$0x7F6]  }
0xf8: {  	[tilespmem:s26], [sflag:$0x1] =	stream.linear.gather [spmem:s25], $0x90, $0x38;
	[tilespmem:$0x18D00] =	vst v63  }
0xf9: {  	s30 =	simm.s32 $0xF0F0;
	s25 =	sld [smem:$0x7F7]  }
0xfa: {  	[tilespmem:s30], [sflag:$0x1] =	stream.linear.gather [spmem:s28], $0x90, $0x38;
	[tilespmem:$0x18D00] =	vst v63  }
0xfb: {  	s26 =	simm.s32 $0x118F0;
	s28 =	sld [smem:$0x7F8]  }
0xfc: {  	[tilespmem:s26], [sflag:$0x1] =	stream.linear.gather [spmem:s25], $0x90, $0x38;
	[tilespmem:$0x18D00] =	vst v63  }
0xfd: {  	s30 =	simm.s32 $0xF180;
	s25 =	sld [smem:$0x7F9]  }
0xfe: {  	[tilespmem:s30], [sflag:$0x1] =	stream.linear.gather [spmem:s28], $0x90, $0x38;
	[tilespmem:$0x18D00] =	vst v63  }
0xff: {  	s26 =	simm.s32 $0x11980;
	s28 =	sld [smem:$0x7FA]  }
0x100: {  	[tilespmem:s26], [sflag:$0x1] =	stream.linear.gather [spmem:s25], $0x90, $0x38;
	[tilespmem:$0x18D00] =	vst v63  }
0x101: {  	s30 =	simm.s32 $0xF210;
	s25 =	sld [smem:$0x7FB]  }
0x102: {  	[tilespmem:s30], [sflag:$0x1] =	stream.linear.gather [spmem:s28], $0x90, $0x38;
	[tilespmem:$0x18D00] =	vst v63  }
0x103: {  	s26 =	simm.s32 $0x11A10;
	s28 =	sld [smem:$0x7FC]  }
0x104: {  	[tilespmem:s26], [sflag:$0x1] =	stream.linear.gather [spmem:s25], $0x90, $0x38;
	[tilespmem:$0x18D00] =	vst v63  }
0x105: {  	s30 =	simm.s32 $0xF2A0;
	s25 =	sld [smem:$0x7FD]  }
0x106: {  	[tilespmem:s30], [sflag:$0x1] =	stream.linear.gather [spmem:s28], $0x90, $0x38;
	[tilespmem:$0x18D00] =	vst v63  }
0x107: {  	s26 =	simm.s32 $0x11AA0  }
0x108: {  	[tilespmem:s26], [sflag:$0x1] =	stream.linear.gather [spmem:s25], $0x90, $0x38;
	[tilespmem:$0x18D00] =	vst v63  }
0x109: {  	s28 =	simm.s32 $0xF330  }
0x10a: {  	[tilespmem:s28], [sflag:$0x1] =	stream.linear.gather [spmem:s31], $0x90, $0x38;
	[tilespmem:$0x18D00] =	vst v63  }
0x10b: {  	s30 =	simm.s32 $0x11B30  }
0x10c: {  	[tilespmem:s30], [sflag:$0x1] =	stream.linear.gather [spmem:s0], $0x90, $0x38;
	[tilespmem:$0x18D00] =	vst v63  }
0x10d: {  	s25 =	simm.s32 $0xF3C0  }
0x10e: {  	[tilespmem:s25], [sflag:$0x1] =	stream.linear.gather [spmem:s2], $0x90, $0x38;
	[tilespmem:$0x18D00] =	vst v63  }
0x10f: {  	s26 =	simm.s32 $0x11BC0  }
0x110: {  	[tilespmem:s26], [sflag:$0x1] =	stream.linear.gather [spmem:s3], $0x90, $0x38;
	[tilespmem:$0x18D00] =	vst v63  }
0x111: {  	s28 =	simm.s32 $0xF450  }
0x112: {  	[tilespmem:s28], [sflag:$0x1] =	stream.linear.gather [spmem:s4], $0x90, $0x38;
	[tilespmem:$0x18D00] =	vst v63  }
0x113: {  	s30 =	simm.s32 $0x11C50  }
0x114: {  	[tilespmem:s30], [sflag:$0x1] =	stream.linear.gather [spmem:s5], $0x90, $0x38;
	[tilespmem:$0x18D00] =	vst v63  }
0x115: {  	s25 =	simm.s32 $0xF4E0  }
0x116: {  	[tilespmem:s25], [sflag:$0x1] =	stream.linear.gather [spmem:s6], $0x90, $0x38;
	[tilespmem:$0x18D00] =	vst v63  }
0x117: {  	s26 =	simm.s32 $0x11CE0  }
0x118: {  	[tilespmem:s26], [sflag:$0x1] =	stream.linear.gather [spmem:s7], $0x90, $0x38;
	[tilespmem:$0x18D00] =	vst v63  }
0x119: {  	s28 =	simm.s32 $0xF570  }
0x11a: {  	[tilespmem:s28], [sflag:$0x1] =	stream.linear.gather [spmem:s8], $0x90, $0x38;
	[tilespmem:$0x18D00] =	vst v63  }
0x11b: {  	s30 =	simm.s32 $0x11D70  }
0x11c: {  	[tilespmem:s30], [sflag:$0x1] =	stream.linear.gather [spmem:s9], $0x90, $0x38;
	[tilespmem:$0x18D00] =	vst v63  }
0x11d: {  	_ =	swait.ge [sflag:s19], $0x90  }
0x11e: {  	[sflag:s19] =	ssyncset.done $0x0  }
0x11f: {  	[sflag:s19] =	ssyncadd.s32 $0xFFFFFF70  }
0x120: {  	_ =	swait.ge [sflag:s19], $0x90  }
0x121: {  	[sflag:s19] =	ssyncset.done $0x0  }
0x122: {  	[sflag:s19] =	ssyncadd.s32 $0xFFFFFF70  }
0x123: {  	_ =	swait.ge [sflag:s19], $0x90  }
0x124: {  	[sflag:s19] =	ssyncset.done $0x0  }
0x125: {  	[sflag:s19] =	ssyncadd.s32 $0xFFFFFF70  }
0x126: {  	_ =	swait.ge [sflag:s19], $0x90  }
0x127: {  	[sflag:s19] =	ssyncset.done $0x0  }
0x128: {  	[sflag:s19] =	ssyncadd.s32 $0xFFFFFF70  }
0x129: {  	_ =	swait.ge [sflag:s19], $0x90  }
0x12a: {  	[sflag:s19] =	ssyncset.done $0x0  }
0x12b: {  	[sflag:s19] =	ssyncadd.s32 $0xFFFFFF70  }
0x12c: {  	_ =	swait.ge [sflag:s19], $0x90  }
0x12d: {  	[sflag:s19] =	ssyncset.done $0x0  }
0x12e: {  	[sflag:s19] =	ssyncadd.s32 $0xFFFFFF70  }
0x12f: {  	_ =	swait.ge [sflag:s19], $0x90  }
0x130: {  	[sflag:s19] =	ssyncset.done $0x0  }
0x131: {  	[sflag:s19] =	ssyncadd.s32 $0xFFFFFF70  }
0x132: {  	_ =	swait.ge [sflag:s19], $0x90  }
0x133: {  	[sflag:s19] =	ssyncset.done $0x0  }
0x134: {  	[sflag:s19] =	ssyncadd.s32 $0xFFFFFF70  }
0x135: {  	_ =	swait.ge [sflag:s19], $0x90  }
0x136: {  	[sflag:s19] =	ssyncset.done $0x0  }
0x137: {  	[sflag:s19] =	ssyncadd.s32 $0xFFFFFF70  }
0x138: {  	_ =	swait.ge [sflag:s19], $0x90  }
0x139: {  	[sflag:s19] =	ssyncset.done $0x0  }
0x13a: {  	[sflag:s19] =	ssyncadd.s32 $0xFFFFFF70  }
0x13b: {  	_ =	swait.ge [sflag:s19], $0x90  }
0x13c: {  	[sflag:s19] =	ssyncset.done $0x0  }
0x13d: {  	[sflag:s19] =	ssyncadd.s32 $0xFFFFFF70  }
0x13e: {  	_ =	swait.ge [sflag:s19], $0x90  }
0x13f: {  	[sflag:s19] =	ssyncset.done $0x0  }
0x140: {  	[sflag:s19] =	ssyncadd.s32 $0xFFFFFF70  }
0x141: {  	_ =	swait.ge [sflag:s19], $0x90  }
0x142: {  	[sflag:s19] =	ssyncset.done $0x0  }
0x143: {  	[sflag:s19] =	ssyncadd.s32 $0xFFFFFF70  }
0x144: {  	_ =	swait.ge [sflag:s19], $0x90  }
0x145: {  	[sflag:s19] =	ssyncset.done $0x0  }
0x146: {  	[sflag:s19] =	ssyncadd.s32 $0xFFFFFF70  }
0x147: {  	_ =	swait.ge [sflag:s19], $0x90  }
0x148: {  	[sflag:s19] =	ssyncset.done $0x0  }
0x149: {  	[sflag:s19] =	ssyncadd.s32 $0xFFFFFF70  }
0x14a: {  	_ =	swait.ge [sflag:s19], $0x90  }
0x14b: {  	[sflag:s19] =	ssyncset.done $0x0  }
0x14c: {  	[sflag:s19] =	ssyncadd.s32 $0xFFFFFF70  }
0x14d: {  	_ =	swait.ge [sflag:s19], $0x90  }
0x14e: {  	[sflag:s19] =	ssyncset.done $0x0  }
0x14f: {  	[sflag:s19] =	ssyncadd.s32 $0xFFFFFF70  }
0x150: {  	_ =	swait.ge [sflag:s19], $0x90  }
0x151: {  	[sflag:s19] =	ssyncset.done $0x0  }
0x152: {  	[sflag:s19] =	ssyncadd.s32 $0xFFFFFF70  }
0x153: {  	_ =	swait.ge [sflag:s19], $0x90  }
0x154: {  	[sflag:s19] =	ssyncset.done $0x0  }
0x155: {  	[sflag:s19] =	ssyncadd.s32 $0xFFFFFF70  }
0x156: {  	_ =	swait.ge [sflag:s19], $0x90  }
0x157: {  	[sflag:s19] =	ssyncset.done $0x0  }
0x158: {  	[sflag:s19] =	ssyncadd.s32 $0xFFFFFF70  }
0x159: {  	_ =	swait.ge [sflag:s19], $0x90  }
0x15a: {  	[sflag:s19] =	ssyncset.done $0x0  }
0x15b: {  	[sflag:s19] =	ssyncadd.s32 $0xFFFFFF70  }
0x15c: {  	_ =	swait.ge [sflag:s19], $0x90  }
0x15d: {  	[sflag:s19] =	ssyncset.done $0x0  }
0x15e: {  	[sflag:s19] =	ssyncadd.s32 $0xFFFFFF70  }
0x15f: {  	_ =	swait.ge [sflag:s19], $0x90  }
0x160: {  	[sflag:s19] =	ssyncset.done $0x0  }
0x161: {  	[sflag:s19] =	ssyncadd.s32 $0xFFFFFF70  }
0x162: {  	_ =	swait.ge [sflag:s19], $0x90  }
0x163: {  	[sflag:s19] =	ssyncset.done $0x0  }
0x164: {  	[sflag:s19] =	ssyncadd.s32 $0xFFFFFF70  }
0x165: {  	_ =	swait.ge [sflag:s19], $0x90  }
0x166: {  	[sflag:s19] =	ssyncset.done $0x0  }
0x167: {  	[sflag:s19] =	ssyncadd.s32 $0xFFFFFF70  }
0x168: {  	_ =	swait.ge [sflag:s19], $0x90  }
0x169: {  	[sflag:s19] =	ssyncset.done $0x0  }
0x16a: {  	[sflag:s19] =	ssyncadd.s32 $0xFFFFFF70  }
0x16b: {  	_ =	swait.ge [sflag:s19], $0x90  }
0x16c: {  	[sflag:s19] =	ssyncset.done $0x0  }
0x16d: {  	[sflag:s19] =	ssyncadd.s32 $0xFFFFFF70  }
0x16e: {  	_ =	swait.ge [sflag:s19], $0x90  }
0x16f: {  	[sflag:s19] =	ssyncset.done $0x0  }
0x170: {  	[sflag:s19] =	ssyncadd.s32 $0xFFFFFF70  }
0x171: {  	_ =	swait.ge [sflag:s19], $0x90  }
0x172: {  	[sflag:s19] =	ssyncset.done $0x0  }
0x173: {  	[sflag:s19] =	ssyncadd.s32 $0xFFFFFF70  }
0x174: {  	_ =	swait.ge [sflag:s19], $0x90  }
0x175: {  	[sflag:s19] =	ssyncset.done $0x0  }
0x176: {  	[sflag:s19] =	ssyncadd.s32 $0xFFFFFF70  }
0x177: {  	_ =	swait.ge [sflag:s19], $0x90  }
0x178: {  	[sflag:s19] =	ssyncset.done $0x0  }
0x179: {  	[sflag:s19] =	ssyncadd.s32 $0xFFFFFF70  }
0x17a: {  	_ =	swait.ge [sflag:s19], $0x90  }
0x17b: {  	[sflag:s19] =	ssyncset.done $0x0  }
0x17c: {  	s24 =	simm.s32 $0x0;
	[sflag:s19] =	ssyncadd.s32 $0xFFFFFF70  }
0x17d: {  	v4 =	vld [tilespmem:s24+$0x11500]  }
0x17e: {  	v5 =	vld [tilespmem:s24+$0x11590]  }
0x17f: {  	v6 =	vld [tilespmem:s24+$0x11620]  }
0x180: {  	v7 =	vld [tilespmem:s24+$0xED00]  }
0x181: {  	v8 =	vld [tilespmem:s24+$0xED90]  }
0x182: {  	v9 =	vld [tilespmem:s24+$0x116B0]  }
0x183: {  	v10 =	vld [tilespmem:s24+$0xEE20];
	vm0 =	vgt.s32 v4, v5  }
0x184: {  	v4 =	vsel vm0, v4, v5;
	v5 =	vld [tilespmem:s24+$0x11740]  }
0x185: {  	v11 =	vld [tilespmem:s24+$0xEEB0];
	vm0 =	vgt.s32 v4, v6  }
0x186: {  	v7 =	vadd.f32 v8, v7;
	v4 =	vsel vm0, v4, v6;
	v6 =	vld [tilespmem:s24+$0x117D0]  }
0x187: {  	v8 =	vld [tilespmem:s24+$0xEF40];
	vm0 =	vgt.s32 v4, v9  }
0x188: {  	v7 =	vadd.f32 v10, v7;
	v4 =	vsel vm0, v4, v9;
	v9 =	vld [tilespmem:s24+$0x11860]  }
0x189: {  	v10 =	vld [tilespmem:s24+$0xEFD0];
	vm0 =	vgt.s32 v4, v5  }
0x18a: {  	s25 =	simm.s32 $0x0;
	v7 =	vadd.f32 v11, v7;
	v4 =	vsel vm0, v4, v5;
	v5 =	vld [tilespmem:s24+$0x118F0]  }
0x18b: {  	s26 =	sand.u32 $0xF0, s25;
	v11 =	vld [tilespmem:s24+$0xF060];
	vm0 =	vgt.s32 v4, v6  }
0x18c: {  	v7 =	vadd.f32 v8, v7;
	v4 =	vsel vm0, v4, v6;
	v6 =	vld [tilespmem:s26+$0x11980]  }
0x18d: {  	v8 =	vld [tilespmem:s24+$0xF0F0];
	vm0 =	vgt.s32 v4, v9  }
0x18e: {  	v7 =	vadd.f32 v10, v7;
	v4 =	vsel vm0, v4, v9;
	v9 =	vld [tilespmem:s24+$0x11A10]  }
0x18f: {  	v10 =	vld [tilespmem:s26+$0xF180];
	vm0 =	vgt.s32 v4, v5  }
0x190: {  	v7 =	vadd.f32 v11, v7;
	v4 =	vsel vm0, v4, v5;
	v5 =	vld [tilespmem:s24+$0x11AA0]  }
0x191: {  	v11 =	vld [tilespmem:s24+$0xF210];
	vm0 =	vgt.s32 v4, v6  }
0x192: {  	v7 =	vadd.f32 v8, v7;
	v4 =	vsel vm0, v4, v6;
	v6 =	vld [tilespmem:s24+$0x11B30]  }
0x193: {  	v8 =	vld [tilespmem:s24+$0xF2A0];
	vm0 =	vgt.s32 v4, v9  }
0x194: {  	v7 =	vadd.f32 v10, v7;
	v4 =	vsel vm0, v4, v9;
	v9 =	vld [tilespmem:s24+$0x11BC0]  }
0x195: {  	v12 =	vld [tilespmem:s24+$0xF330];
	vm0 =	vgt.s32 v4, v5  }
0x196: {  	v10 =	vadd.f32 v11, v7;
	v5 =	vsel vm0, v4, v5;
	v4 =	vld [tilespmem:s24+$0x11C50]  }
0x197: {  	v7 =	vld [tilespmem:s24+$0xF3C0];
	vm0 =	vgt.s32 v5, v6  }
0x198: {  	v11 =	vadd.f32 v8, v10;
	v6 =	vsel vm0, v5, v6;
	v5 =	vld [tilespmem:s24+$0x11CE0]  }
0x199: {  	v8 =	vld [tilespmem:s24+$0xF450];
	vm0 =	vgt.s32 v6, v9  }
0x19a: {  	v11 =	vadd.f32 v12, v11;
	v10 =	vsel vm0, v6, v9;
	v6 =	vld [tilespmem:s24+$0x11D70]  }
0x19b: {  	s26 =	simm.s32 $0x40;
	v9 =	vld [tilespmem:s24+$0xF4E0];
	vm0 =	vgt.s32 v10, v4  }
.LBB2_18:
0x19c: {  	s28 =	sshra.s32 s26, $0x2;
	p1 =	sne.s32 s26, $0x200;
	s26 =	sadd.s32 $0x40, s26;
	v7 =	vadd.f32 v7, v11;
	v4 =	vsel vm0, v10, v4;
	v10 =	vld [tilespmem:s24+$0xF570]  }
0x19d: {  	v11 =	vld [tilespmem:s28+$0x11500];
	vm0 =	vgt.s32 v4, v5  }
0x19e: {  	v12 =	vld [tilespmem:s28+$0x11590];
	v7 =	vadd.f32 v8, v7;
	v4 =	vsel vm0, v4, v5  }
0x19f: {  	v5 =	vld [tilespmem:s28+$0x11620];
	vm0 =	vgt.s32 v4, v6  }
0x1a0: {  	v8 =	vld [tilespmem:s28+$0xED00];
	v7 =	vadd.f32 v9, v7;
	v4 =	vsel vm0, v4, v6  }
0x1a1: {  	v6 =	vld [tilespmem:s28+$0xED90];
	vm0 =	vgt.s32 v4, $0x0  }
0x1a2: {  	v9 =	vld [tilespmem:s28+$0x116B0];
	v7 =	vadd.f32 v10, v7;
	v4 =	vnsel vm0, $0x0, v4  }
0x1a3: {  	s25 =	sadd.s32 $0x10, s25;
	vm0 =	vgt.s32 v11, v12;
	v10 =	vld [tilespmem:s28+$0xEE20];
	v4 =	vand.u32 $0x3FFF, v4  }
0x1a4: {  	v11 =	vsel vm0, v11, v12;
	v12 =	vld [tilespmem:s28+$0x11740];
	[tilespmem:s24+$0x9D00] =	vst v7  }
0x1a5: {  	vm0 =	vgt.s32 v11, v5;
	v7 =	vld [tilespmem:s28+$0xEEB0];
	[tilespmem:s24+$0xC500] =	vst v4;
	s24 =	smov.u32 s28  }
0x1a6: {  	v4 =	vadd.f32 v6, v8;
	v5 =	vsel vm0, v11, v5;
	v6 =	vld [tilespmem:s24+$0x117D0]  }
0x1a7: {  	vm0 =	vgt.s32 v5, v9;
	v8 =	vld [tilespmem:s24+$0xEF40]  }
0x1a8: {  	v4 =	vadd.f32 v10, v4;
	v5 =	vsel vm0, v5, v9;
	v9 =	vld [tilespmem:s24+$0x11860]  }
0x1a9: {  	vm0 =	vgt.s32 v5, v12;
	v10 =	vld [tilespmem:s24+$0xEFD0]  }
0x1aa: {  	v4 =	vadd.f32 v7, v4;
	v5 =	vsel vm0, v5, v12;
	v7 =	vld [tilespmem:s24+$0x118F0]  }
0x1ab: {  	s28 =	sand.u32 $0xF0, s25;
	vm0 =	vgt.s32 v5, v6;
	v11 =	vld [tilespmem:s24+$0xF060]  }
0x1ac: {  	v4 =	vadd.f32 v8, v4;
	v5 =	vsel vm0, v5, v6;
	v6 =	vld [tilespmem:s28+$0x11980]  }
0x1ad: {  	vm0 =	vgt.s32 v5, v9;
	v8 =	vld [tilespmem:s24+$0xF0F0]  }
0x1ae: {  	v4 =	vadd.f32 v10, v4;
	v5 =	vsel vm0, v5, v9;
	v9 =	vld [tilespmem:s24+$0x11A10]  }
0x1af: {  	vm0 =	vgt.s32 v5, v7;
	v10 =	vld [tilespmem:s28+$0xF180]  }
0x1b0: {  	v4 =	vadd.f32 v11, v4;
	v5 =	vsel vm0, v5, v7;
	v7 =	vld [tilespmem:s24+$0x11AA0]  }
0x1b1: {  	vm0 =	vgt.s32 v5, v6;
	v11 =	vld [tilespmem:s24+$0xF210]  }
0x1b2: {  	v4 =	vadd.f32 v8, v4;
	v5 =	vsel vm0, v5, v6;
	v6 =	vld [tilespmem:s24+$0x11B30]  }
0x1b3: {  	vm0 =	vgt.s32 v5, v9;
	v8 =	vld [tilespmem:s24+$0xF2A0]  }
0x1b4: {  	v4 =	vadd.f32 v10, v4;
	v5 =	vsel vm0, v5, v9;
	v9 =	vld [tilespmem:s24+$0x11BC0]  }
0x1b5: {  	vm0 =	vgt.s32 v5, v7;
	v10 =	vld [tilespmem:s24+$0xF330]  }
0x1b6: {  	v11 =	vadd.f32 v11, v4;
	v5 =	vsel vm0, v5, v7;
	v4 =	vld [tilespmem:s24+$0x11C50]  }
.Ltmp6:
0x1b7: {  	vm0 =	vgt.s32 v5, v6;
	v7 =	vld [tilespmem:s24+$0xF3C0];
	(pc) =	sbr.rel @p1 .LBB2_18-.Ltmp6, $4  }
0x1b8: {  	v11 =	vadd.f32 v8, v11;
	v6 =	vsel vm0, v5, v6;
	v5 =	vld [tilespmem:s24+$0x11CE0]  }
0x1b9: {  	vm0 =	vgt.s32 v6, v9;
	v8 =	vld [tilespmem:s24+$0xF450]  }
0x1ba: {  	v11 =	vadd.f32 v10, v11;
	v10 =	vsel vm0, v6, v9;
	v6 =	vld [tilespmem:s24+$0x11D70]  }
0x1bb: {  	vm0 =	vgt.s32 v10, v4;
	v9 =	vld [tilespmem:s24+$0xF4E0]  }
.Ltmp7:
0x1bc: {  	_ = 	snop;
	(pc) =	sbr.rel .LBB2_19-.Ltmp7, $1  }
0x1bd: {  	_ =	sdelay $0x3  }
.LBB2_2:
0x1be: {  	[tilespmem:s1], [sflag:$0x1] =	stream.linear.gather [hbm4b:s10+s1], $0x4E20, $0x38;
	[tilespmem:$0x18D00] =	vst v63  }
0x1bf: {  	s25 =	simm.s32 $0x9D20  }
0x1c0: {  	[tilespmem:s29], [sflag:$0x1] =	stream.linear.gather [hbm4b:s11+s1], $0x4E20, $0x38;
	[tilespmem:$0x18D00] =	vst v63  }
0x1c1: {  	s24 =	simm.s32 $0xC520;
	[tilespmem:s25+$0xFFFFFFE0] =	vst v1  }
0x1c2: {  	[tilespmem:s24+$0xFFFFFFE0] =	vst v2  }
0x1c3: {  	[tilespmem:s25+$0xFFFFFFF0] =	vst v1  }
0x1c4: {  	[tilespmem:s24+$0xFFFFFFF0] =	vst v2  }
0x1c5: {  	[tilespmem:s25+$0x0] =	vst v1  }
0x1c6: {  	[tilespmem:s24+$0x0] =	vst v2  }
0x1c7: {  	[tilespmem:s25+$0x10] =	vst v1  }
0x1c8: {  	s26 =	simm.s32 $0x9D60;
	s25 =	simm.s32 $0x0;
	[tilespmem:s24+$0x10] =	vst v2  }
.LBB2_3:
0x1c9: {  	[tilespmem:s26+$0xFFFFFFE0] =	vst v1;
	s24 =	sadd.s32 $0x40, s24  }
0x1ca: {  	s25 =	sadd.s32 $0x4, s25;
	[tilespmem:s24+$0xFFFFFFE0] =	vst v2  }
0x1cb: {  	p1 =	slt.u32 s25, $0x27C;
	[tilespmem:s26+$0xFFFFFFF0] =	vst v1  }
.Ltmp8:
0x1cc: {  	[tilespmem:s24+$0xFFFFFFF0] =	vst v2;
	(pc) =	sbr.rel @p1 .LBB2_3-.Ltmp8, $4  }
0x1cd: {  	[tilespmem:s26+$0x0] =	vst v1  }
0x1ce: {  	[tilespmem:s24+$0x0] =	vst v2  }
0x1cf: {  	[tilespmem:s26+$0x10] =	vst v1  }
0x1d0: {  	s26 =	sadd.s32 $0x40, s26;
	[tilespmem:s24+$0x10] =	vst v2  }
0x1d1: {  	_ =	swait.ge [sflag:s19], $0x4E20  }
0x1d2: {  	[sflag:s19] =	ssyncset.done $0x0  }
0x1d3: {  	[sflag:s19] =	ssyncadd.s32 $0xFFFFB1E0  }
0x1d4: {  	_ =	swait.ge [sflag:s19], $0x4E20  }
0x1d5: {  	[sflag:s19] =	ssyncset.done $0x0  }
0x1d6: {  	s24 =	simm.s32 $0x50;
	[sflag:s19] =	ssyncadd.s32 $0xFFFFB1E0  }
0x1d7: {  	v4 =	vld [tilespmem:s24+$0x40]  }
0x1d8: {  	v6 =	vld [tilespmem:s24+$0x20]  }
0x1d9: {  	v7 =	vld [tilespmem:s24+$0x10]  }
0x1da: {  	v8 =	vld [tilespmem:s24+$0x0]  }
0x1db: {  	v9 =	vld [tilespmem:s24+$0xFFFFFFF0]  }
0x1dc: {  	v10 =	vld [tilespmem:s24+$0xFFFFFFE0]  }
0x1dd: {  	s25 =	simm.s32 $0x4ED0;
	v11 =	vld [tilespmem:s24+$0xFFFFFFD0]  }
0x1de: {  	v5 =	vld [tilespmem:s25+$0x40]  }
0x1df: {  	v12 =	vld [tilespmem:s25+$0x20]  }
0x1e0: {  	v13 =	vld [tilespmem:s25+$0x10]  }
0x1e1: {  	v14 =	vld [tilespmem:s25+$0x0]  }
0x1e2: {  	v15 =	vld [tilespmem:s25+$0xFFFFFFB0]  }
0x1e3: {  	v16 =	vld [tilespmem:s25+$0xFFFFFFF0]  }
0x1e4: {  	v17 =	vld [tilespmem:s25+$0xFFFFFFC0]  }
0x1e5: {  	v18 =	vld [tilespmem:s24+$0xFFFFFFB0]  }
0x1e6: {  	v19 =	vld [tilespmem:s25+$0xFFFFFFD0]  }
0x1e7: {  	s26 =	simm.s32 $0x0;
	v20 =	vld [tilespmem:s24+$0xFFFFFFC0]  }
0x1e8: {  	s26 =	sand.u32 $0x7FE0, s26;
	v21 =	vld [tilespmem:s25+$0xFFFFFFE0]  }
0x1e9: {  	v22 =	vld [tilespmem:s26+$0x80]  }
0x1ea: {  	v23 =	vld [tilespmem:s26+$0x4F00];
	[tilespmem:v15+s20+$0x0] =	vst.idx.msk $0xffff, v18  }
0x1eb: {  	[tilespmem:v15+s21+$0x0] =	vst.idx.add.f32.msk $0xffff, v3  }
0x1ec: {  	[tilespmem:v17+s20+$0x0] =	vst.idx.msk $0xffff, v20  }
0x1ed: {  	[tilespmem:v17+s21+$0x0] =	vst.idx.add.f32.msk $0xffff, v3  }
0x1ee: {  	[tilespmem:v19+s20+$0x0] =	vst.idx.msk $0xffff, v11  }
0x1ef: {  	[tilespmem:v19+s21+$0x0] =	vst.idx.add.f32.msk $0xffff, v3  }
0x1f0: {  	[tilespmem:v21+s20+$0x0] =	vst.idx.msk $0xffff, v10  }
0x1f1: {  	[tilespmem:v21+s21+$0x0] =	vst.idx.add.f32.msk $0xffff, v3  }
0x1f2: {  	[tilespmem:v16+s20+$0x0] =	vst.idx.msk $0xffff, v9  }
0x1f3: {  	[tilespmem:v16+s21+$0x0] =	vst.idx.add.f32.msk $0xffff, v3  }
0x1f4: {  	[tilespmem:v14+s20+$0x0] =	vst.idx.msk $0xffff, v8  }
0x1f5: {  	[tilespmem:v14+s21+$0x0] =	vst.idx.add.f32.msk $0xffff, v3  }
0x1f6: {  	[tilespmem:v13+s20+$0x0] =	vst.idx.msk $0xffff, v7  }
0x1f7: {  	[tilespmem:v13+s21+$0x0] =	vst.idx.add.f32.msk $0xffff, v3  }
0x1f8: {  	[tilespmem:v12+s20+$0x0] =	vst.idx.msk $0xffff, v6  }
0x1f9: {  	[tilespmem:v12+s21+$0x0] =	vst.idx.add.f32.msk $0xffff, v3  }
0x1fa: {  	[tilespmem:v23+s20+$0x0] =	vst.idx.msk $0xffff, v22  }
0x1fb: {  	s26 =	simm.s32 $0xA0;
	[tilespmem:v23+s21+$0x0] =	vst.idx.add.f32.msk $0xffff, v3  }
.LBB2_5:
0x1fc: {  	p1 =	sne.s32 s26, $0x4D80;
	[tilespmem:v5+s20+$0x0] =	vst.idx.msk $0xffff, v4;
	s24 =	sadd.s32 $0xA0, s24;
	s25 =	sadd.s32 $0xA0, s25  }
0x1fd: {  	s28 =	smov.u32 s26;
	s26 =	sadd.s32 $0xA0, s26;
	[tilespmem:v5+s21+$0x0] =	vst.idx.add.f32.msk $0xffff, v3  }
0x1fe: {  	v4 =	vld [tilespmem:s24+$0x40]  }
0x1ff: {  	v6 =	vld [tilespmem:s24+$0x20]  }
0x200: {  	v7 =	vld [tilespmem:s24+$0x10]  }
0x201: {  	v8 =	vld [tilespmem:s24+$0x0]  }
0x202: {  	v9 =	vld [tilespmem:s24+$0xFFFFFFF0]  }
0x203: {  	v10 =	vld [tilespmem:s24+$0xFFFFFFE0]  }
0x204: {  	v11 =	vld [tilespmem:s24+$0xFFFFFFD0]  }
0x205: {  	v5 =	vld [tilespmem:s25+$0x40]  }
0x206: {  	v12 =	vld [tilespmem:s25+$0x20]  }
0x207: {  	v13 =	vld [tilespmem:s25+$0x10]  }
0x208: {  	v14 =	vld [tilespmem:s25+$0x0]  }
0x209: {  	v15 =	vld [tilespmem:s25+$0xFFFFFFB0]  }
0x20a: {  	v16 =	vld [tilespmem:s25+$0xFFFFFFF0]  }
0x20b: {  	v17 =	vld [tilespmem:s25+$0xFFFFFFC0]  }
0x20c: {  	v18 =	vld [tilespmem:s24+$0xFFFFFFB0]  }
0x20d: {  	v19 =	vld [tilespmem:s25+$0xFFFFFFD0]  }
0x20e: {  	v20 =	vld [tilespmem:s24+$0xFFFFFFC0]  }
0x20f: {  	s28 =	sand.u32 $0x7FE0, s28;
	v21 =	vld [tilespmem:s25+$0xFFFFFFE0]  }
0x210: {  	v22 =	vld [tilespmem:s28+$0x80]  }
0x211: {  	v23 =	vld [tilespmem:s28+$0x4F00]  }
0x212: {  	[tilespmem:v15+s20+$0x0] =	vst.idx.msk $0xffff, v18  }
0x213: {  	[tilespmem:v15+s21+$0x0] =	vst.idx.add.f32.msk $0xffff, v3  }
0x214: {  	[tilespmem:v17+s20+$0x0] =	vst.idx.msk $0xffff, v20  }
0x215: {  	[tilespmem:v17+s21+$0x0] =	vst.idx.add.f32.msk $0xffff, v3  }
0x216: {  	[tilespmem:v19+s20+$0x0] =	vst.idx.msk $0xffff, v11  }
0x217: {  	[tilespmem:v19+s21+$0x0] =	vst.idx.add.f32.msk $0xffff, v3  }
0x218: {  	[tilespmem:v21+s20+$0x0] =	vst.idx.msk $0xffff, v10  }
0x219: {  	[tilespmem:v21+s21+$0x0] =	vst.idx.add.f32.msk $0xffff, v3  }
0x21a: {  	[tilespmem:v16+s20+$0x0] =	vst.idx.msk $0xffff, v9  }
0x21b: {  	[tilespmem:v16+s21+$0x0] =	vst.idx.add.f32.msk $0xffff, v3  }
0x21c: {  	[tilespmem:v14+s20+$0x0] =	vst.idx.msk $0xffff, v8  }
0x21d: {  	[tilespmem:v14+s21+$0x0] =	vst.idx.add.f32.msk $0xffff, v3  }
0x21e: {  	[tilespmem:v13+s20+$0x0] =	vst.idx.msk $0xffff, v7  }
.Ltmp9:
0x21f: {  	[tilespmem:v13+s21+$0x0] =	vst.idx.add.f32.msk $0xffff, v3;
	(pc) =	sbr.rel @p1 .LBB2_5-.Ltmp9, $4  }
0x220: {  	[tilespmem:v12+s20+$0x0] =	vst.idx.msk $0xffff, v6  }
0x221: {  	[tilespmem:v12+s21+$0x0] =	vst.idx.add.f32.msk $0xffff, v3  }
0x222: {  	[tilespmem:v23+s20+$0x0] =	vst.idx.msk $0xffff, v22  }
0x223: {  	[tilespmem:v23+s21+$0x0] =	vst.idx.add.f32.msk $0xffff, v3  }
0x224: {  	_ =	sdelay $0x3  }
0x225: {  	[tilespmem:v5+s20+$0x0] =	vst.idx.msk $0xffff, v4  }
0x226: {  	s24 =	rddreg [dreg:$0x4];
	[tilespmem:v5+s21+$0x0] =	vst.idx.add.f32.msk $0xffff, v3  }
0x227: {  	[spmem:s24] =	stream.linear.scatter [tilespmem:s21], [sflag:$0x1], $0x2800, $0x38;
	[tilespmem:$0x18D00] =	vst v63  }
0x228: {  	s24 =	simm.s32 $0x0  }
0x229: {  	v6 =	vld [tilespmem:s24+$0xC500]  }
0x22a: {  	v5 =	vld [tilespmem:s24+$0xC510]  }
0x22b: {  	s25 =	simm.s32 $0x100;
	v4 =	vld [tilespmem:s24+$0xC520]  }
.LBB2_7:
0x22c: {  	p1 =	sne.s32 s25, $0x9F00;
	v7 =	vld [tilespmem:s24+$0xC530];
	_ =	sdelay $0x1  }
0x22d: {  	vm0 =	vlt.s32 v6, $0x0  }
0x22e: {  	v8 =	vsel vm0, $0x0, v0;
	vm0 =	vlt.s32 v5, $0x0  }
.Ltmp10:
0x22f: {  	v6 =	vor.u32 v6, v8;
	v8 =	vsel vm0, $0x0, v0;
	vm0 =	vlt.s32 v4, $0x0;
	(pc) =	sbr.rel @p1 .LBB2_7-.Ltmp10, $4  }
0x230: {  	s26 =	sshra.s32 s25, $0x2;
	[tilespmem:s24+$0xC500] =	vst v6;
	v5 =	vor.u32 v5, v8;
	v8 =	vsel vm0, $0x0, v0;
	vm0 =	vlt.s32 v7, $0x0  }
0x231: {  	v6 =	vld [tilespmem:s26+$0xC500];
	[tilespmem:s24+$0xC510] =	vst v5;
	v4 =	vor.u32 v4, v8;
	v8 =	vsel vm0, $0x0, v0  }
0x232: {  	v5 =	vld [tilespmem:s26+$0xC510];
	[tilespmem:s24+$0xC520] =	vst v4;
	v7 =	vor.u32 v7, v8  }
0x233: {  	s25 =	sadd.s32 $0x100, s25;
	v4 =	vld [tilespmem:s26+$0xC520];
	[tilespmem:s24+$0xC530] =	vst v7;
	s24 =	smov.u32 s26  }
0x234: {  	v7 =	vld [tilespmem:s24+$0xC530];
	_ =	sdelay $0x1  }
0x235: {  	vm0 =	vlt.s32 v6, $0x0  }
0x236: {  	v8 =	vsel vm0, $0x0, v0;
	vm12 =	vlt.s32 v5, $0x0  }
0x237: {  	v6 =	vor.u32 v6, v8;
	v47 =	vsel vm12, $0x0, v0;
	vm13 =	vlt.s32 v4, $0x0  }
0x238: {  	[tilespmem:s24+$0xC500] =	vst v6;
	v5 =	vor.u32 v5, v47;
	v6 =	vsel vm13, $0x0, v0;
	vm14 =	vlt.s32 v7, $0x0  }
0x239: {  	[tilespmem:s24+$0xC510] =	vst v5;
	v4 =	vor.u32 v4, v6;
	v5 =	vsel vm14, $0x0, v0  }
0x23a: {  	[tilespmem:s24+$0xC520] =	vst v4;
	v4 =	vor.u32 v7, v5  }
0x23b: {  	s25 =	rddreg [dreg:$0x5];
	[tilespmem:s24+$0xC530] =	vst v4;
	s24 =	simm.s32 $0xC500  }
0x23c: {  	[spmem:s25] =	stream.linear.scatter [tilespmem:s24], [sflag:$0x1], $0x2800, $0x38;
	[tilespmem:$0x18D00] =	vst v63  }
0x23d: {  	_ =	swait.ge [sflag:s19], $0x2800  }
0x23e: {  	[sflag:s19] =	ssyncset.done $0x0  }
0x23f: {  	[sflag:s19] =	ssyncadd.s32 $0xFFFFD800  }
0x240: {  	_ =	swait.ge [sflag:s19], $0x2800  }
0x241: {  	[sflag:s19] =	ssyncset.done $0x0  }
0x242: {  	[sflag:s19] =	ssyncadd.s32 $0xFFFFD800  }
0x243: {  	[bflag:$0x0] =	sbarrier.arrive $0xFFFF  }
0x244: {  	s25 =	simm.s32 $0xED00;
	s26 =	rddreg [dreg:$0x6]  }
0x245: {  	[tilespmem:s25], [sflag:$0x1] =	stream.linear.gather [spmem:s26], $0x280, $0x38;
	[tilespmem:$0x18D00] =	vst v63  }
0x246: {  	s28 =	rddreg [dreg:$0x7];
	s26 =	simm.s32 $0x11500  }
0x247: {  	[tilespmem:s26], [sflag:$0x1] =	stream.linear.gather [spmem:s28], $0x280, $0x38;
	[tilespmem:$0x18D00] =	vst v63  }
0x248: {  	s29 =	simm.s32 $0xEF80;
	s28 =	rddreg [dreg:$0x8]  }
0x249: {  	[tilespmem:s29], [sflag:$0x1] =	stream.linear.gather [spmem:s28], $0x280, $0x38;
	[tilespmem:$0x18D00] =	vst v63  }
0x24a: {  	s28 =	rddreg [dreg:$0x9];
	s29 =	simm.s32 $0x11780  }
0x24b: {  	[tilespmem:s29], [sflag:$0x1] =	stream.linear.gather [spmem:s28], $0x280, $0x38;
	[tilespmem:$0x18D00] =	vst v63  }
0x24c: {  	s28 =	rddreg [dreg:$0xa];
	s29 =	simm.s32 $0xF200  }
0x24d: {  	[tilespmem:s29], [sflag:$0x1] =	stream.linear.gather [spmem:s28], $0x280, $0x38;
	[tilespmem:$0x18D00] =	vst v63  }
0x24e: {  	s28 =	rddreg [dreg:$0xb];
	s29 =	simm.s32 $0x11A00  }
0x24f: {  	[tilespmem:s29], [sflag:$0x1] =	stream.linear.gather [spmem:s28], $0x280, $0x38;
	[tilespmem:$0x18D00] =	vst v63  }
0x250: {  	s28 =	rddreg [dreg:$0xc];
	s29 =	simm.s32 $0xF480  }
0x251: {  	[tilespmem:s29], [sflag:$0x1] =	stream.linear.gather [spmem:s28], $0x280, $0x38;
	[tilespmem:$0x18D00] =	vst v63  }
0x252: {  	s28 =	rddreg [dreg:$0xd];
	s29 =	simm.s32 $0x11C80  }
0x253: {  	[tilespmem:s29], [sflag:$0x1] =	stream.linear.gather [spmem:s28], $0x280, $0x38;
	[tilespmem:$0x18D00] =	vst v63  }
0x254: {  	s28 =	rddreg [dreg:$0xe];
	s29 =	simm.s32 $0xF700  }
0x255: {  	[tilespmem:s29], [sflag:$0x1] =	stream.linear.gather [spmem:s28], $0x280, $0x38;
	[tilespmem:$0x18D00] =	vst v63  }
0x256: {  	s28 =	rddreg [dreg:$0xf];
	s29 =	simm.s32 $0x11F00  }
0x257: {  	[tilespmem:s29], [sflag:$0x1] =	stream.linear.gather [spmem:s28], $0x280, $0x38;
	[tilespmem:$0x18D00] =	vst v63  }
0x258: {  	s28 =	rddreg [dreg:$0x10];
	s29 =	simm.s32 $0xF980  }
0x259: {  	[tilespmem:s29], [sflag:$0x1] =	stream.linear.gather [spmem:s28], $0x280, $0x38;
	[tilespmem:$0x18D00] =	vst v63  }
0x25a: {  	s28 =	rddreg [dreg:$0x11];
	s29 =	simm.s32 $0x12180  }
0x25b: {  	[tilespmem:s29], [sflag:$0x1] =	stream.linear.gather [spmem:s28], $0x280, $0x38;
	[tilespmem:$0x18D00] =	vst v63  }
0x25c: {  	s28 =	rddreg [dreg:$0x12];
	s29 =	simm.s32 $0xFC00  }
0x25d: {  	[tilespmem:s29], [sflag:$0x1] =	stream.linear.gather [spmem:s28], $0x280, $0x38;
	[tilespmem:$0x18D00] =	vst v63  }
0x25e: {  	s28 =	rddreg [dreg:$0x13];
	s29 =	simm.s32 $0x12400  }
0x25f: {  	[tilespmem:s29], [sflag:$0x1] =	stream.linear.gather [spmem:s28], $0x280, $0x38;
	[tilespmem:$0x18D00] =	vst v63  }
0x260: {  	s28 =	rddreg [dreg:$0x14];
	s29 =	simm.s32 $0xFE80  }
0x261: {  	[tilespmem:s29], [sflag:$0x1] =	stream.linear.gather [spmem:s28], $0x280, $0x38;
	[tilespmem:$0x18D00] =	vst v63  }
0x262: {  	s28 =	rddreg [dreg:$0x15];
	s29 =	simm.s32 $0x12680  }
0x263: {  	[tilespmem:s29], [sflag:$0x1] =	stream.linear.gather [spmem:s28], $0x280, $0x38;
	[tilespmem:$0x18D00] =	vst v63  }
0x264: {  	s28 =	rddreg [dreg:$0x16];
	s29 =	simm.s32 $0x10100  }
0x265: {  	[tilespmem:s29], [sflag:$0x1] =	stream.linear.gather [spmem:s28], $0x280, $0x38;
	[tilespmem:$0x18D00] =	vst v63  }
0x266: {  	s28 =	rddreg [dreg:$0x17];
	s29 =	simm.s32 $0x12900  }
0x267: {  	[tilespmem:s29], [sflag:$0x1] =	stream.linear.gather [spmem:s28], $0x280, $0x38;
	[tilespmem:$0x18D00] =	vst v63  }
0x268: {  	s28 =	rddreg [dreg:$0x18];
	s29 =	simm.s32 $0x10380  }
0x269: {  	[tilespmem:s29], [sflag:$0x1] =	stream.linear.gather [spmem:s28], $0x280, $0x38;
	[tilespmem:$0x18D00] =	vst v63  }
0x26a: {  	s28 =	rddreg [dreg:$0x19];
	s29 =	simm.s32 $0x12B80  }
0x26b: {  	[tilespmem:s29], [sflag:$0x1] =	stream.linear.gather [spmem:s28], $0x280, $0x38;
	[tilespmem:$0x18D00] =	vst v63  }
0x26c: {  	s28 =	rddreg [dreg:$0x1a];
	s29 =	simm.s32 $0x10600  }
0x26d: {  	[tilespmem:s29], [sflag:$0x1] =	stream.linear.gather [spmem:s28], $0x280, $0x38;
	[tilespmem:$0x18D00] =	vst v63  }
0x26e: {  	s28 =	rddreg [dreg:$0x1b];
	s29 =	simm.s32 $0x12E00  }
0x26f: {  	[tilespmem:s29], [sflag:$0x1] =	stream.linear.gather [spmem:s28], $0x280, $0x38;
	[tilespmem:$0x18D00] =	vst v63  }
0x270: {  	s28 =	rddreg [dreg:$0x1c];
	s29 =	simm.s32 $0x10880  }
0x271: {  	[tilespmem:s29], [sflag:$0x1] =	stream.linear.gather [spmem:s28], $0x280, $0x38;
	[tilespmem:$0x18D00] =	vst v63  }
0x272: {  	s28 =	rddreg [dreg:$0x1d];
	s29 =	simm.s32 $0x13080  }
0x273: {  	[tilespmem:s29], [sflag:$0x1] =	stream.linear.gather [spmem:s28], $0x280, $0x38;
	[tilespmem:$0x18D00] =	vst v63  }
0x274: {  	s28 =	rddreg [dreg:$0x1e];
	s29 =	simm.s32 $0x10B00  }
0x275: {  	[tilespmem:s29], [sflag:$0x1] =	stream.linear.gather [spmem:s28], $0x280, $0x38;
	[tilespmem:$0x18D00] =	vst v63  }
0x276: {  	s28 =	rddreg [dreg:$0x1f];
	s29 =	simm.s32 $0x13300  }
0x277: {  	[tilespmem:s29], [sflag:$0x1] =	stream.linear.gather [spmem:s28], $0x280, $0x38;
	[tilespmem:$0x18D00] =	vst v63  }
0x278: {  	s28 =	sld [smem:$0x7E0];
	_ =	sdelay $0x1  }
0x279: {  	s29 =	simm.s32 $0x10D80  }
0x27a: {  	[tilespmem:s29], [sflag:$0x1] =	stream.linear.gather [spmem:s28], $0x280, $0x38;
	[tilespmem:$0x18D00] =	vst v63  }
0x27b: {  	s28 =	sld [smem:$0x7E1];
	_ =	sdelay $0x1  }
0x27c: {  	s29 =	simm.s32 $0x13580  }
0x27d: {  	[tilespmem:s29], [sflag:$0x1] =	stream.linear.gather [spmem:s28], $0x280, $0x38;
	[tilespmem:$0x18D00] =	vst v63  }
0x27e: {  	s28 =	sld [smem:$0x7E2];
	_ =	sdelay $0x1  }
0x27f: {  	s29 =	simm.s32 $0x11000  }
0x280: {  	[tilespmem:s29], [sflag:$0x1] =	stream.linear.gather [spmem:s28], $0x280, $0x38;
	[tilespmem:$0x18D00] =	vst v63  }
0x281: {  	s28 =	sld [smem:$0x7E3];
	_ =	sdelay $0x1  }
0x282: {  	s29 =	simm.s32 $0x13800  }
0x283: {  	[tilespmem:s29], [sflag:$0x1] =	stream.linear.gather [spmem:s28], $0x280, $0x38;
	[tilespmem:$0x18D00] =	vst v63  }
0x284: {  	s28 =	sld [smem:$0x7E4];
	_ =	sdelay $0x1  }
0x285: {  	s29 =	simm.s32 $0x11280  }
0x286: {  	[tilespmem:s29], [sflag:$0x1] =	stream.linear.gather [spmem:s28], $0x280, $0x38;
	[tilespmem:$0x18D00] =	vst v63  }
0x287: {  	s28 =	sld [smem:$0x7E5];
	_ =	sdelay $0x1  }
0x288: {  	s29 =	simm.s32 $0x13A80  }
0x289: {  	[tilespmem:s29], [sflag:$0x1] =	stream.linear.gather [spmem:s28], $0x280, $0x38;
	[tilespmem:$0x18D00] =	vst v63  }
0x28a: {  	_ =	swait.ge [sflag:s19], $0x280  }
0x28b: {  	[sflag:s19] =	ssyncset.done $0x0  }
0x28c: {  	[sflag:s19] =	ssyncadd.s32 $0xFFFFFD80  }
0x28d: {  	_ =	swait.ge [sflag:s19], $0x280  }
0x28e: {  	[sflag:s19] =	ssyncset.done $0x0  }
0x28f: {  	[sflag:s19] =	ssyncadd.s32 $0xFFFFFD80  }
0x290: {  	_ =	swait.ge [sflag:s19], $0x280  }
0x291: {  	[sflag:s19] =	ssyncset.done $0x0  }
0x292: {  	[sflag:s19] =	ssyncadd.s32 $0xFFFFFD80  }
0x293: {  	_ =	swait.ge [sflag:s19], $0x280  }
0x294: {  	[sflag:s19] =	ssyncset.done $0x0  }
0x295: {  	[sflag:s19] =	ssyncadd.s32 $0xFFFFFD80  }
0x296: {  	_ =	swait.ge [sflag:s19], $0x280  }
0x297: {  	[sflag:s19] =	ssyncset.done $0x0  }
0x298: {  	[sflag:s19] =	ssyncadd.s32 $0xFFFFFD80  }
0x299: {  	_ =	swait.ge [sflag:s19], $0x280  }
0x29a: {  	[sflag:s19] =	ssyncset.done $0x0  }
0x29b: {  	[sflag:s19] =	ssyncadd.s32 $0xFFFFFD80  }
0x29c: {  	_ =	swait.ge [sflag:s19], $0x280  }
0x29d: {  	[sflag:s19] =	ssyncset.done $0x0  }
0x29e: {  	[sflag:s19] =	ssyncadd.s32 $0xFFFFFD80  }
0x29f: {  	_ =	swait.ge [sflag:s19], $0x280  }
0x2a0: {  	[sflag:s19] =	ssyncset.done $0x0  }
0x2a1: {  	[sflag:s19] =	ssyncadd.s32 $0xFFFFFD80  }
0x2a2: {  	_ =	swait.ge [sflag:s19], $0x280  }
0x2a3: {  	[sflag:s19] =	ssyncset.done $0x0  }
0x2a4: {  	[sflag:s19] =	ssyncadd.s32 $0xFFFFFD80  }
0x2a5: {  	_ =	swait.ge [sflag:s19], $0x280  }
0x2a6: {  	[sflag:s19] =	ssyncset.done $0x0  }
0x2a7: {  	[sflag:s19] =	ssyncadd.s32 $0xFFFFFD80  }
0x2a8: {  	_ =	swait.ge [sflag:s19], $0x280  }
0x2a9: {  	[sflag:s19] =	ssyncset.done $0x0  }
0x2aa: {  	[sflag:s19] =	ssyncadd.s32 $0xFFFFFD80  }
0x2ab: {  	_ =	swait.ge [sflag:s19], $0x280  }
0x2ac: {  	[sflag:s19] =	ssyncset.done $0x0  }
0x2ad: {  	[sflag:s19] =	ssyncadd.s32 $0xFFFFFD80  }
0x2ae: {  	_ =	swait.ge [sflag:s19], $0x280  }
0x2af: {  	[sflag:s19] =	ssyncset.done $0x0  }
0x2b0: {  	[sflag:s19] =	ssyncadd.s32 $0xFFFFFD80  }
0x2b1: {  	_ =	swait.ge [sflag:s19], $0x280  }
0x2b2: {  	[sflag:s19] =	ssyncset.done $0x0  }
0x2b3: {  	[sflag:s19] =	ssyncadd.s32 $0xFFFFFD80  }
0x2b4: {  	_ =	swait.ge [sflag:s19], $0x280  }
0x2b5: {  	[sflag:s19] =	ssyncset.done $0x0  }
0x2b6: {  	[sflag:s19] =	ssyncadd.s32 $0xFFFFFD80  }
0x2b7: {  	_ =	swait.ge [sflag:s19], $0x280  }
0x2b8: {  	[sflag:s19] =	ssyncset.done $0x0  }
0x2b9: {  	[sflag:s19] =	ssyncadd.s32 $0xFFFFFD80  }
0x2ba: {  	_ =	swait.ge [sflag:s19], $0x280  }
0x2bb: {  	[sflag:s19] =	ssyncset.done $0x0  }
0x2bc: {  	[sflag:s19] =	ssyncadd.s32 $0xFFFFFD80  }
0x2bd: {  	_ =	swait.ge [sflag:s19], $0x280  }
0x2be: {  	[sflag:s19] =	ssyncset.done $0x0  }
0x2bf: {  	[sflag:s19] =	ssyncadd.s32 $0xFFFFFD80  }
0x2c0: {  	_ =	swait.ge [sflag:s19], $0x280  }
0x2c1: {  	[sflag:s19] =	ssyncset.done $0x0  }
0x2c2: {  	[sflag:s19] =	ssyncadd.s32 $0xFFFFFD80  }
0x2c3: {  	_ =	swait.ge [sflag:s19], $0x280  }
0x2c4: {  	[sflag:s19] =	ssyncset.done $0x0  }
0x2c5: {  	[sflag:s19] =	ssyncadd.s32 $0xFFFFFD80  }
0x2c6: {  	_ =	swait.ge [sflag:s19], $0x280  }
0x2c7: {  	[sflag:s19] =	ssyncset.done $0x0  }
0x2c8: {  	[sflag:s19] =	ssyncadd.s32 $0xFFFFFD80  }
0x2c9: {  	_ =	swait.ge [sflag:s19], $0x280  }
0x2ca: {  	[sflag:s19] =	ssyncset.done $0x0  }
0x2cb: {  	[sflag:s19] =	ssyncadd.s32 $0xFFFFFD80  }
0x2cc: {  	_ =	swait.ge [sflag:s19], $0x280  }
0x2cd: {  	[sflag:s19] =	ssyncset.done $0x0  }
0x2ce: {  	[sflag:s19] =	ssyncadd.s32 $0xFFFFFD80  }
0x2cf: {  	_ =	swait.ge [sflag:s19], $0x280  }
0x2d0: {  	[sflag:s19] =	ssyncset.done $0x0  }
0x2d1: {  	[sflag:s19] =	ssyncadd.s32 $0xFFFFFD80  }
0x2d2: {  	_ =	swait.ge [sflag:s19], $0x280  }
0x2d3: {  	[sflag:s19] =	ssyncset.done $0x0  }
0x2d4: {  	[sflag:s19] =	ssyncadd.s32 $0xFFFFFD80  }
0x2d5: {  	_ =	swait.ge [sflag:s19], $0x280  }
0x2d6: {  	[sflag:s19] =	ssyncset.done $0x0  }
0x2d7: {  	[sflag:s19] =	ssyncadd.s32 $0xFFFFFD80  }
0x2d8: {  	_ =	swait.ge [sflag:s19], $0x280  }
0x2d9: {  	[sflag:s19] =	ssyncset.done $0x0  }
0x2da: {  	[sflag:s19] =	ssyncadd.s32 $0xFFFFFD80  }
0x2db: {  	_ =	swait.ge [sflag:s19], $0x280  }
0x2dc: {  	[sflag:s19] =	ssyncset.done $0x0  }
0x2dd: {  	[sflag:s19] =	ssyncadd.s32 $0xFFFFFD80  }
0x2de: {  	_ =	swait.ge [sflag:s19], $0x280  }
0x2df: {  	[sflag:s19] =	ssyncset.done $0x0  }
0x2e0: {  	[sflag:s19] =	ssyncadd.s32 $0xFFFFFD80  }
0x2e1: {  	_ =	swait.ge [sflag:s19], $0x280  }
0x2e2: {  	[sflag:s19] =	ssyncset.done $0x0  }
0x2e3: {  	[sflag:s19] =	ssyncadd.s32 $0xFFFFFD80  }
0x2e4: {  	_ =	swait.ge [sflag:s19], $0x280  }
0x2e5: {  	[sflag:s19] =	ssyncset.done $0x0  }
0x2e6: {  	[sflag:s19] =	ssyncadd.s32 $0xFFFFFD80  }
0x2e7: {  	_ =	swait.ge [sflag:s19], $0x280  }
0x2e8: {  	s28 =	simm.s32 $0x0;
	[sflag:s19] =	ssyncset.done $0x0  }
0x2e9: {  	s28 =	sand.u32 $0x3F0, s28;
	[sflag:s19] =	ssyncadd.s32 $0xFFFFFD80  }
0x2ea: {  	v4 =	vld [tilespmem:s28+$0xEF80]  }
0x2eb: {  	v5 =	vld [tilespmem:s28+$0x11780]  }
0x2ec: {  	v6 =	vld [tilespmem:s26+$0x0]  }
0x2ed: {  	v7 =	vld [tilespmem:s25+$0x0]  }
0x2ee: {  	v48 =	vld [tilespmem:s28+$0x11A00]  }
0x2ef: {  	v9 =	vld [tilespmem:s28+$0xF200]  }
0x2f0: {  	v10 =	vld [tilespmem:s28+$0x11C80]  }
0x2f1: {  	v11 =	vld [tilespmem:s28+$0xF480];
	vm15 =	vgt.s32 v6, v5  }
0x2f2: {  	v5 =	vsel vm15, v6, v5;
	v6 =	vld [tilespmem:s28+$0x11F00]  }
0x2f3: {  	v49 =	vld [tilespmem:s28+$0x12180];
	v4 =	vadd.f32 v4, v7;
	vm0 =	vgt.s32 v5, v48  }
0x2f4: {  	v7 =	vld [tilespmem:s28+$0xF700];
	v5 =	vsel vm0, v5, v48  }
0x2f5: {  	v50 =	vld [tilespmem:s28+$0xF980];
	v4 =	vadd.f32 v9, v4;
	vm0 =	vgt.s32 v5, v10  }
0x2f6: {  	v51 =	vld [tilespmem:s28+$0x12400];
	v5 =	vsel vm0, v5, v10  }
0x2f7: {  	v52 =	vld [tilespmem:s28+$0xFC00];
	v4 =	vadd.f32 v11, v4;
	vm0 =	vgt.s32 v5, v6  }
0x2f8: {  	v5 =	vsel vm0, v5, v6;
	v6 =	vld [tilespmem:s28+$0x12680]  }
0x2f9: {  	v53 =	vld [tilespmem:s26+$0x1400];
	v4 =	vadd.f32 v7, v4;
	vm0 =	vgt.s32 v5, v49  }
0x2fa: {  	v7 =	vld [tilespmem:s28+$0xFE80];
	v5 =	vsel vm0, v5, v49  }
0x2fb: {  	v54 =	vld [tilespmem:s25+$0x1400];
	v4 =	vadd.f32 v50, v4;
	vm0 =	vgt.s32 v5, v51  }
0x2fc: {  	v55 =	vld [tilespmem:s28+$0x12B80];
	v5 =	vsel vm0, v5, v51  }
0x2fd: {  	v56 =	vld [tilespmem:s28+$0x10380];
	v4 =	vadd.f32 v52, v4;
	vm0 =	vgt.s32 v5, v6  }
0x2fe: {  	v5 =	vsel vm0, v5, v6;
	v6 =	vld [tilespmem:s28+$0x12E00]  }
0x2ff: {  	v57 =	vld [tilespmem:s28+$0x13080];
	v4 =	vadd.f32 v7, v4;
	vm0 =	vgt.s32 v5, v53  }
0x300: {  	v7 =	vld [tilespmem:s28+$0x10600];
	v5 =	vsel vm0, v5, v53  }
0x301: {  	v58 =	vld [tilespmem:s28+$0x10880];
	v4 =	vadd.f32 v54, v4;
	vm0 =	vgt.s32 v5, v55  }
0x302: {  	v59 =	vld [tilespmem:s28+$0x13300];
	v5 =	vsel vm0, v5, v55  }
0x303: {  	v60 =	vld [tilespmem:s28+$0x10B00];
	v4 =	vadd.f32 v56, v4;
	vm0 =	vgt.s32 v5, v6  }
0x304: {  	v5 =	vsel vm0, v5, v6;
	v6 =	vld [tilespmem:s28+$0x13580]  }
0x305: {  	v61 =	vld [tilespmem:s28+$0x13800];
	v4 =	vadd.f32 v7, v4;
	vm0 =	vgt.s32 v5, v57  }
0x306: {  	v7 =	vld [tilespmem:s28+$0x10D80];
	v5 =	vsel vm0, v5, v57  }
0x307: {  	v62 =	vld [tilespmem:s28+$0x11000];
	v4 =	vadd.f32 v58, v4;
	vm0 =	vgt.s32 v5, v59  }
0x308: {  	v63 =	vld [tilespmem:s28+$0x13A80];
	v5 =	vsel vm0, v5, v59  }
0x309: {  	v4 =	vadd.f32 v60, v4;
	vm0 =	vgt.s32 v5, v6  }
0x30a: {  	v5 =	vsel vm0, v5, v6;
	v6 =	vld [tilespmem:s28+$0x11280]  }
0x30b: {  	v4 =	vadd.f32 v7, v4;
	vm0 =	vgt.s32 v5, v61  }
0x30c: {  	v5 =	vsel vm0, v5, v61  }
0x30d: {  	v4 =	vadd.f32 v62, v4;
	vm0 =	vgt.s32 v5, v63  }
0x30e: {  	v5 =	vsel vm0, v5, v63  }
0x30f: {  	v4 =	vadd.f32 v6, v4;
	vm0 =	vgt.s32 v5, $0x0  }
0x310: {  	s26 =	simm.s32 $0x9D00;
	v5 =	vnsel vm0, $0x0, v5  }
0x311: {  	s28 =	simm.s32 $0x10;
	[tilespmem:s26+$0x0] =	vst v4;
	v4 =	vand.u32 $0x3FFF, v5  }
0x312: {  	s28 =	sand.u32 $0x3F0, s28;
	[tilespmem:s24+$0x0] =	vst v4  }
0x313: {  	v4 =	vld [tilespmem:s28+$0xEF80]  }
0x314: {  	s30 =	simm.s32 $0x20;
	s29 =	simm.s32 $0x11510;
	v5 =	vld [tilespmem:s28+$0x11780]  }
.LBB2_9:
0x315: {  	p1 =	sne.s32 s30, $0x270;
	v6 =	vld [tilespmem:s29+$0x0];
	s25 =	sadd.s32 $0x10, s25  }
0x316: {  	v7 =	vld [tilespmem:s25+$0x0]  }
0x317: {  	v8 =	vld [tilespmem:s28+$0x11A00]  }
0x318: {  	v9 =	vld [tilespmem:s28+$0xF200]  }
0x319: {  	v10 =	vld [tilespmem:s28+$0x11C80]  }
0x31a: {  	vm0 =	vgt.s32 v6, v5;
	v11 =	vld [tilespmem:s28+$0xF480]  }
0x31b: {  	v5 =	vsel vm0, v6, v5;
	v6 =	vld [tilespmem:s28+$0x11F00]  }
0x31c: {  	v4 =	vadd.f32 v4, v7;
	vm0 =	vgt.s32 v5, v8;
	v7 =	vld [tilespmem:s28+$0xF700]  }
0x31d: {  	v5 =	vsel vm0, v5, v8;
	v8 =	vld [tilespmem:s28+$0x12180]  }
0x31e: {  	v4 =	vadd.f32 v9, v4;
	vm0 =	vgt.s32 v5, v10;
	v9 =	vld [tilespmem:s28+$0xF980]  }
0x31f: {  	v5 =	vsel vm0, v5, v10;
	v10 =	vld [tilespmem:s28+$0x12400]  }
0x320: {  	v4 =	vadd.f32 v11, v4;
	vm0 =	vgt.s32 v5, v6;
	v11 =	vld [tilespmem:s28+$0xFC00]  }
0x321: {  	v5 =	vsel vm0, v5, v6;
	v6 =	vld [tilespmem:s28+$0x12680]  }
0x322: {  	v4 =	vadd.f32 v7, v4;
	vm0 =	vgt.s32 v5, v8;
	v7 =	vld [tilespmem:s28+$0xFE80]  }
0x323: {  	v5 =	vsel vm0, v5, v8;
	v8 =	vld [tilespmem:s29+$0x1400]  }
0x324: {  	v4 =	vadd.f32 v9, v4;
	vm0 =	vgt.s32 v5, v10;
	v9 =	vld [tilespmem:s25+$0x1400]  }
0x325: {  	v5 =	vsel vm0, v5, v10;
	v10 =	vld [tilespmem:s28+$0x12B80]  }
0x326: {  	v4 =	vadd.f32 v11, v4;
	vm0 =	vgt.s32 v5, v6;
	v11 =	vld [tilespmem:s28+$0x10380]  }
0x327: {  	v5 =	vsel vm0, v5, v6;
	v6 =	vld [tilespmem:s28+$0x12E00]  }
0x328: {  	v4 =	vadd.f32 v7, v4;
	vm0 =	vgt.s32 v5, v8;
	v7 =	vld [tilespmem:s28+$0x10600]  }
0x329: {  	v5 =	vsel vm0, v5, v8;
	v8 =	vld [tilespmem:s28+$0x13080]  }
0x32a: {  	v4 =	vadd.f32 v9, v4;
	vm0 =	vgt.s32 v5, v10;
	v9 =	vld [tilespmem:s28+$0x10880]  }
0x32b: {  	v5 =	vsel vm0, v5, v10;
	v10 =	vld [tilespmem:s28+$0x13300]  }
0x32c: {  	v4 =	vadd.f32 v11, v4;
	vm0 =	vgt.s32 v5, v6;
	v11 =	vld [tilespmem:s28+$0x10B00]  }
0x32d: {  	v5 =	vsel vm0, v5, v6;
	v6 =	vld [tilespmem:s28+$0x13580]  }
0x32e: {  	v4 =	vadd.f32 v7, v4;
	vm0 =	vgt.s32 v5, v8;
	v7 =	vld [tilespmem:s28+$0x10D80]  }
0x32f: {  	v5 =	vsel vm0, v5, v8;
	v8 =	vld [tilespmem:s28+$0x13800]  }
0x330: {  	v4 =	vadd.f32 v9, v4;
	vm0 =	vgt.s32 v5, v10;
	v9 =	vld [tilespmem:s28+$0x11000]  }
0x331: {  	v5 =	vsel vm0, v5, v10;
	v10 =	vld [tilespmem:s28+$0x13A80]  }
0x332: {  	v4 =	vadd.f32 v11, v4;
	vm0 =	vgt.s32 v5, v6  }
0x333: {  	v5 =	vsel vm0, v5, v6;
	v6 =	vld [tilespmem:s28+$0x11280]  }
0x334: {  	v4 =	vadd.f32 v7, v4;
	vm0 =	vgt.s32 v5, v8  }
0x335: {  	v5 =	vsel vm0, v5, v8  }
0x336: {  	v4 =	vadd.f32 v9, v4;
	vm0 =	vgt.s32 v5, v10  }
0x337: {  	v5 =	vsel vm0, v5, v10  }
0x338: {  	v4 =	vadd.f32 v6, v4;
	vm0 =	vgt.s32 v5, $0x0  }
.Ltmp11:
0x339: {  	s26 =	sadd.s32 $0x10, s26;
	v5 =	vnsel vm0, $0x0, v5;
	(pc) =	sbr.rel @p1 .LBB2_9-.Ltmp11, $4  }
0x33a: {  	s24 =	sadd.s32 $0x10, s24;
	[tilespmem:s26+$0x0] =	vst v4;
	v4 =	vand.u32 $0x3FFF, v5  }
0x33b: {  	s28 =	sand.u32 $0x3F0, s30;
	[tilespmem:s24+$0x0] =	vst v4  }
0x33c: {  	v4 =	vld [tilespmem:s28+$0xEF80]  }
0x33d: {  	s29 =	sadd.s32 $0x10, s29;
	s30 =	sadd.s32 $0x10, s30;
	v5 =	vld [tilespmem:s28+$0x11780]  }
0x33e: {  	v6 =	vld [tilespmem:s29+$0x0]  }
0x33f: {  	s25 =	sadd.s32 $0x10, s25;
	v8 =	vld [tilespmem:s28+$0x11A00]  }
0x340: {  	v7 =	vld [tilespmem:s25+$0x0]  }
0x341: {  	v9 =	vld [tilespmem:s28+$0xF200]  }
0x342: {  	v10 =	vld [tilespmem:s28+$0x11C80]  }
0x343: {  	v11 =	vld [tilespmem:s28+$0xF480];
	vm0 =	vgt.s32 v6, v5  }
0x344: {  	v40 =	vld [tilespmem:s28+$0x11F00];
	v5 =	vsel vm0, v6, v5  }
0x345: {  	v41 =	vld [tilespmem:s28+$0xF700];
	v4 =	vadd.f32 v4, v7;
	vm0 =	vgt.s32 v5, v8  }
0x346: {  	v42 =	vld [tilespmem:s28+$0x12180];
	v5 =	vsel vm0, v5, v8  }
0x347: {  	v43 =	vld [tilespmem:s28+$0xF980];
	v4 =	vadd.f32 v9, v4;
	vm0 =	vgt.s32 v5, v10  }
0x348: {  	v44 =	vld [tilespmem:s28+$0x12400];
	v5 =	vsel vm0, v5, v10  }
0x349: {  	v45 =	vld [tilespmem:s28+$0xFC00];
	v4 =	vadd.f32 v11, v4;
	vm0 =	vgt.s32 v5, v40  }
0x34a: {  	v46 =	vld [tilespmem:s28+$0x12680];
	v5 =	vsel vm0, v5, v40  }
0x34b: {  	v47 =	vld [tilespmem:s28+$0xFE80];
	v4 =	vadd.f32 v41, v4;
	vm0 =	vgt.s32 v5, v42  }
0x34c: {  	v48 =	vld [tilespmem:s29+$0x1400];
	v5 =	vsel vm0, v5, v42  }
0x34d: {  	v50 =	vld [tilespmem:s28+$0x12B80];
	v4 =	vadd.f32 v43, v4;
	vm0 =	vgt.s32 v5, v44  }
0x34e: {  	v49 =	vld [tilespmem:s25+$0x1400];
	v5 =	vsel vm0, v5, v44  }
0x34f: {  	v51 =	vld [tilespmem:s28+$0x10380];
	v4 =	vadd.f32 v45, v4;
	vm0 =	vgt.s32 v5, v46  }
0x350: {  	v52 =	vld [tilespmem:s28+$0x12E00];
	v5 =	vsel vm0, v5, v46  }
0x351: {  	v53 =	vld [tilespmem:s28+$0x10600];
	v4 =	vadd.f32 v47, v4;
	vm0 =	vgt.s32 v5, v48  }
0x352: {  	v54 =	vld [tilespmem:s28+$0x13080];
	v5 =	vsel vm0, v5, v48  }
0x353: {  	v55 =	vld [tilespmem:s28+$0x10880];
	v4 =	vadd.f32 v49, v4;
	vm0 =	vgt.s32 v5, v50  }
0x354: {  	v56 =	vld [tilespmem:s28+$0x13300];
	v5 =	vsel vm0, v5, v50  }
0x355: {  	v57 =	vld [tilespmem:s28+$0x10B00];
	v4 =	vadd.f32 v51, v4;
	vm0 =	vgt.s32 v5, v52  }
0x356: {  	v58 =	vld [tilespmem:s28+$0x13580];
	v5 =	vsel vm0, v5, v52  }
0x357: {  	v59 =	vld [tilespmem:s28+$0x10D80];
	v4 =	vadd.f32 v53, v4;
	vm0 =	vgt.s32 v5, v54  }
0x358: {  	v60 =	vld [tilespmem:s28+$0x13800];
	v5 =	vsel vm0, v5, v54  }
0x359: {  	v61 =	vld [tilespmem:s28+$0x11000];
	v4 =	vadd.f32 v55, v4;
	vm0 =	vgt.s32 v5, v56  }
0x35a: {  	v62 =	vld [tilespmem:s28+$0x13A80];
	v5 =	vsel vm0, v5, v56  }
0x35b: {  	v4 =	vadd.f32 v57, v4;
	vm0 =	vgt.s32 v5, v58  }
0x35c: {  	v63 =	vld [tilespmem:s28+$0x11280];
	v5 =	vsel vm0, v5, v58  }
0x35d: {  	v4 =	vadd.f32 v59, v4;
	vm0 =	vgt.s32 v5, v60  }
0x35e: {  	v5 =	vsel vm0, v5, v60  }
0x35f: {  	v4 =	vadd.f32 v61, v4;
	vm0 =	vgt.s32 v5, v62  }
0x360: {  	v5 =	vsel vm0, v5, v62  }
0x361: {  	v4 =	vadd.f32 v63, v4;
	vm0 =	vgt.s32 v5, $0x0  }
0x362: {  	s30 =	sadd.s32 $0x10, s26;
	v5 =	vnsel vm0, $0x0, v5  }
0x363: {  	s24 =	sadd.s32 $0x10, s24;
	[tilespmem:s30+$0x0] =	vst v4;
	v4 =	vand.u32 $0x3FFF, v5  }
0x364: {  	[tilespmem:s24+$0x0] =	vst v4  }
0x365: {  	[hbm4b:s12+s1] =	stream.linear.scatter [tilespmem:s21], [sflag:$0x2], $0x280, $0x38;
	[tilespmem:$0x18D00] =	vst v63  }
0x366: {  	_ =	swait.ge [sflag:s22], $0x280  }
0x367: {  	[sflag:s22] =	ssyncset.done $0x0  }
.Ltmp12:
0x368: {  	[sflag:s22] =	ssyncadd.s32 $0xFFFFFD80;
	(pc) =	sbr.rel .LBB2_20-.Ltmp12, $4  }
0x369: {  	[hbm4b:s13+s1] =	stream.linear.scatter [tilespmem:s20], [sflag:$0x2], $0x280, $0x38;
	[tilespmem:$0x18D00] =	vst v63  }
0x36a: {  	_ =	swait.ge [sflag:s22], $0x280  }
0x36b: {  	[sflag:s22] =	ssyncset.done $0x0  }
0x36c: {  	s29 =	simm.s32 $0x4E80;
	[sflag:s22] =	ssyncadd.s32 $0xFFFFFD80  }
.LBB2_21:
0x36d: {  	_ =	sfence.sel $0x180000  }
0x36e: {  	[bflag:$0x0] =	sbarrier.arrive $0xFFFF  }
0x36f: {  	_ =	strace $0x90000047  }
0x370: {  	s0 =	stileid.u32;
	[bflag:$0x2] =	sbarrier.arrive $0xFFFF  }
0x371: {  	p0 =	sne.s32 s0, $0x0;
	s0 =	rddreg [dreg:$0x3]  }
0x372: {  	s0 =	sadd.s32 @!p0 $0x100000, s0  }
0x373: {  	[sflag:s0] =	ssyncadd.tile.s32 @!p0 $0x1;
	_ =	shalt  }
.Lfunc_end2:
_tile_overlayer_lowered:
.L_overlay_start_2:
0x374: {  	(tag) =	ssettag $0x2  }
0x375: {  	s0 =	rddreg [dreg:$0x0];
	s2 =	stileid.u32  }
0x376: {  	s1 =	rddreg [dreg:$0x1];
	p0 =	sne.s32 s2, $0x0  }
0x377: {  	s3 =	rddreg [dreg:$0x2];
	[bflag:$0x3] =	sbarrier.arrive $0xFFFF;
	s2 =	simm.s32 @!p0 $0x1C02  }
0x378: {  	[timem:s3], [sflag:s2] =	dma.local @!p0 [hbm:s0], s1  }
0x379: {  	s0 =	simm.s32 @!p0 $0x2  }
0x37a: {  	_ =	swait.ge @!p0 [sflag:s0], s1  }
0x37b: {  	s1 =	ssub.s32 @!p0 $0x0, s1;
	[sflag:s0] =	ssyncset.done @!p0 $0x0  }
0x37c: {  	[sflag:s0] =	ssyncadd.s32 @!p0 s1  }
0x37d: {  	[bflag:$0x3] =	sbarrier.arrive $0xFFFF  }
0x37e: {  	_ =	shalt  }

</sc_bundles>
